<compile_context>
chip_gen: v7x
topology: tpu7x:2x2x1
jax: 0.10.2.dev20260603
libtpu: 0.0.44.dev20260713+nightly
codegen_flags: <defaults>
</compile_context>

<pallas_src>
import functools

import jax
import jax.numpy as jnp
from jax import lax
from jax.experimental import pallas as pl
from jax.experimental.pallas import tpu as pltpu
from jax.experimental.pallas import tpu_sc as plsc

N = 10000
E = 320000
D = 128
B = 16
OUT = 64

N_PAD = 10240
NW = 32
K = 80
CHUNK = 128
E_PAD = NW * K * CHUNK
W_CH = 8
NWIN = K // W_CH
ROWS_PER_TILE = N_PAD // 16
NEG_INF = float("-inf")


def _sc_mesh():
    return plsc.VectorSubcoreMesh(core_axis_name="c", subcore_axis_name="s")


def _sc_degree(dst2):

    @functools.partial(
        pl.kernel,
        out_type=jax.ShapeDtypeStruct((2 * N_PAD, D), jnp.float32),
        mesh=_sc_mesh(),
        scratch_types=[
            pltpu.VMEM((K, CHUNK), jnp.int32),
            pltpu.VMEM((CHUNK, D), jnp.float32),
            pltpu.VMEM_SHARED((N_PAD, D), jnp.float32),
            pltpu.SemaphoreType.DMA,
        ],
    )
    def k(dst_hbm, out_hbm, dstv, vbuf, acc, sem):
        cid = lax.axis_index("c")
        sid = lax.axis_index("s")
        wid = sid * 2 + cid
        lane = lax.iota(jnp.int32, 16)
        e0 = jnp.where(lane == 0, 1.0, 0.0).astype(jnp.float32)
        z16 = jnp.zeros((16,), jnp.float32)

        def fill(j, carry):
            for i in range(D // 16):
                vbuf[j, pl.ds(i * 16, 16)] = z16
            return carry

        lax.fori_loop(0, CHUNK, fill, 0)
        row0 = sid * ROWS_PER_TILE
        for r in range(ROWS_PER_TILE // CHUNK):
            pltpu.sync_copy(vbuf, acc.at[pl.ds(row0 + r * CHUNK, CHUNK)])

        def fill1(j, carry):
            vbuf[j, pl.ds(0, 16)] = e0
            return carry

        lax.fori_loop(0, CHUNK, fill1, 0)
        plsc.subcore_barrier()
        pltpu.sync_copy(dst_hbm.at[wid], dstv)

        def body(g, carry):
            for t in range(8):
                pltpu.async_copy(vbuf, acc.at[dstv.at[8 * g + t]], sem,
                                 add=True)
            for t in range(8):
                pltpu.make_async_copy(
                    vbuf, acc.at[dstv.at[8 * g + t]], sem).wait()
            return carry

        lax.fori_loop(0, K // 8, body, 0)
        plsc.subcore_barrier()
        out0 = cid * N_PAD + row0
        for r in range(ROWS_PER_TILE // CHUNK):
            pltpu.sync_copy(
                acc.at[pl.ds(row0 + r * CHUNK, CHUNK)],
                out_hbm.at[pl.ds(out0 + r * CHUNK, CHUNK)],
            )

    return k(dst2)


def _sc_edge_pass(y, src4, dst4):

    @functools.partial(
        pl.kernel,
        out_type=jax.ShapeDtypeStruct((2 * N_PAD, D), jnp.float32),
        mesh=_sc_mesh(),
        scratch_types=[
            pltpu.VMEM((W_CH, CHUNK), jnp.int32),
            pltpu.VMEM((W_CH, CHUNK), jnp.int32),
            pltpu.VMEM((CHUNK, D), jnp.float32),
            pltpu.VMEM((CHUNK, D), jnp.float32),
            pltpu.VMEM_SHARED((N_PAD, D), jnp.float32),
            pltpu.SemaphoreType.DMA,
            pltpu.SemaphoreType.DMA,
        ],
    )
    def k(y_hbm, src_hbm, dst_hbm, out_hbm,
          srcv, dstv, rbuf0, rbuf1, acc, sem0, sem1):
        cid = lax.axis_index("c")
        sid = lax.axis_index("s")
        wid = sid * 2 + cid
        z16 = jnp.zeros((16,), jnp.float32)

        def fill(j, carry):
            for i in range(D // 16):
                rbuf0[j, pl.ds(i * 16, 16)] = z16
            return carry

        lax.fori_loop(0, CHUNK, fill, 0)
        row0 = sid * ROWS_PER_TILE
        for r in range(ROWS_PER_TILE // CHUNK):
            pltpu.sync_copy(rbuf0, acc.at[pl.ds(row0 + r * CHUNK, CHUNK)])
        plsc.subcore_barrier()

        def window(win, carry):
            w_lin = wid * NWIN + win
            pltpu.sync_copy(src_hbm.at[w_lin], srcv)
            pltpu.sync_copy(dst_hbm.at[w_lin], dstv)
            pltpu.async_copy(y_hbm.at[srcv.at[0]], rbuf0, sem0)
            G = W_CH // 2

            def body(g, c2):
                k0 = 2 * g
                k1 = k0 + 1
                pltpu.async_copy(y_hbm.at[srcv.at[k1]], rbuf1, sem1)
                pltpu.make_async_copy(
                    y_hbm.at[srcv.at[k0]], rbuf0, sem0).wait()
                pltpu.sync_copy(rbuf0, acc.at[dstv.at[k0]], add=True)

                @pl.when(g < G - 1)
                def _():
                    pltpu.async_copy(y_hbm.at[srcv.at[k0 + 2]], rbuf0, sem0)

                pltpu.make_async_copy(
                    y_hbm.at[srcv.at[k1]], rbuf1, sem1).wait()
                pltpu.sync_copy(rbuf1, acc.at[dstv.at[k1]], add=True)
                return c2

            lax.fori_loop(0, G, body, 0)
            return carry

        lax.fori_loop(0, NWIN, window, 0)
        plsc.subcore_barrier()
        out0 = cid * N_PAD + row0
        for r in range(ROWS_PER_TILE // CHUNK):
            pltpu.sync_copy(
                acc.at[pl.ds(row0 + r * CHUNK, CHUNK)],
                out_hbm.at[pl.ds(out0 + r * CHUNK, CHUNK)],
            )

    return k(y, src4, dst4)


def _tc_prep(x_pad, W0, degs):
    nb = N_PAD // 128

    def body(x_ref, w_ref, d0_ref, d1_ref, y_ref, dv_ref):
        deg = jnp.sum(d0_ref[...] + d1_ref[...], axis=1, keepdims=True) + 1.0
        dinvb = jnp.broadcast_to(lax.rsqrt(deg), (128, D))
        dv_ref[...] = dinvb
        y_ref[...] = jnp.dot(x_ref[...], w_ref[...],
                             preferred_element_type=jnp.float32) * dinvb

    return pl.pallas_call(
        body,
        grid=(nb,),
        in_specs=[
            pl.BlockSpec((128, D), lambda i: (i, 0)),
            pl.BlockSpec((D, D), lambda i: (0, 0)),
            pl.BlockSpec((128, D), lambda i: (i, 0)),
            pl.BlockSpec((128, D), lambda i: (i + nb, 0)),
        ],
        out_specs=[
            pl.BlockSpec((128, D), lambda i: (i, 0)),
            pl.BlockSpec((128, D), lambda i: (i, 0)),
        ],
        out_shape=[
            jax.ShapeDtypeStruct((N_PAD, D), jnp.float32),
            jax.ShapeDtypeStruct((N_PAD, D), jnp.float32),
        ],
    )(x_pad, W0, degs, degs)


def _tc_combine(accs, y_prev, dinvb, b2d, W_next):
    nb = N_PAD // 128

    def body(a0_ref, a1_ref, y_ref, dv_ref, b_ref, w_ref, o_ref):
        dv = dv_ref[...]
        h = jnp.maximum(
            dv * (a0_ref[...] + a1_ref[...] + y_ref[...]) + b_ref[...], 0.0)
        o_ref[...] = jnp.dot(h, w_ref[...],
                             preferred_element_type=jnp.float32) * dv

    return pl.pallas_call(
        body,
        grid=(nb,),
        in_specs=[
            pl.BlockSpec((128, D), lambda i: (i, 0)),
            pl.BlockSpec((128, D), lambda i: (i + nb, 0)),
            pl.BlockSpec((128, D), lambda i: (i, 0)),
            pl.BlockSpec((128, D), lambda i: (i, 0)),
            pl.BlockSpec((1, D), lambda i: (0, 0)),
            pl.BlockSpec((D, D), lambda i: (0, 0)),
        ],
        out_specs=pl.BlockSpec((128, D), lambda i: (i, 0)),
        out_shape=jax.ShapeDtypeStruct((N_PAD, D), jnp.float32),
    )(accs, accs, y_prev, dinvb, b2d, W_next)


def _tc_final(accs, y2, dinvb, b2d, batb, batl, Wm1, bm1_2d, Wm2, bm2_2d):
    nb = N_PAD // 128

    def body(a0_ref, a1_ref, y_ref, dv_ref, b_ref, bat_ref, batl_ref,
             wm1_ref, bm1_ref, wm2_ref, bm2_ref,
             out_ref, enc_ref, adds, maxs, cnts):
        i = pl.program_id(0)

        @pl.when(i == 0)
        def _():
            adds[...] = jnp.zeros((B, D), jnp.float32)
            cnts[...] = jnp.zeros((B, D), jnp.float32)
            maxs[...] = jnp.full((B, D), NEG_INF, jnp.float32)

        dv = dv_ref[...]
        h = jnp.maximum(
            dv * (a0_ref[...] + a1_ref[...] + y_ref[...]) + b_ref[...], 0.0)
        batm = bat_ref[...]
        brow = batl_ref[...].reshape(1, 128)
        segs = lax.broadcasted_iota(jnp.int32, (B, 128), 0)
        maskf = (segs == jnp.broadcast_to(brow, (B, 128))).astype(jnp.float32)
        adds[...] += jnp.dot(maskf, h, preferred_element_type=jnp.float32)
        cnts[...] += jnp.broadcast_to(
            jnp.sum(maskf, axis=1, keepdims=True), (B, D))
        for s in range(B):
            hm = jnp.where(batm == s, h, NEG_INF)
            maxs[s:s + 1, :] = jnp.maximum(
                maxs[s:s + 1, :], jnp.max(hm, axis=0, keepdims=True))

        @pl.when(i == nb - 1)
        def _():
            addv = adds[...]
            mean = addv / jnp.maximum(cnts[...], 1.0)
            enc = jnp.concatenate([addv, mean, maxs[...]], axis=1)
            enc_ref[...] = enc
            z = jnp.maximum(
                jnp.dot(enc, wm1_ref[...],
                        preferred_element_type=jnp.float32) + bm1_ref[...],
                0.0)
            out_ref[...] = jnp.dot(
                z, wm2_ref[...],
                preferred_element_type=jnp.float32) + bm2_ref[...]

    return pl.pallas_call(
        body,
        grid=(nb,),
        in_specs=[
            pl.BlockSpec((128, D), lambda i: (i, 0)),
            pl.BlockSpec((128, D), lambda i: (i + nb, 0)),
            pl.BlockSpec((128, D), lambda i: (i, 0)),
            pl.BlockSpec((128, D), lambda i: (i, 0)),
            pl.BlockSpec((1, D), lambda i: (0, 0)),
            pl.BlockSpec((128, 128), lambda i: (i, 0)),
            pl.BlockSpec((1, 1, 128), lambda i: (i, 0, 0)),
            pl.BlockSpec((3 * D, D), lambda i: (0, 0)),
            pl.BlockSpec((1, D), lambda i: (0, 0)),
            pl.BlockSpec((D, OUT), lambda i: (0, 0)),
            pl.BlockSpec((1, OUT), lambda i: (0, 0)),
        ],
        out_specs=[
            pl.BlockSpec((B, OUT), lambda i: (0, 0)),
            pl.BlockSpec((B, 3 * D), lambda i: (0, 0)),
        ],
        out_shape=[
            jax.ShapeDtypeStruct((B, OUT), jnp.float32),
            jax.ShapeDtypeStruct((B, 3 * D), jnp.float32),
        ],
        scratch_shapes=[
            pltpu.VMEM((B, D), jnp.float32),
            pltpu.VMEM((B, D), jnp.float32),
            pltpu.VMEM((B, D), jnp.float32),
        ],
    )(accs, accs, y2, dinvb, b2d, batb, batl, Wm1, bm1_2d, Wm2, bm2_2d)


def kernel(x, edge_index, batch, W0, b0, W1, b1, W2, b2, Wm1, bm1, Wm2, bm2):
    pad_e = N + (jnp.arange(E_PAD - E, dtype=jnp.int32) % (N_PAD - N))
    src2 = jnp.concatenate([edge_index[0], pad_e]).reshape(NW, K, CHUNK)
    dst2 = jnp.concatenate([edge_index[1], pad_e]).reshape(NW, K, CHUNK)
    src4 = src2.reshape(NW * NWIN, W_CH, CHUNK)
    dst4 = dst2.reshape(NW * NWIN, W_CH, CHUNK)
    x_pad = jnp.pad(x, ((0, N_PAD - N), (0, 0)))
    batch_pad = jnp.concatenate(
        [batch, jnp.full((N_PAD - N,), B, dtype=jnp.int32)])
    batb = jnp.broadcast_to(batch_pad[:, None], (N_PAD, 128))
    batl = batch_pad.reshape(N_PAD // 128, 1, 128)

    degs = _sc_degree(dst2)
    y0, dinvb = _tc_prep(x_pad, W0, degs)

    acc0 = _sc_edge_pass(y0, src4, dst4)
    y1 = _tc_combine(acc0, y0, dinvb, b0.reshape(1, D), W1)
    acc1 = _sc_edge_pass(y1, src4, dst4)
    y2 = _tc_combine(acc1, y1, dinvb, b1.reshape(1, D), W2)
    acc2 = _sc_edge_pass(y2, src4, dst4)

    out, enc = _tc_final(acc2, y2, dinvb, b2.reshape(1, D), batb, batl,
                         Wm1, bm1.reshape(1, D), Wm2, bm2.reshape(1, OUT))
    return (out, enc)

# --- scband reference (transcript-rebuilt; emitter-appended) ---
"""Pipeline reference for scband-gcn-69733089018382 (READ-ONLY COPY).

The authoritative reference and input builder live on the scoring server;
editing this copy changes nothing except your own understanding.
"""

import jax, jax.numpy as jnp
import numpy as np

N = 10000
E = 320000
D = 128
H = 128
OUT = 64
B = 16


def gcn_conv(x, edge_index, W, b):
    # PyG GCNConv: add self-loops, symmetric deg^-1/2 normalization, then XW aggregate
    n = x.shape[0]
    loop = jnp.arange(n, dtype=edge_index.dtype)
    src = jnp.concatenate([edge_index[0], loop])
    dst = jnp.concatenate([edge_index[1], loop])
    deg = jax.ops.segment_sum(jnp.ones(src.shape[0], dtype=x.dtype), dst, num_segments=n)
    dinv = jnp.where(deg > 0, deg ** -0.5, 0.0)
    norm = dinv[src] * dinv[dst]
    xw = x @ W
    msg = xw[src] * norm[:, None]
    out = jax.ops.segment_sum(msg, dst, num_segments=n)
    return out + b


def setup_inputs(seed: int = 0) -> dict:
    key = jax.random.key(seed)
    ks = jax.random.split(key, 16)
    x = jax.random.normal(ks[0], (N, D), dtype=jnp.float32)
    edge_index = jax.random.randint(ks[1], (2, E), 0, N, dtype=jnp.int32)
    batch = jnp.sort(jax.random.randint(ks[2], (N,), 0, B, dtype=jnp.int32))
    s = 1.0 / np.sqrt(D)
    W0 = jax.random.normal(ks[3], (D, H), dtype=jnp.float32) * s
    b0 = jnp.zeros((H,), dtype=jnp.float32)
    sh = 1.0 / np.sqrt(H)
    W1 = jax.random.normal(ks[4], (H, H), dtype=jnp.float32) * sh
    b1 = jnp.zeros((H,), dtype=jnp.float32)
    W2 = jax.random.normal(ks[5], (H, H), dtype=jnp.float32) * sh
    b2 = jnp.zeros((H,), dtype=jnp.float32)
    se = 1.0 / np.sqrt(3 * H)
    Wm1 = jax.random.normal(ks[6], (3 * H, H), dtype=jnp.float32) * se
    bm1 = jnp.zeros((H,), dtype=jnp.float32)
    Wm2 = jax.random.normal(ks[7], (H, OUT), dtype=jnp.float32) * sh
    bm2 = jnp.zeros((OUT,), dtype=jnp.float32)
    return {"x": x, "edge_index": edge_index, "batch": batch,
            "W0": W0, "b0": b0, "W1": W1, "b1": b1, "W2": W2, "b2": b2,
            "Wm1": Wm1, "bm1": bm1, "Wm2": Wm2, "bm2": bm2}


def reference(x, edge_index, batch, W0, b0, W1, b1, W2, b2, Wm1, bm1, Wm2, bm2):
    h = x
    for (W, b) in ((W0, b0), (W1, b1), (W2, b2)):
        h = jax.nn.relu(gcn_conv(h, edge_index, W, b))
    addp = jax.ops.segment_sum(h, batch, num_segments=B)
    cnt = jax.ops.segment_sum(jnp.ones((h.shape[0], 1), dtype=h.dtype), batch, num_segments=B)
    meanp = addp / jnp.maximum(cnt, 1.0)
    maxp = jax.ops.segment_max(h, batch, num_segments=B)
    encoding = jnp.concatenate([addp, meanp, maxp], axis=1)
    out = jax.nn.relu(encoding @ Wm1 + bm1) @ Wm2 + bm2
    return (out, encoding)

if __name__ == "__main__":
    import jax
    _d = setup_inputs()
    print(jax.jit(kernel)(*tuple(_d.values())))

</pallas_src>

<mosaic_0001>
#map = affine_map<(d0, d1) -> (0, 0, 0)>
#map1 = affine_map<(d0, d1) -> (0, 0)>
module attributes {stable_mosaic.version = 14 : i64} {
  func.func @k(%arg0: i32, %arg1: i32, %arg2: memref<32x80x128xi32, #tpu.memory_space<hbm>>, %arg3: memref<20480x128xf32, #tpu.memory_space<hbm>>, %arg4: memref<80x128xi32, #tpu.memory_space<vmem>>, %arg5: memref<128x128xf32, #tpu.memory_space<vmem>>, %arg6: memref<10240x128xf32, #tpu.memory_space<vmem_shared>>, %arg7: memref<!tpu.dma_semaphore, #tpu.memory_space<semaphore_mem>>) attributes {dimension_semantics = [#tpu.dimension_semantics<core_parallel>, #tpu.dimension_semantics<subcore_parallel>], iteration_bounds = array<i64: 2, 16>, scalar_prefetch = 0 : i64, scratch_operands = 4 : i64, tpu.core_type = #tpu.core_type<sc_vector_subcore>, window_params = [{transform_indices = #map}, {transform_indices = #map1}]} {
    %mul3A = arith.constant 2 : i32
    %mul3A_0 = arith.muli %arg1, %mul3A : i32
    %add3A = arith.addi %mul3A_0, %arg0 : i32
    %iota3A = tpu.iota {dimensions = array<i32: 0>} : vector<16xi32>
    %eq3A = arith.constant 0 : i32
    %eq3A_1 = vector.broadcast %eq3A : i32 to vector<16xi32>
    %eq3A_2 = arith.cmpi eq, %iota3A, %eq3A_1 : vector<16xi32>
    %jit3A = arith.constant 1.000000e+00 : f32
    %jit3A_3 = arith.constant 0.000000e+00 : f32
    %broadcast_in_dim3A = vector.broadcast %jit3A : f32 to vector<16xf32>
    %broadcast_in_dim3A_4 = vector.broadcast %jit3A_3 : f32 to vector<16xf32>
    %select_n3A = arith.select %eq3A_2, %broadcast_in_dim3A, %broadcast_in_dim3A_4 : vector<16xi1>, vector<16xf32>
    %broadcast_in_dim3A_5 = arith.constant 0.000000e+00 : f32
    %broadcast_in_dim3A_6 = vector.broadcast %broadcast_in_dim3A_5 : f32 to vector<16xf32>
    %scan3A = arith.constant 0 : i32
    %scan3A_7 = arith.constant 0 : i32
    %scan3A_8 = arith.constant 128 : i32
    %scan3A_9 = arith.addi %scan3A_7, %scan3A_8 : i32
    %scan3A_10 = arith.constant 1 : i32
    scf.for %scan3A_60 = %scan3A_7 to %scan3A_9 step %scan3A_10  : i32 {
      %swap3A = arith.index_cast %scan3A_60 : i32 to index
      %swap3A_61 = arith.constant 0 : index
      %swap3A_62 = tpu.vector_load %arg5[%swap3A, %swap3A_61] {strides = array<i32>} : memref<128x128xf32, #tpu.memory_space<vmem>>, vector<1x16xf32>,
      %swap3A_63 = vector.shape_cast %swap3A_62 : vector<1x16xf32> to vector<16xf32>
      %swap3A_64 = vector.shape_cast %broadcast_in_dim3A_6 : vector<16xf32> to vector<1x16xf32>
      tpu.vector_store %arg5[%swap3A, %swap3A_61], %swap3A_64 {strides = array<i32>} : memref<128x128xf32, #tpu.memory_space<vmem>>, vector<1x16xf32>,
      %swap3A_65 = arith.index_cast %scan3A_60 : i32 to index
      %swap3A_66 = arith.constant 16 : index
      %swap3A_67 = tpu.vector_load %arg5[%swap3A_65, %swap3A_66] {strides = array<i32>} : memref<128x128xf32, #tpu.memory_space<vmem>>, vector<1x16xf32>,
      %swap3A_68 = vector.shape_cast %swap3A_67 : vector<1x16xf32> to vector<16xf32>
      %swap3A_69 = vector.shape_cast %broadcast_in_dim3A_6 : vector<16xf32> to vector<1x16xf32>
      tpu.vector_store %arg5[%swap3A_65, %swap3A_66], %swap3A_69 {strides = array<i32>} : memref<128x128xf32, #tpu.memory_space<vmem>>, vector<1x16xf32>,
      %swap3A_70 = arith.index_cast %scan3A_60 : i32 to index
      %swap3A_71 = arith.constant 32 : index
      %swap3A_72 = tpu.vector_load %arg5[%swap3A_70, %swap3A_71] {strides = array<i32>} : memref<128x128xf32, #tpu.memory_space<vmem>>, vector<1x16xf32>,
      %swap3A_73 = vector.shape_cast %swap3A_72 : vector<1x16xf32> to vector<16xf32>
      %swap3A_74 = vector.shape_cast %broadcast_in_dim3A_6 : vector<16xf32> to vector<1x16xf32>
      tpu.vector_store %arg5[%swap3A_70, %swap3A_71], %swap3A_74 {strides = array<i32>} : memref<128x128xf32, #tpu.memory_space<vmem>>, vector<1x16xf32>,
      %swap3A_75 = arith.index_cast %scan3A_60 : i32 to index
      %swap3A_76 = arith.constant 48 : index
      %swap3A_77 = tpu.vector_load %arg5[%swap3A_75, %swap3A_76] {strides = array<i32>} : memref<128x128xf32, #tpu.memory_space<vmem>>, vector<1x16xf32>,
      %swap3A_78 = vector.shape_cast %swap3A_77 : vector<1x16xf32> to vector<16xf32>
      %swap3A_79 = vector.shape_cast %broadcast_in_dim3A_6 : vector<16xf32> to vector<1x16xf32>
      tpu.vector_store %arg5[%swap3A_75, %swap3A_76], %swap3A_79 {strides = array<i32>} : memref<128x128xf32, #tpu.memory_space<vmem>>, vector<1x16xf32>,
      %swap3A_80 = arith.index_cast %scan3A_60 : i32 to index
      %swap3A_81 = arith.constant 64 : index
      %swap3A_82 = tpu.vector_load %arg5[%swap3A_80, %swap3A_81] {strides = array<i32>} : memref<128x128xf32, #tpu.memory_space<vmem>>, vector<1x16xf32>,
      %swap3A_83 = vector.shape_cast %swap3A_82 : vector<1x16xf32> to vector<16xf32>
      %swap3A_84 = vector.shape_cast %broadcast_in_dim3A_6 : vector<16xf32> to vector<1x16xf32>
      tpu.vector_store %arg5[%swap3A_80, %swap3A_81], %swap3A_84 {strides = array<i32>} : memref<128x128xf32, #tpu.memory_space<vmem>>, vector<1x16xf32>,
      %swap3A_85 = arith.index_cast %scan3A_60 : i32 to index
      %swap3A_86 = arith.constant 80 : index
      %swap3A_87 = tpu.vector_load %arg5[%swap3A_85, %swap3A_86] {strides = array<i32>} : memref<128x128xf32, #tpu.memory_space<vmem>>, vector<1x16xf32>,
      %swap3A_88 = vector.shape_cast %swap3A_87 : vector<1x16xf32> to vector<16xf32>
      %swap3A_89 = vector.shape_cast %broadcast_in_dim3A_6 : vector<16xf32> to vector<1x16xf32>
      tpu.vector_store %arg5[%swap3A_85, %swap3A_86], %swap3A_89 {strides = array<i32>} : memref<128x128xf32, #tpu.memory_space<vmem>>, vector<1x16xf32>,
      %swap3A_90 = arith.index_cast %scan3A_60 : i32 to index
      %swap3A_91 = arith.constant 96 : index
      %swap3A_92 = tpu.vector_load %arg5[%swap3A_90, %swap3A_91] {strides = array<i32>} : memref<128x128xf32, #tpu.memory_space<vmem>>, vector<1x16xf32>,
      %swap3A_93 = vector.shape_cast %swap3A_92 : vector<1x16xf32> to vector<16xf32>
      %swap3A_94 = vector.shape_cast %broadcast_in_dim3A_6 : vector<16xf32> to vector<1x16xf32>
      tpu.vector_store %arg5[%swap3A_90, %swap3A_91], %swap3A_94 {strides = array<i32>} : memref<128x128xf32, #tpu.memory_space<vmem>>, vector<1x16xf32>,
      %swap3A_95 = arith.index_cast %scan3A_60 : i32 to index
      %swap3A_96 = arith.constant 112 : index
      %swap3A_97 = tpu.vector_load %arg5[%swap3A_95, %swap3A_96] {strides = array<i32>} : memref<128x128xf32, #tpu.memory_space<vmem>>, vector<1x16xf32>,
      %swap3A_98 = vector.shape_cast %swap3A_97 : vector<1x16xf32> to vector<16xf32>
      %swap3A_99 = vector.shape_cast %broadcast_in_dim3A_6 : vector<16xf32> to vector<1x16xf32>
      tpu.vector_store %arg5[%swap3A_95, %swap3A_96], %swap3A_99 {strides = array<i32>} : memref<128x128xf32, #tpu.memory_space<vmem>>, vector<1x16xf32>,
    }
    %scan3A_11 = arith.constant 128 : i32
    %mul3A_12 = arith.constant 640 : i32
    %mul3A_13 = arith.muli %arg1, %mul3A_12 : i32
    %add3A_14 = arith.constant 0 : i32
    %add3A_15 = arith.addi %mul3A_13, %add3A_14 : i32
    "tpu.region"() ({
      %run_scoped3A = tpu.sem_alloc : memref<!tpu.dma_semaphore, #tpu.memory_space<semaphore_mem>>
      %dma_start3A = arith.constant 0 : i32
      %dma_start3A_60 = tpu.memref_slice %arg6[%add3A_15, %dma_start3A] : memref<10240x128xf32, #tpu.memory_space<vmem_shared>> -> memref<128x128xf32, #tpu.memory_space<vmem_shared>>
      %dma_start3A_61 = arith.constant 0 : i32
      %dma_start3A_62 = tpu.memref_slice %arg6[%add3A_15, %dma_start3A_61] : memref<10240x128xf32, #tpu.memory_space<vmem_shared>> -> memref<128x128xf32, #tpu.memory_space<vmem_shared>>
      tpu.enqueue_dma source(%arg5 : memref<128x128xf32, #tpu.memory_space<vmem>>) target(%dma_start3A_62 : memref<128x128xf32, #tpu.memory_space<vmem_shared>>) target_semaphore(%run_scoped3A : memref<!tpu.dma_semaphore, #tpu.memory_space<semaphore_mem>>)
      %dma_wait3A = arith.constant 0 : i32
      %dma_wait3A_63 = tpu.memref_slice %arg6[%add3A_15, %dma_wait3A] : memref<10240x128xf32, #tpu.memory_space<vmem_shared>> -> memref<128x128xf32, #tpu.memory_space<vmem_shared>>
      %dma_wait3A_64 = arith.constant 0 : i32
      %dma_wait3A_65 = tpu.memref_slice %arg6[%add3A_15, %dma_wait3A_64] : memref<10240x128xf32, #tpu.memory_space<vmem_shared>> -> memref<128x128xf32, #tpu.memory_space<vmem_shared>>
      tpu.wait_dma2 semaphore(%run_scoped3A : memref<!tpu.dma_semaphore, #tpu.memory_space<semaphore_mem>>) src(%arg5 : memref<128x128xf32, #tpu.memory_space<vmem>>) dst(%dma_wait3A_65 : memref<128x128xf32, #tpu.memory_space<vmem_shared>>)
      tpu.yield
    }) : () -> ()
    %add3A_16 = arith.constant 128 : i32
    %add3A_17 = arith.addi %mul3A_13, %add3A_16 : i32
    "tpu.region"() ({
      %run_scoped3A = tpu.sem_alloc : memref<!tpu.dma_semaphore, #tpu.memory_space<semaphore_mem>>
      %dma_start3A = arith.constant 0 : i32
      %dma_start3A_60 = tpu.memref_slice %arg6[%add3A_17, %dma_start3A] : memref<10240x128xf32, #tpu.memory_space<vmem_shared>> -> memref<128x128xf32, #tpu.memory_space<vmem_shared>>
      %dma_start3A_61 = arith.constant 0 : i32
      %dma_start3A_62 = tpu.memref_slice %arg6[%add3A_17, %dma_start3A_61] : memref<10240x128xf32, #tpu.memory_space<vmem_shared>> -> memref<128x128xf32, #tpu.memory_space<vmem_shared>>
      tpu.enqueue_dma source(%arg5 : memref<128x128xf32, #tpu.memory_space<vmem>>) target(%dma_start3A_62 : memref<128x128xf32, #tpu.memory_space<vmem_shared>>) target_semaphore(%run_scoped3A : memref<!tpu.dma_semaphore, #tpu.memory_space<semaphore_mem>>)
      %dma_wait3A = arith.constant 0 : i32
      %dma_wait3A_63 = tpu.memref_slice %arg6[%add3A_17, %dma_wait3A] : memref<10240x128xf32, #tpu.memory_space<vmem_shared>> -> memref<128x128xf32, #tpu.memory_space<vmem_shared>>
      %dma_wait3A_64 = arith.constant 0 : i32
      %dma_wait3A_65 = tpu.memref_slice %arg6[%add3A_17, %dma_wait3A_64] : memref<10240x128xf32, #tpu.memory_space<vmem_shared>> -> memref<128x128xf32, #tpu.memory_space<vmem_shared>>
      tpu.wait_dma2 semaphore(%run_scoped3A : memref<!tpu.dma_semaphore, #tpu.memory_space<semaphore_mem>>) src(%arg5 : memref<128x128xf32, #tpu.memory_space<vmem>>) dst(%dma_wait3A_65 : memref<128x128xf32, #tpu.memory_space<vmem_shared>>)
      tpu.yield
    }) : () -> ()
    %add3A_18 = arith.constant 256 : i32
    %add3A_19 = arith.addi %mul3A_13, %add3A_18 : i32
    "tpu.region"() ({
      %run_scoped3A = tpu.sem_alloc : memref<!tpu.dma_semaphore, #tpu.memory_space<semaphore_mem>>
      %dma_start3A = arith.constant 0 : i32
      %dma_start3A_60 = tpu.memref_slice %arg6[%add3A_19, %dma_start3A] : memref<10240x128xf32, #tpu.memory_space<vmem_shared>> -> memref<128x128xf32, #tpu.memory_space<vmem_shared>>
      %dma_start3A_61 = arith.constant 0 : i32
      %dma_start3A_62 = tpu.memref_slice %arg6[%add3A_19, %dma_start3A_61] : memref<10240x128xf32, #tpu.memory_space<vmem_shared>> -> memref<128x128xf32, #tpu.memory_space<vmem_shared>>
      tpu.enqueue_dma source(%arg5 : memref<128x128xf32, #tpu.memory_space<vmem>>) target(%dma_start3A_62 : memref<128x128xf32, #tpu.memory_space<vmem_shared>>) target_semaphore(%run_scoped3A : memref<!tpu.dma_semaphore, #tpu.memory_space<semaphore_mem>>)
      %dma_wait3A = arith.constant 0 : i32
      %dma_wait3A_63 = tpu.memref_slice %arg6[%add3A_19, %dma_wait3A] : memref<10240x128xf32, #tpu.memory_space<vmem_shared>> -> memref<128x128xf32, #tpu.memory_space<vmem_shared>>
      %dma_wait3A_64 = arith.constant 0 : i32
      %dma_wait3A_65 = tpu.memref_slice %arg6[%add3A_19, %dma_wait3A_64] : memref<10240x128xf32, #tpu.memory_space<vmem_shared>> -> memref<128x128xf32, #tpu.memory_space<vmem_shared>>
      tpu.wait_dma2 semaphore(%run_scoped3A : memref<!tpu.dma_semaphore, #tpu.memory_space<semaphore_mem>>) src(%arg5 : memref<128x128xf32, #tpu.memory_space<vmem>>) dst(%dma_wait3A_65 : memref<128x128xf32, #tpu.memory_space<vmem_shared>>)
      tpu.yield
    }) : () -> ()
    %add3A_20 = arith.constant 384 : i32
    %add3A_21 = arith.addi %mul3A_13, %add3A_20 : i32
    "tpu.region"() ({
      %run_scoped3A = tpu.sem_alloc : memref<!tpu.dma_semaphore, #tpu.memory_space<semaphore_mem>>
      %dma_start3A = arith.constant 0 : i32
      %dma_start3A_60 = tpu.memref_slice %arg6[%add3A_21, %dma_start3A] : memref<10240x128xf32, #tpu.memory_space<vmem_shared>> -> memref<128x128xf32, #tpu.memory_space<vmem_shared>>
      %dma_start3A_61 = arith.constant 0 : i32
      %dma_start3A_62 = tpu.memref_slice %arg6[%add3A_21, %dma_start3A_61] : memref<10240x128xf32, #tpu.memory_space<vmem_shared>> -> memref<128x128xf32, #tpu.memory_space<vmem_shared>>
      tpu.enqueue_dma source(%arg5 : memref<128x128xf32, #tpu.memory_space<vmem>>) target(%dma_start3A_62 : memref<128x128xf32, #tpu.memory_space<vmem_shared>>) target_semaphore(%run_scoped3A : memref<!tpu.dma_semaphore, #tpu.memory_space<semaphore_mem>>)
      %dma_wait3A = arith.constant 0 : i32
      %dma_wait3A_63 = tpu.memref_slice %arg6[%add3A_21, %dma_wait3A] : memref<10240x128xf32, #tpu.memory_space<vmem_shared>> -> memref<128x128xf32, #tpu.memory_space<vmem_shared>>
      %dma_wait3A_64 = arith.constant 0 : i32
      %dma_wait3A_65 = tpu.memref_slice %arg6[%add3A_21, %dma_wait3A_64] : memref<10240x128xf32, #tpu.memory_space<vmem_shared>> -> memref<128x128xf32, #tpu.memory_space<vmem_shared>>
      tpu.wait_dma2 semaphore(%run_scoped3A : memref<!tpu.dma_semaphore, #tpu.memory_space<semaphore_mem>>) src(%arg5 : memref<128x128xf32, #tpu.memory_space<vmem>>) dst(%dma_wait3A_65 : memref<128x128xf32, #tpu.memory_space<vmem_shared>>)
      tpu.yield
    }) : () -> ()
    %add3A_22 = arith.constant 512 : i32
    %add3A_23 = arith.addi %mul3A_13, %add3A_22 : i32
    "tpu.region"() ({
      %run_scoped3A = tpu.sem_alloc : memref<!tpu.dma_semaphore, #tpu.memory_space<semaphore_mem>>
      %dma_start3A = arith.constant 0 : i32
      %dma_start3A_60 = tpu.memref_slice %arg6[%add3A_23, %dma_start3A] : memref<10240x128xf32, #tpu.memory_space<vmem_shared>> -> memref<128x128xf32, #tpu.memory_space<vmem_shared>>
      %dma_start3A_61 = arith.constant 0 : i32
      %dma_start3A_62 = tpu.memref_slice %arg6[%add3A_23, %dma_start3A_61] : memref<10240x128xf32, #tpu.memory_space<vmem_shared>> -> memref<128x128xf32, #tpu.memory_space<vmem_shared>>
      tpu.enqueue_dma source(%arg5 : memref<128x128xf32, #tpu.memory_space<vmem>>) target(%dma_start3A_62 : memref<128x128xf32, #tpu.memory_space<vmem_shared>>) target_semaphore(%run_scoped3A : memref<!tpu.dma_semaphore, #tpu.memory_space<semaphore_mem>>)
      %dma_wait3A = arith.constant 0 : i32
      %dma_wait3A_63 = tpu.memref_slice %arg6[%add3A_23, %dma_wait3A] : memref<10240x128xf32, #tpu.memory_space<vmem_shared>> -> memref<128x128xf32, #tpu.memory_space<vmem_shared>>
      %dma_wait3A_64 = arith.constant 0 : i32
      %dma_wait3A_65 = tpu.memref_slice %arg6[%add3A_23, %dma_wait3A_64] : memref<10240x128xf32, #tpu.memory_space<vmem_shared>> -> memref<128x128xf32, #tpu.memory_space<vmem_shared>>
      tpu.wait_dma2 semaphore(%run_scoped3A : memref<!tpu.dma_semaphore, #tpu.memory_space<semaphore_mem>>) src(%arg5 : memref<128x128xf32, #tpu.memory_space<vmem>>) dst(%dma_wait3A_65 : memref<128x128xf32, #tpu.memory_space<vmem_shared>>)
      tpu.yield
    }) : () -> ()
    %scan3A_24 = arith.constant 0 : i32
    %scan3A_25 = arith.constant 0 : i32
    %scan3A_26 = arith.constant 128 : i32
    %scan3A_27 = arith.addi %scan3A_25, %scan3A_26 : i32
    %scan3A_28 = arith.constant 1 : i32
    scf.for %scan3A_60 = %scan3A_25 to %scan3A_27 step %scan3A_28  : i32 {
      %swap3A = arith.index_cast %scan3A_60 : i32 to index
      %swap3A_61 = arith.constant 0 : index
      %swap3A_62 = tpu.vector_load %arg5[%swap3A, %swap3A_61] {strides = array<i32>} : memref<128x128xf32, #tpu.memory_space<vmem>>, vector<1x16xf32>,
      %swap3A_63 = vector.shape_cast %swap3A_62 : vector<1x16xf32> to vector<16xf32>
      %swap3A_64 = vector.shape_cast %select_n3A : vector<16xf32> to vector<1x16xf32>
      tpu.vector_store %arg5[%swap3A, %swap3A_61], %swap3A_64 {strides = array<i32>} : memref<128x128xf32, #tpu.memory_space<vmem>>, vector<1x16xf32>,
    }
    %scan3A_29 = arith.constant 128 : i32
    %barrier3A = arith.constant 0 : index
    tpu.barrier barrier_id(%barrier3A)
    "tpu.region"() ({
      %run_scoped3A = tpu.sem_alloc : memref<!tpu.dma_semaphore, #tpu.memory_space<semaphore_mem>>
      %dma_start3A = arith.constant 0 : i32
      %dma_start3A_60 = arith.constant 0 : i32
      %dma_start3A_61 = tpu.memref_slice %arg2[%add3A, %dma_start3A, %dma_start3A_60] : memref<32x80x128xi32, #tpu.memory_space<hbm>> -> memref<1x80x128xi32, #tpu.memory_space<hbm>>
      %dma_start3A_62 = tpu.memref_squeeze %dma_start3A_61 : memref<1x80x128xi32, #tpu.memory_space<hbm>> -> memref<80x128xi32, #tpu.memory_space<hbm>>
      %dma_start3A_63 = arith.constant 0 : i32
      %dma_start3A_64 = arith.constant 0 : i32
      %dma_start3A_65 = tpu.memref_slice %arg2[%add3A, %dma_start3A_63, %dma_start3A_64] : memref<32x80x128xi32, #tpu.memory_space<hbm>> -> memref<1x80x128xi32, #tpu.memory_space<hbm>>
      %dma_start3A_66 = tpu.memref_squeeze %dma_start3A_65 : memref<1x80x128xi32, #tpu.memory_space<hbm>> -> memref<80x128xi32, #tpu.memory_space<hbm>>
      tpu.enqueue_dma source(%dma_start3A_66 : memref<80x128xi32, #tpu.memory_space<hbm>>) target(%arg4 : memref<80x128xi32, #tpu.memory_space<vmem>>) target_semaphore(%run_scoped3A : memref<!tpu.dma_semaphore, #tpu.memory_space<semaphore_mem>>)
      %dma_wait3A = arith.constant 0 : i32
      %dma_wait3A_67 = arith.constant 0 : i32
      %dma_wait3A_68 = tpu.memref_slice %arg2[%add3A, %dma_wait3A, %dma_wait3A_67] : memref<32x80x128xi32, #tpu.memory_space<hbm>> -> memref<1x80x128xi32, #tpu.memory_space<hbm>>
      %dma_wait3A_69 = tpu.memref_squeeze %dma_wait3A_68 : memref<1x80x128xi32, #tpu.memory_space<hbm>> -> memref<80x128xi32, #tpu.memory_space<hbm>>
      %dma_wait3A_70 = arith.constant 0 : i32
      %dma_wait3A_71 = arith.constant 0 : i32
      %dma_wait3A_72 = tpu.memref_slice %arg2[%add3A, %dma_wait3A_70, %dma_wait3A_71] : memref<32x80x128xi32, #tpu.memory_space<hbm>> -> memref<1x80x128xi32, #tpu.memory_space<hbm>>
      %dma_wait3A_73 = tpu.memref_squeeze %dma_wait3A_72 : memref<1x80x128xi32, #tpu.memory_space<hbm>> -> memref<80x128xi32, #tpu.memory_space<hbm>>
      tpu.wait_dma2 semaphore(%run_scoped3A : memref<!tpu.dma_semaphore, #tpu.memory_space<semaphore_mem>>) src(%dma_wait3A_73 : memref<80x128xi32, #tpu.memory_space<hbm>>) dst(%arg4 : memref<80x128xi32, #tpu.memory_space<vmem>>)
      tpu.yield
    }) : () -> ()
    %scan3A_30 = arith.constant 0 : i32
    %scan3A_31 = arith.constant 0 : i32
    %scan3A_32 = arith.constant 10 : i32
    %scan3A_33 = arith.addi %scan3A_31, %scan3A_32 : i32
    %scan3A_34 = arith.constant 1 : i32
    scf.for %scan3A_60 = %scan3A_31 to %scan3A_33 step %scan3A_34  : i32 {
      %mul3A_61 = arith.constant 8 : i32
      %mul3A_62 = arith.muli %mul3A_61, %scan3A_60 : i32
      %add3A_63 = arith.constant 0 : i32
      %add3A_64 = arith.addi %mul3A_62, %add3A_63 : i32
      %dma_start3A = arith.constant 0 : i32
      %dma_start3A_65 = tpu.memref_slice %arg4[%add3A_64, %dma_start3A] : memref<80x128xi32, #tpu.memory_space<vmem>> -> memref<1x128xi32, #tpu.memory_space<vmem>>
      %dma_start3A_66 = tpu.memref_squeeze %dma_start3A_65 : memref<1x128xi32, #tpu.memory_space<vmem>> -> memref<128xi32, #tpu.memory_space<vmem>>
      %dma_start3A_67 = arith.constant 0 : i32
      %dma_start3A_68 = arith.constant 0 : i32
      %dma_start3A_69 = tpu.memref_slice %arg6[%dma_start3A_67, %dma_start3A_68] : memref<10240x128xf32, #tpu.memory_space<vmem_shared>> -> memref<10240x128xf32, #tpu.memory_space<vmem_shared>>
      tpu.enqueue_indirect_dma source(%arg5 : memref<128x128xf32, #tpu.memory_space<vmem>>) target(%dma_start3A_69 : memref<10240x128xf32, #tpu.memory_space<vmem_shared>>) offsets(%dma_start3A_66 : memref<128xi32, #tpu.memory_space<vmem>>) semaphore(%arg7 : memref<!tpu.dma_semaphore, #tpu.memory_space<semaphore_mem>>) {add = true}
      %mul3A_70 = arith.constant 8 : i32
      %mul3A_71 = arith.muli %mul3A_70, %scan3A_60 : i32
      %add3A_72 = arith.constant 1 : i32
      %add3A_73 = arith.addi %mul3A_71, %add3A_72 : i32
      %dma_start3A_74 = arith.constant 0 : i32
      %dma_start3A_75 = tpu.memref_slice %arg4[%add3A_73, %dma_start3A_74] : memref<80x128xi32, #tpu.memory_space<vmem>> -> memref<1x128xi32, #tpu.memory_space<vmem>>
      %dma_start3A_76 = tpu.memref_squeeze %dma_start3A_75 : memref<1x128xi32, #tpu.memory_space<vmem>> -> memref<128xi32, #tpu.memory_space<vmem>>
      %dma_start3A_77 = arith.constant 0 : i32
      %dma_start3A_78 = arith.constant 0 : i32
      %dma_start3A_79 = tpu.memref_slice %arg6[%dma_start3A_77, %dma_start3A_78] : memref<10240x128xf32, #tpu.memory_space<vmem_shared>> -> memref<10240x128xf32, #tpu.memory_space<vmem_shared>>
      tpu.enqueue_indirect_dma source(%arg5 : memref<128x128xf32, #tpu.memory_space<vmem>>) target(%dma_start3A_79 : memref<10240x128xf32, #tpu.memory_space<vmem_shared>>) offsets(%dma_start3A_76 : memref<128xi32, #tpu.memory_space<vmem>>) semaphore(%arg7 : memref<!tpu.dma_semaphore, #tpu.memory_space<semaphore_mem>>) {add = true}
      %mul3A_80 = arith.constant 8 : i32
      %mul3A_81 = arith.muli %mul3A_80, %scan3A_60 : i32
      %add3A_82 = arith.constant 2 : i32
      %add3A_83 = arith.addi %mul3A_81, %add3A_82 : i32
      %dma_start3A_84 = arith.constant 0 : i32
      %dma_start3A_85 = tpu.memref_slice %arg4[%add3A_83, %dma_start3A_84] : memref<80x128xi32, #tpu.memory_space<vmem>> -> memref<1x128xi32, #tpu.memory_space<vmem>>
      %dma_start3A_86 = tpu.memref_squeeze %dma_start3A_85 : memref<1x128xi32, #tpu.memory_space<vmem>> -> memref<128xi32, #tpu.memory_space<vmem>>
      %dma_start3A_87 = arith.constant 0 : i32
      %dma_start3A_88 = arith.constant 0 : i32
      %dma_start3A_89 = tpu.memref_slice %arg6[%dma_start3A_87, %dma_start3A_88] : memref<10240x128xf32, #tpu.memory_space<vmem_shared>> -> memref<10240x128xf32, #tpu.memory_space<vmem_shared>>
      tpu.enqueue_indirect_dma source(%arg5 : memref<128x128xf32, #tpu.memory_space<vmem>>) target(%dma_start3A_89 : memref<10240x128xf32, #tpu.memory_space<vmem_shared>>) offsets(%dma_start3A_86 : memref<128xi32, #tpu.memory_space<vmem>>) semaphore(%arg7 : memref<!tpu.dma_semaphore, #tpu.memory_space<semaphore_mem>>) {add = true}
      %mul3A_90 = arith.constant 8 : i32
      %mul3A_91 = arith.muli %mul3A_90, %scan3A_60 : i32
      %add3A_92 = arith.constant 3 : i32
      %add3A_93 = arith.addi %mul3A_91, %add3A_92 : i32
      %dma_start3A_94 = arith.constant 0 : i32
      %dma_start3A_95 = tpu.memref_slice %arg4[%add3A_93, %dma_start3A_94] : memref<80x128xi32, #tpu.memory_space<vmem>> -> memref<1x128xi32, #tpu.memory_space<vmem>>
      %dma_start3A_96 = tpu.memref_squeeze %dma_start3A_95 : memref<1x128xi32, #tpu.memory_space<vmem>> -> memref<128xi32, #tpu.memory_space<vmem>>
      %dma_start3A_97 = arith.constant 0 : i32
      %dma_start3A_98 = arith.constant 0 : i32
      %dma_start3A_99 = tpu.memref_slice %arg6[%dma_start3A_97, %dma_start3A_98] : memref<10240x128xf32, #tpu.memory_space<vmem_shared>> -> memref<10240x128xf32, #tpu.memory_space<vmem_shared>>
      tpu.enqueue_indirect_dma source(%arg5 : memref<128x128xf32, #tpu.memory_space<vmem>>) target(%dma_start3A_99 : memref<10240x128xf32, #tpu.memory_space<vmem_shared>>) offsets(%dma_start3A_96 : memref<128xi32, #tpu.memory_space<vmem>>) semaphore(%arg7 : memref<!tpu.dma_semaphore, #tpu.memory_space<semaphore_mem>>) {add = true}
      %mul3A_100 = arith.constant 8 : i32
      %mul3A_101 = arith.muli %mul3A_100, %scan3A_60 : i32
      %add3A_102 = arith.constant 4 : i32
      %add3A_103 = arith.addi %mul3A_101, %add3A_102 : i32
      %dma_start3A_104 = arith.constant 0 : i32
      %dma_start3A_105 = tpu.memref_slice %arg4[%add3A_103, %dma_start3A_104] : memref<80x128xi32, #tpu.memory_space<vmem>> -> memref<1x128xi32, #tpu.memory_space<vmem>>
      %dma_start3A_106 = tpu.memref_squeeze %dma_start3A_105 : memref<1x128xi32, #tpu.memory_space<vmem>> -> memref<128xi32, #tpu.memory_space<vmem>>
      %dma_start3A_107 = arith.constant 0 : i32
      %dma_start3A_108 = arith.constant 0 : i32
      %dma_start3A_109 = tpu.memref_slice %arg6[%dma_start3A_107, %dma_start3A_108] : memref<10240x128xf32, #tpu.memory_space<vmem_shared>> -> memref<10240x128xf32, #tpu.memory_space<vmem_shared>>
      tpu.enqueue_indirect_dma source(%arg5 : memref<128x128xf32, #tpu.memory_space<vmem>>) target(%dma_start3A_109 : memref<10240x128xf32, #tpu.memory_space<vmem_shared>>) offsets(%dma_start3A_106 : memref<128xi32, #tpu.memory_space<vmem>>) semaphore(%arg7 : memref<!tpu.dma_semaphore, #tpu.memory_space<semaphore_mem>>) {add = true}
      %mul3A_110 = arith.constant 8 : i32
      %mul3A_111 = arith.muli %mul3A_110, %scan3A_60 : i32
      %add3A_112 = arith.constant 5 : i32
      %add3A_113 = arith.addi %mul3A_111, %add3A_112 : i32
      %dma_start3A_114 = arith.constant 0 : i32
      %dma_start3A_115 = tpu.memref_slice %arg4[%add3A_113, %dma_start3A_114] : memref<80x128xi32, #tpu.memory_space<vmem>> -> memref<1x128xi32, #tpu.memory_space<vmem>>
      %dma_start3A_116 = tpu.memref_squeeze %dma_start3A_115 : memref<1x128xi32, #tpu.memory_space<vmem>> -> memref<128xi32, #tpu.memory_space<vmem>>
      %dma_start3A_117 = arith.constant 0 : i32
      %dma_start3A_118 = arith.constant 0 : i32
      %dma_start3A_119 = tpu.memref_slice %arg6[%dma_start3A_117, %dma_start3A_118] : memref<10240x128xf32, #tpu.memory_space<vmem_shared>> -> memref<10240x128xf32, #tpu.memory_space<vmem_shared>>
      tpu.enqueue_indirect_dma source(%arg5 : memref<128x128xf32, #tpu.memory_space<vmem>>) target(%dma_start3A_119 : memref<10240x128xf32, #tpu.memory_space<vmem_shared>>) offsets(%dma_start3A_116 : memref<128xi32, #tpu.memory_space<vmem>>) semaphore(%arg7 : memref<!tpu.dma_semaphore, #tpu.memory_space<semaphore_mem>>) {add = true}
      %mul3A_120 = arith.constant 8 : i32
      %mul3A_121 = arith.muli %mul3A_120, %scan3A_60 : i32
      %add3A_122 = arith.constant 6 : i32
      %add3A_123 = arith.addi %mul3A_121, %add3A_122 : i32
      %dma_start3A_124 = arith.constant 0 : i32
      %dma_start3A_125 = tpu.memref_slice %arg4[%add3A_123, %dma_start3A_124] : memref<80x128xi32, #tpu.memory_space<vmem>> -> memref<1x128xi32, #tpu.memory_space<vmem>>
      %dma_start3A_126 = tpu.memref_squeeze %dma_start3A_125 : memref<1x128xi32, #tpu.memory_space<vmem>> -> memref<128xi32, #tpu.memory_space<vmem>>
      %dma_start3A_127 = arith.constant 0 : i32
      %dma_start3A_128 = arith.constant 0 : i32
      %dma_start3A_129 = tpu.memref_slice %arg6[%dma_start3A_127, %dma_start3A_128] : memref<10240x128xf32, #tpu.memory_space<vmem_shared>> -> memref<10240x128xf32, #tpu.memory_space<vmem_shared>>
      tpu.enqueue_indirect_dma source(%arg5 : memref<128x128xf32, #tpu.memory_space<vmem>>) target(%dma_start3A_129 : memref<10240x128xf32, #tpu.memory_space<vmem_shared>>) offsets(%dma_start3A_126 : memref<128xi32, #tpu.memory_space<vmem>>) semaphore(%arg7 : memref<!tpu.dma_semaphore, #tpu.memory_space<semaphore_mem>>) {add = true}
      %mul3A_130 = arith.constant 8 : i32
      %mul3A_131 = arith.muli %mul3A_130, %scan3A_60 : i32
      %add3A_132 = arith.constant 7 : i32
      %add3A_133 = arith.addi %mul3A_131, %add3A_132 : i32
      %dma_start3A_134 = arith.constant 0 : i32
      %dma_start3A_135 = tpu.memref_slice %arg4[%add3A_133, %dma_start3A_134] : memref<80x128xi32, #tpu.memory_space<vmem>> -> memref<1x128xi32, #tpu.memory_space<vmem>>
      %dma_start3A_136 = tpu.memref_squeeze %dma_start3A_135 : memref<1x128xi32, #tpu.memory_space<vmem>> -> memref<128xi32, #tpu.memory_space<vmem>>
      %dma_start3A_137 = arith.constant 0 : i32
      %dma_start3A_138 = arith.constant 0 : i32
      %dma_start3A_139 = tpu.memref_slice %arg6[%dma_start3A_137, %dma_start3A_138] : memref<10240x128xf32, #tpu.memory_space<vmem_shared>> -> memref<10240x128xf32, #tpu.memory_space<vmem_shared>>
      tpu.enqueue_indirect_dma source(%arg5 : memref<128x128xf32, #tpu.memory_space<vmem>>) target(%dma_start3A_139 : memref<10240x128xf32, #tpu.memory_space<vmem_shared>>) offsets(%dma_start3A_136 : memref<128xi32, #tpu.memory_space<vmem>>) semaphore(%arg7 : memref<!tpu.dma_semaphore, #tpu.memory_space<semaphore_mem>>) {add = true}
      %mul3A_140 = arith.constant 8 : i32
      %mul3A_141 = arith.muli %mul3A_140, %scan3A_60 : i32
      %add3A_142 = arith.constant 0 : i32
      %add3A_143 = arith.addi %mul3A_141, %add3A_142 : i32
      %dma_wait3A = arith.constant 0 : i32
      %dma_wait3A_144 = tpu.memref_slice %arg4[%add3A_143, %dma_wait3A] : memref<80x128xi32, #tpu.memory_space<vmem>> -> memref<1x128xi32, #tpu.memory_space<vmem>>
      %dma_wait3A_145 = tpu.memref_squeeze %dma_wait3A_144 : memref<1x128xi32, #tpu.memory_space<vmem>> -> memref<128xi32, #tpu.memory_space<vmem>>
      %dma_wait3A_146 = arith.constant 0 : i32
      %dma_wait3A_147 = arith.constant 0 : i32
      %dma_wait3A_148 = tpu.memref_slice %arg6[%dma_wait3A_146, %dma_wait3A_147] : memref<10240x128xf32, #tpu.memory_space<vmem_shared>> -> memref<10240x128xf32, #tpu.memory_space<vmem_shared>>
      tpu.wait_indirect_dma semaphore(%arg7 : memref<!tpu.dma_semaphore, #tpu.memory_space<semaphore_mem>>) src(%arg5 : memref<128x128xf32, #tpu.memory_space<vmem>>) dst(%dma_wait3A_148 : memref<10240x128xf32, #tpu.memory_space<vmem_shared>>)
      %mul3A_149 = arith.constant 8 : i32
      %mul3A_150 = arith.muli %mul3A_149, %scan3A_60 : i32
      %add3A_151 = arith.constant 1 : i32
      %add3A_152 = arith.addi %mul3A_150, %add3A_151 : i32
      %dma_wait3A_153 = arith.constant 0 : i32
      %dma_wait3A_154 = tpu.memref_slice %arg4[%add3A_152, %dma_wait3A_153] : memref<80x128xi32, #tpu.memory_space<vmem>> -> memref<1x128xi32, #tpu.memory_space<vmem>>
      %dma_wait3A_155 = tpu.memref_squeeze %dma_wait3A_154 : memref<1x128xi32, #tpu.memory_space<vmem>> -> memref<128xi32, #tpu.memory_space<vmem>>
      %dma_wait3A_156 = arith.constant 0 : i32
      %dma_wait3A_157 = arith.constant 0 : i32
      %dma_wait3A_158 = tpu.memref_slice %arg6[%dma_wait3A_156, %dma_wait3A_157] : memref<10240x128xf32, #tpu.memory_space<vmem_shared>> -> memref<10240x128xf32, #tpu.memory_space<vmem_shared>>
      tpu.wait_indirect_dma semaphore(%arg7 : memref<!tpu.dma_semaphore, #tpu.memory_space<semaphore_mem>>) src(%arg5 : memref<128x128xf32, #tpu.memory_space<vmem>>) dst(%dma_wait3A_158 : memref<10240x128xf32, #tpu.memory_space<vmem_shared>>)
      %mul3A_159 = arith.constant 8 : i32
      %mul3A_160 = arith.muli %mul3A_159, %scan3A_60 : i32
      %add3A_161 = arith.constant 2 : i32
      %add3A_162 = arith.addi %mul3A_160, %add3A_161 : i32
      %dma_wait3A_163 = arith.constant 0 : i32
      %dma_wait3A_164 = tpu.memref_slice %arg4[%add3A_162, %dma_wait3A_163] : memref<80x128xi32, #tpu.memory_space<vmem>> -> memref<1x128xi32, #tpu.memory_space<vmem>>
      %dma_wait3A_165 = tpu.memref_squeeze %dma_wait3A_164 : memref<1x128xi32, #tpu.memory_space<vmem>> -> memref<128xi32, #tpu.memory_space<vmem>>
      %dma_wait3A_166 = arith.constant 0 : i32
      %dma_wait3A_167 = arith.constant 0 : i32
      %dma_wait3A_168 = tpu.memref_slice %arg6[%dma_wait3A_166, %dma_wait3A_167] : memref<10240x128xf32, #tpu.memory_space<vmem_shared>> -> memref<10240x128xf32, #tpu.memory_space<vmem_shared>>
      tpu.wait_indirect_dma semaphore(%arg7 : memref<!tpu.dma_semaphore, #tpu.memory_space<semaphore_mem>>) src(%arg5 : memref<128x128xf32, #tpu.memory_space<vmem>>) dst(%dma_wait3A_168 : memref<10240x128xf32, #tpu.memory_space<vmem_shared>>)
      %mul3A_169 = arith.constant 8 : i32
      %mul3A_170 = arith.muli %mul3A_169, %scan3A_60 : i32
      %add3A_171 = arith.constant 3 : i32
      %add3A_172 = arith.addi %mul3A_170, %add3A_171 : i32
      %dma_wait3A_173 = arith.constant 0 : i32
      %dma_wait3A_174 = tpu.memref_slice %arg4[%add3A_172, %dma_wait3A_173] : memref<80x128xi32, #tpu.memory_space<vmem>> -> memref<1x128xi32, #tpu.memory_space<vmem>>
      %dma_wait3A_175 = tpu.memref_squeeze %dma_wait3A_174 : memref<1x128xi32, #tpu.memory_space<vmem>> -> memref<128xi32, #tpu.memory_space<vmem>>
      %dma_wait3A_176 = arith.constant 0 : i32
      %dma_wait3A_177 = arith.constant 0 : i32
      %dma_wait3A_178 = tpu.memref_slice %arg6[%dma_wait3A_176, %dma_wait3A_177] : memref<10240x128xf32, #tpu.memory_space<vmem_shared>> -> memref<10240x128xf32, #tpu.memory_space<vmem_shared>>
      tpu.wait_indirect_dma semaphore(%arg7 : memref<!tpu.dma_semaphore, #tpu.memory_space<semaphore_mem>>) src(%arg5 : memref<128x128xf32, #tpu.memory_space<vmem>>) dst(%dma_wait3A_178 : memref<10240x128xf32, #tpu.memory_space<vmem_shared>>)
      %mul3A_179 = arith.constant 8 : i32
      %mul3A_180 = arith.muli %mul3A_179, %scan3A_60 : i32
      %add3A_181 = arith.constant 4 : i32
      %add3A_182 = arith.addi %mul3A_180, %add3A_181 : i32
      %dma_wait3A_183 = arith.constant 0 : i32
      %dma_wait3A_184 = tpu.memref_slice %arg4[%add3A_182, %dma_wait3A_183] : memref<80x128xi32, #tpu.memory_space<vmem>> -> memref<1x128xi32, #tpu.memory_space<vmem>>
      %dma_wait3A_185 = tpu.memref_squeeze %dma_wait3A_184 : memref<1x128xi32, #tpu.memory_space<vmem>> -> memref<128xi32, #tpu.memory_space<vmem>>
      %dma_wait3A_186 = arith.constant 0 : i32
      %dma_wait3A_187 = arith.constant 0 : i32
      %dma_wait3A_188 = tpu.memref_slice %arg6[%dma_wait3A_186, %dma_wait3A_187] : memref<10240x128xf32, #tpu.memory_space<vmem_shared>> -> memref<10240x128xf32, #tpu.memory_space<vmem_shared>>
      tpu.wait_indirect_dma semaphore(%arg7 : memref<!tpu.dma_semaphore, #tpu.memory_space<semaphore_mem>>) src(%arg5 : memref<128x128xf32, #tpu.memory_space<vmem>>) dst(%dma_wait3A_188 : memref<10240x128xf32, #tpu.memory_space<vmem_shared>>)
      %mul3A_189 = arith.constant 8 : i32
      %mul3A_190 = arith.muli %mul3A_189, %scan3A_60 : i32
      %add3A_191 = arith.constant 5 : i32
      %add3A_192 = arith.addi %mul3A_190, %add3A_191 : i32
      %dma_wait3A_193 = arith.constant 0 : i32
      %dma_wait3A_194 = tpu.memref_slice %arg4[%add3A_192, %dma_wait3A_193] : memref<80x128xi32, #tpu.memory_space<vmem>> -> memref<1x128xi32, #tpu.memory_space<vmem>>
      %dma_wait3A_195 = tpu.memref_squeeze %dma_wait3A_194 : memref<1x128xi32, #tpu.memory_space<vmem>> -> memref<128xi32, #tpu.memory_space<vmem>>
      %dma_wait3A_196 = arith.constant 0 : i32
      %dma_wait3A_197 = arith.constant 0 : i32
      %dma_wait3A_198 = tpu.memref_slice %arg6[%dma_wait3A_196, %dma_wait3A_197] : memref<10240x128xf32, #tpu.memory_space<vmem_shared>> -> memref<10240x128xf32, #tpu.memory_space<vmem_shared>>
      tpu.wait_indirect_dma semaphore(%arg7 : memref<!tpu.dma_semaphore, #tpu.memory_space<semaphore_mem>>) src(%arg5 : memref<128x128xf32, #tpu.memory_space<vmem>>) dst(%dma_wait3A_198 : memref<10240x128xf32, #tpu.memory_space<vmem_shared>>)
      %mul3A_199 = arith.constant 8 : i32
      %mul3A_200 = arith.muli %mul3A_199, %scan3A_60 : i32
      %add3A_201 = arith.constant 6 : i32
      %add3A_202 = arith.addi %mul3A_200, %add3A_201 : i32
      %dma_wait3A_203 = arith.constant 0 : i32
      %dma_wait3A_204 = tpu.memref_slice %arg4[%add3A_202, %dma_wait3A_203] : memref<80x128xi32, #tpu.memory_space<vmem>> -> memref<1x128xi32, #tpu.memory_space<vmem>>
      %dma_wait3A_205 = tpu.memref_squeeze %dma_wait3A_204 : memref<1x128xi32, #tpu.memory_space<vmem>> -> memref<128xi32, #tpu.memory_space<vmem>>
      %dma_wait3A_206 = arith.constant 0 : i32
      %dma_wait3A_207 = arith.constant 0 : i32
      %dma_wait3A_208 = tpu.memref_slice %arg6[%dma_wait3A_206, %dma_wait3A_207] : memref<10240x128xf32, #tpu.memory_space<vmem_shared>> -> memref<10240x128xf32, #tpu.memory_space<vmem_shared>>
      tpu.wait_indirect_dma semaphore(%arg7 : memref<!tpu.dma_semaphore, #tpu.memory_space<semaphore_mem>>) src(%arg5 : memref<128x128xf32, #tpu.memory_space<vmem>>) dst(%dma_wait3A_208 : memref<10240x128xf32, #tpu.memory_space<vmem_shared>>)
      %mul3A_209 = arith.constant 8 : i32
      %mul3A_210 = arith.muli %mul3A_209, %scan3A_60 : i32
      %add3A_211 = arith.constant 7 : i32
      %add3A_212 = arith.addi %mul3A_210, %add3A_211 : i32
      %dma_wait3A_213 = arith.constant 0 : i32
      %dma_wait3A_214 = tpu.memref_slice %arg4[%add3A_212, %dma_wait3A_213] : memref<80x128xi32, #tpu.memory_space<vmem>> -> memref<1x128xi32, #tpu.memory_space<vmem>>
      %dma_wait3A_215 = tpu.memref_squeeze %dma_wait3A_214 : memref<1x128xi32, #tpu.memory_space<vmem>> -> memref<128xi32, #tpu.memory_space<vmem>>
      %dma_wait3A_216 = arith.constant 0 : i32
      %dma_wait3A_217 = arith.constant 0 : i32
      %dma_wait3A_218 = tpu.memref_slice %arg6[%dma_wait3A_216, %dma_wait3A_217] : memref<10240x128xf32, #tpu.memory_space<vmem_shared>> -> memref<10240x128xf32, #tpu.memory_space<vmem_shared>>
      tpu.wait_indirect_dma semaphore(%arg7 : memref<!tpu.dma_semaphore, #tpu.memory_space<semaphore_mem>>) src(%arg5 : memref<128x128xf32, #tpu.memory_space<vmem>>) dst(%dma_wait3A_218 : memref<10240x128xf32, #tpu.memory_space<vmem_shared>>)
    }
    %scan3A_35 = arith.constant 10 : i32
    %barrier3A_36 = arith.constant 0 : index
    tpu.barrier barrier_id(%barrier3A_36)
    %mul3A_37 = arith.constant 10240 : i32
    %mul3A_38 = arith.muli %arg0, %mul3A_37 : i32
    %add3A_39 = arith.addi %mul3A_38, %mul3A_13 : i32
    %add3A_40 = arith.constant 0 : i32
    %add3A_41 = arith.addi %mul3A_13, %add3A_40 : i32
    %add3A_42 = arith.constant 0 : i32
    %add3A_43 = arith.addi %add3A_39, %add3A_42 : i32
    "tpu.region"() ({
      %run_scoped3A = tpu.sem_alloc : memref<!tpu.dma_semaphore, #tpu.memory_space<semaphore_mem>>
      %dma_start3A = arith.constant 0 : i32
      %dma_start3A_60 = tpu.memref_slice %arg3[%add3A_43, %dma_start3A] : memref<20480x128xf32, #tpu.memory_space<hbm>> -> memref<128x128xf32, #tpu.memory_space<hbm>>
      %dma_start3A_61 = arith.constant 0 : i32
      %dma_start3A_62 = tpu.memref_slice %arg6[%add3A_41, %dma_start3A_61] : memref<10240x128xf32, #tpu.memory_space<vmem_shared>> -> memref<128x128xf32, #tpu.memory_space<vmem_shared>>
      tpu.enqueue_dma source(%dma_start3A_62 : memref<128x128xf32, #tpu.memory_space<vmem_shared>>) target(%dma_start3A_60 : memref<128x128xf32, #tpu.memory_space<hbm>>) target_semaphore(%run_scoped3A : memref<!tpu.dma_semaphore, #tpu.memory_space<semaphore_mem>>)
      %dma_wait3A = arith.constant 0 : i32
      %dma_wait3A_63 = tpu.memref_slice %arg3[%add3A_43, %dma_wait3A] : memref<20480x128xf32, #tpu.memory_space<hbm>> -> memref<128x128xf32, #tpu.memory_space<hbm>>
      %dma_wait3A_64 = arith.constant 0 : i32
      %dma_wait3A_65 = tpu.memref_slice %arg6[%add3A_41, %dma_wait3A_64] : memref<10240x128xf32, #tpu.memory_space<vmem_shared>> -> memref<128x128xf32, #tpu.memory_space<vmem_shared>>
      tpu.wait_dma2 semaphore(%run_scoped3A : memref<!tpu.dma_semaphore, #tpu.memory_space<semaphore_mem>>) src(%dma_wait3A_65 : memref<128x128xf32, #tpu.memory_space<vmem_shared>>) dst(%dma_wait3A_63 : memref<128x128xf32, #tpu.memory_space<hbm>>)
      tpu.yield
    }) : () -> ()
    %add3A_44 = arith.constant 128 : i32
    %add3A_45 = arith.addi %mul3A_13, %add3A_44 : i32
    %add3A_46 = arith.constant 128 : i32
    %add3A_47 = arith.addi %add3A_39, %add3A_46 : i32
    "tpu.region"() ({
      %run_scoped3A = tpu.sem_alloc : memref<!tpu.dma_semaphore, #tpu.memory_space<semaphore_mem>>
      %dma_start3A = arith.constant 0 : i32
      %dma_start3A_60 = tpu.memref_slice %arg3[%add3A_47, %dma_start3A] : memref<20480x128xf32, #tpu.memory_space<hbm>> -> memref<128x128xf32, #tpu.memory_space<hbm>>
      %dma_start3A_61 = arith.constant 0 : i32
      %dma_start3A_62 = tpu.memref_slice %arg6[%add3A_45, %dma_start3A_61] : memref<10240x128xf32, #tpu.memory_space<vmem_shared>> -> memref<128x128xf32, #tpu.memory_space<vmem_shared>>
      tpu.enqueue_dma source(%dma_start3A_62 : memref<128x128xf32, #tpu.memory_space<vmem_shared>>) target(%dma_start3A_60 : memref<128x128xf32, #tpu.memory_space<hbm>>) target_semaphore(%run_scoped3A : memref<!tpu.dma_semaphore, #tpu.memory_space<semaphore_mem>>)
      %dma_wait3A = arith.constant 0 : i32
      %dma_wait3A_63 = tpu.memref_slice %arg3[%add3A_47, %dma_wait3A] : memref<20480x128xf32, #tpu.memory_space<hbm>> -> memref<128x128xf32, #tpu.memory_space<hbm>>
      %dma_wait3A_64 = arith.constant 0 : i32
      %dma_wait3A_65 = tpu.memref_slice %arg6[%add3A_45, %dma_wait3A_64] : memref<10240x128xf32, #tpu.memory_space<vmem_shared>> -> memref<128x128xf32, #tpu.memory_space<vmem_shared>>
      tpu.wait_dma2 semaphore(%run_scoped3A : memref<!tpu.dma_semaphore, #tpu.memory_space<semaphore_mem>>) src(%dma_wait3A_65 : memref<128x128xf32, #tpu.memory_space<vmem_shared>>) dst(%dma_wait3A_63 : memref<128x128xf32, #tpu.memory_space<hbm>>)
      tpu.yield
    }) : () -> ()
    %add3A_48 = arith.constant 256 : i32
    %add3A_49 = arith.addi %mul3A_13, %add3A_48 : i32
    %add3A_50 = arith.constant 256 : i32
    %add3A_51 = arith.addi %add3A_39, %add3A_50 : i32
    "tpu.region"() ({
      %run_scoped3A = tpu.sem_alloc : memref<!tpu.dma_semaphore, #tpu.memory_space<semaphore_mem>>
      %dma_start3A = arith.constant 0 : i32
      %dma_start3A_60 = tpu.memref_slice %arg3[%add3A_51, %dma_start3A] : memref<20480x128xf32, #tpu.memory_space<hbm>> -> memref<128x128xf32, #tpu.memory_space<hbm>>
      %dma_start3A_61 = arith.constant 0 : i32
      %dma_start3A_62 = tpu.memref_slice %arg6[%add3A_49, %dma_start3A_61] : memref<10240x128xf32, #tpu.memory_space<vmem_shared>> -> memref<128x128xf32, #tpu.memory_space<vmem_shared>>
      tpu.enqueue_dma source(%dma_start3A_62 : memref<128x128xf32, #tpu.memory_space<vmem_shared>>) target(%dma_start3A_60 : memref<128x128xf32, #tpu.memory_space<hbm>>) target_semaphore(%run_scoped3A : memref<!tpu.dma_semaphore, #tpu.memory_space<semaphore_mem>>)
      %dma_wait3A = arith.constant 0 : i32
      %dma_wait3A_63 = tpu.memref_slice %arg3[%add3A_51, %dma_wait3A] : memref<20480x128xf32, #tpu.memory_space<hbm>> -> memref<128x128xf32, #tpu.memory_space<hbm>>
      %dma_wait3A_64 = arith.constant 0 : i32
      %dma_wait3A_65 = tpu.memref_slice %arg6[%add3A_49, %dma_wait3A_64] : memref<10240x128xf32, #tpu.memory_space<vmem_shared>> -> memref<128x128xf32, #tpu.memory_space<vmem_shared>>
      tpu.wait_dma2 semaphore(%run_scoped3A : memref<!tpu.dma_semaphore, #tpu.memory_space<semaphore_mem>>) src(%dma_wait3A_65 : memref<128x128xf32, #tpu.memory_space<vmem_shared>>) dst(%dma_wait3A_63 : memref<128x128xf32, #tpu.memory_space<hbm>>)
      tpu.yield
    }) : () -> ()
    %add3A_52 = arith.constant 384 : i32
    %add3A_53 = arith.addi %mul3A_13, %add3A_52 : i32
    %add3A_54 = arith.constant 384 : i32
    %add3A_55 = arith.addi %add3A_39, %add3A_54 : i32
    "tpu.region"() ({
      %run_scoped3A = tpu.sem_alloc : memref<!tpu.dma_semaphore, #tpu.memory_space<semaphore_mem>>
      %dma_start3A = arith.constant 0 : i32
      %dma_start3A_60 = tpu.memref_slice %arg3[%add3A_55, %dma_start3A] : memref<20480x128xf32, #tpu.memory_space<hbm>> -> memref<128x128xf32, #tpu.memory_space<hbm>>
      %dma_start3A_61 = arith.constant 0 : i32
      %dma_start3A_62 = tpu.memref_slice %arg6[%add3A_53, %dma_start3A_61] : memref<10240x128xf32, #tpu.memory_space<vmem_shared>> -> memref<128x128xf32, #tpu.memory_space<vmem_shared>>
      tpu.enqueue_dma source(%dma_start3A_62 : memref<128x128xf32, #tpu.memory_space<vmem_shared>>) target(%dma_start3A_60 : memref<128x128xf32, #tpu.memory_space<hbm>>) target_semaphore(%run_scoped3A : memref<!tpu.dma_semaphore, #tpu.memory_space<semaphore_mem>>)
      %dma_wait3A = arith.constant 0 : i32
      %dma_wait3A_63 = tpu.memref_slice %arg3[%add3A_55, %dma_wait3A] : memref<20480x128xf32, #tpu.memory_space<hbm>> -> memref<128x128xf32, #tpu.memory_space<hbm>>
      %dma_wait3A_64 = arith.constant 0 : i32
      %dma_wait3A_65 = tpu.memref_slice %arg6[%add3A_53, %dma_wait3A_64] : memref<10240x128xf32, #tpu.memory_space<vmem_shared>> -> memref<128x128xf32, #tpu.memory_space<vmem_shared>>
      tpu.wait_dma2 semaphore(%run_scoped3A : memref<!tpu.dma_semaphore, #tpu.memory_space<semaphore_mem>>) src(%dma_wait3A_65 : memref<128x128xf32, #tpu.memory_space<vmem_shared>>) dst(%dma_wait3A_63 : memref<128x128xf32, #tpu.memory_space<hbm>>)
      tpu.yield
    }) : () -> ()
    %add3A_56 = arith.constant 512 : i32
    %add3A_57 = arith.addi %mul3A_13, %add3A_56 : i32
    %add3A_58 = arith.constant 512 : i32
    %add3A_59 = arith.addi %add3A_39, %add3A_58 : i32
    "tpu.region"() ({
      %run_scoped3A = tpu.sem_alloc : memref<!tpu.dma_semaphore, #tpu.memory_space<semaphore_mem>>
      %dma_start3A = arith.constant 0 : i32
      %dma_start3A_60 = tpu.memref_slice %arg3[%add3A_59, %dma_start3A] : memref<20480x128xf32, #tpu.memory_space<hbm>> -> memref<128x128xf32, #tpu.memory_space<hbm>>
      %dma_start3A_61 = arith.constant 0 : i32
      %dma_start3A_62 = tpu.memref_slice %arg6[%add3A_57, %dma_start3A_61] : memref<10240x128xf32, #tpu.memory_space<vmem_shared>> -> memref<128x128xf32, #tpu.memory_space<vmem_shared>>
      tpu.enqueue_dma source(%dma_start3A_62 : memref<128x128xf32, #tpu.memory_space<vmem_shared>>) target(%dma_start3A_60 : memref<128x128xf32, #tpu.memory_space<hbm>>) target_semaphore(%run_scoped3A : memref<!tpu.dma_semaphore, #tpu.memory_space<semaphore_mem>>)
      %dma_wait3A = arith.constant 0 : i32
      %dma_wait3A_63 = tpu.memref_slice %arg3[%add3A_59, %dma_wait3A] : memref<20480x128xf32, #tpu.memory_space<hbm>> -> memref<128x128xf32, #tpu.memory_space<hbm>>
      %dma_wait3A_64 = arith.constant 0 : i32
      %dma_wait3A_65 = tpu.memref_slice %arg6[%add3A_57, %dma_wait3A_64] : memref<10240x128xf32, #tpu.memory_space<vmem_shared>> -> memref<128x128xf32, #tpu.memory_space<vmem_shared>>
      tpu.wait_dma2 semaphore(%run_scoped3A : memref<!tpu.dma_semaphore, #tpu.memory_space<semaphore_mem>>) src(%dma_wait3A_65 : memref<128x128xf32, #tpu.memory_space<vmem_shared>>) dst(%dma_wait3A_63 : memref<128x128xf32, #tpu.memory_space<hbm>>)
      tpu.yield
    }) : () -> ()
    return
  }
}

#map = affine_map<(d0, d1) -> (0, 0)>
#map1 = affine_map<(d0, d1) -> (0, 0, 0)>
module attributes {stable_mosaic.version = 14 : i64} {
  func.func @k(%arg0: i32, %arg1: i32, %arg2: memref<10240x128xf32, #tpu.memory_space<hbm>>, %arg3: memref<320x8x128xi32, #tpu.memory_space<hbm>>, %arg4: memref<320x8x128xi32, #tpu.memory_space<hbm>>, %arg5: memref<20480x128xf32, #tpu.memory_space<hbm>>, %arg6: memref<8x128xi32, #tpu.memory_space<vmem>>, %arg7: memref<8x128xi32, #tpu.memory_space<vmem>>, %arg8: memref<128x128xf32, #tpu.memory_space<vmem>>, %arg9: memref<128x128xf32, #tpu.memory_space<vmem>>, %arg10: memref<10240x128xf32, #tpu.memory_space<vmem_shared>>, %arg11: memref<!tpu.dma_semaphore, #tpu.memory_space<semaphore_mem>>, %arg12: memref<!tpu.dma_semaphore, #tpu.memory_space<semaphore_mem>>) attributes {dimension_semantics = [#tpu.dimension_semantics<core_parallel>, #tpu.dimension_semantics<subcore_parallel>], iteration_bounds = array<i64: 2, 16>, scalar_prefetch = 0 : i64, scratch_operands = 7 : i64, tpu.core_type = #tpu.core_type<sc_vector_subcore>, window_params = [{transform_indices = #map}, {transform_indices = #map1}, {transform_indices = #map1}, {transform_indices = #map}]} {
    %mul3A = arith.constant 2 : i32
    %mul3A_0 = arith.muli %arg1, %mul3A : i32
    %add3A = arith.addi %mul3A_0, %arg0 : i32
    %broadcast_in_dim3A = arith.constant 0.000000e+00 : f32
    %broadcast_in_dim3A_1 = vector.broadcast %broadcast_in_dim3A : f32 to vector<16xf32>
    %scan3A = arith.constant 0 : i32
    %scan3A_2 = arith.constant 0 : i32
    %scan3A_3 = arith.constant 128 : i32
    %scan3A_4 = arith.addi %scan3A_2, %scan3A_3 : i32
    %scan3A_5 = arith.constant 1 : i32
    scf.for %scan3A_49 = %scan3A_2 to %scan3A_4 step %scan3A_5  : i32 {
      %swap3A = arith.index_cast %scan3A_49 : i32 to index
      %swap3A_50 = arith.constant 0 : index
      %swap3A_51 = tpu.vector_load %arg8[%swap3A, %swap3A_50] {strides = array<i32>} : memref<128x128xf32, #tpu.memory_space<vmem>>, vector<1x16xf32>,
      %swap3A_52 = vector.shape_cast %swap3A_51 : vector<1x16xf32> to vector<16xf32>
      %swap3A_53 = vector.shape_cast %broadcast_in_dim3A_1 : vector<16xf32> to vector<1x16xf32>
      tpu.vector_store %arg8[%swap3A, %swap3A_50], %swap3A_53 {strides = array<i32>} : memref<128x128xf32, #tpu.memory_space<vmem>>, vector<1x16xf32>,
      %swap3A_54 = arith.index_cast %scan3A_49 : i32 to index
      %swap3A_55 = arith.constant 16 : index
      %swap3A_56 = tpu.vector_load %arg8[%swap3A_54, %swap3A_55] {strides = array<i32>} : memref<128x128xf32, #tpu.memory_space<vmem>>, vector<1x16xf32>,
      %swap3A_57 = vector.shape_cast %swap3A_56 : vector<1x16xf32> to vector<16xf32>
      %swap3A_58 = vector.shape_cast %broadcast_in_dim3A_1 : vector<16xf32> to vector<1x16xf32>
      tpu.vector_store %arg8[%swap3A_54, %swap3A_55], %swap3A_58 {strides = array<i32>} : memref<128x128xf32, #tpu.memory_space<vmem>>, vector<1x16xf32>,
      %swap3A_59 = arith.index_cast %scan3A_49 : i32 to index
      %swap3A_60 = arith.constant 32 : index
      %swap3A_61 = tpu.vector_load %arg8[%swap3A_59, %swap3A_60] {strides = array<i32>} : memref<128x128xf32, #tpu.memory_space<vmem>>, vector<1x16xf32>,
      %swap3A_62 = vector.shape_cast %swap3A_61 : vector<1x16xf32> to vector<16xf32>
      %swap3A_63 = vector.shape_cast %broadcast_in_dim3A_1 : vector<16xf32> to vector<1x16xf32>
      tpu.vector_store %arg8[%swap3A_59, %swap3A_60], %swap3A_63 {strides = array<i32>} : memref<128x128xf32, #tpu.memory_space<vmem>>, vector<1x16xf32>,
      %swap3A_64 = arith.index_cast %scan3A_49 : i32 to index
      %swap3A_65 = arith.constant 48 : index
      %swap3A_66 = tpu.vector_load %arg8[%swap3A_64, %swap3A_65] {strides = array<i32>} : memref<128x128xf32, #tpu.memory_space<vmem>>, vector<1x16xf32>,
      %swap3A_67 = vector.shape_cast %swap3A_66 : vector<1x16xf32> to vector<16xf32>
      %swap3A_68 = vector.shape_cast %broadcast_in_dim3A_1 : vector<16xf32> to vector<1x16xf32>
      tpu.vector_store %arg8[%swap3A_64, %swap3A_65], %swap3A_68 {strides = array<i32>} : memref<128x128xf32, #tpu.memory_space<vmem>>, vector<1x16xf32>,
      %swap3A_69 = arith.index_cast %scan3A_49 : i32 to index
      %swap3A_70 = arith.constant 64 : index
      %swap3A_71 = tpu.vector_load %arg8[%swap3A_69, %swap3A_70] {strides = array<i32>} : memref<128x128xf32, #tpu.memory_space<vmem>>, vector<1x16xf32>,
      %swap3A_72 = vector.shape_cast %swap3A_71 : vector<1x16xf32> to vector<16xf32>
      %swap3A_73 = vector.shape_cast %broadcast_in_dim3A_1 : vector<16xf32> to vector<1x16xf32>
      tpu.vector_store %arg8[%swap3A_69, %swap3A_70], %swap3A_73 {strides = array<i32>} : memref<128x128xf32, #tpu.memory_space<vmem>>, vector<1x16xf32>,
      %swap3A_74 = arith.index_cast %scan3A_49 : i32 to index
      %swap3A_75 = arith.constant 80 : index
      %swap3A_76 = tpu.vector_load %arg8[%swap3A_74, %swap3A_75] {strides = array<i32>} : memref<128x128xf32, #tpu.memory_space<vmem>>, vector<1x16xf32>,
      %swap3A_77 = vector.shape_cast %swap3A_76 : vector<1x16xf32> to vector<16xf32>
      %swap3A_78 = vector.shape_cast %broadcast_in_dim3A_1 : vector<16xf32> to vector<1x16xf32>
      tpu.vector_store %arg8[%swap3A_74, %swap3A_75], %swap3A_78 {strides = array<i32>} : memref<128x128xf32, #tpu.memory_space<vmem>>, vector<1x16xf32>,
      %swap3A_79 = arith.index_cast %scan3A_49 : i32 to index
      %swap3A_80 = arith.constant 96 : index
      %swap3A_81 = tpu.vector_load %arg8[%swap3A_79, %swap3A_80] {strides = array<i32>} : memref<128x128xf32, #tpu.memory_space<vmem>>, vector<1x16xf32>,
      %swap3A_82 = vector.shape_cast %swap3A_81 : vector<1x16xf32> to vector<16xf32>
      %swap3A_83 = vector.shape_cast %broadcast_in_dim3A_1 : vector<16xf32> to vector<1x16xf32>
      tpu.vector_store %arg8[%swap3A_79, %swap3A_80], %swap3A_83 {strides = array<i32>} : memref<128x128xf32, #tpu.memory_space<vmem>>, vector<1x16xf32>,
      %swap3A_84 = arith.index_cast %scan3A_49 : i32 to index
      %swap3A_85 = arith.constant 112 : index
      %swap3A_86 = tpu.vector_load %arg8[%swap3A_84, %swap3A_85] {strides = array<i32>} : memref<128x128xf32, #tpu.memory_space<vmem>>, vector<1x16xf32>,
      %swap3A_87 = vector.shape_cast %swap3A_86 : vector<1x16xf32> to vector<16xf32>
      %swap3A_88 = vector.shape_cast %broadcast_in_dim3A_1 : vector<16xf32> to vector<1x16xf32>
      tpu.vector_store %arg8[%swap3A_84, %swap3A_85], %swap3A_88 {strides = array<i32>} : memref<128x128xf32, #tpu.memory_space<vmem>>, vector<1x16xf32>,
    }
    %scan3A_6 = arith.constant 128 : i32
    %mul3A_7 = arith.constant 640 : i32
    %mul3A_8 = arith.muli %arg1, %mul3A_7 : i32
    %add3A_9 = arith.constant 0 : i32
    %add3A_10 = arith.addi %mul3A_8, %add3A_9 : i32
    "tpu.region"() ({
      %run_scoped3A = tpu.sem_alloc : memref<!tpu.dma_semaphore, #tpu.memory_space<semaphore_mem>>
      %dma_start3A = arith.constant 0 : i32
      %dma_start3A_49 = tpu.memref_slice %arg10[%add3A_10, %dma_start3A] : memref<10240x128xf32, #tpu.memory_space<vmem_shared>> -> memref<128x128xf32, #tpu.memory_space<vmem_shared>>
      %dma_start3A_50 = arith.constant 0 : i32
      %dma_start3A_51 = tpu.memref_slice %arg10[%add3A_10, %dma_start3A_50] : memref<10240x128xf32, #tpu.memory_space<vmem_shared>> -> memref<128x128xf32, #tpu.memory_space<vmem_shared>>
      tpu.enqueue_dma source(%arg8 : memref<128x128xf32, #tpu.memory_space<vmem>>) target(%dma_start3A_51 : memref<128x128xf32, #tpu.memory_space<vmem_shared>>) target_semaphore(%run_scoped3A : memref<!tpu.dma_semaphore, #tpu.memory_space<semaphore_mem>>)
      %dma_wait3A = arith.constant 0 : i32
      %dma_wait3A_52 = tpu.memref_slice %arg10[%add3A_10, %dma_wait3A] : memref<10240x128xf32, #tpu.memory_space<vmem_shared>> -> memref<128x128xf32, #tpu.memory_space<vmem_shared>>
      %dma_wait3A_53 = arith.constant 0 : i32
      %dma_wait3A_54 = tpu.memref_slice %arg10[%add3A_10, %dma_wait3A_53] : memref<10240x128xf32, #tpu.memory_space<vmem_shared>> -> memref<128x128xf32, #tpu.memory_space<vmem_shared>>
      tpu.wait_dma2 semaphore(%run_scoped3A : memref<!tpu.dma_semaphore, #tpu.memory_space<semaphore_mem>>) src(%arg8 : memref<128x128xf32, #tpu.memory_space<vmem>>) dst(%dma_wait3A_54 : memref<128x128xf32, #tpu.memory_space<vmem_shared>>)
      tpu.yield
    }) : () -> ()
    %add3A_11 = arith.constant 128 : i32
    %add3A_12 = arith.addi %mul3A_8, %add3A_11 : i32
    "tpu.region"() ({
      %run_scoped3A = tpu.sem_alloc : memref<!tpu.dma_semaphore, #tpu.memory_space<semaphore_mem>>
      %dma_start3A = arith.constant 0 : i32
      %dma_start3A_49 = tpu.memref_slice %arg10[%add3A_12, %dma_start3A] : memref<10240x128xf32, #tpu.memory_space<vmem_shared>> -> memref<128x128xf32, #tpu.memory_space<vmem_shared>>
      %dma_start3A_50 = arith.constant 0 : i32
      %dma_start3A_51 = tpu.memref_slice %arg10[%add3A_12, %dma_start3A_50] : memref<10240x128xf32, #tpu.memory_space<vmem_shared>> -> memref<128x128xf32, #tpu.memory_space<vmem_shared>>
      tpu.enqueue_dma source(%arg8 : memref<128x128xf32, #tpu.memory_space<vmem>>) target(%dma_start3A_51 : memref<128x128xf32, #tpu.memory_space<vmem_shared>>) target_semaphore(%run_scoped3A : memref<!tpu.dma_semaphore, #tpu.memory_space<semaphore_mem>>)
      %dma_wait3A = arith.constant 0 : i32
      %dma_wait3A_52 = tpu.memref_slice %arg10[%add3A_12, %dma_wait3A] : memref<10240x128xf32, #tpu.memory_space<vmem_shared>> -> memref<128x128xf32, #tpu.memory_space<vmem_shared>>
      %dma_wait3A_53 = arith.constant 0 : i32
      %dma_wait3A_54 = tpu.memref_slice %arg10[%add3A_12, %dma_wait3A_53] : memref<10240x128xf32, #tpu.memory_space<vmem_shared>> -> memref<128x128xf32, #tpu.memory_space<vmem_shared>>
      tpu.wait_dma2 semaphore(%run_scoped3A : memref<!tpu.dma_semaphore, #tpu.memory_space<semaphore_mem>>) src(%arg8 : memref<128x128xf32, #tpu.memory_space<vmem>>) dst(%dma_wait3A_54 : memref<128x128xf32, #tpu.memory_space<vmem_shared>>)
      tpu.yield
    }) : () -> ()
    %add3A_13 = arith.constant 256 : i32
    %add3A_14 = arith.addi %mul3A_8, %add3A_13 : i32
    "tpu.region"() ({
      %run_scoped3A = tpu.sem_alloc : memref<!tpu.dma_semaphore, #tpu.memory_space<semaphore_mem>>
      %dma_start3A = arith.constant 0 : i32
      %dma_start3A_49 = tpu.memref_slice %arg10[%add3A_14, %dma_start3A] : memref<10240x128xf32, #tpu.memory_space<vmem_shared>> -> memref<128x128xf32, #tpu.memory_space<vmem_shared>>
      %dma_start3A_50 = arith.constant 0 : i32
      %dma_start3A_51 = tpu.memref_slice %arg10[%add3A_14, %dma_start3A_50] : memref<10240x128xf32, #tpu.memory_space<vmem_shared>> -> memref<128x128xf32, #tpu.memory_space<vmem_shared>>
      tpu.enqueue_dma source(%arg8 : memref<128x128xf32, #tpu.memory_space<vmem>>) target(%dma_start3A_51 : memref<128x128xf32, #tpu.memory_space<vmem_shared>>) target_semaphore(%run_scoped3A : memref<!tpu.dma_semaphore, #tpu.memory_space<semaphore_mem>>)
      %dma_wait3A = arith.constant 0 : i32
      %dma_wait3A_52 = tpu.memref_slice %arg10[%add3A_14, %dma_wait3A] : memref<10240x128xf32, #tpu.memory_space<vmem_shared>> -> memref<128x128xf32, #tpu.memory_space<vmem_shared>>
      %dma_wait3A_53 = arith.constant 0 : i32
      %dma_wait3A_54 = tpu.memref_slice %arg10[%add3A_14, %dma_wait3A_53] : memref<10240x128xf32, #tpu.memory_space<vmem_shared>> -> memref<128x128xf32, #tpu.memory_space<vmem_shared>>
      tpu.wait_dma2 semaphore(%run_scoped3A : memref<!tpu.dma_semaphore, #tpu.memory_space<semaphore_mem>>) src(%arg8 : memref<128x128xf32, #tpu.memory_space<vmem>>) dst(%dma_wait3A_54 : memref<128x128xf32, #tpu.memory_space<vmem_shared>>)
      tpu.yield
    }) : () -> ()
    %add3A_15 = arith.constant 384 : i32
    %add3A_16 = arith.addi %mul3A_8, %add3A_15 : i32
    "tpu.region"() ({
      %run_scoped3A = tpu.sem_alloc : memref<!tpu.dma_semaphore, #tpu.memory_space<semaphore_mem>>
      %dma_start3A = arith.constant 0 : i32
      %dma_start3A_49 = tpu.memref_slice %arg10[%add3A_16, %dma_start3A] : memref<10240x128xf32, #tpu.memory_space<vmem_shared>> -> memref<128x128xf32, #tpu.memory_space<vmem_shared>>
      %dma_start3A_50 = arith.constant 0 : i32
      %dma_start3A_51 = tpu.memref_slice %arg10[%add3A_16, %dma_start3A_50] : memref<10240x128xf32, #tpu.memory_space<vmem_shared>> -> memref<128x128xf32, #tpu.memory_space<vmem_shared>>
      tpu.enqueue_dma source(%arg8 : memref<128x128xf32, #tpu.memory_space<vmem>>) target(%dma_start3A_51 : memref<128x128xf32, #tpu.memory_space<vmem_shared>>) target_semaphore(%run_scoped3A : memref<!tpu.dma_semaphore, #tpu.memory_space<semaphore_mem>>)
      %dma_wait3A = arith.constant 0 : i32
      %dma_wait3A_52 = tpu.memref_slice %arg10[%add3A_16, %dma_wait3A] : memref<10240x128xf32, #tpu.memory_space<vmem_shared>> -> memref<128x128xf32, #tpu.memory_space<vmem_shared>>
      %dma_wait3A_53 = arith.constant 0 : i32
      %dma_wait3A_54 = tpu.memref_slice %arg10[%add3A_16, %dma_wait3A_53] : memref<10240x128xf32, #tpu.memory_space<vmem_shared>> -> memref<128x128xf32, #tpu.memory_space<vmem_shared>>
      tpu.wait_dma2 semaphore(%run_scoped3A : memref<!tpu.dma_semaphore, #tpu.memory_space<semaphore_mem>>) src(%arg8 : memref<128x128xf32, #tpu.memory_space<vmem>>) dst(%dma_wait3A_54 : memref<128x128xf32, #tpu.memory_space<vmem_shared>>)
      tpu.yield
    }) : () -> ()
    %add3A_17 = arith.constant 512 : i32
    %add3A_18 = arith.addi %mul3A_8, %add3A_17 : i32
    "tpu.region"() ({
      %run_scoped3A = tpu.sem_alloc : memref<!tpu.dma_semaphore, #tpu.memory_space<semaphore_mem>>
      %dma_start3A = arith.constant 0 : i32
      %dma_start3A_49 = tpu.memref_slice %arg10[%add3A_18, %dma_start3A] : memref<10240x128xf32, #tpu.memory_space<vmem_shared>> -> memref<128x128xf32, #tpu.memory_space<vmem_shared>>
      %dma_start3A_50 = arith.constant 0 : i32
      %dma_start3A_51 = tpu.memref_slice %arg10[%add3A_18, %dma_start3A_50] : memref<10240x128xf32, #tpu.memory_space<vmem_shared>> -> memref<128x128xf32, #tpu.memory_space<vmem_shared>>
      tpu.enqueue_dma source(%arg8 : memref<128x128xf32, #tpu.memory_space<vmem>>) target(%dma_start3A_51 : memref<128x128xf32, #tpu.memory_space<vmem_shared>>) target_semaphore(%run_scoped3A : memref<!tpu.dma_semaphore, #tpu.memory_space<semaphore_mem>>)
      %dma_wait3A = arith.constant 0 : i32
      %dma_wait3A_52 = tpu.memref_slice %arg10[%add3A_18, %dma_wait3A] : memref<10240x128xf32, #tpu.memory_space<vmem_shared>> -> memref<128x128xf32, #tpu.memory_space<vmem_shared>>
      %dma_wait3A_53 = arith.constant 0 : i32
      %dma_wait3A_54 = tpu.memref_slice %arg10[%add3A_18, %dma_wait3A_53] : memref<10240x128xf32, #tpu.memory_space<vmem_shared>> -> memref<128x128xf32, #tpu.memory_space<vmem_shared>>
      tpu.wait_dma2 semaphore(%run_scoped3A : memref<!tpu.dma_semaphore, #tpu.memory_space<semaphore_mem>>) src(%arg8 : memref<128x128xf32, #tpu.memory_space<vmem>>) dst(%dma_wait3A_54 : memref<128x128xf32, #tpu.memory_space<vmem_shared>>)
      tpu.yield
    }) : () -> ()
    %barrier3A = arith.constant 0 : index
    tpu.barrier barrier_id(%barrier3A)
    %scan3A_19 = arith.constant 0 : i32
    %scan3A_20 = arith.constant 0 : i32
    %scan3A_21 = arith.constant 10 : i32
    %scan3A_22 = arith.addi %scan3A_20, %scan3A_21 : i32
    %scan3A_23 = arith.constant 1 : i32
    scf.for %scan3A_49 = %scan3A_20 to %scan3A_22 step %scan3A_23  : i32 {
      %mul3A_50 = arith.constant 10 : i32
      %mul3A_51 = arith.muli %add3A, %mul3A_50 : i32
      %add3A_52 = arith.addi %mul3A_51, %scan3A_49 : i32
      "tpu.region"() ({
        %run_scoped3A = tpu.sem_alloc : memref<!tpu.dma_semaphore, #tpu.memory_space<semaphore_mem>>
        %dma_start3A_65 = arith.constant 0 : i32
        %dma_start3A_66 = arith.constant 0 : i32
        %dma_start3A_67 = tpu.memref_slice %arg3[%add3A_52, %dma_start3A_65, %dma_start3A_66] : memref<320x8x128xi32, #tpu.memory_space<hbm>> -> memref<1x8x128xi32, #tpu.memory_space<hbm>>
        %dma_start3A_68 = tpu.memref_squeeze %dma_start3A_67 : memref<1x8x128xi32, #tpu.memory_space<hbm>> -> memref<8x128xi32, #tpu.memory_space<hbm>>
        %dma_start3A_69 = arith.constant 0 : i32
        %dma_start3A_70 = arith.constant 0 : i32
        %dma_start3A_71 = tpu.memref_slice %arg3[%add3A_52, %dma_start3A_69, %dma_start3A_70] : memref<320x8x128xi32, #tpu.memory_space<hbm>> -> memref<1x8x128xi32, #tpu.memory_space<hbm>>
        %dma_start3A_72 = tpu.memref_squeeze %dma_start3A_71 : memref<1x8x128xi32, #tpu.memory_space<hbm>> -> memref<8x128xi32, #tpu.memory_space<hbm>>
        tpu.enqueue_dma source(%dma_start3A_72 : memref<8x128xi32, #tpu.memory_space<hbm>>) target(%arg6 : memref<8x128xi32, #tpu.memory_space<vmem>>) target_semaphore(%run_scoped3A : memref<!tpu.dma_semaphore, #tpu.memory_space<semaphore_mem>>)
        %dma_wait3A = arith.constant 0 : i32
        %dma_wait3A_73 = arith.constant 0 : i32
        %dma_wait3A_74 = tpu.memref_slice %arg3[%add3A_52, %dma_wait3A, %dma_wait3A_73] : memref<320x8x128xi32, #tpu.memory_space<hbm>> -> memref<1x8x128xi32, #tpu.memory_space<hbm>>
        %dma_wait3A_75 = tpu.memref_squeeze %dma_wait3A_74 : memref<1x8x128xi32, #tpu.memory_space<hbm>> -> memref<8x128xi32, #tpu.memory_space<hbm>>
        %dma_wait3A_76 = arith.constant 0 : i32
        %dma_wait3A_77 = arith.constant 0 : i32
        %dma_wait3A_78 = tpu.memref_slice %arg3[%add3A_52, %dma_wait3A_76, %dma_wait3A_77] : memref<320x8x128xi32, #tpu.memory_space<hbm>> -> memref<1x8x128xi32, #tpu.memory_space<hbm>>
        %dma_wait3A_79 = tpu.memref_squeeze %dma_wait3A_78 : memref<1x8x128xi32, #tpu.memory_space<hbm>> -> memref<8x128xi32, #tpu.memory_space<hbm>>
        tpu.wait_dma2 semaphore(%run_scoped3A : memref<!tpu.dma_semaphore, #tpu.memory_space<semaphore_mem>>) src(%dma_wait3A_79 : memref<8x128xi32, #tpu.memory_space<hbm>>) dst(%arg6 : memref<8x128xi32, #tpu.memory_space<vmem>>)
        tpu.yield
      }) : () -> ()
      "tpu.region"() ({
        %run_scoped3A = tpu.sem_alloc : memref<!tpu.dma_semaphore, #tpu.memory_space<semaphore_mem>>
        %dma_start3A_65 = arith.constant 0 : i32
        %dma_start3A_66 = arith.constant 0 : i32
        %dma_start3A_67 = tpu.memref_slice %arg4[%add3A_52, %dma_start3A_65, %dma_start3A_66] : memref<320x8x128xi32, #tpu.memory_space<hbm>> -> memref<1x8x128xi32, #tpu.memory_space<hbm>>
        %dma_start3A_68 = tpu.memref_squeeze %dma_start3A_67 : memref<1x8x128xi32, #tpu.memory_space<hbm>> -> memref<8x128xi32, #tpu.memory_space<hbm>>
        %dma_start3A_69 = arith.constant 0 : i32
        %dma_start3A_70 = arith.constant 0 : i32
        %dma_start3A_71 = tpu.memref_slice %arg4[%add3A_52, %dma_start3A_69, %dma_start3A_70] : memref<320x8x128xi32, #tpu.memory_space<hbm>> -> memref<1x8x128xi32, #tpu.memory_space<hbm>>
        %dma_start3A_72 = tpu.memref_squeeze %dma_start3A_71 : memref<1x8x128xi32, #tpu.memory_space<hbm>> -> memref<8x128xi32, #tpu.memory_space<hbm>>
        tpu.enqueue_dma source(%dma_start3A_72 : memref<8x128xi32, #tpu.memory_space<hbm>>) target(%arg7 : memref<8x128xi32, #tpu.memory_space<vmem>>) target_semaphore(%run_scoped3A : memref<!tpu.dma_semaphore, #tpu.memory_space<semaphore_mem>>)
        %dma_wait3A = arith.constant 0 : i32
        %dma_wait3A_73 = arith.constant 0 : i32
        %dma_wait3A_74 = tpu.memref_slice %arg4[%add3A_52, %dma_wait3A, %dma_wait3A_73] : memref<320x8x128xi32, #tpu.memory_space<hbm>> -> memref<1x8x128xi32, #tpu.memory_space<hbm>>
        %dma_wait3A_75 = tpu.memref_squeeze %dma_wait3A_74 : memref<1x8x128xi32, #tpu.memory_space<hbm>> -> memref<8x128xi32, #tpu.memory_space<hbm>>
        %dma_wait3A_76 = arith.constant 0 : i32
        %dma_wait3A_77 = arith.constant 0 : i32
        %dma_wait3A_78 = tpu.memref_slice %arg4[%add3A_52, %dma_wait3A_76, %dma_wait3A_77] : memref<320x8x128xi32, #tpu.memory_space<hbm>> -> memref<1x8x128xi32, #tpu.memory_space<hbm>>
        %dma_wait3A_79 = tpu.memref_squeeze %dma_wait3A_78 : memref<1x8x128xi32, #tpu.memory_space<hbm>> -> memref<8x128xi32, #tpu.memory_space<hbm>>
        tpu.wait_dma2 semaphore(%run_scoped3A : memref<!tpu.dma_semaphore, #tpu.memory_space<semaphore_mem>>) src(%dma_wait3A_79 : memref<8x128xi32, #tpu.memory_space<hbm>>) dst(%arg7 : memref<8x128xi32, #tpu.memory_space<vmem>>)
        tpu.yield
      }) : () -> ()
      %dma_start3A = arith.constant 0 : i32
      %dma_start3A_53 = arith.constant 0 : i32
      %dma_start3A_54 = tpu.memref_slice %arg6[%dma_start3A, %dma_start3A_53] : memref<8x128xi32, #tpu.memory_space<vmem>> -> memref<1x128xi32, #tpu.memory_space<vmem>>
      %dma_start3A_55 = tpu.memref_squeeze %dma_start3A_54 : memref<1x128xi32, #tpu.memory_space<vmem>> -> memref<128xi32, #tpu.memory_space<vmem>>
      %dma_start3A_56 = arith.constant 0 : i32
      %dma_start3A_57 = arith.constant 0 : i32
      %dma_start3A_58 = tpu.memref_slice %arg2[%dma_start3A_56, %dma_start3A_57] : memref<10240x128xf32, #tpu.memory_space<hbm>> -> memref<10240x128xf32, #tpu.memory_space<hbm>>
      tpu.enqueue_indirect_dma source(%dma_start3A_58 : memref<10240x128xf32, #tpu.memory_space<hbm>>) target(%arg8 : memref<128x128xf32, #tpu.memory_space<vmem>>) offsets(%dma_start3A_55 : memref<128xi32, #tpu.memory_space<vmem>>) semaphore(%arg11 : memref<!tpu.dma_semaphore, #tpu.memory_space<semaphore_mem>>)
      %scan3A_59 = arith.constant 0 : i32
      %scan3A_60 = arith.constant 0 : i32
      %scan3A_61 = arith.constant 4 : i32
      %scan3A_62 = arith.addi %scan3A_60, %scan3A_61 : i32
      %scan3A_63 = arith.constant 1 : i32
      scf.for %scan3A_65 = %scan3A_60 to %scan3A_62 step %scan3A_63  : i32 {
        %mul3A_66 = arith.constant 2 : i32
        %mul3A_67 = arith.muli %mul3A_66, %scan3A_65 : i32
        %add3A_68 = arith.constant 1 : i32
        %add3A_69 = arith.addi %mul3A_67, %add3A_68 : i32
        %dma_start3A_70 = arith.constant 0 : i32
        %dma_start3A_71 = tpu.memref_slice %arg6[%add3A_69, %dma_start3A_70] : memref<8x128xi32, #tpu.memory_space<vmem>> -> memref<1x128xi32, #tpu.memory_space<vmem>>
        %dma_start3A_72 = tpu.memref_squeeze %dma_start3A_71 : memref<1x128xi32, #tpu.memory_space<vmem>> -> memref<128xi32, #tpu.memory_space<vmem>>
        %dma_start3A_73 = arith.constant 0 : i32
        %dma_start3A_74 = arith.constant 0 : i32
        %dma_start3A_75 = tpu.memref_slice %arg2[%dma_start3A_73, %dma_start3A_74] : memref<10240x128xf32, #tpu.memory_space<hbm>> -> memref<10240x128xf32, #tpu.memory_space<hbm>>
        tpu.enqueue_indirect_dma source(%dma_start3A_75 : memref<10240x128xf32, #tpu.memory_space<hbm>>) target(%arg9 : memref<128x128xf32, #tpu.memory_space<vmem>>) offsets(%dma_start3A_72 : memref<128xi32, #tpu.memory_space<vmem>>) semaphore(%arg12 : memref<!tpu.dma_semaphore, #tpu.memory_space<semaphore_mem>>)
        %dma_wait3A = arith.constant 0 : i32
        %dma_wait3A_76 = tpu.memref_slice %arg6[%mul3A_67, %dma_wait3A] : memref<8x128xi32, #tpu.memory_space<vmem>> -> memref<1x128xi32, #tpu.memory_space<vmem>>
        %dma_wait3A_77 = tpu.memref_squeeze %dma_wait3A_76 : memref<1x128xi32, #tpu.memory_space<vmem>> -> memref<128xi32, #tpu.memory_space<vmem>>
        %dma_wait3A_78 = arith.constant 0 : i32
        %dma_wait3A_79 = arith.constant 0 : i32
        %dma_wait3A_80 = tpu.memref_slice %arg2[%dma_wait3A_78, %dma_wait3A_79] : memref<10240x128xf32, #tpu.memory_space<hbm>> -> memref<10240x128xf32, #tpu.memory_space<hbm>>
        tpu.wait_indirect_dma semaphore(%arg11 : memref<!tpu.dma_semaphore, #tpu.memory_space<semaphore_mem>>) src(%dma_wait3A_80 : memref<10240x128xf32, #tpu.memory_space<hbm>>) dst(%arg8 : memref<128x128xf32, #tpu.memory_space<vmem>>)
        "tpu.region"() ({
          %run_scoped3A = tpu.sem_alloc : memref<!tpu.dma_semaphore, #tpu.memory_space<semaphore_mem>>
          %dma_start3A_89 = arith.constant 0 : i32
          %dma_start3A_90 = tpu.memref_slice %arg7[%mul3A_67, %dma_start3A_89] : memref<8x128xi32, #tpu.memory_space<vmem>> -> memref<1x128xi32, #tpu.memory_space<vmem>>
          %dma_start3A_91 = tpu.memref_squeeze %dma_start3A_90 : memref<1x128xi32, #tpu.memory_space<vmem>> -> memref<128xi32, #tpu.memory_space<vmem>>
          %dma_start3A_92 = arith.constant 0 : i32
          %dma_start3A_93 = arith.constant 0 : i32
          %dma_start3A_94 = tpu.memref_slice %arg10[%dma_start3A_92, %dma_start3A_93] : memref<10240x128xf32, #tpu.memory_space<vmem_shared>> -> memref<10240x128xf32, #tpu.memory_space<vmem_shared>>
          tpu.enqueue_indirect_dma source(%arg8 : memref<128x128xf32, #tpu.memory_space<vmem>>) target(%dma_start3A_94 : memref<10240x128xf32, #tpu.memory_space<vmem_shared>>) offsets(%dma_start3A_91 : memref<128xi32, #tpu.memory_space<vmem>>) semaphore(%run_scoped3A : memref<!tpu.dma_semaphore, #tpu.memory_space<semaphore_mem>>) {add = true}
          %dma_wait3A_95 = arith.constant 0 : i32
          %dma_wait3A_96 = tpu.memref_slice %arg7[%mul3A_67, %dma_wait3A_95] : memref<8x128xi32, #tpu.memory_space<vmem>> -> memref<1x128xi32, #tpu.memory_space<vmem>>
          %dma_wait3A_97 = tpu.memref_squeeze %dma_wait3A_96 : memref<1x128xi32, #tpu.memory_space<vmem>> -> memref<128xi32, #tpu.memory_space<vmem>>
          %dma_wait3A_98 = arith.constant 0 : i32
          %dma_wait3A_99 = arith.constant 0 : i32
          %dma_wait3A_100 = tpu.memref_slice %arg10[%dma_wait3A_98, %dma_wait3A_99] : memref<10240x128xf32, #tpu.memory_space<vmem_shared>> -> memref<10240x128xf32, #tpu.memory_space<vmem_shared>>
          tpu.wait_indirect_dma semaphore(%run_scoped3A : memref<!tpu.dma_semaphore, #tpu.memory_space<semaphore_mem>>) src(%arg8 : memref<128x128xf32, #tpu.memory_space<vmem>>) dst(%dma_wait3A_100 : memref<10240x128xf32, #tpu.memory_space<vmem_shared>>)
          tpu.yield
        }) : () -> ()
        %lt3A = arith.constant 3 : i32
        %lt3A_81 = arith.cmpi slt, %scan3A_65, %lt3A : i32
        %convert_element_type3A = arith.extui %lt3A_81 : i1 to i32
        %cond3A = arith.constant 0 : i32
        %cond3A_82 = arith.cmpi ne, %convert_element_type3A, %cond3A : i32
        scf.if %cond3A_82 {
          %add3A_89 = arith.constant 2 : i32
          %add3A_90 = arith.addi %mul3A_67, %add3A_89 : i32
          %dma_start3A_91 = arith.constant 0 : i32
          %dma_start3A_92 = tpu.memref_slice %arg6[%add3A_90, %dma_start3A_91] : memref<8x128xi32, #tpu.memory_space<vmem>> -> memref<1x128xi32, #tpu.memory_space<vmem>>
          %dma_start3A_93 = tpu.memref_squeeze %dma_start3A_92 : memref<1x128xi32, #tpu.memory_space<vmem>> -> memref<128xi32, #tpu.memory_space<vmem>>
          %dma_start3A_94 = arith.constant 0 : i32
          %dma_start3A_95 = arith.constant 0 : i32
          %dma_start3A_96 = tpu.memref_slice %arg2[%dma_start3A_94, %dma_start3A_95] : memref<10240x128xf32, #tpu.memory_space<hbm>> -> memref<10240x128xf32, #tpu.memory_space<hbm>>
          tpu.enqueue_indirect_dma source(%dma_start3A_96 : memref<10240x128xf32, #tpu.memory_space<hbm>>) target(%arg8 : memref<128x128xf32, #tpu.memory_space<vmem>>) offsets(%dma_start3A_93 : memref<128xi32, #tpu.memory_space<vmem>>) semaphore(%arg11 : memref<!tpu.dma_semaphore, #tpu.memory_space<semaphore_mem>>)
        } else {
        }
        %dma_wait3A_83 = arith.constant 0 : i32
        %dma_wait3A_84 = tpu.memref_slice %arg6[%add3A_69, %dma_wait3A_83] : memref<8x128xi32, #tpu.memory_space<vmem>> -> memref<1x128xi32, #tpu.memory_space<vmem>>
        %dma_wait3A_85 = tpu.memref_squeeze %dma_wait3A_84 : memref<1x128xi32, #tpu.memory_space<vmem>> -> memref<128xi32, #tpu.memory_space<vmem>>
        %dma_wait3A_86 = arith.constant 0 : i32
        %dma_wait3A_87 = arith.constant 0 : i32
        %dma_wait3A_88 = tpu.memref_slice %arg2[%dma_wait3A_86, %dma_wait3A_87] : memref<10240x128xf32, #tpu.memory_space<hbm>> -> memref<10240x128xf32, #tpu.memory_space<hbm>>
        tpu.wait_indirect_dma semaphore(%arg12 : memref<!tpu.dma_semaphore, #tpu.memory_space<semaphore_mem>>) src(%dma_wait3A_88 : memref<10240x128xf32, #tpu.memory_space<hbm>>) dst(%arg9 : memref<128x128xf32, #tpu.memory_space<vmem>>)
        "tpu.region"() ({
          %run_scoped3A = tpu.sem_alloc : memref<!tpu.dma_semaphore, #tpu.memory_space<semaphore_mem>>
          %dma_start3A_89 = arith.constant 0 : i32
          %dma_start3A_90 = tpu.memref_slice %arg7[%add3A_69, %dma_start3A_89] : memref<8x128xi32, #tpu.memory_space<vmem>> -> memref<1x128xi32, #tpu.memory_space<vmem>>
          %dma_start3A_91 = tpu.memref_squeeze %dma_start3A_90 : memref<1x128xi32, #tpu.memory_space<vmem>> -> memref<128xi32, #tpu.memory_space<vmem>>
          %dma_start3A_92 = arith.constant 0 : i32
          %dma_start3A_93 = arith.constant 0 : i32
          %dma_start3A_94 = tpu.memref_slice %arg10[%dma_start3A_92, %dma_start3A_93] : memref<10240x128xf32, #tpu.memory_space<vmem_shared>> -> memref<10240x128xf32, #tpu.memory_space<vmem_shared>>
          tpu.enqueue_indirect_dma source(%arg9 : memref<128x128xf32, #tpu.memory_space<vmem>>) target(%dma_start3A_94 : memref<10240x128xf32, #tpu.memory_space<vmem_shared>>) offsets(%dma_start3A_91 : memref<128xi32, #tpu.memory_space<vmem>>) semaphore(%run_scoped3A : memref<!tpu.dma_semaphore, #tpu.memory_space<semaphore_mem>>) {add = true}
          %dma_wait3A_95 = arith.constant 0 : i32
          %dma_wait3A_96 = tpu.memref_slice %arg7[%add3A_69, %dma_wait3A_95] : memref<8x128xi32, #tpu.memory_space<vmem>> -> memref<1x128xi32, #tpu.memory_space<vmem>>
          %dma_wait3A_97 = tpu.memref_squeeze %dma_wait3A_96 : memref<1x128xi32, #tpu.memory_space<vmem>> -> memref<128xi32, #tpu.memory_space<vmem>>
          %dma_wait3A_98 = arith.constant 0 : i32
          %dma_wait3A_99 = arith.constant 0 : i32
          %dma_wait3A_100 = tpu.memref_slice %arg10[%dma_wait3A_98, %dma_wait3A_99] : memref<10240x128xf32, #tpu.memory_space<vmem_shared>> -> memref<10240x128xf32, #tpu.memory_space<vmem_shared>>
          tpu.wait_indirect_dma semaphore(%run_scoped3A : memref<!tpu.dma_semaphore, #tpu.memory_space<semaphore_mem>>) src(%arg9 : memref<128x128xf32, #tpu.memory_space<vmem>>) dst(%dma_wait3A_100 : memref<10240x128xf32, #tpu.memory_space<vmem_shared>>)
          tpu.yield
        }) : () -> ()
      }
      %scan3A_64 = arith.constant 4 : i32
    }
    %scan3A_24 = arith.constant 10 : i32
    %barrier3A_25 = arith.constant 0 : index
    tpu.barrier barrier_id(%barrier3A_25)
    %mul3A_26 = arith.constant 10240 : i32
    %mul3A_27 = arith.muli %arg0, %mul3A_26 : i32
    %add3A_28 = arith.addi %mul3A_27, %mul3A_8 : i32
    %add3A_29 = arith.constant 0 : i32
    %add3A_30 = arith.addi %mul3A_8, %add3A_29 : i32
    %add3A_31 = arith.constant 0 : i32
    %add3A_32 = arith.addi %add3A_28, %add3A_31 : i32
    "tpu.region"() ({
      %run_scoped3A = tpu.sem_alloc : memref<!tpu.dma_semaphore, #tpu.memory_space<semaphore_mem>>
      %dma_start3A = arith.constant 0 : i32
      %dma_start3A_49 = tpu.memref_slice %arg5[%add3A_32, %dma_start3A] : memref<20480x128xf32, #tpu.memory_space<hbm>> -> memref<128x128xf32, #tpu.memory_space<hbm>>
      %dma_start3A_50 = arith.constant 0 : i32
      %dma_start3A_51 = tpu.memref_slice %arg10[%add3A_30, %dma_start3A_50] : memref<10240x128xf32, #tpu.memory_space<vmem_shared>> -> memref<128x128xf32, #tpu.memory_space<vmem_shared>>
      tpu.enqueue_dma source(%dma_start3A_51 : memref<128x128xf32, #tpu.memory_space<vmem_shared>>) target(%dma_start3A_49 : memref<128x128xf32, #tpu.memory_space<hbm>>) target_semaphore(%run_scoped3A : memref<!tpu.dma_semaphore, #tpu.memory_space<semaphore_mem>>)
      %dma_wait3A = arith.constant 0 : i32
      %dma_wait3A_52 = tpu.memref_slice %arg5[%add3A_32, %dma_wait3A] : memref<20480x128xf32, #tpu.memory_space<hbm>> -> memref<128x128xf32, #tpu.memory_space<hbm>>
      %dma_wait3A_53 = arith.constant 0 : i32
      %dma_wait3A_54 = tpu.memref_slice %arg10[%add3A_30, %dma_wait3A_53] : memref<10240x128xf32, #tpu.memory_space<vmem_shared>> -> memref<128x128xf32, #tpu.memory_space<vmem_shared>>
      tpu.wait_dma2 semaphore(%run_scoped3A : memref<!tpu.dma_semaphore, #tpu.memory_space<semaphore_mem>>) src(%dma_wait3A_54 : memref<128x128xf32, #tpu.memory_space<vmem_shared>>) dst(%dma_wait3A_52 : memref<128x128xf32, #tpu.memory_space<hbm>>)
      tpu.yield
    }) : () -> ()
    %add3A_33 = arith.constant 128 : i32
    %add3A_34 = arith.addi %mul3A_8, %add3A_33 : i32
    %add3A_35 = arith.constant 128 : i32
    %add3A_36 = arith.addi %add3A_28, %add3A_35 : i32
    "tpu.region"() ({
      %run_scoped3A = tpu.sem_alloc : memref<!tpu.dma_semaphore, #tpu.memory_space<semaphore_mem>>
      %dma_start3A = arith.constant 0 : i32
      %dma_start3A_49 = tpu.memref_slice %arg5[%add3A_36, %dma_start3A] : memref<20480x128xf32, #tpu.memory_space<hbm>> -> memref<128x128xf32, #tpu.memory_space<hbm>>
      %dma_start3A_50 = arith.constant 0 : i32
      %dma_start3A_51 = tpu.memref_slice %arg10[%add3A_34, %dma_start3A_50] : memref<10240x128xf32, #tpu.memory_space<vmem_shared>> -> memref<128x128xf32, #tpu.memory_space<vmem_shared>>
      tpu.enqueue_dma source(%dma_start3A_51 : memref<128x128xf32, #tpu.memory_space<vmem_shared>>) target(%dma_start3A_49 : memref<128x128xf32, #tpu.memory_space<hbm>>) target_semaphore(%run_scoped3A : memref<!tpu.dma_semaphore, #tpu.memory_space<semaphore_mem>>)
      %dma_wait3A = arith.constant 0 : i32
      %dma_wait3A_52 = tpu.memref_slice %arg5[%add3A_36, %dma_wait3A] : memref<20480x128xf32, #tpu.memory_space<hbm>> -> memref<128x128xf32, #tpu.memory_space<hbm>>
      %dma_wait3A_53 = arith.constant 0 : i32
      %dma_wait3A_54 = tpu.memref_slice %arg10[%add3A_34, %dma_wait3A_53] : memref<10240x128xf32, #tpu.memory_space<vmem_shared>> -> memref<128x128xf32, #tpu.memory_space<vmem_shared>>
      tpu.wait_dma2 semaphore(%run_scoped3A : memref<!tpu.dma_semaphore, #tpu.memory_space<semaphore_mem>>) src(%dma_wait3A_54 : memref<128x128xf32, #tpu.memory_space<vmem_shared>>) dst(%dma_wait3A_52 : memref<128x128xf32, #tpu.memory_space<hbm>>)
      tpu.yield
    }) : () -> ()
    %add3A_37 = arith.constant 256 : i32
    %add3A_38 = arith.addi %mul3A_8, %add3A_37 : i32
    %add3A_39 = arith.constant 256 : i32
    %add3A_40 = arith.addi %add3A_28, %add3A_39 : i32
    "tpu.region"() ({
      %run_scoped3A = tpu.sem_alloc : memref<!tpu.dma_semaphore, #tpu.memory_space<semaphore_mem>>
      %dma_start3A = arith.constant 0 : i32
      %dma_start3A_49 = tpu.memref_slice %arg5[%add3A_40, %dma_start3A] : memref<20480x128xf32, #tpu.memory_space<hbm>> -> memref<128x128xf32, #tpu.memory_space<hbm>>
      %dma_start3A_50 = arith.constant 0 : i32
      %dma_start3A_51 = tpu.memref_slice %arg10[%add3A_38, %dma_start3A_50] : memref<10240x128xf32, #tpu.memory_space<vmem_shared>> -> memref<128x128xf32, #tpu.memory_space<vmem_shared>>
      tpu.enqueue_dma source(%dma_start3A_51 : memref<128x128xf32, #tpu.memory_space<vmem_shared>>) target(%dma_start3A_49 : memref<128x128xf32, #tpu.memory_space<hbm>>) target_semaphore(%run_scoped3A : memref<!tpu.dma_semaphore, #tpu.memory_space<semaphore_mem>>)
      %dma_wait3A = arith.constant 0 : i32
      %dma_wait3A_52 = tpu.memref_slice %arg5[%add3A_40, %dma_wait3A] : memref<20480x128xf32, #tpu.memory_space<hbm>> -> memref<128x128xf32, #tpu.memory_space<hbm>>
      %dma_wait3A_53 = arith.constant 0 : i32
      %dma_wait3A_54 = tpu.memref_slice %arg10[%add3A_38, %dma_wait3A_53] : memref<10240x128xf32, #tpu.memory_space<vmem_shared>> -> memref<128x128xf32, #tpu.memory_space<vmem_shared>>
      tpu.wait_dma2 semaphore(%run_scoped3A : memref<!tpu.dma_semaphore, #tpu.memory_space<semaphore_mem>>) src(%dma_wait3A_54 : memref<128x128xf32, #tpu.memory_space<vmem_shared>>) dst(%dma_wait3A_52 : memref<128x128xf32, #tpu.memory_space<hbm>>)
      tpu.yield
    }) : () -> ()
    %add3A_41 = arith.constant 384 : i32
    %add3A_42 = arith.addi %mul3A_8, %add3A_41 : i32
    %add3A_43 = arith.constant 384 : i32
    %add3A_44 = arith.addi %add3A_28, %add3A_43 : i32
    "tpu.region"() ({
      %run_scoped3A = tpu.sem_alloc : memref<!tpu.dma_semaphore, #tpu.memory_space<semaphore_mem>>
      %dma_start3A = arith.constant 0 : i32
      %dma_start3A_49 = tpu.memref_slice %arg5[%add3A_44, %dma_start3A] : memref<20480x128xf32, #tpu.memory_space<hbm>> -> memref<128x128xf32, #tpu.memory_space<hbm>>
      %dma_start3A_50 = arith.constant 0 : i32
      %dma_start3A_51 = tpu.memref_slice %arg10[%add3A_42, %dma_start3A_50] : memref<10240x128xf32, #tpu.memory_space<vmem_shared>> -> memref<128x128xf32, #tpu.memory_space<vmem_shared>>
      tpu.enqueue_dma source(%dma_start3A_51 : memref<128x128xf32, #tpu.memory_space<vmem_shared>>) target(%dma_start3A_49 : memref<128x128xf32, #tpu.memory_space<hbm>>) target_semaphore(%run_scoped3A : memref<!tpu.dma_semaphore, #tpu.memory_space<semaphore_mem>>)
      %dma_wait3A = arith.constant 0 : i32
      %dma_wait3A_52 = tpu.memref_slice %arg5[%add3A_44, %dma_wait3A] : memref<20480x128xf32, #tpu.memory_space<hbm>> -> memref<128x128xf32, #tpu.memory_space<hbm>>
      %dma_wait3A_53 = arith.constant 0 : i32
      %dma_wait3A_54 = tpu.memref_slice %arg10[%add3A_42, %dma_wait3A_53] : memref<10240x128xf32, #tpu.memory_space<vmem_shared>> -> memref<128x128xf32, #tpu.memory_space<vmem_shared>>
      tpu.wait_dma2 semaphore(%run_scoped3A : memref<!tpu.dma_semaphore, #tpu.memory_space<semaphore_mem>>) src(%dma_wait3A_54 : memref<128x128xf32, #tpu.memory_space<vmem_shared>>) dst(%dma_wait3A_52 : memref<128x128xf32, #tpu.memory_space<hbm>>)
      tpu.yield
    }) : () -> ()
    %add3A_45 = arith.constant 512 : i32
    %add3A_46 = arith.addi %mul3A_8, %add3A_45 : i32
    %add3A_47 = arith.constant 512 : i32
    %add3A_48 = arith.addi %add3A_28, %add3A_47 : i32
    "tpu.region"() ({
      %run_scoped3A = tpu.sem_alloc : memref<!tpu.dma_semaphore, #tpu.memory_space<semaphore_mem>>
      %dma_start3A = arith.constant 0 : i32
      %dma_start3A_49 = tpu.memref_slice %arg5[%add3A_48, %dma_start3A] : memref<20480x128xf32, #tpu.memory_space<hbm>> -> memref<128x128xf32, #tpu.memory_space<hbm>>
      %dma_start3A_50 = arith.constant 0 : i32
      %dma_start3A_51 = tpu.memref_slice %arg10[%add3A_46, %dma_start3A_50] : memref<10240x128xf32, #tpu.memory_space<vmem_shared>> -> memref<128x128xf32, #tpu.memory_space<vmem_shared>>
      tpu.enqueue_dma source(%dma_start3A_51 : memref<128x128xf32, #tpu.memory_space<vmem_shared>>) target(%dma_start3A_49 : memref<128x128xf32, #tpu.memory_space<hbm>>) target_semaphore(%run_scoped3A : memref<!tpu.dma_semaphore, #tpu.memory_space<semaphore_mem>>)
      %dma_wait3A = arith.constant 0 : i32
      %dma_wait3A_52 = tpu.memref_slice %arg5[%add3A_48, %dma_wait3A] : memref<20480x128xf32, #tpu.memory_space<hbm>> -> memref<128x128xf32, #tpu.memory_space<hbm>>
      %dma_wait3A_53 = arith.constant 0 : i32
      %dma_wait3A_54 = tpu.memref_slice %arg10[%add3A_46, %dma_wait3A_53] : memref<10240x128xf32, #tpu.memory_space<vmem_shared>> -> memref<128x128xf32, #tpu.memory_space<vmem_shared>>
      tpu.wait_dma2 semaphore(%run_scoped3A : memref<!tpu.dma_semaphore, #tpu.memory_space<semaphore_mem>>) src(%dma_wait3A_54 : memref<128x128xf32, #tpu.memory_space<vmem_shared>>) dst(%dma_wait3A_52 : memref<128x128xf32, #tpu.memory_space<hbm>>)
      tpu.yield
    }) : () -> ()
    return
  }
}

#map = affine_map<(d0, d1) -> (0, 0)>
#map1 = affine_map<(d0, d1) -> (0, 0, 0)>
module attributes {stable_mosaic.version = 14 : i64} {
  func.func @k(%arg0: i32, %arg1: i32, %arg2: memref<10240x128xf32, #tpu.memory_space<hbm>>, %arg3: memref<320x8x128xi32, #tpu.memory_space<hbm>>, %arg4: memref<320x8x128xi32, #tpu.memory_space<hbm>>, %arg5: memref<20480x128xf32, #tpu.memory_space<hbm>>, %arg6: memref<8x128xi32, #tpu.memory_space<vmem>>, %arg7: memref<8x128xi32, #tpu.memory_space<vmem>>, %arg8: memref<128x128xf32, #tpu.memory_space<vmem>>, %arg9: memref<128x128xf32, #tpu.memory_space<vmem>>, %arg10: memref<10240x128xf32, #tpu.memory_space<vmem_shared>>, %arg11: memref<!tpu.dma_semaphore, #tpu.memory_space<semaphore_mem>>, %arg12: memref<!tpu.dma_semaphore, #tpu.memory_space<semaphore_mem>>) attributes {dimension_semantics = [#tpu.dimension_semantics<core_parallel>, #tpu.dimension_semantics<subcore_parallel>], iteration_bounds = array<i64: 2, 16>, scalar_prefetch = 0 : i64, scratch_operands = 7 : i64, tpu.core_type = #tpu.core_type<sc_vector_subcore>, window_params = [{transform_indices = #map}, {transform_indices = #map1}, {transform_indices = #map1}, {transform_indices = #map}]} {
    %mul3A = arith.constant 2 : i32
    %mul3A_0 = arith.muli %arg1, %mul3A : i32
    %add3A = arith.addi %mul3A_0, %arg0 : i32
    %broadcast_in_dim3A = arith.constant 0.000000e+00 : f32
    %broadcast_in_dim3A_1 = vector.broadcast %broadcast_in_dim3A : f32 to vector<16xf32>
    %scan3A = arith.constant 0 : i32
    %scan3A_2 = arith.constant 0 : i32
    %scan3A_3 = arith.constant 128 : i32
    %scan3A_4 = arith.addi %scan3A_2, %scan3A_3 : i32
    %scan3A_5 = arith.constant 1 : i32
    scf.for %scan3A_49 = %scan3A_2 to %scan3A_4 step %scan3A_5  : i32 {
      %swap3A = arith.index_cast %scan3A_49 : i32 to index
      %swap3A_50 = arith.constant 0 : index
      %swap3A_51 = tpu.vector_load %arg8[%swap3A, %swap3A_50] {strides = array<i32>} : memref<128x128xf32, #tpu.memory_space<vmem>>, vector<1x16xf32>,
      %swap3A_52 = vector.shape_cast %swap3A_51 : vector<1x16xf32> to vector<16xf32>
      %swap3A_53 = vector.shape_cast %broadcast_in_dim3A_1 : vector<16xf32> to vector<1x16xf32>
      tpu.vector_store %arg8[%swap3A, %swap3A_50], %swap3A_53 {strides = array<i32>} : memref<128x128xf32, #tpu.memory_space<vmem>>, vector<1x16xf32>,
      %swap3A_54 = arith.index_cast %scan3A_49 : i32 to index
      %swap3A_55 = arith.constant 16 : index
      %swap3A_56 = tpu.vector_load %arg8[%swap3A_54, %swap3A_55] {strides = array<i32>} : memref<128x128xf32, #tpu.memory_space<vmem>>, vector<1x16xf32>,
      %swap3A_57 = vector.shape_cast %swap3A_56 : vector<1x16xf32> to vector<16xf32>
      %swap3A_58 = vector.shape_cast %broadcast_in_dim3A_1 : vector<16xf32> to vector<1x16xf32>
      tpu.vector_store %arg8[%swap3A_54, %swap3A_55], %swap3A_58 {strides = array<i32>} : memref<128x128xf32, #tpu.memory_space<vmem>>, vector<1x16xf32>,
      %swap3A_59 = arith.index_cast %scan3A_49 : i32 to index
      %swap3A_60 = arith.constant 32 : index
      %swap3A_61 = tpu.vector_load %arg8[%swap3A_59, %swap3A_60] {strides = array<i32>} : memref<128x128xf32, #tpu.memory_space<vmem>>, vector<1x16xf32>,
      %swap3A_62 = vector.shape_cast %swap3A_61 : vector<1x16xf32> to vector<16xf32>
      %swap3A_63 = vector.shape_cast %broadcast_in_dim3A_1 : vector<16xf32> to vector<1x16xf32>
      tpu.vector_store %arg8[%swap3A_59, %swap3A_60], %swap3A_63 {strides = array<i32>} : memref<128x128xf32, #tpu.memory_space<vmem>>, vector<1x16xf32>,
      %swap3A_64 = arith.index_cast %scan3A_49 : i32 to index
      %swap3A_65 = arith.constant 48 : index
      %swap3A_66 = tpu.vector_load %arg8[%swap3A_64, %swap3A_65] {strides = array<i32>} : memref<128x128xf32, #tpu.memory_space<vmem>>, vector<1x16xf32>,
      %swap3A_67 = vector.shape_cast %swap3A_66 : vector<1x16xf32> to vector<16xf32>
      %swap3A_68 = vector.shape_cast %broadcast_in_dim3A_1 : vector<16xf32> to vector<1x16xf32>
      tpu.vector_store %arg8[%swap3A_64, %swap3A_65], %swap3A_68 {strides = array<i32>} : memref<128x128xf32, #tpu.memory_space<vmem>>, vector<1x16xf32>,
      %swap3A_69 = arith.index_cast %scan3A_49 : i32 to index
      %swap3A_70 = arith.constant 64 : index
      %swap3A_71 = tpu.vector_load %arg8[%swap3A_69, %swap3A_70] {strides = array<i32>} : memref<128x128xf32, #tpu.memory_space<vmem>>, vector<1x16xf32>,
      %swap3A_72 = vector.shape_cast %swap3A_71 : vector<1x16xf32> to vector<16xf32>
      %swap3A_73 = vector.shape_cast %broadcast_in_dim3A_1 : vector<16xf32> to vector<1x16xf32>
      tpu.vector_store %arg8[%swap3A_69, %swap3A_70], %swap3A_73 {strides = array<i32>} : memref<128x128xf32, #tpu.memory_space<vmem>>, vector<1x16xf32>,
      %swap3A_74 = arith.index_cast %scan3A_49 : i32 to index
      %swap3A_75 = arith.constant 80 : index
      %swap3A_76 = tpu.vector_load %arg8[%swap3A_74, %swap3A_75] {strides = array<i32>} : memref<128x128xf32, #tpu.memory_space<vmem>>, vector<1x16xf32>,
      %swap3A_77 = vector.shape_cast %swap3A_76 : vector<1x16xf32> to vector<16xf32>
      %swap3A_78 = vector.shape_cast %broadcast_in_dim3A_1 : vector<16xf32> to vector<1x16xf32>
      tpu.vector_store %arg8[%swap3A_74, %swap3A_75], %swap3A_78 {strides = array<i32>} : memref<128x128xf32, #tpu.memory_space<vmem>>, vector<1x16xf32>,
      %swap3A_79 = arith.index_cast %scan3A_49 : i32 to index
      %swap3A_80 = arith.constant 96 : index
      %swap3A_81 = tpu.vector_load %arg8[%swap3A_79, %swap3A_80] {strides = array<i32>} : memref<128x128xf32, #tpu.memory_space<vmem>>, vector<1x16xf32>,
      %swap3A_82 = vector.shape_cast %swap3A_81 : vector<1x16xf32> to vector<16xf32>
      %swap3A_83 = vector.shape_cast %broadcast_in_dim3A_1 : vector<16xf32> to vector<1x16xf32>
      tpu.vector_store %arg8[%swap3A_79, %swap3A_80], %swap3A_83 {strides = array<i32>} : memref<128x128xf32, #tpu.memory_space<vmem>>, vector<1x16xf32>,
      %swap3A_84 = arith.index_cast %scan3A_49 : i32 to index
      %swap3A_85 = arith.constant 112 : index
      %swap3A_86 = tpu.vector_load %arg8[%swap3A_84, %swap3A_85] {strides = array<i32>} : memref<128x128xf32, #tpu.memory_space<vmem>>, vector<1x16xf32>,
      %swap3A_87 = vector.shape_cast %swap3A_86 : vector<1x16xf32> to vector<16xf32>
      %swap3A_88 = vector.shape_cast %broadcast_in_dim3A_1 : vector<16xf32> to vector<1x16xf32>
      tpu.vector_store %arg8[%swap3A_84, %swap3A_85], %swap3A_88 {strides = array<i32>} : memref<128x128xf32, #tpu.memory_space<vmem>>, vector<1x16xf32>,
    }
    %scan3A_6 = arith.constant 128 : i32
    %mul3A_7 = arith.constant 640 : i32
    %mul3A_8 = arith.muli %arg1, %mul3A_7 : i32
    %add3A_9 = arith.constant 0 : i32
    %add3A_10 = arith.addi %mul3A_8, %add3A_9 : i32
    "tpu.region"() ({
      %run_scoped3A = tpu.sem_alloc : memref<!tpu.dma_semaphore, #tpu.memory_space<semaphore_mem>>
      %dma_start3A = arith.constant 0 : i32
      %dma_start3A_49 = tpu.memref_slice %arg10[%add3A_10, %dma_start3A] : memref<10240x128xf32, #tpu.memory_space<vmem_shared>> -> memref<128x128xf32, #tpu.memory_space<vmem_shared>>
      %dma_start3A_50 = arith.constant 0 : i32
      %dma_start3A_51 = tpu.memref_slice %arg10[%add3A_10, %dma_start3A_50] : memref<10240x128xf32, #tpu.memory_space<vmem_shared>> -> memref<128x128xf32, #tpu.memory_space<vmem_shared>>
      tpu.enqueue_dma source(%arg8 : memref<128x128xf32, #tpu.memory_space<vmem>>) target(%dma_start3A_51 : memref<128x128xf32, #tpu.memory_space<vmem_shared>>) target_semaphore(%run_scoped3A : memref<!tpu.dma_semaphore, #tpu.memory_space<semaphore_mem>>)
      %dma_wait3A = arith.constant 0 : i32
      %dma_wait3A_52 = tpu.memref_slice %arg10[%add3A_10, %dma_wait3A] : memref<10240x128xf32, #tpu.memory_space<vmem_shared>> -> memref<128x128xf32, #tpu.memory_space<vmem_shared>>
      %dma_wait3A_53 = arith.constant 0 : i32
      %dma_wait3A_54 = tpu.memref_slice %arg10[%add3A_10, %dma_wait3A_53] : memref<10240x128xf32, #tpu.memory_space<vmem_shared>> -> memref<128x128xf32, #tpu.memory_space<vmem_shared>>
      tpu.wait_dma2 semaphore(%run_scoped3A : memref<!tpu.dma_semaphore, #tpu.memory_space<semaphore_mem>>) src(%arg8 : memref<128x128xf32, #tpu.memory_space<vmem>>) dst(%dma_wait3A_54 : memref<128x128xf32, #tpu.memory_space<vmem_shared>>)
      tpu.yield
    }) : () -> ()
    %add3A_11 = arith.constant 128 : i32
    %add3A_12 = arith.addi %mul3A_8, %add3A_11 : i32
    "tpu.region"() ({
      %run_scoped3A = tpu.sem_alloc : memref<!tpu.dma_semaphore, #tpu.memory_space<semaphore_mem>>
      %dma_start3A = arith.constant 0 : i32
      %dma_start3A_49 = tpu.memref_slice %arg10[%add3A_12, %dma_start3A] : memref<10240x128xf32, #tpu.memory_space<vmem_shared>> -> memref<128x128xf32, #tpu.memory_space<vmem_shared>>
      %dma_start3A_50 = arith.constant 0 : i32
      %dma_start3A_51 = tpu.memref_slice %arg10[%add3A_12, %dma_start3A_50] : memref<10240x128xf32, #tpu.memory_space<vmem_shared>> -> memref<128x128xf32, #tpu.memory_space<vmem_shared>>
      tpu.enqueue_dma source(%arg8 : memref<128x128xf32, #tpu.memory_space<vmem>>) target(%dma_start3A_51 : memref<128x128xf32, #tpu.memory_space<vmem_shared>>) target_semaphore(%run_scoped3A : memref<!tpu.dma_semaphore, #tpu.memory_space<semaphore_mem>>)
      %dma_wait3A = arith.constant 0 : i32
      %dma_wait3A_52 = tpu.memref_slice %arg10[%add3A_12, %dma_wait3A] : memref<10240x128xf32, #tpu.memory_space<vmem_shared>> -> memref<128x128xf32, #tpu.memory_space<vmem_shared>>
      %dma_wait3A_53 = arith.constant 0 : i32
      %dma_wait3A_54 = tpu.memref_slice %arg10[%add3A_12, %dma_wait3A_53] : memref<10240x128xf32, #tpu.memory_space<vmem_shared>> -> memref<128x128xf32, #tpu.memory_space<vmem_shared>>
      tpu.wait_dma2 semaphore(%run_scoped3A : memref<!tpu.dma_semaphore, #tpu.memory_space<semaphore_mem>>) src(%arg8 : memref<128x128xf32, #tpu.memory_space<vmem>>) dst(%dma_wait3A_54 : memref<128x128xf32, #tpu.memory_space<vmem_shared>>)
      tpu.yield
    }) : () -> ()
    %add3A_13 = arith.constant 256 : i32
    %add3A_14 = arith.addi %mul3A_8, %add3A_13 : i32
    "tpu.region"() ({
      %run_scoped3A = tpu.sem_alloc : memref<!tpu.dma_semaphore, #tpu.memory_space<semaphore_mem>>
      %dma_start3A = arith.constant 0 : i32
      %dma_start3A_49 = tpu.memref_slice %arg10[%add3A_14, %dma_start3A] : memref<10240x128xf32, #tpu.memory_space<vmem_shared>> -> memref<128x128xf32, #tpu.memory_space<vmem_shared>>
      %dma_start3A_50 = arith.constant 0 : i32
      %dma_start3A_51 = tpu.memref_slice %arg10[%add3A_14, %dma_start3A_50] : memref<10240x128xf32, #tpu.memory_space<vmem_shared>> -> memref<128x128xf32, #tpu.memory_space<vmem_shared>>
      tpu.enqueue_dma source(%arg8 : memref<128x128xf32, #tpu.memory_space<vmem>>) target(%dma_start3A_51 : memref<128x128xf32, #tpu.memory_space<vmem_shared>>) target_semaphore(%run_scoped3A : memref<!tpu.dma_semaphore, #tpu.memory_space<semaphore_mem>>)
      %dma_wait3A = arith.constant 0 : i32
      %dma_wait3A_52 = tpu.memref_slice %arg10[%add3A_14, %dma_wait3A] : memref<10240x128xf32, #tpu.memory_space<vmem_shared>> -> memref<128x128xf32, #tpu.memory_space<vmem_shared>>
      %dma_wait3A_53 = arith.constant 0 : i32
      %dma_wait3A_54 = tpu.memref_slice %arg10[%add3A_14, %dma_wait3A_53] : memref<10240x128xf32, #tpu.memory_space<vmem_shared>> -> memref<128x128xf32, #tpu.memory_space<vmem_shared>>
      tpu.wait_dma2 semaphore(%run_scoped3A : memref<!tpu.dma_semaphore, #tpu.memory_space<semaphore_mem>>) src(%arg8 : memref<128x128xf32, #tpu.memory_space<vmem>>) dst(%dma_wait3A_54 : memref<128x128xf32, #tpu.memory_space<vmem_shared>>)
      tpu.yield
    }) : () -> ()
    %add3A_15 = arith.constant 384 : i32
    %add3A_16 = arith.addi %mul3A_8, %add3A_15 : i32
    "tpu.region"() ({
      %run_scoped3A = tpu.sem_alloc : memref<!tpu.dma_semaphore, #tpu.memory_space<semaphore_mem>>
      %dma_start3A = arith.constant 0 : i32
      %dma_start3A_49 = tpu.memref_slice %arg10[%add3A_16, %dma_start3A] : memref<10240x128xf32, #tpu.memory_space<vmem_shared>> -> memref<128x128xf32, #tpu.memory_space<vmem_shared>>
      %dma_start3A_50 = arith.constant 0 : i32
      %dma_start3A_51 = tpu.memref_slice %arg10[%add3A_16, %dma_start3A_50] : memref<10240x128xf32, #tpu.memory_space<vmem_shared>> -> memref<128x128xf32, #tpu.memory_space<vmem_shared>>
      tpu.enqueue_dma source(%arg8 : memref<128x128xf32, #tpu.memory_space<vmem>>) target(%dma_start3A_51 : memref<128x128xf32, #tpu.memory_space<vmem_shared>>) target_semaphore(%run_scoped3A : memref<!tpu.dma_semaphore, #tpu.memory_space<semaphore_mem>>)
      %dma_wait3A = arith.constant 0 : i32
      %dma_wait3A_52 = tpu.memref_slice %arg10[%add3A_16, %dma_wait3A] : memref<10240x128xf32, #tpu.memory_space<vmem_shared>> -> memref<128x128xf32, #tpu.memory_space<vmem_shared>>
      %dma_wait3A_53 = arith.constant 0 : i32
      %dma_wait3A_54 = tpu.memref_slice %arg10[%add3A_16, %dma_wait3A_53] : memref<10240x128xf32, #tpu.memory_space<vmem_shared>> -> memref<128x128xf32, #tpu.memory_space<vmem_shared>>
      tpu.wait_dma2 semaphore(%run_scoped3A : memref<!tpu.dma_semaphore, #tpu.memory_space<semaphore_mem>>) src(%arg8 : memref<128x128xf32, #tpu.memory_space<vmem>>) dst(%dma_wait3A_54 : memref<128x128xf32, #tpu.memory_space<vmem_shared>>)
      tpu.yield
    }) : () -> ()
    %add3A_17 = arith.constant 512 : i32
    %add3A_18 = arith.addi %mul3A_8, %add3A_17 : i32
    "tpu.region"() ({
      %run_scoped3A = tpu.sem_alloc : memref<!tpu.dma_semaphore, #tpu.memory_space<semaphore_mem>>
      %dma_start3A = arith.constant 0 : i32
      %dma_start3A_49 = tpu.memref_slice %arg10[%add3A_18, %dma_start3A] : memref<10240x128xf32, #tpu.memory_space<vmem_shared>> -> memref<128x128xf32, #tpu.memory_space<vmem_shared>>
      %dma_start3A_50 = arith.constant 0 : i32
      %dma_start3A_51 = tpu.memref_slice %arg10[%add3A_18, %dma_start3A_50] : memref<10240x128xf32, #tpu.memory_space<vmem_shared>> -> memref<128x128xf32, #tpu.memory_space<vmem_shared>>
      tpu.enqueue_dma source(%arg8 : memref<128x128xf32, #tpu.memory_space<vmem>>) target(%dma_start3A_51 : memref<128x128xf32, #tpu.memory_space<vmem_shared>>) target_semaphore(%run_scoped3A : memref<!tpu.dma_semaphore, #tpu.memory_space<semaphore_mem>>)
      %dma_wait3A = arith.constant 0 : i32
      %dma_wait3A_52 = tpu.memref_slice %arg10[%add3A_18, %dma_wait3A] : memref<10240x128xf32, #tpu.memory_space<vmem_shared>> -> memref<128x128xf32, #tpu.memory_space<vmem_shared>>
      %dma_wait3A_53 = arith.constant 0 : i32
      %dma_wait3A_54 = tpu.memref_slice %arg10[%add3A_18, %dma_wait3A_53] : memref<10240x128xf32, #tpu.memory_space<vmem_shared>> -> memref<128x128xf32, #tpu.memory_space<vmem_shared>>
      tpu.wait_dma2 semaphore(%run_scoped3A : memref<!tpu.dma_semaphore, #tpu.memory_space<semaphore_mem>>) src(%arg8 : memref<128x128xf32, #tpu.memory_space<vmem>>) dst(%dma_wait3A_54 : memref<128x128xf32, #tpu.memory_space<vmem_shared>>)
      tpu.yield
    }) : () -> ()
    %barrier3A = arith.constant 0 : index
    tpu.barrier barrier_id(%barrier3A)
    %scan3A_19 = arith.constant 0 : i32
    %scan3A_20 = arith.constant 0 : i32
    %scan3A_21 = arith.constant 10 : i32
    %scan3A_22 = arith.addi %scan3A_20, %scan3A_21 : i32
    %scan3A_23 = arith.constant 1 : i32
    scf.for %scan3A_49 = %scan3A_20 to %scan3A_22 step %scan3A_23  : i32 {
      %mul3A_50 = arith.constant 10 : i32
      %mul3A_51 = arith.muli %add3A, %mul3A_50 : i32
      %add3A_52 = arith.addi %mul3A_51, %scan3A_49 : i32
      "tpu.region"() ({
        %run_scoped3A = tpu.sem_alloc : memref<!tpu.dma_semaphore, #tpu.memory_space<semaphore_mem>>
        %dma_start3A_65 = arith.constant 0 : i32
        %dma_start3A_66 = arith.constant 0 : i32
        %dma_start3A_67 = tpu.memref_slice %arg3[%add3A_52, %dma_start3A_65, %dma_start3A_66] : memref<320x8x128xi32, #tpu.memory_space<hbm>> -> memref<1x8x128xi32, #tpu.memory_space<hbm>>
        %dma_start3A_68 = tpu.memref_squeeze %dma_start3A_67 : memref<1x8x128xi32, #tpu.memory_space<hbm>> -> memref<8x128xi32, #tpu.memory_space<hbm>>
        %dma_start3A_69 = arith.constant 0 : i32
        %dma_start3A_70 = arith.constant 0 : i32
        %dma_start3A_71 = tpu.memref_slice %arg3[%add3A_52, %dma_start3A_69, %dma_start3A_70] : memref<320x8x128xi32, #tpu.memory_space<hbm>> -> memref<1x8x128xi32, #tpu.memory_space<hbm>>
        %dma_start3A_72 = tpu.memref_squeeze %dma_start3A_71 : memref<1x8x128xi32, #tpu.memory_space<hbm>> -> memref<8x128xi32, #tpu.memory_space<hbm>>
        tpu.enqueue_dma source(%dma_start3A_72 : memref<8x128xi32, #tpu.memory_space<hbm>>) target(%arg6 : memref<8x128xi32, #tpu.memory_space<vmem>>) target_semaphore(%run_scoped3A : memref<!tpu.dma_semaphore, #tpu.memory_space<semaphore_mem>>)
        %dma_wait3A = arith.constant 0 : i32
        %dma_wait3A_73 = arith.constant 0 : i32
        %dma_wait3A_74 = tpu.memref_slice %arg3[%add3A_52, %dma_wait3A, %dma_wait3A_73] : memref<320x8x128xi32, #tpu.memory_space<hbm>> -> memref<1x8x128xi32, #tpu.memory_space<hbm>>
        %dma_wait3A_75 = tpu.memref_squeeze %dma_wait3A_74 : memref<1x8x128xi32, #tpu.memory_space<hbm>> -> memref<8x128xi32, #tpu.memory_space<hbm>>
        %dma_wait3A_76 = arith.constant 0 : i32
        %dma_wait3A_77 = arith.constant 0 : i32
        %dma_wait3A_78 = tpu.memref_slice %arg3[%add3A_52, %dma_wait3A_76, %dma_wait3A_77] : memref<320x8x128xi32, #tpu.memory_space<hbm>> -> memref<1x8x128xi32, #tpu.memory_space<hbm>>
        %dma_wait3A_79 = tpu.memref_squeeze %dma_wait3A_78 : memref<1x8x128xi32, #tpu.memory_space<hbm>> -> memref<8x128xi32, #tpu.memory_space<hbm>>
        tpu.wait_dma2 semaphore(%run_scoped3A : memref<!tpu.dma_semaphore, #tpu.memory_space<semaphore_mem>>) src(%dma_wait3A_79 : memref<8x128xi32, #tpu.memory_space<hbm>>) dst(%arg6 : memref<8x128xi32, #tpu.memory_space<vmem>>)
        tpu.yield
      }) : () -> ()
      "tpu.region"() ({
        %run_scoped3A = tpu.sem_alloc : memref<!tpu.dma_semaphore, #tpu.memory_space<semaphore_mem>>
        %dma_start3A_65 = arith.constant 0 : i32
        %dma_start3A_66 = arith.constant 0 : i32
        %dma_start3A_67 = tpu.memref_slice %arg4[%add3A_52, %dma_start3A_65, %dma_start3A_66] : memref<320x8x128xi32, #tpu.memory_space<hbm>> -> memref<1x8x128xi32, #tpu.memory_space<hbm>>
        %dma_start3A_68 = tpu.memref_squeeze %dma_start3A_67 : memref<1x8x128xi32, #tpu.memory_space<hbm>> -> memref<8x128xi32, #tpu.memory_space<hbm>>
        %dma_start3A_69 = arith.constant 0 : i32
        %dma_start3A_70 = arith.constant 0 : i32
        %dma_start3A_71 = tpu.memref_slice %arg4[%add3A_52, %dma_start3A_69, %dma_start3A_70] : memref<320x8x128xi32, #tpu.memory_space<hbm>> -> memref<1x8x128xi32, #tpu.memory_space<hbm>>
        %dma_start3A_72 = tpu.memref_squeeze %dma_start3A_71 : memref<1x8x128xi32, #tpu.memory_space<hbm>> -> memref<8x128xi32, #tpu.memory_space<hbm>>
        tpu.enqueue_dma source(%dma_start3A_72 : memref<8x128xi32, #tpu.memory_space<hbm>>) target(%arg7 : memref<8x128xi32, #tpu.memory_space<vmem>>) target_semaphore(%run_scoped3A : memref<!tpu.dma_semaphore, #tpu.memory_space<semaphore_mem>>)
        %dma_wait3A = arith.constant 0 : i32
        %dma_wait3A_73 = arith.constant 0 : i32
        %dma_wait3A_74 = tpu.memref_slice %arg4[%add3A_52, %dma_wait3A, %dma_wait3A_73] : memref<320x8x128xi32, #tpu.memory_space<hbm>> -> memref<1x8x128xi32, #tpu.memory_space<hbm>>
        %dma_wait3A_75 = tpu.memref_squeeze %dma_wait3A_74 : memref<1x8x128xi32, #tpu.memory_space<hbm>> -> memref<8x128xi32, #tpu.memory_space<hbm>>
        %dma_wait3A_76 = arith.constant 0 : i32
        %dma_wait3A_77 = arith.constant 0 : i32
        %dma_wait3A_78 = tpu.memref_slice %arg4[%add3A_52, %dma_wait3A_76, %dma_wait3A_77] : memref<320x8x128xi32, #tpu.memory_space<hbm>> -> memref<1x8x128xi32, #tpu.memory_space<hbm>>
        %dma_wait3A_79 = tpu.memref_squeeze %dma_wait3A_78 : memref<1x8x128xi32, #tpu.memory_space<hbm>> -> memref<8x128xi32, #tpu.memory_space<hbm>>
        tpu.wait_dma2 semaphore(%run_scoped3A : memref<!tpu.dma_semaphore, #tpu.memory_space<semaphore_mem>>) src(%dma_wait3A_79 : memref<8x128xi32, #tpu.memory_space<hbm>>) dst(%arg7 : memref<8x128xi32, #tpu.memory_space<vmem>>)
        tpu.yield
      }) : () -> ()
      %dma_start3A = arith.constant 0 : i32
      %dma_start3A_53 = arith.constant 0 : i32
      %dma_start3A_54 = tpu.memref_slice %arg6[%dma_start3A, %dma_start3A_53] : memref<8x128xi32, #tpu.memory_space<vmem>> -> memref<1x128xi32, #tpu.memory_space<vmem>>
      %dma_start3A_55 = tpu.memref_squeeze %dma_start3A_54 : memref<1x128xi32, #tpu.memory_space<vmem>> -> memref<128xi32, #tpu.memory_space<vmem>>
      %dma_start3A_56 = arith.constant 0 : i32
      %dma_start3A_57 = arith.constant 0 : i32
      %dma_start3A_58 = tpu.memref_slice %arg2[%dma_start3A_56, %dma_start3A_57] : memref<10240x128xf32, #tpu.memory_space<hbm>> -> memref<10240x128xf32, #tpu.memory_space<hbm>>
      tpu.enqueue_indirect_dma source(%dma_start3A_58 : memref<10240x128xf32, #tpu.memory_space<hbm>>) target(%arg8 : memref<128x128xf32, #tpu.memory_space<vmem>>) offsets(%dma_start3A_55 : memref<128xi32, #tpu.memory_space<vmem>>) semaphore(%arg11 : memref<!tpu.dma_semaphore, #tpu.memory_space<semaphore_mem>>)
      %scan3A_59 = arith.constant 0 : i32
      %scan3A_60 = arith.constant 0 : i32
      %scan3A_61 = arith.constant 4 : i32
      %scan3A_62 = arith.addi %scan3A_60, %scan3A_61 : i32
      %scan3A_63 = arith.constant 1 : i32
      scf.for %scan3A_65 = %scan3A_60 to %scan3A_62 step %scan3A_63  : i32 {
        %mul3A_66 = arith.constant 2 : i32
        %mul3A_67 = arith.muli %mul3A_66, %scan3A_65 : i32
        %add3A_68 = arith.constant 1 : i32
        %add3A_69 = arith.addi %mul3A_67, %add3A_68 : i32
        %dma_start3A_70 = arith.constant 0 : i32
        %dma_start3A_71 = tpu.memref_slice %arg6[%add3A_69, %dma_start3A_70] : memref<8x128xi32, #tpu.memory_space<vmem>> -> memref<1x128xi32, #tpu.memory_space<vmem>>
        %dma_start3A_72 = tpu.memref_squeeze %dma_start3A_71 : memref<1x128xi32, #tpu.memory_space<vmem>> -> memref<128xi32, #tpu.memory_space<vmem>>
        %dma_start3A_73 = arith.constant 0 : i32
        %dma_start3A_74 = arith.constant 0 : i32
        %dma_start3A_75 = tpu.memref_slice %arg2[%dma_start3A_73, %dma_start3A_74] : memref<10240x128xf32, #tpu.memory_space<hbm>> -> memref<10240x128xf32, #tpu.memory_space<hbm>>
        tpu.enqueue_indirect_dma source(%dma_start3A_75 : memref<10240x128xf32, #tpu.memory_space<hbm>>) target(%arg9 : memref<128x128xf32, #tpu.memory_space<vmem>>) offsets(%dma_start3A_72 : memref<128xi32, #tpu.memory_space<vmem>>) semaphore(%arg12 : memref<!tpu.dma_semaphore, #tpu.memory_space<semaphore_mem>>)
        %dma_wait3A = arith.constant 0 : i32
        %dma_wait3A_76 = tpu.memref_slice %arg6[%mul3A_67, %dma_wait3A] : memref<8x128xi32, #tpu.memory_space<vmem>> -> memref<1x128xi32, #tpu.memory_space<vmem>>
        %dma_wait3A_77 = tpu.memref_squeeze %dma_wait3A_76 : memref<1x128xi32, #tpu.memory_space<vmem>> -> memref<128xi32, #tpu.memory_space<vmem>>
        %dma_wait3A_78 = arith.constant 0 : i32
        %dma_wait3A_79 = arith.constant 0 : i32
        %dma_wait3A_80 = tpu.memref_slice %arg2[%dma_wait3A_78, %dma_wait3A_79] : memref<10240x128xf32, #tpu.memory_space<hbm>> -> memref<10240x128xf32, #tpu.memory_space<hbm>>
        tpu.wait_indirect_dma semaphore(%arg11 : memref<!tpu.dma_semaphore, #tpu.memory_space<semaphore_mem>>) src(%dma_wait3A_80 : memref<10240x128xf32, #tpu.memory_space<hbm>>) dst(%arg8 : memref<128x128xf32, #tpu.memory_space<vmem>>)
        "tpu.region"() ({
          %run_scoped3A = tpu.sem_alloc : memref<!tpu.dma_semaphore, #tpu.memory_space<semaphore_mem>>
          %dma_start3A_89 = arith.constant 0 : i32
          %dma_start3A_90 = tpu.memref_slice %arg7[%mul3A_67, %dma_start3A_89] : memref<8x128xi32, #tpu.memory_space<vmem>> -> memref<1x128xi32, #tpu.memory_space<vmem>>
          %dma_start3A_91 = tpu.memref_squeeze %dma_start3A_90 : memref<1x128xi32, #tpu.memory_space<vmem>> -> memref<128xi32, #tpu.memory_space<vmem>>
          %dma_start3A_92 = arith.constant 0 : i32
          %dma_start3A_93 = arith.constant 0 : i32
          %dma_start3A_94 = tpu.memref_slice %arg10[%dma_start3A_92, %dma_start3A_93] : memref<10240x128xf32, #tpu.memory_space<vmem_shared>> -> memref<10240x128xf32, #tpu.memory_space<vmem_shared>>
          tpu.enqueue_indirect_dma source(%arg8 : memref<128x128xf32, #tpu.memory_space<vmem>>) target(%dma_start3A_94 : memref<10240x128xf32, #tpu.memory_space<vmem_shared>>) offsets(%dma_start3A_91 : memref<128xi32, #tpu.memory_space<vmem>>) semaphore(%run_scoped3A : memref<!tpu.dma_semaphore, #tpu.memory_space<semaphore_mem>>) {add = true}
          %dma_wait3A_95 = arith.constant 0 : i32
          %dma_wait3A_96 = tpu.memref_slice %arg7[%mul3A_67, %dma_wait3A_95] : memref<8x128xi32, #tpu.memory_space<vmem>> -> memref<1x128xi32, #tpu.memory_space<vmem>>
          %dma_wait3A_97 = tpu.memref_squeeze %dma_wait3A_96 : memref<1x128xi32, #tpu.memory_space<vmem>> -> memref<128xi32, #tpu.memory_space<vmem>>
          %dma_wait3A_98 = arith.constant 0 : i32
          %dma_wait3A_99 = arith.constant 0 : i32
          %dma_wait3A_100 = tpu.memref_slice %arg10[%dma_wait3A_98, %dma_wait3A_99] : memref<10240x128xf32, #tpu.memory_space<vmem_shared>> -> memref<10240x128xf32, #tpu.memory_space<vmem_shared>>
          tpu.wait_indirect_dma semaphore(%run_scoped3A : memref<!tpu.dma_semaphore, #tpu.memory_space<semaphore_mem>>) src(%arg8 : memref<128x128xf32, #tpu.memory_space<vmem>>) dst(%dma_wait3A_100 : memref<10240x128xf32, #tpu.memory_space<vmem_shared>>)
          tpu.yield
        }) : () -> ()
        %lt3A = arith.constant 3 : i32
        %lt3A_81 = arith.cmpi slt, %scan3A_65, %lt3A : i32
        %convert_element_type3A = arith.extui %lt3A_81 : i1 to i32
        %cond3A = arith.constant 0 : i32
        %cond3A_82 = arith.cmpi ne, %convert_element_type3A, %cond3A : i32
        scf.if %cond3A_82 {
          %add3A_89 = arith.constant 2 : i32
          %add3A_90 = arith.addi %mul3A_67, %add3A_89 : i32
          %dma_start3A_91 = arith.constant 0 : i32
          %dma_start3A_92 = tpu.memref_slice %arg6[%add3A_90, %dma_start3A_91] : memref<8x128xi32, #tpu.memory_space<vmem>> -> memref<1x128xi32, #tpu.memory_space<vmem>>
          %dma_start3A_93 = tpu.memref_squeeze %dma_start3A_92 : memref<1x128xi32, #tpu.memory_space<vmem>> -> memref<128xi32, #tpu.memory_space<vmem>>
          %dma_start3A_94 = arith.constant 0 : i32
          %dma_start3A_95 = arith.constant 0 : i32
          %dma_start3A_96 = tpu.memref_slice %arg2[%dma_start3A_94, %dma_start3A_95] : memref<10240x128xf32, #tpu.memory_space<hbm>> -> memref<10240x128xf32, #tpu.memory_space<hbm>>
          tpu.enqueue_indirect_dma source(%dma_start3A_96 : memref<10240x128xf32, #tpu.memory_space<hbm>>) target(%arg8 : memref<128x128xf32, #tpu.memory_space<vmem>>) offsets(%dma_start3A_93 : memref<128xi32, #tpu.memory_space<vmem>>) semaphore(%arg11 : memref<!tpu.dma_semaphore, #tpu.memory_space<semaphore_mem>>)
        } else {
        }
        %dma_wait3A_83 = arith.constant 0 : i32
        %dma_wait3A_84 = tpu.memref_slice %arg6[%add3A_69, %dma_wait3A_83] : memref<8x128xi32, #tpu.memory_space<vmem>> -> memref<1x128xi32, #tpu.memory_space<vmem>>
        %dma_wait3A_85 = tpu.memref_squeeze %dma_wait3A_84 : memref<1x128xi32, #tpu.memory_space<vmem>> -> memref<128xi32, #tpu.memory_space<vmem>>
        %dma_wait3A_86 = arith.constant 0 : i32
        %dma_wait3A_87 = arith.constant 0 : i32
        %dma_wait3A_88 = tpu.memref_slice %arg2[%dma_wait3A_86, %dma_wait3A_87] : memref<10240x128xf32, #tpu.memory_space<hbm>> -> memref<10240x128xf32, #tpu.memory_space<hbm>>
        tpu.wait_indirect_dma semaphore(%arg12 : memref<!tpu.dma_semaphore, #tpu.memory_space<semaphore_mem>>) src(%dma_wait3A_88 : memref<10240x128xf32, #tpu.memory_space<hbm>>) dst(%arg9 : memref<128x128xf32, #tpu.memory_space<vmem>>)
        "tpu.region"() ({
          %run_scoped3A = tpu.sem_alloc : memref<!tpu.dma_semaphore, #tpu.memory_space<semaphore_mem>>
          %dma_start3A_89 = arith.constant 0 : i32
          %dma_start3A_90 = tpu.memref_slice %arg7[%add3A_69, %dma_start3A_89] : memref<8x128xi32, #tpu.memory_space<vmem>> -> memref<1x128xi32, #tpu.memory_space<vmem>>
          %dma_start3A_91 = tpu.memref_squeeze %dma_start3A_90 : memref<1x128xi32, #tpu.memory_space<vmem>> -> memref<128xi32, #tpu.memory_space<vmem>>
          %dma_start3A_92 = arith.constant 0 : i32
          %dma_start3A_93 = arith.constant 0 : i32
          %dma_start3A_94 = tpu.memref_slice %arg10[%dma_start3A_92, %dma_start3A_93] : memref<10240x128xf32, #tpu.memory_space<vmem_shared>> -> memref<10240x128xf32, #tpu.memory_space<vmem_shared>>
          tpu.enqueue_indirect_dma source(%arg9 : memref<128x128xf32, #tpu.memory_space<vmem>>) target(%dma_start3A_94 : memref<10240x128xf32, #tpu.memory_space<vmem_shared>>) offsets(%dma_start3A_91 : memref<128xi32, #tpu.memory_space<vmem>>) semaphore(%run_scoped3A : memref<!tpu.dma_semaphore, #tpu.memory_space<semaphore_mem>>) {add = true}
          %dma_wait3A_95 = arith.constant 0 : i32
          %dma_wait3A_96 = tpu.memref_slice %arg7[%add3A_69, %dma_wait3A_95] : memref<8x128xi32, #tpu.memory_space<vmem>> -> memref<1x128xi32, #tpu.memory_space<vmem>>
          %dma_wait3A_97 = tpu.memref_squeeze %dma_wait3A_96 : memref<1x128xi32, #tpu.memory_space<vmem>> -> memref<128xi32, #tpu.memory_space<vmem>>
          %dma_wait3A_98 = arith.constant 0 : i32
          %dma_wait3A_99 = arith.constant 0 : i32
          %dma_wait3A_100 = tpu.memref_slice %arg10[%dma_wait3A_98, %dma_wait3A_99] : memref<10240x128xf32, #tpu.memory_space<vmem_shared>> -> memref<10240x128xf32, #tpu.memory_space<vmem_shared>>
          tpu.wait_indirect_dma semaphore(%run_scoped3A : memref<!tpu.dma_semaphore, #tpu.memory_space<semaphore_mem>>) src(%arg9 : memref<128x128xf32, #tpu.memory_space<vmem>>) dst(%dma_wait3A_100 : memref<10240x128xf32, #tpu.memory_space<vmem_shared>>)
          tpu.yield
        }) : () -> ()
      }
      %scan3A_64 = arith.constant 4 : i32
    }
    %scan3A_24 = arith.constant 10 : i32
    %barrier3A_25 = arith.constant 0 : index
    tpu.barrier barrier_id(%barrier3A_25)
    %mul3A_26 = arith.constant 10240 : i32
    %mul3A_27 = arith.muli %arg0, %mul3A_26 : i32
    %add3A_28 = arith.addi %mul3A_27, %mul3A_8 : i32
    %add3A_29 = arith.constant 0 : i32
    %add3A_30 = arith.addi %mul3A_8, %add3A_29 : i32
    %add3A_31 = arith.constant 0 : i32
    %add3A_32 = arith.addi %add3A_28, %add3A_31 : i32
    "tpu.region"() ({
      %run_scoped3A = tpu.sem_alloc : memref<!tpu.dma_semaphore, #tpu.memory_space<semaphore_mem>>
      %dma_start3A = arith.constant 0 : i32
      %dma_start3A_49 = tpu.memref_slice %arg5[%add3A_32, %dma_start3A] : memref<20480x128xf32, #tpu.memory_space<hbm>> -> memref<128x128xf32, #tpu.memory_space<hbm>>
      %dma_start3A_50 = arith.constant 0 : i32
      %dma_start3A_51 = tpu.memref_slice %arg10[%add3A_30, %dma_start3A_50] : memref<10240x128xf32, #tpu.memory_space<vmem_shared>> -> memref<128x128xf32, #tpu.memory_space<vmem_shared>>
      tpu.enqueue_dma source(%dma_start3A_51 : memref<128x128xf32, #tpu.memory_space<vmem_shared>>) target(%dma_start3A_49 : memref<128x128xf32, #tpu.memory_space<hbm>>) target_semaphore(%run_scoped3A : memref<!tpu.dma_semaphore, #tpu.memory_space<semaphore_mem>>)
      %dma_wait3A = arith.constant 0 : i32
      %dma_wait3A_52 = tpu.memref_slice %arg5[%add3A_32, %dma_wait3A] : memref<20480x128xf32, #tpu.memory_space<hbm>> -> memref<128x128xf32, #tpu.memory_space<hbm>>
      %dma_wait3A_53 = arith.constant 0 : i32
      %dma_wait3A_54 = tpu.memref_slice %arg10[%add3A_30, %dma_wait3A_53] : memref<10240x128xf32, #tpu.memory_space<vmem_shared>> -> memref<128x128xf32, #tpu.memory_space<vmem_shared>>
      tpu.wait_dma2 semaphore(%run_scoped3A : memref<!tpu.dma_semaphore, #tpu.memory_space<semaphore_mem>>) src(%dma_wait3A_54 : memref<128x128xf32, #tpu.memory_space<vmem_shared>>) dst(%dma_wait3A_52 : memref<128x128xf32, #tpu.memory_space<hbm>>)
      tpu.yield
    }) : () -> ()
    %add3A_33 = arith.constant 128 : i32
    %add3A_34 = arith.addi %mul3A_8, %add3A_33 : i32
    %add3A_35 = arith.constant 128 : i32
    %add3A_36 = arith.addi %add3A_28, %add3A_35 : i32
    "tpu.region"() ({
      %run_scoped3A = tpu.sem_alloc : memref<!tpu.dma_semaphore, #tpu.memory_space<semaphore_mem>>
      %dma_start3A = arith.constant 0 : i32
      %dma_start3A_49 = tpu.memref_slice %arg5[%add3A_36, %dma_start3A] : memref<20480x128xf32, #tpu.memory_space<hbm>> -> memref<128x128xf32, #tpu.memory_space<hbm>>
      %dma_start3A_50 = arith.constant 0 : i32
      %dma_start3A_51 = tpu.memref_slice %arg10[%add3A_34, %dma_start3A_50] : memref<10240x128xf32, #tpu.memory_space<vmem_shared>> -> memref<128x128xf32, #tpu.memory_space<vmem_shared>>
      tpu.enqueue_dma source(%dma_start3A_51 : memref<128x128xf32, #tpu.memory_space<vmem_shared>>) target(%dma_start3A_49 : memref<128x128xf32, #tpu.memory_space<hbm>>) target_semaphore(%run_scoped3A : memref<!tpu.dma_semaphore, #tpu.memory_space<semaphore_mem>>)
      %dma_wait3A = arith.constant 0 : i32
      %dma_wait3A_52 = tpu.memref_slice %arg5[%add3A_36, %dma_wait3A] : memref<20480x128xf32, #tpu.memory_space<hbm>> -> memref<128x128xf32, #tpu.memory_space<hbm>>
      %dma_wait3A_53 = arith.constant 0 : i32
      %dma_wait3A_54 = tpu.memref_slice %arg10[%add3A_34, %dma_wait3A_53] : memref<10240x128xf32, #tpu.memory_space<vmem_shared>> -> memref<128x128xf32, #tpu.memory_space<vmem_shared>>
      tpu.wait_dma2 semaphore(%run_scoped3A : memref<!tpu.dma_semaphore, #tpu.memory_space<semaphore_mem>>) src(%dma_wait3A_54 : memref<128x128xf32, #tpu.memory_space<vmem_shared>>) dst(%dma_wait3A_52 : memref<128x128xf32, #tpu.memory_space<hbm>>)
      tpu.yield
    }) : () -> ()
    %add3A_37 = arith.constant 256 : i32
    %add3A_38 = arith.addi %mul3A_8, %add3A_37 : i32
    %add3A_39 = arith.constant 256 : i32
    %add3A_40 = arith.addi %add3A_28, %add3A_39 : i32
    "tpu.region"() ({
      %run_scoped3A = tpu.sem_alloc : memref<!tpu.dma_semaphore, #tpu.memory_space<semaphore_mem>>
      %dma_start3A = arith.constant 0 : i32
      %dma_start3A_49 = tpu.memref_slice %arg5[%add3A_40, %dma_start3A] : memref<20480x128xf32, #tpu.memory_space<hbm>> -> memref<128x128xf32, #tpu.memory_space<hbm>>
      %dma_start3A_50 = arith.constant 0 : i32
      %dma_start3A_51 = tpu.memref_slice %arg10[%add3A_38, %dma_start3A_50] : memref<10240x128xf32, #tpu.memory_space<vmem_shared>> -> memref<128x128xf32, #tpu.memory_space<vmem_shared>>
      tpu.enqueue_dma source(%dma_start3A_51 : memref<128x128xf32, #tpu.memory_space<vmem_shared>>) target(%dma_start3A_49 : memref<128x128xf32, #tpu.memory_space<hbm>>) target_semaphore(%run_scoped3A : memref<!tpu.dma_semaphore, #tpu.memory_space<semaphore_mem>>)
      %dma_wait3A = arith.constant 0 : i32
      %dma_wait3A_52 = tpu.memref_slice %arg5[%add3A_40, %dma_wait3A] : memref<20480x128xf32, #tpu.memory_space<hbm>> -> memref<128x128xf32, #tpu.memory_space<hbm>>
      %dma_wait3A_53 = arith.constant 0 : i32
      %dma_wait3A_54 = tpu.memref_slice %arg10[%add3A_38, %dma_wait3A_53] : memref<10240x128xf32, #tpu.memory_space<vmem_shared>> -> memref<128x128xf32, #tpu.memory_space<vmem_shared>>
      tpu.wait_dma2 semaphore(%run_scoped3A : memref<!tpu.dma_semaphore, #tpu.memory_space<semaphore_mem>>) src(%dma_wait3A_54 : memref<128x128xf32, #tpu.memory_space<vmem_shared>>) dst(%dma_wait3A_52 : memref<128x128xf32, #tpu.memory_space<hbm>>)
      tpu.yield
    }) : () -> ()
    %add3A_41 = arith.constant 384 : i32
    %add3A_42 = arith.addi %mul3A_8, %add3A_41 : i32
    %add3A_43 = arith.constant 384 : i32
    %add3A_44 = arith.addi %add3A_28, %add3A_43 : i32
    "tpu.region"() ({
      %run_scoped3A = tpu.sem_alloc : memref<!tpu.dma_semaphore, #tpu.memory_space<semaphore_mem>>
      %dma_start3A = arith.constant 0 : i32
      %dma_start3A_49 = tpu.memref_slice %arg5[%add3A_44, %dma_start3A] : memref<20480x128xf32, #tpu.memory_space<hbm>> -> memref<128x128xf32, #tpu.memory_space<hbm>>
      %dma_start3A_50 = arith.constant 0 : i32
      %dma_start3A_51 = tpu.memref_slice %arg10[%add3A_42, %dma_start3A_50] : memref<10240x128xf32, #tpu.memory_space<vmem_shared>> -> memref<128x128xf32, #tpu.memory_space<vmem_shared>>
      tpu.enqueue_dma source(%dma_start3A_51 : memref<128x128xf32, #tpu.memory_space<vmem_shared>>) target(%dma_start3A_49 : memref<128x128xf32, #tpu.memory_space<hbm>>) target_semaphore(%run_scoped3A : memref<!tpu.dma_semaphore, #tpu.memory_space<semaphore_mem>>)
      %dma_wait3A = arith.constant 0 : i32
      %dma_wait3A_52 = tpu.memref_slice %arg5[%add3A_44, %dma_wait3A] : memref<20480x128xf32, #tpu.memory_space<hbm>> -> memref<128x128xf32, #tpu.memory_space<hbm>>
      %dma_wait3A_53 = arith.constant 0 : i32
      %dma_wait3A_54 = tpu.memref_slice %arg10[%add3A_42, %dma_wait3A_53] : memref<10240x128xf32, #tpu.memory_space<vmem_shared>> -> memref<128x128xf32, #tpu.memory_space<vmem_shared>>
      tpu.wait_dma2 semaphore(%run_scoped3A : memref<!tpu.dma_semaphore, #tpu.memory_space<semaphore_mem>>) src(%dma_wait3A_54 : memref<128x128xf32, #tpu.memory_space<vmem_shared>>) dst(%dma_wait3A_52 : memref<128x128xf32, #tpu.memory_space<hbm>>)
      tpu.yield
    }) : () -> ()
    %add3A_45 = arith.constant 512 : i32
    %add3A_46 = arith.addi %mul3A_8, %add3A_45 : i32
    %add3A_47 = arith.constant 512 : i32
    %add3A_48 = arith.addi %add3A_28, %add3A_47 : i32
    "tpu.region"() ({
      %run_scoped3A = tpu.sem_alloc : memref<!tpu.dma_semaphore, #tpu.memory_space<semaphore_mem>>
      %dma_start3A = arith.constant 0 : i32
      %dma_start3A_49 = tpu.memref_slice %arg5[%add3A_48, %dma_start3A] : memref<20480x128xf32, #tpu.memory_space<hbm>> -> memref<128x128xf32, #tpu.memory_space<hbm>>
      %dma_start3A_50 = arith.constant 0 : i32
      %dma_start3A_51 = tpu.memref_slice %arg10[%add3A_46, %dma_start3A_50] : memref<10240x128xf32, #tpu.memory_space<vmem_shared>> -> memref<128x128xf32, #tpu.memory_space<vmem_shared>>
      tpu.enqueue_dma source(%dma_start3A_51 : memref<128x128xf32, #tpu.memory_space<vmem_shared>>) target(%dma_start3A_49 : memref<128x128xf32, #tpu.memory_space<hbm>>) target_semaphore(%run_scoped3A : memref<!tpu.dma_semaphore, #tpu.memory_space<semaphore_mem>>)
      %dma_wait3A = arith.constant 0 : i32
      %dma_wait3A_52 = tpu.memref_slice %arg5[%add3A_48, %dma_wait3A] : memref<20480x128xf32, #tpu.memory_space<hbm>> -> memref<128x128xf32, #tpu.memory_space<hbm>>
      %dma_wait3A_53 = arith.constant 0 : i32
      %dma_wait3A_54 = tpu.memref_slice %arg10[%add3A_46, %dma_wait3A_53] : memref<10240x128xf32, #tpu.memory_space<vmem_shared>> -> memref<128x128xf32, #tpu.memory_space<vmem_shared>>
      tpu.wait_dma2 semaphore(%run_scoped3A : memref<!tpu.dma_semaphore, #tpu.memory_space<semaphore_mem>>) src(%dma_wait3A_54 : memref<128x128xf32, #tpu.memory_space<vmem_shared>>) dst(%dma_wait3A_52 : memref<128x128xf32, #tpu.memory_space<hbm>>)
      tpu.yield
    }) : () -> ()
    return
  }
}

#map = affine_map<(d0, d1) -> (0, 0)>
#map1 = affine_map<(d0, d1) -> (0, 0, 0)>
module attributes {stable_mosaic.version = 14 : i64} {
  func.func @k(%arg0: i32, %arg1: i32, %arg2: memref<10240x128xf32, #tpu.memory_space<hbm>>, %arg3: memref<320x8x128xi32, #tpu.memory_space<hbm>>, %arg4: memref<320x8x128xi32, #tpu.memory_space<hbm>>, %arg5: memref<20480x128xf32, #tpu.memory_space<hbm>>, %arg6: memref<8x128xi32, #tpu.memory_space<vmem>>, %arg7: memref<8x128xi32, #tpu.memory_space<vmem>>, %arg8: memref<128x128xf32, #tpu.memory_space<vmem>>, %arg9: memref<128x128xf32, #tpu.memory_space<vmem>>, %arg10: memref<10240x128xf32, #tpu.memory_space<vmem_shared>>, %arg11: memref<!tpu.dma_semaphore, #tpu.memory_space<semaphore_mem>>, %arg12: memref<!tpu.dma_semaphore, #tpu.memory_space<semaphore_mem>>) attributes {dimension_semantics = [#tpu.dimension_semantics<core_parallel>, #tpu.dimension_semantics<subcore_parallel>], iteration_bounds = array<i64: 2, 16>, scalar_prefetch = 0 : i64, scratch_operands = 7 : i64, tpu.core_type = #tpu.core_type<sc_vector_subcore>, window_params = [{transform_indices = #map}, {transform_indices = #map1}, {transform_indices = #map1}, {transform_indices = #map}]} {
    %mul3A = arith.constant 2 : i32
    %mul3A_0 = arith.muli %arg1, %mul3A : i32
    %add3A = arith.addi %mul3A_0, %arg0 : i32
    %broadcast_in_dim3A = arith.constant 0.000000e+00 : f32
    %broadcast_in_dim3A_1 = vector.broadcast %broadcast_in_dim3A : f32 to vector<16xf32>
    %scan3A = arith.constant 0 : i32
    %scan3A_2 = arith.constant 0 : i32
    %scan3A_3 = arith.constant 128 : i32
    %scan3A_4 = arith.addi %scan3A_2, %scan3A_3 : i32
    %scan3A_5 = arith.constant 1 : i32
    scf.for %scan3A_49 = %scan3A_2 to %scan3A_4 step %scan3A_5  : i32 {
      %swap3A = arith.index_cast %scan3A_49 : i32 to index
      %swap3A_50 = arith.constant 0 : index
      %swap3A_51 = tpu.vector_load %arg8[%swap3A, %swap3A_50] {strides = array<i32>} : memref<128x128xf32, #tpu.memory_space<vmem>>, vector<1x16xf32>,
      %swap3A_52 = vector.shape_cast %swap3A_51 : vector<1x16xf32> to vector<16xf32>
      %swap3A_53 = vector.shape_cast %broadcast_in_dim3A_1 : vector<16xf32> to vector<1x16xf32>
      tpu.vector_store %arg8[%swap3A, %swap3A_50], %swap3A_53 {strides = array<i32>} : memref<128x128xf32, #tpu.memory_space<vmem>>, vector<1x16xf32>,
      %swap3A_54 = arith.index_cast %scan3A_49 : i32 to index
      %swap3A_55 = arith.constant 16 : index
      %swap3A_56 = tpu.vector_load %arg8[%swap3A_54, %swap3A_55] {strides = array<i32>} : memref<128x128xf32, #tpu.memory_space<vmem>>, vector<1x16xf32>,
      %swap3A_57 = vector.shape_cast %swap3A_56 : vector<1x16xf32> to vector<16xf32>
      %swap3A_58 = vector.shape_cast %broadcast_in_dim3A_1 : vector<16xf32> to vector<1x16xf32>
      tpu.vector_store %arg8[%swap3A_54, %swap3A_55], %swap3A_58 {strides = array<i32>} : memref<128x128xf32, #tpu.memory_space<vmem>>, vector<1x16xf32>,
      %swap3A_59 = arith.index_cast %scan3A_49 : i32 to index
      %swap3A_60 = arith.constant 32 : index
      %swap3A_61 = tpu.vector_load %arg8[%swap3A_59, %swap3A_60] {strides = array<i32>} : memref<128x128xf32, #tpu.memory_space<vmem>>, vector<1x16xf32>,
      %swap3A_62 = vector.shape_cast %swap3A_61 : vector<1x16xf32> to vector<16xf32>
      %swap3A_63 = vector.shape_cast %broadcast_in_dim3A_1 : vector<16xf32> to vector<1x16xf32>
      tpu.vector_store %arg8[%swap3A_59, %swap3A_60], %swap3A_63 {strides = array<i32>} : memref<128x128xf32, #tpu.memory_space<vmem>>, vector<1x16xf32>,
      %swap3A_64 = arith.index_cast %scan3A_49 : i32 to index
      %swap3A_65 = arith.constant 48 : index
      %swap3A_66 = tpu.vector_load %arg8[%swap3A_64, %swap3A_65] {strides = array<i32>} : memref<128x128xf32, #tpu.memory_space<vmem>>, vector<1x16xf32>,
      %swap3A_67 = vector.shape_cast %swap3A_66 : vector<1x16xf32> to vector<16xf32>
      %swap3A_68 = vector.shape_cast %broadcast_in_dim3A_1 : vector<16xf32> to vector<1x16xf32>
      tpu.vector_store %arg8[%swap3A_64, %swap3A_65], %swap3A_68 {strides = array<i32>} : memref<128x128xf32, #tpu.memory_space<vmem>>, vector<1x16xf32>,
      %swap3A_69 = arith.index_cast %scan3A_49 : i32 to index
      %swap3A_70 = arith.constant 64 : index
      %swap3A_71 = tpu.vector_load %arg8[%swap3A_69, %swap3A_70] {strides = array<i32>} : memref<128x128xf32, #tpu.memory_space<vmem>>, vector<1x16xf32>,
      %swap3A_72 = vector.shape_cast %swap3A_71 : vector<1x16xf32> to vector<16xf32>
      %swap3A_73 = vector.shape_cast %broadcast_in_dim3A_1 : vector<16xf32> to vector<1x16xf32>
      tpu.vector_store %arg8[%swap3A_69, %swap3A_70], %swap3A_73 {strides = array<i32>} : memref<128x128xf32, #tpu.memory_space<vmem>>, vector<1x16xf32>,
      %swap3A_74 = arith.index_cast %scan3A_49 : i32 to index
      %swap3A_75 = arith.constant 80 : index
      %swap3A_76 = tpu.vector_load %arg8[%swap3A_74, %swap3A_75] {strides = array<i32>} : memref<128x128xf32, #tpu.memory_space<vmem>>, vector<1x16xf32>,
      %swap3A_77 = vector.shape_cast %swap3A_76 : vector<1x16xf32> to vector<16xf32>
      %swap3A_78 = vector.shape_cast %broadcast_in_dim3A_1 : vector<16xf32> to vector<1x16xf32>
      tpu.vector_store %arg8[%swap3A_74, %swap3A_75], %swap3A_78 {strides = array<i32>} : memref<128x128xf32, #tpu.memory_space<vmem>>, vector<1x16xf32>,
      %swap3A_79 = arith.index_cast %scan3A_49 : i32 to index
      %swap3A_80 = arith.constant 96 : index
      %swap3A_81 = tpu.vector_load %arg8[%swap3A_79, %swap3A_80] {strides = array<i32>} : memref<128x128xf32, #tpu.memory_space<vmem>>, vector<1x16xf32>,
      %swap3A_82 = vector.shape_cast %swap3A_81 : vector<1x16xf32> to vector<16xf32>
      %swap3A_83 = vector.shape_cast %broadcast_in_dim3A_1 : vector<16xf32> to vector<1x16xf32>
      tpu.vector_store %arg8[%swap3A_79, %swap3A_80], %swap3A_83 {strides = array<i32>} : memref<128x128xf32, #tpu.memory_space<vmem>>, vector<1x16xf32>,
      %swap3A_84 = arith.index_cast %scan3A_49 : i32 to index
      %swap3A_85 = arith.constant 112 : index
      %swap3A_86 = tpu.vector_load %arg8[%swap3A_84, %swap3A_85] {strides = array<i32>} : memref<128x128xf32, #tpu.memory_space<vmem>>, vector<1x16xf32>,
      %swap3A_87 = vector.shape_cast %swap3A_86 : vector<1x16xf32> to vector<16xf32>
      %swap3A_88 = vector.shape_cast %broadcast_in_dim3A_1 : vector<16xf32> to vector<1x16xf32>
      tpu.vector_store %arg8[%swap3A_84, %swap3A_85], %swap3A_88 {strides = array<i32>} : memref<128x128xf32, #tpu.memory_space<vmem>>, vector<1x16xf32>,
    }
    %scan3A_6 = arith.constant 128 : i32
    %mul3A_7 = arith.constant 640 : i32
    %mul3A_8 = arith.muli %arg1, %mul3A_7 : i32
    %add3A_9 = arith.constant 0 : i32
    %add3A_10 = arith.addi %mul3A_8, %add3A_9 : i32
    "tpu.region"() ({
      %run_scoped3A = tpu.sem_alloc : memref<!tpu.dma_semaphore, #tpu.memory_space<semaphore_mem>>
      %dma_start3A = arith.constant 0 : i32
      %dma_start3A_49 = tpu.memref_slice %arg10[%add3A_10, %dma_start3A] : memref<10240x128xf32, #tpu.memory_space<vmem_shared>> -> memref<128x128xf32, #tpu.memory_space<vmem_shared>>
      %dma_start3A_50 = arith.constant 0 : i32
      %dma_start3A_51 = tpu.memref_slice %arg10[%add3A_10, %dma_start3A_50] : memref<10240x128xf32, #tpu.memory_space<vmem_shared>> -> memref<128x128xf32, #tpu.memory_space<vmem_shared>>
      tpu.enqueue_dma source(%arg8 : memref<128x128xf32, #tpu.memory_space<vmem>>) target(%dma_start3A_51 : memref<128x128xf32, #tpu.memory_space<vmem_shared>>) target_semaphore(%run_scoped3A : memref<!tpu.dma_semaphore, #tpu.memory_space<semaphore_mem>>)
      %dma_wait3A = arith.constant 0 : i32
      %dma_wait3A_52 = tpu.memref_slice %arg10[%add3A_10, %dma_wait3A] : memref<10240x128xf32, #tpu.memory_space<vmem_shared>> -> memref<128x128xf32, #tpu.memory_space<vmem_shared>>
      %dma_wait3A_53 = arith.constant 0 : i32
      %dma_wait3A_54 = tpu.memref_slice %arg10[%add3A_10, %dma_wait3A_53] : memref<10240x128xf32, #tpu.memory_space<vmem_shared>> -> memref<128x128xf32, #tpu.memory_space<vmem_shared>>
      tpu.wait_dma2 semaphore(%run_scoped3A : memref<!tpu.dma_semaphore, #tpu.memory_space<semaphore_mem>>) src(%arg8 : memref<128x128xf32, #tpu.memory_space<vmem>>) dst(%dma_wait3A_54 : memref<128x128xf32, #tpu.memory_space<vmem_shared>>)
      tpu.yield
    }) : () -> ()
    %add3A_11 = arith.constant 128 : i32
    %add3A_12 = arith.addi %mul3A_8, %add3A_11 : i32
    "tpu.region"() ({
      %run_scoped3A = tpu.sem_alloc : memref<!tpu.dma_semaphore, #tpu.memory_space<semaphore_mem>>
      %dma_start3A = arith.constant 0 : i32
      %dma_start3A_49 = tpu.memref_slice %arg10[%add3A_12, %dma_start3A] : memref<10240x128xf32, #tpu.memory_space<vmem_shared>> -> memref<128x128xf32, #tpu.memory_space<vmem_shared>>
      %dma_start3A_50 = arith.constant 0 : i32
      %dma_start3A_51 = tpu.memref_slice %arg10[%add3A_12, %dma_start3A_50] : memref<10240x128xf32, #tpu.memory_space<vmem_shared>> -> memref<128x128xf32, #tpu.memory_space<vmem_shared>>
      tpu.enqueue_dma source(%arg8 : memref<128x128xf32, #tpu.memory_space<vmem>>) target(%dma_start3A_51 : memref<128x128xf32, #tpu.memory_space<vmem_shared>>) target_semaphore(%run_scoped3A : memref<!tpu.dma_semaphore, #tpu.memory_space<semaphore_mem>>)
      %dma_wait3A = arith.constant 0 : i32
      %dma_wait3A_52 = tpu.memref_slice %arg10[%add3A_12, %dma_wait3A] : memref<10240x128xf32, #tpu.memory_space<vmem_shared>> -> memref<128x128xf32, #tpu.memory_space<vmem_shared>>
      %dma_wait3A_53 = arith.constant 0 : i32
      %dma_wait3A_54 = tpu.memref_slice %arg10[%add3A_12, %dma_wait3A_53] : memref<10240x128xf32, #tpu.memory_space<vmem_shared>> -> memref<128x128xf32, #tpu.memory_space<vmem_shared>>
      tpu.wait_dma2 semaphore(%run_scoped3A : memref<!tpu.dma_semaphore, #tpu.memory_space<semaphore_mem>>) src(%arg8 : memref<128x128xf32, #tpu.memory_space<vmem>>) dst(%dma_wait3A_54 : memref<128x128xf32, #tpu.memory_space<vmem_shared>>)
      tpu.yield
    }) : () -> ()
    %add3A_13 = arith.constant 256 : i32
    %add3A_14 = arith.addi %mul3A_8, %add3A_13 : i32
    "tpu.region"() ({
      %run_scoped3A = tpu.sem_alloc : memref<!tpu.dma_semaphore, #tpu.memory_space<semaphore_mem>>
      %dma_start3A = arith.constant 0 : i32
      %dma_start3A_49 = tpu.memref_slice %arg10[%add3A_14, %dma_start3A] : memref<10240x128xf32, #tpu.memory_space<vmem_shared>> -> memref<128x128xf32, #tpu.memory_space<vmem_shared>>
      %dma_start3A_50 = arith.constant 0 : i32
      %dma_start3A_51 = tpu.memref_slice %arg10[%add3A_14, %dma_start3A_50] : memref<10240x128xf32, #tpu.memory_space<vmem_shared>> -> memref<128x128xf32, #tpu.memory_space<vmem_shared>>
      tpu.enqueue_dma source(%arg8 : memref<128x128xf32, #tpu.memory_space<vmem>>) target(%dma_start3A_51 : memref<128x128xf32, #tpu.memory_space<vmem_shared>>) target_semaphore(%run_scoped3A : memref<!tpu.dma_semaphore, #tpu.memory_space<semaphore_mem>>)
      %dma_wait3A = arith.constant 0 : i32
      %dma_wait3A_52 = tpu.memref_slice %arg10[%add3A_14, %dma_wait3A] : memref<10240x128xf32, #tpu.memory_space<vmem_shared>> -> memref<128x128xf32, #tpu.memory_space<vmem_shared>>
      %dma_wait3A_53 = arith.constant 0 : i32
      %dma_wait3A_54 = tpu.memref_slice %arg10[%add3A_14, %dma_wait3A_53] : memref<10240x128xf32, #tpu.memory_space<vmem_shared>> -> memref<128x128xf32, #tpu.memory_space<vmem_shared>>
      tpu.wait_dma2 semaphore(%run_scoped3A : memref<!tpu.dma_semaphore, #tpu.memory_space<semaphore_mem>>) src(%arg8 : memref<128x128xf32, #tpu.memory_space<vmem>>) dst(%dma_wait3A_54 : memref<128x128xf32, #tpu.memory_space<vmem_shared>>)
      tpu.yield
    }) : () -> ()
    %add3A_15 = arith.constant 384 : i32
    %add3A_16 = arith.addi %mul3A_8, %add3A_15 : i32
    "tpu.region"() ({
      %run_scoped3A = tpu.sem_alloc : memref<!tpu.dma_semaphore, #tpu.memory_space<semaphore_mem>>
      %dma_start3A = arith.constant 0 : i32
      %dma_start3A_49 = tpu.memref_slice %arg10[%add3A_16, %dma_start3A] : memref<10240x128xf32, #tpu.memory_space<vmem_shared>> -> memref<128x128xf32, #tpu.memory_space<vmem_shared>>
      %dma_start3A_50 = arith.constant 0 : i32
      %dma_start3A_51 = tpu.memref_slice %arg10[%add3A_16, %dma_start3A_50] : memref<10240x128xf32, #tpu.memory_space<vmem_shared>> -> memref<128x128xf32, #tpu.memory_space<vmem_shared>>
      tpu.enqueue_dma source(%arg8 : memref<128x128xf32, #tpu.memory_space<vmem>>) target(%dma_start3A_51 : memref<128x128xf32, #tpu.memory_space<vmem_shared>>) target_semaphore(%run_scoped3A : memref<!tpu.dma_semaphore, #tpu.memory_space<semaphore_mem>>)
      %dma_wait3A = arith.constant 0 : i32
      %dma_wait3A_52 = tpu.memref_slice %arg10[%add3A_16, %dma_wait3A] : memref<10240x128xf32, #tpu.memory_space<vmem_shared>> -> memref<128x128xf32, #tpu.memory_space<vmem_shared>>
      %dma_wait3A_53 = arith.constant 0 : i32
      %dma_wait3A_54 = tpu.memref_slice %arg10[%add3A_16, %dma_wait3A_53] : memref<10240x128xf32, #tpu.memory_space<vmem_shared>> -> memref<128x128xf32, #tpu.memory_space<vmem_shared>>
      tpu.wait_dma2 semaphore(%run_scoped3A : memref<!tpu.dma_semaphore, #tpu.memory_space<semaphore_mem>>) src(%arg8 : memref<128x128xf32, #tpu.memory_space<vmem>>) dst(%dma_wait3A_54 : memref<128x128xf32, #tpu.memory_space<vmem_shared>>)
      tpu.yield
    }) : () -> ()
    %add3A_17 = arith.constant 512 : i32
    %add3A_18 = arith.addi %mul3A_8, %add3A_17 : i32
    "tpu.region"() ({
      %run_scoped3A = tpu.sem_alloc : memref<!tpu.dma_semaphore, #tpu.memory_space<semaphore_mem>>
      %dma_start3A = arith.constant 0 : i32
      %dma_start3A_49 = tpu.memref_slice %arg10[%add3A_18, %dma_start3A] : memref<10240x128xf32, #tpu.memory_space<vmem_shared>> -> memref<128x128xf32, #tpu.memory_space<vmem_shared>>
      %dma_start3A_50 = arith.constant 0 : i32
      %dma_start3A_51 = tpu.memref_slice %arg10[%add3A_18, %dma_start3A_50] : memref<10240x128xf32, #tpu.memory_space<vmem_shared>> -> memref<128x128xf32, #tpu.memory_space<vmem_shared>>
      tpu.enqueue_dma source(%arg8 : memref<128x128xf32, #tpu.memory_space<vmem>>) target(%dma_start3A_51 : memref<128x128xf32, #tpu.memory_space<vmem_shared>>) target_semaphore(%run_scoped3A : memref<!tpu.dma_semaphore, #tpu.memory_space<semaphore_mem>>)
      %dma_wait3A = arith.constant 0 : i32
      %dma_wait3A_52 = tpu.memref_slice %arg10[%add3A_18, %dma_wait3A] : memref<10240x128xf32, #tpu.memory_space<vmem_shared>> -> memref<128x128xf32, #tpu.memory_space<vmem_shared>>
      %dma_wait3A_53 = arith.constant 0 : i32
      %dma_wait3A_54 = tpu.memref_slice %arg10[%add3A_18, %dma_wait3A_53] : memref<10240x128xf32, #tpu.memory_space<vmem_shared>> -> memref<128x128xf32, #tpu.memory_space<vmem_shared>>
      tpu.wait_dma2 semaphore(%run_scoped3A : memref<!tpu.dma_semaphore, #tpu.memory_space<semaphore_mem>>) src(%arg8 : memref<128x128xf32, #tpu.memory_space<vmem>>) dst(%dma_wait3A_54 : memref<128x128xf32, #tpu.memory_space<vmem_shared>>)
      tpu.yield
    }) : () -> ()
    %barrier3A = arith.constant 0 : index
    tpu.barrier barrier_id(%barrier3A)
    %scan3A_19 = arith.constant 0 : i32
    %scan3A_20 = arith.constant 0 : i32
    %scan3A_21 = arith.constant 10 : i32
    %scan3A_22 = arith.addi %scan3A_20, %scan3A_21 : i32
    %scan3A_23 = arith.constant 1 : i32
    scf.for %scan3A_49 = %scan3A_20 to %scan3A_22 step %scan3A_23  : i32 {
      %mul3A_50 = arith.constant 10 : i32
      %mul3A_51 = arith.muli %add3A, %mul3A_50 : i32
      %add3A_52 = arith.addi %mul3A_51, %scan3A_49 : i32
      "tpu.region"() ({
        %run_scoped3A = tpu.sem_alloc : memref<!tpu.dma_semaphore, #tpu.memory_space<semaphore_mem>>
        %dma_start3A_65 = arith.constant 0 : i32
        %dma_start3A_66 = arith.constant 0 : i32
        %dma_start3A_67 = tpu.memref_slice %arg3[%add3A_52, %dma_start3A_65, %dma_start3A_66] : memref<320x8x128xi32, #tpu.memory_space<hbm>> -> memref<1x8x128xi32, #tpu.memory_space<hbm>>
        %dma_start3A_68 = tpu.memref_squeeze %dma_start3A_67 : memref<1x8x128xi32, #tpu.memory_space<hbm>> -> memref<8x128xi32, #tpu.memory_space<hbm>>
        %dma_start3A_69 = arith.constant 0 : i32
        %dma_start3A_70 = arith.constant 0 : i32
        %dma_start3A_71 = tpu.memref_slice %arg3[%add3A_52, %dma_start3A_69, %dma_start3A_70] : memref<320x8x128xi32, #tpu.memory_space<hbm>> -> memref<1x8x128xi32, #tpu.memory_space<hbm>>
        %dma_start3A_72 = tpu.memref_squeeze %dma_start3A_71 : memref<1x8x128xi32, #tpu.memory_space<hbm>> -> memref<8x128xi32, #tpu.memory_space<hbm>>
        tpu.enqueue_dma source(%dma_start3A_72 : memref<8x128xi32, #tpu.memory_space<hbm>>) target(%arg6 : memref<8x128xi32, #tpu.memory_space<vmem>>) target_semaphore(%run_scoped3A : memref<!tpu.dma_semaphore, #tpu.memory_space<semaphore_mem>>)
        %dma_wait3A = arith.constant 0 : i32
        %dma_wait3A_73 = arith.constant 0 : i32
        %dma_wait3A_74 = tpu.memref_slice %arg3[%add3A_52, %dma_wait3A, %dma_wait3A_73] : memref<320x8x128xi32, #tpu.memory_space<hbm>> -> memref<1x8x128xi32, #tpu.memory_space<hbm>>
        %dma_wait3A_75 = tpu.memref_squeeze %dma_wait3A_74 : memref<1x8x128xi32, #tpu.memory_space<hbm>> -> memref<8x128xi32, #tpu.memory_space<hbm>>
        %dma_wait3A_76 = arith.constant 0 : i32
        %dma_wait3A_77 = arith.constant 0 : i32
        %dma_wait3A_78 = tpu.memref_slice %arg3[%add3A_52, %dma_wait3A_76, %dma_wait3A_77] : memref<320x8x128xi32, #tpu.memory_space<hbm>> -> memref<1x8x128xi32, #tpu.memory_space<hbm>>
        %dma_wait3A_79 = tpu.memref_squeeze %dma_wait3A_78 : memref<1x8x128xi32, #tpu.memory_space<hbm>> -> memref<8x128xi32, #tpu.memory_space<hbm>>
        tpu.wait_dma2 semaphore(%run_scoped3A : memref<!tpu.dma_semaphore, #tpu.memory_space<semaphore_mem>>) src(%dma_wait3A_79 : memref<8x128xi32, #tpu.memory_space<hbm>>) dst(%arg6 : memref<8x128xi32, #tpu.memory_space<vmem>>)
        tpu.yield
      }) : () -> ()
      "tpu.region"() ({
        %run_scoped3A = tpu.sem_alloc : memref<!tpu.dma_semaphore, #tpu.memory_space<semaphore_mem>>
        %dma_start3A_65 = arith.constant 0 : i32
        %dma_start3A_66 = arith.constant 0 : i32
        %dma_start3A_67 = tpu.memref_slice %arg4[%add3A_52, %dma_start3A_65, %dma_start3A_66] : memref<320x8x128xi32, #tpu.memory_space<hbm>> -> memref<1x8x128xi32, #tpu.memory_space<hbm>>
        %dma_start3A_68 = tpu.memref_squeeze %dma_start3A_67 : memref<1x8x128xi32, #tpu.memory_space<hbm>> -> memref<8x128xi32, #tpu.memory_space<hbm>>
        %dma_start3A_69 = arith.constant 0 : i32
        %dma_start3A_70 = arith.constant 0 : i32
        %dma_start3A_71 = tpu.memref_slice %arg4[%add3A_52, %dma_start3A_69, %dma_start3A_70] : memref<320x8x128xi32, #tpu.memory_space<hbm>> -> memref<1x8x128xi32, #tpu.memory_space<hbm>>
        %dma_start3A_72 = tpu.memref_squeeze %dma_start3A_71 : memref<1x8x128xi32, #tpu.memory_space<hbm>> -> memref<8x128xi32, #tpu.memory_space<hbm>>
        tpu.enqueue_dma source(%dma_start3A_72 : memref<8x128xi32, #tpu.memory_space<hbm>>) target(%arg7 : memref<8x128xi32, #tpu.memory_space<vmem>>) target_semaphore(%run_scoped3A : memref<!tpu.dma_semaphore, #tpu.memory_space<semaphore_mem>>)
        %dma_wait3A = arith.constant 0 : i32
        %dma_wait3A_73 = arith.constant 0 : i32
        %dma_wait3A_74 = tpu.memref_slice %arg4[%add3A_52, %dma_wait3A, %dma_wait3A_73] : memref<320x8x128xi32, #tpu.memory_space<hbm>> -> memref<1x8x128xi32, #tpu.memory_space<hbm>>
        %dma_wait3A_75 = tpu.memref_squeeze %dma_wait3A_74 : memref<1x8x128xi32, #tpu.memory_space<hbm>> -> memref<8x128xi32, #tpu.memory_space<hbm>>
        %dma_wait3A_76 = arith.constant 0 : i32
        %dma_wait3A_77 = arith.constant 0 : i32
        %dma_wait3A_78 = tpu.memref_slice %arg4[%add3A_52, %dma_wait3A_76, %dma_wait3A_77] : memref<320x8x128xi32, #tpu.memory_space<hbm>> -> memref<1x8x128xi32, #tpu.memory_space<hbm>>
        %dma_wait3A_79 = tpu.memref_squeeze %dma_wait3A_78 : memref<1x8x128xi32, #tpu.memory_space<hbm>> -> memref<8x128xi32, #tpu.memory_space<hbm>>
        tpu.wait_dma2 semaphore(%run_scoped3A : memref<!tpu.dma_semaphore, #tpu.memory_space<semaphore_mem>>) src(%dma_wait3A_79 : memref<8x128xi32, #tpu.memory_space<hbm>>) dst(%arg7 : memref<8x128xi32, #tpu.memory_space<vmem>>)
        tpu.yield
      }) : () -> ()
      %dma_start3A = arith.constant 0 : i32
      %dma_start3A_53 = arith.constant 0 : i32
      %dma_start3A_54 = tpu.memref_slice %arg6[%dma_start3A, %dma_start3A_53] : memref<8x128xi32, #tpu.memory_space<vmem>> -> memref<1x128xi32, #tpu.memory_space<vmem>>
      %dma_start3A_55 = tpu.memref_squeeze %dma_start3A_54 : memref<1x128xi32, #tpu.memory_space<vmem>> -> memref<128xi32, #tpu.memory_space<vmem>>
      %dma_start3A_56 = arith.constant 0 : i32
      %dma_start3A_57 = arith.constant 0 : i32
      %dma_start3A_58 = tpu.memref_slice %arg2[%dma_start3A_56, %dma_start3A_57] : memref<10240x128xf32, #tpu.memory_space<hbm>> -> memref<10240x128xf32, #tpu.memory_space<hbm>>
      tpu.enqueue_indirect_dma source(%dma_start3A_58 : memref<10240x128xf32, #tpu.memory_space<hbm>>) target(%arg8 : memref<128x128xf32, #tpu.memory_space<vmem>>) offsets(%dma_start3A_55 : memref<128xi32, #tpu.memory_space<vmem>>) semaphore(%arg11 : memref<!tpu.dma_semaphore, #tpu.memory_space<semaphore_mem>>)
      %scan3A_59 = arith.constant 0 : i32
      %scan3A_60 = arith.constant 0 : i32
      %scan3A_61 = arith.constant 4 : i32
      %scan3A_62 = arith.addi %scan3A_60, %scan3A_61 : i32
      %scan3A_63 = arith.constant 1 : i32
      scf.for %scan3A_65 = %scan3A_60 to %scan3A_62 step %scan3A_63  : i32 {
        %mul3A_66 = arith.constant 2 : i32
        %mul3A_67 = arith.muli %mul3A_66, %scan3A_65 : i32
        %add3A_68 = arith.constant 1 : i32
        %add3A_69 = arith.addi %mul3A_67, %add3A_68 : i32
        %dma_start3A_70 = arith.constant 0 : i32
        %dma_start3A_71 = tpu.memref_slice %arg6[%add3A_69, %dma_start3A_70] : memref<8x128xi32, #tpu.memory_space<vmem>> -> memref<1x128xi32, #tpu.memory_space<vmem>>
        %dma_start3A_72 = tpu.memref_squeeze %dma_start3A_71 : memref<1x128xi32, #tpu.memory_space<vmem>> -> memref<128xi32, #tpu.memory_space<vmem>>
        %dma_start3A_73 = arith.constant 0 : i32
        %dma_start3A_74 = arith.constant 0 : i32
        %dma_start3A_75 = tpu.memref_slice %arg2[%dma_start3A_73, %dma_start3A_74] : memref<10240x128xf32, #tpu.memory_space<hbm>> -> memref<10240x128xf32, #tpu.memory_space<hbm>>
        tpu.enqueue_indirect_dma source(%dma_start3A_75 : memref<10240x128xf32, #tpu.memory_space<hbm>>) target(%arg9 : memref<128x128xf32, #tpu.memory_space<vmem>>) offsets(%dma_start3A_72 : memref<128xi32, #tpu.memory_space<vmem>>) semaphore(%arg12 : memref<!tpu.dma_semaphore, #tpu.memory_space<semaphore_mem>>)
        %dma_wait3A = arith.constant 0 : i32
        %dma_wait3A_76 = tpu.memref_slice %arg6[%mul3A_67, %dma_wait3A] : memref<8x128xi32, #tpu.memory_space<vmem>> -> memref<1x128xi32, #tpu.memory_space<vmem>>
        %dma_wait3A_77 = tpu.memref_squeeze %dma_wait3A_76 : memref<1x128xi32, #tpu.memory_space<vmem>> -> memref<128xi32, #tpu.memory_space<vmem>>
        %dma_wait3A_78 = arith.constant 0 : i32
        %dma_wait3A_79 = arith.constant 0 : i32
        %dma_wait3A_80 = tpu.memref_slice %arg2[%dma_wait3A_78, %dma_wait3A_79] : memref<10240x128xf32, #tpu.memory_space<hbm>> -> memref<10240x128xf32, #tpu.memory_space<hbm>>
        tpu.wait_indirect_dma semaphore(%arg11 : memref<!tpu.dma_semaphore, #tpu.memory_space<semaphore_mem>>) src(%dma_wait3A_80 : memref<10240x128xf32, #tpu.memory_space<hbm>>) dst(%arg8 : memref<128x128xf32, #tpu.memory_space<vmem>>)
        "tpu.region"() ({
          %run_scoped3A = tpu.sem_alloc : memref<!tpu.dma_semaphore, #tpu.memory_space<semaphore_mem>>
          %dma_start3A_89 = arith.constant 0 : i32
          %dma_start3A_90 = tpu.memref_slice %arg7[%mul3A_67, %dma_start3A_89] : memref<8x128xi32, #tpu.memory_space<vmem>> -> memref<1x128xi32, #tpu.memory_space<vmem>>
          %dma_start3A_91 = tpu.memref_squeeze %dma_start3A_90 : memref<1x128xi32, #tpu.memory_space<vmem>> -> memref<128xi32, #tpu.memory_space<vmem>>
          %dma_start3A_92 = arith.constant 0 : i32
          %dma_start3A_93 = arith.constant 0 : i32
          %dma_start3A_94 = tpu.memref_slice %arg10[%dma_start3A_92, %dma_start3A_93] : memref<10240x128xf32, #tpu.memory_space<vmem_shared>> -> memref<10240x128xf32, #tpu.memory_space<vmem_shared>>
          tpu.enqueue_indirect_dma source(%arg8 : memref<128x128xf32, #tpu.memory_space<vmem>>) target(%dma_start3A_94 : memref<10240x128xf32, #tpu.memory_space<vmem_shared>>) offsets(%dma_start3A_91 : memref<128xi32, #tpu.memory_space<vmem>>) semaphore(%run_scoped3A : memref<!tpu.dma_semaphore, #tpu.memory_space<semaphore_mem>>) {add = true}
          %dma_wait3A_95 = arith.constant 0 : i32
          %dma_wait3A_96 = tpu.memref_slice %arg7[%mul3A_67, %dma_wait3A_95] : memref<8x128xi32, #tpu.memory_space<vmem>> -> memref<1x128xi32, #tpu.memory_space<vmem>>
          %dma_wait3A_97 = tpu.memref_squeeze %dma_wait3A_96 : memref<1x128xi32, #tpu.memory_space<vmem>> -> memref<128xi32, #tpu.memory_space<vmem>>
          %dma_wait3A_98 = arith.constant 0 : i32
          %dma_wait3A_99 = arith.constant 0 : i32
          %dma_wait3A_100 = tpu.memref_slice %arg10[%dma_wait3A_98, %dma_wait3A_99] : memref<10240x128xf32, #tpu.memory_space<vmem_shared>> -> memref<10240x128xf32, #tpu.memory_space<vmem_shared>>
          tpu.wait_indirect_dma semaphore(%run_scoped3A : memref<!tpu.dma_semaphore, #tpu.memory_space<semaphore_mem>>) src(%arg8 : memref<128x128xf32, #tpu.memory_space<vmem>>) dst(%dma_wait3A_100 : memref<10240x128xf32, #tpu.memory_space<vmem_shared>>)
          tpu.yield
        }) : () -> ()
        %lt3A = arith.constant 3 : i32
        %lt3A_81 = arith.cmpi slt, %scan3A_65, %lt3A : i32
        %convert_element_type3A = arith.extui %lt3A_81 : i1 to i32
        %cond3A = arith.constant 0 : i32
        %cond3A_82 = arith.cmpi ne, %convert_element_type3A, %cond3A : i32
        scf.if %cond3A_82 {
          %add3A_89 = arith.constant 2 : i32
          %add3A_90 = arith.addi %mul3A_67, %add3A_89 : i32
          %dma_start3A_91 = arith.constant 0 : i32
          %dma_start3A_92 = tpu.memref_slice %arg6[%add3A_90, %dma_start3A_91] : memref<8x128xi32, #tpu.memory_space<vmem>> -> memref<1x128xi32, #tpu.memory_space<vmem>>
          %dma_start3A_93 = tpu.memref_squeeze %dma_start3A_92 : memref<1x128xi32, #tpu.memory_space<vmem>> -> memref<128xi32, #tpu.memory_space<vmem>>
          %dma_start3A_94 = arith.constant 0 : i32
          %dma_start3A_95 = arith.constant 0 : i32
          %dma_start3A_96 = tpu.memref_slice %arg2[%dma_start3A_94, %dma_start3A_95] : memref<10240x128xf32, #tpu.memory_space<hbm>> -> memref<10240x128xf32, #tpu.memory_space<hbm>>
          tpu.enqueue_indirect_dma source(%dma_start3A_96 : memref<10240x128xf32, #tpu.memory_space<hbm>>) target(%arg8 : memref<128x128xf32, #tpu.memory_space<vmem>>) offsets(%dma_start3A_93 : memref<128xi32, #tpu.memory_space<vmem>>) semaphore(%arg11 : memref<!tpu.dma_semaphore, #tpu.memory_space<semaphore_mem>>)
        } else {
        }
        %dma_wait3A_83 = arith.constant 0 : i32
        %dma_wait3A_84 = tpu.memref_slice %arg6[%add3A_69, %dma_wait3A_83] : memref<8x128xi32, #tpu.memory_space<vmem>> -> memref<1x128xi32, #tpu.memory_space<vmem>>
        %dma_wait3A_85 = tpu.memref_squeeze %dma_wait3A_84 : memref<1x128xi32, #tpu.memory_space<vmem>> -> memref<128xi32, #tpu.memory_space<vmem>>
        %dma_wait3A_86 = arith.constant 0 : i32
        %dma_wait3A_87 = arith.constant 0 : i32
        %dma_wait3A_88 = tpu.memref_slice %arg2[%dma_wait3A_86, %dma_wait3A_87] : memref<10240x128xf32, #tpu.memory_space<hbm>> -> memref<10240x128xf32, #tpu.memory_space<hbm>>
        tpu.wait_indirect_dma semaphore(%arg12 : memref<!tpu.dma_semaphore, #tpu.memory_space<semaphore_mem>>) src(%dma_wait3A_88 : memref<10240x128xf32, #tpu.memory_space<hbm>>) dst(%arg9 : memref<128x128xf32, #tpu.memory_space<vmem>>)
        "tpu.region"() ({
          %run_scoped3A = tpu.sem_alloc : memref<!tpu.dma_semaphore, #tpu.memory_space<semaphore_mem>>
          %dma_start3A_89 = arith.constant 0 : i32
          %dma_start3A_90 = tpu.memref_slice %arg7[%add3A_69, %dma_start3A_89] : memref<8x128xi32, #tpu.memory_space<vmem>> -> memref<1x128xi32, #tpu.memory_space<vmem>>
          %dma_start3A_91 = tpu.memref_squeeze %dma_start3A_90 : memref<1x128xi32, #tpu.memory_space<vmem>> -> memref<128xi32, #tpu.memory_space<vmem>>
          %dma_start3A_92 = arith.constant 0 : i32
          %dma_start3A_93 = arith.constant 0 : i32
          %dma_start3A_94 = tpu.memref_slice %arg10[%dma_start3A_92, %dma_start3A_93] : memref<10240x128xf32, #tpu.memory_space<vmem_shared>> -> memref<10240x128xf32, #tpu.memory_space<vmem_shared>>
          tpu.enqueue_indirect_dma source(%arg9 : memref<128x128xf32, #tpu.memory_space<vmem>>) target(%dma_start3A_94 : memref<10240x128xf32, #tpu.memory_space<vmem_shared>>) offsets(%dma_start3A_91 : memref<128xi32, #tpu.memory_space<vmem>>) semaphore(%run_scoped3A : memref<!tpu.dma_semaphore, #tpu.memory_space<semaphore_mem>>) {add = true}
          %dma_wait3A_95 = arith.constant 0 : i32
          %dma_wait3A_96 = tpu.memref_slice %arg7[%add3A_69, %dma_wait3A_95] : memref<8x128xi32, #tpu.memory_space<vmem>> -> memref<1x128xi32, #tpu.memory_space<vmem>>
          %dma_wait3A_97 = tpu.memref_squeeze %dma_wait3A_96 : memref<1x128xi32, #tpu.memory_space<vmem>> -> memref<128xi32, #tpu.memory_space<vmem>>
          %dma_wait3A_98 = arith.constant 0 : i32
          %dma_wait3A_99 = arith.constant 0 : i32
          %dma_wait3A_100 = tpu.memref_slice %arg10[%dma_wait3A_98, %dma_wait3A_99] : memref<10240x128xf32, #tpu.memory_space<vmem_shared>> -> memref<10240x128xf32, #tpu.memory_space<vmem_shared>>
          tpu.wait_indirect_dma semaphore(%run_scoped3A : memref<!tpu.dma_semaphore, #tpu.memory_space<semaphore_mem>>) src(%arg9 : memref<128x128xf32, #tpu.memory_space<vmem>>) dst(%dma_wait3A_100 : memref<10240x128xf32, #tpu.memory_space<vmem_shared>>)
          tpu.yield
        }) : () -> ()
      }
      %scan3A_64 = arith.constant 4 : i32
    }
    %scan3A_24 = arith.constant 10 : i32
    %barrier3A_25 = arith.constant 0 : index
    tpu.barrier barrier_id(%barrier3A_25)
    %mul3A_26 = arith.constant 10240 : i32
    %mul3A_27 = arith.muli %arg0, %mul3A_26 : i32
    %add3A_28 = arith.addi %mul3A_27, %mul3A_8 : i32
    %add3A_29 = arith.constant 0 : i32
    %add3A_30 = arith.addi %mul3A_8, %add3A_29 : i32
    %add3A_31 = arith.constant 0 : i32
    %add3A_32 = arith.addi %add3A_28, %add3A_31 : i32
    "tpu.region"() ({
      %run_scoped3A = tpu.sem_alloc : memref<!tpu.dma_semaphore, #tpu.memory_space<semaphore_mem>>
      %dma_start3A = arith.constant 0 : i32
      %dma_start3A_49 = tpu.memref_slice %arg5[%add3A_32, %dma_start3A] : memref<20480x128xf32, #tpu.memory_space<hbm>> -> memref<128x128xf32, #tpu.memory_space<hbm>>
      %dma_start3A_50 = arith.constant 0 : i32
      %dma_start3A_51 = tpu.memref_slice %arg10[%add3A_30, %dma_start3A_50] : memref<10240x128xf32, #tpu.memory_space<vmem_shared>> -> memref<128x128xf32, #tpu.memory_space<vmem_shared>>
      tpu.enqueue_dma source(%dma_start3A_51 : memref<128x128xf32, #tpu.memory_space<vmem_shared>>) target(%dma_start3A_49 : memref<128x128xf32, #tpu.memory_space<hbm>>) target_semaphore(%run_scoped3A : memref<!tpu.dma_semaphore, #tpu.memory_space<semaphore_mem>>)
      %dma_wait3A = arith.constant 0 : i32
      %dma_wait3A_52 = tpu.memref_slice %arg5[%add3A_32, %dma_wait3A] : memref<20480x128xf32, #tpu.memory_space<hbm>> -> memref<128x128xf32, #tpu.memory_space<hbm>>
      %dma_wait3A_53 = arith.constant 0 : i32
      %dma_wait3A_54 = tpu.memref_slice %arg10[%add3A_30, %dma_wait3A_53] : memref<10240x128xf32, #tpu.memory_space<vmem_shared>> -> memref<128x128xf32, #tpu.memory_space<vmem_shared>>
      tpu.wait_dma2 semaphore(%run_scoped3A : memref<!tpu.dma_semaphore, #tpu.memory_space<semaphore_mem>>) src(%dma_wait3A_54 : memref<128x128xf32, #tpu.memory_space<vmem_shared>>) dst(%dma_wait3A_52 : memref<128x128xf32, #tpu.memory_space<hbm>>)
      tpu.yield
    }) : () -> ()
    %add3A_33 = arith.constant 128 : i32
    %add3A_34 = arith.addi %mul3A_8, %add3A_33 : i32
    %add3A_35 = arith.constant 128 : i32
    %add3A_36 = arith.addi %add3A_28, %add3A_35 : i32
    "tpu.region"() ({
      %run_scoped3A = tpu.sem_alloc : memref<!tpu.dma_semaphore, #tpu.memory_space<semaphore_mem>>
      %dma_start3A = arith.constant 0 : i32
      %dma_start3A_49 = tpu.memref_slice %arg5[%add3A_36, %dma_start3A] : memref<20480x128xf32, #tpu.memory_space<hbm>> -> memref<128x128xf32, #tpu.memory_space<hbm>>
      %dma_start3A_50 = arith.constant 0 : i32
      %dma_start3A_51 = tpu.memref_slice %arg10[%add3A_34, %dma_start3A_50] : memref<10240x128xf32, #tpu.memory_space<vmem_shared>> -> memref<128x128xf32, #tpu.memory_space<vmem_shared>>
      tpu.enqueue_dma source(%dma_start3A_51 : memref<128x128xf32, #tpu.memory_space<vmem_shared>>) target(%dma_start3A_49 : memref<128x128xf32, #tpu.memory_space<hbm>>) target_semaphore(%run_scoped3A : memref<!tpu.dma_semaphore, #tpu.memory_space<semaphore_mem>>)
      %dma_wait3A = arith.constant 0 : i32
      %dma_wait3A_52 = tpu.memref_slice %arg5[%add3A_36, %dma_wait3A] : memref<20480x128xf32, #tpu.memory_space<hbm>> -> memref<128x128xf32, #tpu.memory_space<hbm>>
      %dma_wait3A_53 = arith.constant 0 : i32
      %dma_wait3A_54 = tpu.memref_slice %arg10[%add3A_34, %dma_wait3A_53] : memref<10240x128xf32, #tpu.memory_space<vmem_shared>> -> memref<128x128xf32, #tpu.memory_space<vmem_shared>>
      tpu.wait_dma2 semaphore(%run_scoped3A : memref<!tpu.dma_semaphore, #tpu.memory_space<semaphore_mem>>) src(%dma_wait3A_54 : memref<128x128xf32, #tpu.memory_space<vmem_shared>>) dst(%dma_wait3A_52 : memref<128x128xf32, #tpu.memory_space<hbm>>)
      tpu.yield
    }) : () -> ()
    %add3A_37 = arith.constant 256 : i32
    %add3A_38 = arith.addi %mul3A_8, %add3A_37 : i32
    %add3A_39 = arith.constant 256 : i32
    %add3A_40 = arith.addi %add3A_28, %add3A_39 : i32
    "tpu.region"() ({
      %run_scoped3A = tpu.sem_alloc : memref<!tpu.dma_semaphore, #tpu.memory_space<semaphore_mem>>
      %dma_start3A = arith.constant 0 : i32
      %dma_start3A_49 = tpu.memref_slice %arg5[%add3A_40, %dma_start3A] : memref<20480x128xf32, #tpu.memory_space<hbm>> -> memref<128x128xf32, #tpu.memory_space<hbm>>
      %dma_start3A_50 = arith.constant 0 : i32
      %dma_start3A_51 = tpu.memref_slice %arg10[%add3A_38, %dma_start3A_50] : memref<10240x128xf32, #tpu.memory_space<vmem_shared>> -> memref<128x128xf32, #tpu.memory_space<vmem_shared>>
      tpu.enqueue_dma source(%dma_start3A_51 : memref<128x128xf32, #tpu.memory_space<vmem_shared>>) target(%dma_start3A_49 : memref<128x128xf32, #tpu.memory_space<hbm>>) target_semaphore(%run_scoped3A : memref<!tpu.dma_semaphore, #tpu.memory_space<semaphore_mem>>)
      %dma_wait3A = arith.constant 0 : i32
      %dma_wait3A_52 = tpu.memref_slice %arg5[%add3A_40, %dma_wait3A] : memref<20480x128xf32, #tpu.memory_space<hbm>> -> memref<128x128xf32, #tpu.memory_space<hbm>>
      %dma_wait3A_53 = arith.constant 0 : i32
      %dma_wait3A_54 = tpu.memref_slice %arg10[%add3A_38, %dma_wait3A_53] : memref<10240x128xf32, #tpu.memory_space<vmem_shared>> -> memref<128x128xf32, #tpu.memory_space<vmem_shared>>
      tpu.wait_dma2 semaphore(%run_scoped3A : memref<!tpu.dma_semaphore, #tpu.memory_space<semaphore_mem>>) src(%dma_wait3A_54 : memref<128x128xf32, #tpu.memory_space<vmem_shared>>) dst(%dma_wait3A_52 : memref<128x128xf32, #tpu.memory_space<hbm>>)
      tpu.yield
    }) : () -> ()
    %add3A_41 = arith.constant 384 : i32
    %add3A_42 = arith.addi %mul3A_8, %add3A_41 : i32
    %add3A_43 = arith.constant 384 : i32
    %add3A_44 = arith.addi %add3A_28, %add3A_43 : i32
    "tpu.region"() ({
      %run_scoped3A = tpu.sem_alloc : memref<!tpu.dma_semaphore, #tpu.memory_space<semaphore_mem>>
      %dma_start3A = arith.constant 0 : i32
      %dma_start3A_49 = tpu.memref_slice %arg5[%add3A_44, %dma_start3A] : memref<20480x128xf32, #tpu.memory_space<hbm>> -> memref<128x128xf32, #tpu.memory_space<hbm>>
      %dma_start3A_50 = arith.constant 0 : i32
      %dma_start3A_51 = tpu.memref_slice %arg10[%add3A_42, %dma_start3A_50] : memref<10240x128xf32, #tpu.memory_space<vmem_shared>> -> memref<128x128xf32, #tpu.memory_space<vmem_shared>>
      tpu.enqueue_dma source(%dma_start3A_51 : memref<128x128xf32, #tpu.memory_space<vmem_shared>>) target(%dma_start3A_49 : memref<128x128xf32, #tpu.memory_space<hbm>>) target_semaphore(%run_scoped3A : memref<!tpu.dma_semaphore, #tpu.memory_space<semaphore_mem>>)
      %dma_wait3A = arith.constant 0 : i32
      %dma_wait3A_52 = tpu.memref_slice %arg5[%add3A_44, %dma_wait3A] : memref<20480x128xf32, #tpu.memory_space<hbm>> -> memref<128x128xf32, #tpu.memory_space<hbm>>
      %dma_wait3A_53 = arith.constant 0 : i32
      %dma_wait3A_54 = tpu.memref_slice %arg10[%add3A_42, %dma_wait3A_53] : memref<10240x128xf32, #tpu.memory_space<vmem_shared>> -> memref<128x128xf32, #tpu.memory_space<vmem_shared>>
      tpu.wait_dma2 semaphore(%run_scoped3A : memref<!tpu.dma_semaphore, #tpu.memory_space<semaphore_mem>>) src(%dma_wait3A_54 : memref<128x128xf32, #tpu.memory_space<vmem_shared>>) dst(%dma_wait3A_52 : memref<128x128xf32, #tpu.memory_space<hbm>>)
      tpu.yield
    }) : () -> ()
    %add3A_45 = arith.constant 512 : i32
    %add3A_46 = arith.addi %mul3A_8, %add3A_45 : i32
    %add3A_47 = arith.constant 512 : i32
    %add3A_48 = arith.addi %add3A_28, %add3A_47 : i32
    "tpu.region"() ({
      %run_scoped3A = tpu.sem_alloc : memref<!tpu.dma_semaphore, #tpu.memory_space<semaphore_mem>>
      %dma_start3A = arith.constant 0 : i32
      %dma_start3A_49 = tpu.memref_slice %arg5[%add3A_48, %dma_start3A] : memref<20480x128xf32, #tpu.memory_space<hbm>> -> memref<128x128xf32, #tpu.memory_space<hbm>>
      %dma_start3A_50 = arith.constant 0 : i32
      %dma_start3A_51 = tpu.memref_slice %arg10[%add3A_46, %dma_start3A_50] : memref<10240x128xf32, #tpu.memory_space<vmem_shared>> -> memref<128x128xf32, #tpu.memory_space<vmem_shared>>
      tpu.enqueue_dma source(%dma_start3A_51 : memref<128x128xf32, #tpu.memory_space<vmem_shared>>) target(%dma_start3A_49 : memref<128x128xf32, #tpu.memory_space<hbm>>) target_semaphore(%run_scoped3A : memref<!tpu.dma_semaphore, #tpu.memory_space<semaphore_mem>>)
      %dma_wait3A = arith.constant 0 : i32
      %dma_wait3A_52 = tpu.memref_slice %arg5[%add3A_48, %dma_wait3A] : memref<20480x128xf32, #tpu.memory_space<hbm>> -> memref<128x128xf32, #tpu.memory_space<hbm>>
      %dma_wait3A_53 = arith.constant 0 : i32
      %dma_wait3A_54 = tpu.memref_slice %arg10[%add3A_46, %dma_wait3A_53] : memref<10240x128xf32, #tpu.memory_space<vmem_shared>> -> memref<128x128xf32, #tpu.memory_space<vmem_shared>>
      tpu.wait_dma2 semaphore(%run_scoped3A : memref<!tpu.dma_semaphore, #tpu.memory_space<semaphore_mem>>) src(%dma_wait3A_54 : memref<128x128xf32, #tpu.memory_space<vmem_shared>>) dst(%dma_wait3A_52 : memref<128x128xf32, #tpu.memory_space<hbm>>)
      tpu.yield
    }) : () -> ()
    return
  }
}

module attributes {stable_mosaic.version = 14 : i64} {
  func.func @body(%arg0: i32, %arg1: memref<128x128xf32, #tpu.memory_space<vmem>>, %arg2: memref<128x128xf32, #tpu.memory_space<vmem>>, %arg3: memref<128x128xf32, #tpu.memory_space<vmem>>, %arg4: memref<128x128xf32, #tpu.memory_space<vmem>>, %arg5: memref<128x128xf32, #tpu.memory_space<vmem>>, %arg6: memref<128x128xf32, #tpu.memory_space<vmem>>) attributes {dimension_semantics = [#tpu.dimension_semantics<arbitrary>], iteration_bounds = array<i64: 80>, scalar_prefetch = 0 : i64, scratch_operands = 0 : i64, tpu.core_type = #tpu.core_type<tc>, window_params = [{transform_indices = @transform_0, window_bounds = array<i64: 128, 128>}, {pipeline_mode = #tpu.pipeline_mode<synchronous>, transform_indices = @transform_1, window_bounds = array<i64: 128, 128>}, {transform_indices = @transform_2, window_bounds = array<i64: 128, 128>}, {transform_indices = @transform_3, window_bounds = array<i64: 128, 128>}, {transform_indices = @transform_4, window_bounds = array<i64: 128, 128>}, {transform_indices = @transform_5, window_bounds = array<i64: 128, 128>}]} {
    %get3A = arith.constant 0 : index
    %get3A_0 = arith.constant 0 : index
    %get3A_1 = vector.load %arg3[%get3A, %get3A_0] : memref<128x128xf32, #tpu.memory_space<vmem>>, vector<128x128xf32>
    %get3A_2 = arith.constant 0 : index
    %get3A_3 = arith.constant 0 : index
    %get3A_4 = vector.load %arg4[%get3A_2, %get3A_3] : memref<128x128xf32, #tpu.memory_space<vmem>>, vector<128x128xf32>
    %add3A = arith.addf %get3A_1, %get3A_4 : vector<128x128xf32>
    %reduce_sum3A = arith.constant dense<0.000000e+00> : vector<128xf32>
    %reduce_sum3A_5 = vector.multi_reduction <add>, %add3A, %reduce_sum3A [1] : vector<128x128xf32> to vector<128xf32>
    %broadcast_in_dim3A = vector.shape_cast %reduce_sum3A_5 : vector<128xf32> to vector<128x1xf32>
    %add3A_6 = arith.constant 1.000000e+00 : f32
    %add3A_7 = vector.broadcast %add3A_6 : f32 to vector<128x1xf32>
    %add3A_8 = arith.addf %broadcast_in_dim3A, %add3A_7 : vector<128x1xf32>
    %rsqrt3A = math.rsqrt %add3A_8 : vector<128x1xf32>
    %broadcast_in_dim3A_9 = vector.shape_cast %rsqrt3A : vector<128x1xf32> to vector<128x1xf32>
    %broadcast_in_dim3A_10 = vector.broadcast %broadcast_in_dim3A_9 : vector<128x1xf32> to vector<128x128xf32>
    %swap3A = arith.constant 0 : index
    %swap3A_11 = arith.constant 0 : index
    %swap3A_12 = vector.load %arg6[%swap3A, %swap3A_11] : memref<128x128xf32, #tpu.memory_space<vmem>>, vector<128x128xf32>
    tpu.vector_store %arg6[%swap3A, %swap3A_11], %broadcast_in_dim3A_10 {strides = array<i32>} : memref<128x128xf32, #tpu.memory_space<vmem>>, vector<128x128xf32>,
    %get3A_13 = arith.constant 0 : index
    %get3A_14 = arith.constant 0 : index
    %get3A_15 = vector.load %arg1[%get3A_13, %get3A_14] : memref<128x128xf32, #tpu.memory_space<vmem>>, vector<128x128xf32>
    %get3A_16 = arith.constant 0 : index
    %get3A_17 = arith.constant 0 : index
    %get3A_18 = vector.load %arg2[%get3A_16, %get3A_17] : memref<128x128xf32, #tpu.memory_space<vmem>>, vector<128x128xf32>
    %dot_general3A = arith.constant dense<0.000000e+00> : vector<128x128xf32>
    %dot_general3A_19 = tpu.matmul %get3A_15, %get3A_18, %dot_general3A {dimension_numbers = #tpu.dot_dimension_numbers<[1], [0], [0], [1], [0, 0, 1, 1], [], []>, transpose_lhs_hint = false} : vector<128x128xf32>, vector<128x128xf32>, vector<128x128xf32> -> vector<128x128xf32>
    %mul3A = arith.mulf %dot_general3A_19, %broadcast_in_dim3A_10 : vector<128x128xf32>
    %swap3A_20 = arith.constant 0 : index
    %swap3A_21 = arith.constant 0 : index
    %swap3A_22 = vector.load %arg5[%swap3A_20, %swap3A_21] : memref<128x128xf32, #tpu.memory_space<vmem>>, vector<128x128xf32>
    tpu.vector_store %arg5[%swap3A_20, %swap3A_21], %mul3A {strides = array<i32>} : memref<128x128xf32, #tpu.memory_space<vmem>>, vector<128x128xf32>,
    return
  }
  func.func @transform_0(%arg0: i32) -> (i32, i32) {
    %c0_i32 = arith.constant 0 : i32
    %c0_i32_0 = arith.constant 0 : i32
    return %arg0, %c0_i32 : i32, i32
  }
  func.func @transform_1(%arg0: i32) -> (i32, i32) {
    %c0_i32 = arith.constant 0 : i32
    %c0_i32_0 = arith.constant 0 : i32
    %c0_i32_1 = arith.constant 0 : i32
    return %c0_i32, %c0_i32_0 : i32, i32
  }
  func.func @transform_2(%arg0: i32) -> (i32, i32) {
    %c0_i32 = arith.constant 0 : i32
    %c0_i32_0 = arith.constant 0 : i32
    return %arg0, %c0_i32 : i32, i32
  }
  func.func @transform_3(%arg0: i32) -> (i32, i32) {
    %add3A = arith.constant 80 : i32
    %add3A_0 = arith.addi %arg0, %add3A : i32
    %c0_i32 = arith.constant 0 : i32
    %c0_i32_1 = arith.constant 0 : i32
    return %add3A_0, %c0_i32 : i32, i32
  }
  func.func @transform_4(%arg0: i32) -> (i32, i32) {
    %c0_i32 = arith.constant 0 : i32
    %c0_i32_0 = arith.constant 0 : i32
    return %arg0, %c0_i32 : i32, i32
  }
  func.func @transform_5(%arg0: i32) -> (i32, i32) {
    %c0_i32 = arith.constant 0 : i32
    %c0_i32_0 = arith.constant 0 : i32
    return %arg0, %c0_i32 : i32, i32
  }
}

module attributes {stable_mosaic.version = 14 : i64} {
  func.func @body(%arg0: i32, %arg1: memref<128x128xf32, #tpu.memory_space<vmem>>, %arg2: memref<128x128xf32, #tpu.memory_space<vmem>>, %arg3: memref<128x128xf32, #tpu.memory_space<vmem>>, %arg4: memref<128x128xf32, #tpu.memory_space<vmem>>, %arg5: memref<1x128xf32, #tpu.memory_space<vmem>>, %arg6: memref<128x128xf32, #tpu.memory_space<vmem>>, %arg7: memref<128x128xf32, #tpu.memory_space<vmem>>) attributes {dimension_semantics = [#tpu.dimension_semantics<arbitrary>], iteration_bounds = array<i64: 80>, scalar_prefetch = 0 : i64, scratch_operands = 0 : i64, tpu.core_type = #tpu.core_type<tc>, window_params = [{transform_indices = @transform_0, window_bounds = array<i64: 128, 128>}, {transform_indices = @transform_1, window_bounds = array<i64: 128, 128>}, {transform_indices = @transform_2, window_bounds = array<i64: 128, 128>}, {transform_indices = @transform_3, window_bounds = array<i64: 128, 128>}, {pipeline_mode = #tpu.pipeline_mode<synchronous>, transform_indices = @transform_4, window_bounds = array<i64: 1, 128>}, {pipeline_mode = #tpu.pipeline_mode<synchronous>, transform_indices = @transform_5, window_bounds = array<i64: 128, 128>}, {transform_indices = @transform_6, window_bounds = array<i64: 128, 128>}]} {
    %get3A = arith.constant 0 : index
    %get3A_0 = arith.constant 0 : index
    %get3A_1 = vector.load %arg4[%get3A, %get3A_0] : memref<128x128xf32, #tpu.memory_space<vmem>>, vector<128x128xf32>
    %get3A_2 = arith.constant 0 : index
    %get3A_3 = arith.constant 0 : index
    %get3A_4 = vector.load %arg1[%get3A_2, %get3A_3] : memref<128x128xf32, #tpu.memory_space<vmem>>, vector<128x128xf32>
    %get3A_5 = arith.constant 0 : index
    %get3A_6 = arith.constant 0 : index
    %get3A_7 = vector.load %arg2[%get3A_5, %get3A_6] : memref<128x128xf32, #tpu.memory_space<vmem>>, vector<128x128xf32>
    %add3A = arith.addf %get3A_4, %get3A_7 : vector<128x128xf32>
    %get3A_8 = arith.constant 0 : index
    %get3A_9 = arith.constant 0 : index
    %get3A_10 = vector.load %arg3[%get3A_8, %get3A_9] : memref<128x128xf32, #tpu.memory_space<vmem>>, vector<128x128xf32>
    %add3A_11 = arith.addf %add3A, %get3A_10 : vector<128x128xf32>
    %mul3A = arith.mulf %get3A_1, %add3A_11 : vector<128x128xf32>
    %get3A_12 = arith.constant 0 : index
    %get3A_13 = arith.constant 0 : index
    %get3A_14 = vector.load %arg5[%get3A_12, %get3A_13] : memref<1x128xf32, #tpu.memory_space<vmem>>, vector<1x128xf32>
    %add3A_15 = vector.broadcast %get3A_14 : vector<1x128xf32> to vector<128x128xf32>
    %add3A_16 = arith.addf %mul3A, %add3A_15 : vector<128x128xf32>
    %max3A = arith.constant 0.000000e+00 : f32
    %max3A_17 = vector.broadcast %max3A : f32 to vector<128x128xf32>
    %max3A_18 = arith.maximumf %add3A_16, %max3A_17 : vector<128x128xf32>
    %get3A_19 = arith.constant 0 : index
    %get3A_20 = arith.constant 0 : index
    %get3A_21 = vector.load %arg6[%get3A_19, %get3A_20] : memref<128x128xf32, #tpu.memory_space<vmem>>, vector<128x128xf32>
    %dot_general3A = arith.constant dense<0.000000e+00> : vector<128x128xf32>
    %dot_general3A_22 = tpu.matmul %max3A_18, %get3A_21, %dot_general3A {dimension_numbers = #tpu.dot_dimension_numbers<[1], [0], [0], [1], [0, 0, 1, 1], [], []>, transpose_lhs_hint = false} : vector<128x128xf32>, vector<128x128xf32>, vector<128x128xf32> -> vector<128x128xf32>
    %mul3A_23 = arith.mulf %dot_general3A_22, %get3A_1 : vector<128x128xf32>
    %swap3A = arith.constant 0 : index
    %swap3A_24 = arith.constant 0 : index
    %swap3A_25 = vector.load %arg7[%swap3A, %swap3A_24] : memref<128x128xf32, #tpu.memory_space<vmem>>, vector<128x128xf32>
    tpu.vector_store %arg7[%swap3A, %swap3A_24], %mul3A_23 {strides = array<i32>} : memref<128x128xf32, #tpu.memory_space<vmem>>, vector<128x128xf32>,
    return
  }
  func.func @transform_0(%arg0: i32) -> (i32, i32) {
    %c0_i32 = arith.constant 0 : i32
    %c0_i32_0 = arith.constant 0 : i32
    return %arg0, %c0_i32 : i32, i32
  }
  func.func @transform_1(%arg0: i32) -> (i32, i32) {
    %add3A = arith.constant 80 : i32
    %add3A_0 = arith.addi %arg0, %add3A : i32
    %c0_i32 = arith.constant 0 : i32
    %c0_i32_1 = arith.constant 0 : i32
    return %add3A_0, %c0_i32 : i32, i32
  }
  func.func @transform_2(%arg0: i32) -> (i32, i32) {
    %c0_i32 = arith.constant 0 : i32
    %c0_i32_0 = arith.constant 0 : i32
    return %arg0, %c0_i32 : i32, i32
  }
  func.func @transform_3(%arg0: i32) -> (i32, i32) {
    %c0_i32 = arith.constant 0 : i32
    %c0_i32_0 = arith.constant 0 : i32
    return %arg0, %c0_i32 : i32, i32
  }
  func.func @transform_4(%arg0: i32) -> (i32, i32) {
    %c0_i32 = arith.constant 0 : i32
    %c0_i32_0 = arith.constant 0 : i32
    %c0_i32_1 = arith.constant 0 : i32
    return %c0_i32, %c0_i32_0 : i32, i32
  }
  func.func @transform_5(%arg0: i32) -> (i32, i32) {
    %c0_i32 = arith.constant 0 : i32
    %c0_i32_0 = arith.constant 0 : i32
    %c0_i32_1 = arith.constant 0 : i32
    return %c0_i32, %c0_i32_0 : i32, i32
  }
  func.func @transform_6(%arg0: i32) -> (i32, i32) {
    %c0_i32 = arith.constant 0 : i32
    %c0_i32_0 = arith.constant 0 : i32
    return %arg0, %c0_i32 : i32, i32
  }
}

module attributes {stable_mosaic.version = 14 : i64} {
  func.func @body(%arg0: i32, %arg1: memref<128x128xf32, #tpu.memory_space<vmem>>, %arg2: memref<128x128xf32, #tpu.memory_space<vmem>>, %arg3: memref<128x128xf32, #tpu.memory_space<vmem>>, %arg4: memref<128x128xf32, #tpu.memory_space<vmem>>, %arg5: memref<1x128xf32, #tpu.memory_space<vmem>>, %arg6: memref<128x128xi32, #tpu.memory_space<vmem>>, %arg7: memref<1x1x128xi32, #tpu.memory_space<vmem>>, %arg8: memref<384x128xf32, #tpu.memory_space<vmem>>, %arg9: memref<1x128xf32, #tpu.memory_space<vmem>>, %arg10: memref<128x64xf32, #tpu.memory_space<vmem>>, %arg11: memref<1x64xf32, #tpu.memory_space<vmem>>, %arg12: memref<16x64xf32, #tpu.memory_space<vmem>>, %arg13: memref<16x384xf32, #tpu.memory_space<vmem>>, %arg14: memref<16x128xf32, #tpu.memory_space<vmem>>, %arg15: memref<16x128xf32, #tpu.memory_space<vmem>>, %arg16: memref<16x128xf32, #tpu.memory_space<vmem>>) attributes {dimension_semantics = [#tpu.dimension_semantics<arbitrary>], iteration_bounds = array<i64: 80>, scalar_prefetch = 0 : i64, scratch_operands = 3 : i64, tpu.core_type = #tpu.core_type<tc>, window_params = [{transform_indices = @transform_0, window_bounds = array<i64: 128, 128>}, {transform_indices = @transform_1, window_bounds = array<i64: 128, 128>}, {transform_indices = @transform_2, window_bounds = array<i64: 128, 128>}, {transform_indices = @transform_3, window_bounds = array<i64: 128, 128>}, {pipeline_mode = #tpu.pipeline_mode<synchronous>, transform_indices = @transform_4, window_bounds = array<i64: 1, 128>}, {transform_indices = @transform_5, window_bounds = array<i64: 128, 128>}, {transform_indices = @transform_6, window_bounds = array<i64: 1, 1, 128>}, {pipeline_mode = #tpu.pipeline_mode<synchronous>, transform_indices = @transform_7, window_bounds = array<i64: 384, 128>}, {pipeline_mode = #tpu.pipeline_mode<synchronous>, transform_indices = @transform_8, window_bounds = array<i64: 1, 128>}, {pipeline_mode = #tpu.pipeline_mode<synchronous>, transform_indices = @transform_9, window_bounds = array<i64: 128, 64>}, {pipeline_mode = #tpu.pipeline_mode<synchronous>, transform_indices = @transform_10, window_bounds = array<i64: 1, 64>}, {pipeline_mode = #tpu.pipeline_mode<synchronous>, transform_indices = @transform_11, window_bounds = array<i64: 16, 64>}, {pipeline_mode = #tpu.pipeline_mode<synchronous>, transform_indices = @transform_12, window_bounds = array<i64: 16, 384>}]} {
    %eq3A = arith.constant 0 : i32
    %eq3A_0 = arith.cmpi eq, %arg0, %eq3A : i32
    %convert_element_type3A = arith.extui %eq3A_0 : i1 to i32
    %cond3A = arith.constant 0 : i32
    %cond3A_1 = arith.cmpi ne, %convert_element_type3A, %cond3A : i32
    scf.if %cond3A_1 {
      %broadcast_in_dim3A_308 = arith.constant 0.000000e+00 : f32
      %broadcast_in_dim3A_309 = vector.broadcast %broadcast_in_dim3A_308 : f32 to vector<16x128xf32>
      %swap3A_310 = arith.constant 0 : index
      %swap3A_311 = arith.constant 0 : index
      %swap3A_312 = vector.load %arg14[%swap3A_310, %swap3A_311] : memref<16x128xf32, #tpu.memory_space<vmem>>, vector<16x128xf32>
      tpu.vector_store %arg14[%swap3A_310, %swap3A_311], %broadcast_in_dim3A_309 {strides = array<i32>} : memref<16x128xf32, #tpu.memory_space<vmem>>, vector<16x128xf32>,
      %broadcast_in_dim3A_313 = arith.constant 0.000000e+00 : f32
      %broadcast_in_dim3A_314 = vector.broadcast %broadcast_in_dim3A_313 : f32 to vector<16x128xf32>
      %swap3A_315 = arith.constant 0 : index
      %swap3A_316 = arith.constant 0 : index
      %swap3A_317 = vector.load %arg16[%swap3A_315, %swap3A_316] : memref<16x128xf32, #tpu.memory_space<vmem>>, vector<16x128xf32>
      tpu.vector_store %arg16[%swap3A_315, %swap3A_316], %broadcast_in_dim3A_314 {strides = array<i32>} : memref<16x128xf32, #tpu.memory_space<vmem>>, vector<16x128xf32>,
      %broadcast_in_dim3A_318 = arith.constant 0xFF800000 : f32
      %broadcast_in_dim3A_319 = vector.broadcast %broadcast_in_dim3A_318 : f32 to vector<16x128xf32>
      %swap3A_320 = arith.constant 0 : index
      %swap3A_321 = arith.constant 0 : index
      %swap3A_322 = vector.load %arg15[%swap3A_320, %swap3A_321] : memref<16x128xf32, #tpu.memory_space<vmem>>, vector<16x128xf32>
      tpu.vector_store %arg15[%swap3A_320, %swap3A_321], %broadcast_in_dim3A_319 {strides = array<i32>} : memref<16x128xf32, #tpu.memory_space<vmem>>, vector<16x128xf32>,
    } else {
    }
    %get3A = arith.constant 0 : index
    %get3A_2 = arith.constant 0 : index
    %get3A_3 = vector.load %arg4[%get3A, %get3A_2] : memref<128x128xf32, #tpu.memory_space<vmem>>, vector<128x128xf32>
    %get3A_4 = arith.constant 0 : index
    %get3A_5 = arith.constant 0 : index
    %get3A_6 = vector.load %arg1[%get3A_4, %get3A_5] : memref<128x128xf32, #tpu.memory_space<vmem>>, vector<128x128xf32>
    %get3A_7 = arith.constant 0 : index
    %get3A_8 = arith.constant 0 : index
    %get3A_9 = vector.load %arg2[%get3A_7, %get3A_8] : memref<128x128xf32, #tpu.memory_space<vmem>>, vector<128x128xf32>
    %add3A = arith.addf %get3A_6, %get3A_9 : vector<128x128xf32>
    %get3A_10 = arith.constant 0 : index
    %get3A_11 = arith.constant 0 : index
    %get3A_12 = vector.load %arg3[%get3A_10, %get3A_11] : memref<128x128xf32, #tpu.memory_space<vmem>>, vector<128x128xf32>
    %add3A_13 = arith.addf %add3A, %get3A_12 : vector<128x128xf32>
    %mul3A = arith.mulf %get3A_3, %add3A_13 : vector<128x128xf32>
    %get3A_14 = arith.constant 0 : index
    %get3A_15 = arith.constant 0 : index
    %get3A_16 = vector.load %arg5[%get3A_14, %get3A_15] : memref<1x128xf32, #tpu.memory_space<vmem>>, vector<1x128xf32>
    %add3A_17 = vector.broadcast %get3A_16 : vector<1x128xf32> to vector<128x128xf32>
    %add3A_18 = arith.addf %mul3A, %add3A_17 : vector<128x128xf32>
    %max3A = arith.constant 0.000000e+00 : f32
    %max3A_19 = vector.broadcast %max3A : f32 to vector<128x128xf32>
    %max3A_20 = arith.maximumf %add3A_18, %max3A_19 : vector<128x128xf32>
    %get3A_21 = arith.constant 0 : index
    %get3A_22 = arith.constant 0 : index
    %get3A_23 = vector.load %arg6[%get3A_21, %get3A_22] : memref<128x128xi32, #tpu.memory_space<vmem>>, vector<128x128xi32>
    %get3A_24 = arith.constant 0 : index
    %get3A_25 = arith.constant 0 : index
    %get3A_26 = arith.constant 0 : index
    %get3A_27 = vector.load %arg7[%get3A_24, %get3A_25, %get3A_26] : memref<1x1x128xi32, #tpu.memory_space<vmem>>, vector<1x1x128xi32>
    %reshape3A = vector.shape_cast %get3A_27 : vector<1x1x128xi32> to vector<1x128xi32>
    %iota3A = tpu.iota {dimensions = array<i32: 0>} : vector<16x128xi32>
    %broadcast_in_dim3A = vector.shape_cast %reshape3A : vector<1x128xi32> to vector<1x128xi32>
    %broadcast_in_dim3A_28 = vector.broadcast %broadcast_in_dim3A : vector<1x128xi32> to vector<16x128xi32>
    %eq3A_29 = arith.cmpi eq, %iota3A, %broadcast_in_dim3A_28 : vector<16x128xi32>
    %convert_element_type3A_30 = arith.extui %eq3A_29 : vector<16x128xi1> to vector<16x128xi32>
    %convert_element_type3A_31 = arith.sitofp %convert_element_type3A_30 : vector<16x128xi32> to vector<16x128xf32>
    %get3A_32 = arith.constant 0 : index
    %get3A_33 = arith.constant 0 : index
    %get3A_34 = vector.load %arg14[%get3A_32, %get3A_33] : memref<16x128xf32, #tpu.memory_space<vmem>>, vector<16x128xf32>
    %dot_general3A = arith.constant dense<0.000000e+00> : vector<16x128xf32>
    %dot_general3A_35 = tpu.matmul %convert_element_type3A_31, %max3A_20, %dot_general3A {dimension_numbers = #tpu.dot_dimension_numbers<[1], [0], [0], [1], [0, 0, 1, 1], [], []>, transpose_lhs_hint = false} : vector<16x128xf32>, vector<128x128xf32>, vector<16x128xf32> -> vector<16x128xf32>
    %add3A_36 = arith.addf %get3A_34, %dot_general3A_35 : vector<16x128xf32>
    %swap3A = arith.constant 0 : index
    %swap3A_37 = arith.constant 0 : index
    %swap3A_38 = vector.load %arg14[%swap3A, %swap3A_37] : memref<16x128xf32, #tpu.memory_space<vmem>>, vector<16x128xf32>
    tpu.vector_store %arg14[%swap3A, %swap3A_37], %add3A_36 {strides = array<i32>} : memref<16x128xf32, #tpu.memory_space<vmem>>, vector<16x128xf32>,
    %get3A_39 = arith.constant 0 : index
    %get3A_40 = arith.constant 0 : index
    %get3A_41 = vector.load %arg16[%get3A_39, %get3A_40] : memref<16x128xf32, #tpu.memory_space<vmem>>, vector<16x128xf32>
    %reduce_sum3A = arith.constant dense<0.000000e+00> : vector<16xf32>
    %reduce_sum3A_42 = vector.multi_reduction <add>, %convert_element_type3A_31, %reduce_sum3A [1] : vector<16x128xf32> to vector<16xf32>
    %broadcast_in_dim3A_43 = vector.shape_cast %reduce_sum3A_42 : vector<16xf32> to vector<16x1xf32>
    %broadcast_in_dim3A_44 = vector.shape_cast %broadcast_in_dim3A_43 : vector<16x1xf32> to vector<16x1xf32>
    %broadcast_in_dim3A_45 = vector.broadcast %broadcast_in_dim3A_44 : vector<16x1xf32> to vector<16x128xf32>
    %add3A_46 = arith.addf %get3A_41, %broadcast_in_dim3A_45 : vector<16x128xf32>
    %swap3A_47 = arith.constant 0 : index
    %swap3A_48 = arith.constant 0 : index
    %swap3A_49 = vector.load %arg16[%swap3A_47, %swap3A_48] : memref<16x128xf32, #tpu.memory_space<vmem>>, vector<16x128xf32>
    tpu.vector_store %arg16[%swap3A_47, %swap3A_48], %add3A_46 {strides = array<i32>} : memref<16x128xf32, #tpu.memory_space<vmem>>, vector<16x128xf32>,
    %eq3A_50 = arith.constant 0 : i32
    %eq3A_51 = vector.broadcast %eq3A_50 : i32 to vector<128x128xi32>
    %eq3A_52 = arith.cmpi eq, %get3A_23, %eq3A_51 : vector<128x128xi32>
    %jit3A = arith.constant 0xFF800000 : f32
    %broadcast_in_dim3A_53 = vector.broadcast %jit3A : f32 to vector<128x128xf32>
    %select_n3A = arith.select %eq3A_52, %max3A_20, %broadcast_in_dim3A_53 : vector<128x128xi1>, vector<128x128xf32>
    %get3A_54 = arith.constant 0 : index
    %get3A_55 = arith.constant 0 : index
    %get3A_56 = vector.load %arg15[%get3A_54, %get3A_55] : memref<16x128xf32, #tpu.memory_space<vmem>>, vector<1x128xf32>
    %reduce_max3A = arith.constant dense<0xFF800000> : vector<128xf32>
    %reduce_max3A_57 = vector.multi_reduction <maximumf>, %select_n3A, %reduce_max3A [0] : vector<128x128xf32> to vector<128xf32>
    %broadcast_in_dim3A_58 = vector.shape_cast %reduce_max3A_57 : vector<128xf32> to vector<1x128xf32>
    %max3A_59 = arith.maximumf %get3A_56, %broadcast_in_dim3A_58 : vector<1x128xf32>
    %swap3A_60 = arith.constant 0 : index
    %swap3A_61 = arith.constant 0 : index
    %swap3A_62 = vector.load %arg15[%swap3A_60, %swap3A_61] : memref<16x128xf32, #tpu.memory_space<vmem>>, vector<1x128xf32>
    tpu.vector_store %arg15[%swap3A_60, %swap3A_61], %max3A_59 {strides = array<i32>} : memref<16x128xf32, #tpu.memory_space<vmem>>, vector<1x128xf32>,
    %eq3A_63 = arith.constant 1 : i32
    %eq3A_64 = vector.broadcast %eq3A_63 : i32 to vector<128x128xi32>
    %eq3A_65 = arith.cmpi eq, %get3A_23, %eq3A_64 : vector<128x128xi32>
    %jit3A_66 = arith.constant 0xFF800000 : f32
    %broadcast_in_dim3A_67 = vector.broadcast %jit3A_66 : f32 to vector<128x128xf32>
    %select_n3A_68 = arith.select %eq3A_65, %max3A_20, %broadcast_in_dim3A_67 : vector<128x128xi1>, vector<128x128xf32>
    %get3A_69 = arith.constant 1 : index
    %get3A_70 = arith.constant 0 : index
    %get3A_71 = vector.load %arg15[%get3A_69, %get3A_70] : memref<16x128xf32, #tpu.memory_space<vmem>>, vector<1x128xf32>
    %reduce_max3A_72 = arith.constant dense<0xFF800000> : vector<128xf32>
    %reduce_max3A_73 = vector.multi_reduction <maximumf>, %select_n3A_68, %reduce_max3A_72 [0] : vector<128x128xf32> to vector<128xf32>
    %broadcast_in_dim3A_74 = vector.shape_cast %reduce_max3A_73 : vector<128xf32> to vector<1x128xf32>
    %max3A_75 = arith.maximumf %get3A_71, %broadcast_in_dim3A_74 : vector<1x128xf32>
    %swap3A_76 = arith.constant 1 : index
    %swap3A_77 = arith.constant 0 : index
    %swap3A_78 = vector.load %arg15[%swap3A_76, %swap3A_77] : memref<16x128xf32, #tpu.memory_space<vmem>>, vector<1x128xf32>
    tpu.vector_store %arg15[%swap3A_76, %swap3A_77], %max3A_75 {strides = array<i32>} : memref<16x128xf32, #tpu.memory_space<vmem>>, vector<1x128xf32>,
    %eq3A_79 = arith.constant 2 : i32
    %eq3A_80 = vector.broadcast %eq3A_79 : i32 to vector<128x128xi32>
    %eq3A_81 = arith.cmpi eq, %get3A_23, %eq3A_80 : vector<128x128xi32>
    %jit3A_82 = arith.constant 0xFF800000 : f32
    %broadcast_in_dim3A_83 = vector.broadcast %jit3A_82 : f32 to vector<128x128xf32>
    %select_n3A_84 = arith.select %eq3A_81, %max3A_20, %broadcast_in_dim3A_83 : vector<128x128xi1>, vector<128x128xf32>
    %get3A_85 = arith.constant 2 : index
    %get3A_86 = arith.constant 0 : index
    %get3A_87 = vector.load %arg15[%get3A_85, %get3A_86] : memref<16x128xf32, #tpu.memory_space<vmem>>, vector<1x128xf32>
    %reduce_max3A_88 = arith.constant dense<0xFF800000> : vector<128xf32>
    %reduce_max3A_89 = vector.multi_reduction <maximumf>, %select_n3A_84, %reduce_max3A_88 [0] : vector<128x128xf32> to vector<128xf32>
    %broadcast_in_dim3A_90 = vector.shape_cast %reduce_max3A_89 : vector<128xf32> to vector<1x128xf32>
    %max3A_91 = arith.maximumf %get3A_87, %broadcast_in_dim3A_90 : vector<1x128xf32>
    %swap3A_92 = arith.constant 2 : index
    %swap3A_93 = arith.constant 0 : index
    %swap3A_94 = vector.load %arg15[%swap3A_92, %swap3A_93] : memref<16x128xf32, #tpu.memory_space<vmem>>, vector<1x128xf32>
    tpu.vector_store %arg15[%swap3A_92, %swap3A_93], %max3A_91 {strides = array<i32>} : memref<16x128xf32, #tpu.memory_space<vmem>>, vector<1x128xf32>,
    %eq3A_95 = arith.constant 3 : i32
    %eq3A_96 = vector.broadcast %eq3A_95 : i32 to vector<128x128xi32>
    %eq3A_97 = arith.cmpi eq, %get3A_23, %eq3A_96 : vector<128x128xi32>
    %jit3A_98 = arith.constant 0xFF800000 : f32
    %broadcast_in_dim3A_99 = vector.broadcast %jit3A_98 : f32 to vector<128x128xf32>
    %select_n3A_100 = arith.select %eq3A_97, %max3A_20, %broadcast_in_dim3A_99 : vector<128x128xi1>, vector<128x128xf32>
    %get3A_101 = arith.constant 3 : index
    %get3A_102 = arith.constant 0 : index
    %get3A_103 = vector.load %arg15[%get3A_101, %get3A_102] : memref<16x128xf32, #tpu.memory_space<vmem>>, vector<1x128xf32>
    %reduce_max3A_104 = arith.constant dense<0xFF800000> : vector<128xf32>
    %reduce_max3A_105 = vector.multi_reduction <maximumf>, %select_n3A_100, %reduce_max3A_104 [0] : vector<128x128xf32> to vector<128xf32>
    %broadcast_in_dim3A_106 = vector.shape_cast %reduce_max3A_105 : vector<128xf32> to vector<1x128xf32>
    %max3A_107 = arith.maximumf %get3A_103, %broadcast_in_dim3A_106 : vector<1x128xf32>
    %swap3A_108 = arith.constant 3 : index
    %swap3A_109 = arith.constant 0 : index
    %swap3A_110 = vector.load %arg15[%swap3A_108, %swap3A_109] : memref<16x128xf32, #tpu.memory_space<vmem>>, vector<1x128xf32>
    tpu.vector_store %arg15[%swap3A_108, %swap3A_109], %max3A_107 {strides = array<i32>} : memref<16x128xf32, #tpu.memory_space<vmem>>, vector<1x128xf32>,
    %eq3A_111 = arith.constant 4 : i32
    %eq3A_112 = vector.broadcast %eq3A_111 : i32 to vector<128x128xi32>
    %eq3A_113 = arith.cmpi eq, %get3A_23, %eq3A_112 : vector<128x128xi32>
    %jit3A_114 = arith.constant 0xFF800000 : f32
    %broadcast_in_dim3A_115 = vector.broadcast %jit3A_114 : f32 to vector<128x128xf32>
    %select_n3A_116 = arith.select %eq3A_113, %max3A_20, %broadcast_in_dim3A_115 : vector<128x128xi1>, vector<128x128xf32>
    %get3A_117 = arith.constant 4 : index
    %get3A_118 = arith.constant 0 : index
    %get3A_119 = vector.load %arg15[%get3A_117, %get3A_118] : memref<16x128xf32, #tpu.memory_space<vmem>>, vector<1x128xf32>
    %reduce_max3A_120 = arith.constant dense<0xFF800000> : vector<128xf32>
    %reduce_max3A_121 = vector.multi_reduction <maximumf>, %select_n3A_116, %reduce_max3A_120 [0] : vector<128x128xf32> to vector<128xf32>
    %broadcast_in_dim3A_122 = vector.shape_cast %reduce_max3A_121 : vector<128xf32> to vector<1x128xf32>
    %max3A_123 = arith.maximumf %get3A_119, %broadcast_in_dim3A_122 : vector<1x128xf32>
    %swap3A_124 = arith.constant 4 : index
    %swap3A_125 = arith.constant 0 : index
    %swap3A_126 = vector.load %arg15[%swap3A_124, %swap3A_125] : memref<16x128xf32, #tpu.memory_space<vmem>>, vector<1x128xf32>
    tpu.vector_store %arg15[%swap3A_124, %swap3A_125], %max3A_123 {strides = array<i32>} : memref<16x128xf32, #tpu.memory_space<vmem>>, vector<1x128xf32>,
    %eq3A_127 = arith.constant 5 : i32
    %eq3A_128 = vector.broadcast %eq3A_127 : i32 to vector<128x128xi32>
    %eq3A_129 = arith.cmpi eq, %get3A_23, %eq3A_128 : vector<128x128xi32>
    %jit3A_130 = arith.constant 0xFF800000 : f32
    %broadcast_in_dim3A_131 = vector.broadcast %jit3A_130 : f32 to vector<128x128xf32>
    %select_n3A_132 = arith.select %eq3A_129, %max3A_20, %broadcast_in_dim3A_131 : vector<128x128xi1>, vector<128x128xf32>
    %get3A_133 = arith.constant 5 : index
    %get3A_134 = arith.constant 0 : index
    %get3A_135 = vector.load %arg15[%get3A_133, %get3A_134] : memref<16x128xf32, #tpu.memory_space<vmem>>, vector<1x128xf32>
    %reduce_max3A_136 = arith.constant dense<0xFF800000> : vector<128xf32>
    %reduce_max3A_137 = vector.multi_reduction <maximumf>, %select_n3A_132, %reduce_max3A_136 [0] : vector<128x128xf32> to vector<128xf32>
    %broadcast_in_dim3A_138 = vector.shape_cast %reduce_max3A_137 : vector<128xf32> to vector<1x128xf32>
    %max3A_139 = arith.maximumf %get3A_135, %broadcast_in_dim3A_138 : vector<1x128xf32>
    %swap3A_140 = arith.constant 5 : index
    %swap3A_141 = arith.constant 0 : index
    %swap3A_142 = vector.load %arg15[%swap3A_140, %swap3A_141] : memref<16x128xf32, #tpu.memory_space<vmem>>, vector<1x128xf32>
    tpu.vector_store %arg15[%swap3A_140, %swap3A_141], %max3A_139 {strides = array<i32>} : memref<16x128xf32, #tpu.memory_space<vmem>>, vector<1x128xf32>,
    %eq3A_143 = arith.constant 6 : i32
    %eq3A_144 = vector.broadcast %eq3A_143 : i32 to vector<128x128xi32>
    %eq3A_145 = arith.cmpi eq, %get3A_23, %eq3A_144 : vector<128x128xi32>
    %jit3A_146 = arith.constant 0xFF800000 : f32
    %broadcast_in_dim3A_147 = vector.broadcast %jit3A_146 : f32 to vector<128x128xf32>
    %select_n3A_148 = arith.select %eq3A_145, %max3A_20, %broadcast_in_dim3A_147 : vector<128x128xi1>, vector<128x128xf32>
    %get3A_149 = arith.constant 6 : index
    %get3A_150 = arith.constant 0 : index
    %get3A_151 = vector.load %arg15[%get3A_149, %get3A_150] : memref<16x128xf32, #tpu.memory_space<vmem>>, vector<1x128xf32>
    %reduce_max3A_152 = arith.constant dense<0xFF800000> : vector<128xf32>
    %reduce_max3A_153 = vector.multi_reduction <maximumf>, %select_n3A_148, %reduce_max3A_152 [0] : vector<128x128xf32> to vector<128xf32>
    %broadcast_in_dim3A_154 = vector.shape_cast %reduce_max3A_153 : vector<128xf32> to vector<1x128xf32>
    %max3A_155 = arith.maximumf %get3A_151, %broadcast_in_dim3A_154 : vector<1x128xf32>
    %swap3A_156 = arith.constant 6 : index
    %swap3A_157 = arith.constant 0 : index
    %swap3A_158 = vector.load %arg15[%swap3A_156, %swap3A_157] : memref<16x128xf32, #tpu.memory_space<vmem>>, vector<1x128xf32>
    tpu.vector_store %arg15[%swap3A_156, %swap3A_157], %max3A_155 {strides = array<i32>} : memref<16x128xf32, #tpu.memory_space<vmem>>, vector<1x128xf32>,
    %eq3A_159 = arith.constant 7 : i32
    %eq3A_160 = vector.broadcast %eq3A_159 : i32 to vector<128x128xi32>
    %eq3A_161 = arith.cmpi eq, %get3A_23, %eq3A_160 : vector<128x128xi32>
    %jit3A_162 = arith.constant 0xFF800000 : f32
    %broadcast_in_dim3A_163 = vector.broadcast %jit3A_162 : f32 to vector<128x128xf32>
    %select_n3A_164 = arith.select %eq3A_161, %max3A_20, %broadcast_in_dim3A_163 : vector<128x128xi1>, vector<128x128xf32>
    %get3A_165 = arith.constant 7 : index
    %get3A_166 = arith.constant 0 : index
    %get3A_167 = vector.load %arg15[%get3A_165, %get3A_166] : memref<16x128xf32, #tpu.memory_space<vmem>>, vector<1x128xf32>
    %reduce_max3A_168 = arith.constant dense<0xFF800000> : vector<128xf32>
    %reduce_max3A_169 = vector.multi_reduction <maximumf>, %select_n3A_164, %reduce_max3A_168 [0] : vector<128x128xf32> to vector<128xf32>
    %broadcast_in_dim3A_170 = vector.shape_cast %reduce_max3A_169 : vector<128xf32> to vector<1x128xf32>
    %max3A_171 = arith.maximumf %get3A_167, %broadcast_in_dim3A_170 : vector<1x128xf32>
    %swap3A_172 = arith.constant 7 : index
    %swap3A_173 = arith.constant 0 : index
    %swap3A_174 = vector.load %arg15[%swap3A_172, %swap3A_173] : memref<16x128xf32, #tpu.memory_space<vmem>>, vector<1x128xf32>
    tpu.vector_store %arg15[%swap3A_172, %swap3A_173], %max3A_171 {strides = array<i32>} : memref<16x128xf32, #tpu.memory_space<vmem>>, vector<1x128xf32>,
    %eq3A_175 = arith.constant 8 : i32
    %eq3A_176 = vector.broadcast %eq3A_175 : i32 to vector<128x128xi32>
    %eq3A_177 = arith.cmpi eq, %get3A_23, %eq3A_176 : vector<128x128xi32>
    %jit3A_178 = arith.constant 0xFF800000 : f32
    %broadcast_in_dim3A_179 = vector.broadcast %jit3A_178 : f32 to vector<128x128xf32>
    %select_n3A_180 = arith.select %eq3A_177, %max3A_20, %broadcast_in_dim3A_179 : vector<128x128xi1>, vector<128x128xf32>
    %get3A_181 = arith.constant 8 : index
    %get3A_182 = arith.constant 0 : index
    %get3A_183 = vector.load %arg15[%get3A_181, %get3A_182] : memref<16x128xf32, #tpu.memory_space<vmem>>, vector<1x128xf32>
    %reduce_max3A_184 = arith.constant dense<0xFF800000> : vector<128xf32>
    %reduce_max3A_185 = vector.multi_reduction <maximumf>, %select_n3A_180, %reduce_max3A_184 [0] : vector<128x128xf32> to vector<128xf32>
    %broadcast_in_dim3A_186 = vector.shape_cast %reduce_max3A_185 : vector<128xf32> to vector<1x128xf32>
    %max3A_187 = arith.maximumf %get3A_183, %broadcast_in_dim3A_186 : vector<1x128xf32>
    %swap3A_188 = arith.constant 8 : index
    %swap3A_189 = arith.constant 0 : index
    %swap3A_190 = vector.load %arg15[%swap3A_188, %swap3A_189] : memref<16x128xf32, #tpu.memory_space<vmem>>, vector<1x128xf32>
    tpu.vector_store %arg15[%swap3A_188, %swap3A_189], %max3A_187 {strides = array<i32>} : memref<16x128xf32, #tpu.memory_space<vmem>>, vector<1x128xf32>,
    %eq3A_191 = arith.constant 9 : i32
    %eq3A_192 = vector.broadcast %eq3A_191 : i32 to vector<128x128xi32>
    %eq3A_193 = arith.cmpi eq, %get3A_23, %eq3A_192 : vector<128x128xi32>
    %jit3A_194 = arith.constant 0xFF800000 : f32
    %broadcast_in_dim3A_195 = vector.broadcast %jit3A_194 : f32 to vector<128x128xf32>
    %select_n3A_196 = arith.select %eq3A_193, %max3A_20, %broadcast_in_dim3A_195 : vector<128x128xi1>, vector<128x128xf32>
    %get3A_197 = arith.constant 9 : index
    %get3A_198 = arith.constant 0 : index
    %get3A_199 = vector.load %arg15[%get3A_197, %get3A_198] : memref<16x128xf32, #tpu.memory_space<vmem>>, vector<1x128xf32>
    %reduce_max3A_200 = arith.constant dense<0xFF800000> : vector<128xf32>
    %reduce_max3A_201 = vector.multi_reduction <maximumf>, %select_n3A_196, %reduce_max3A_200 [0] : vector<128x128xf32> to vector<128xf32>
    %broadcast_in_dim3A_202 = vector.shape_cast %reduce_max3A_201 : vector<128xf32> to vector<1x128xf32>
    %max3A_203 = arith.maximumf %get3A_199, %broadcast_in_dim3A_202 : vector<1x128xf32>
    %swap3A_204 = arith.constant 9 : index
    %swap3A_205 = arith.constant 0 : index
    %swap3A_206 = vector.load %arg15[%swap3A_204, %swap3A_205] : memref<16x128xf32, #tpu.memory_space<vmem>>, vector<1x128xf32>
    tpu.vector_store %arg15[%swap3A_204, %swap3A_205], %max3A_203 {strides = array<i32>} : memref<16x128xf32, #tpu.memory_space<vmem>>, vector<1x128xf32>,
    %eq3A_207 = arith.constant 10 : i32
    %eq3A_208 = vector.broadcast %eq3A_207 : i32 to vector<128x128xi32>
    %eq3A_209 = arith.cmpi eq, %get3A_23, %eq3A_208 : vector<128x128xi32>
    %jit3A_210 = arith.constant 0xFF800000 : f32
    %broadcast_in_dim3A_211 = vector.broadcast %jit3A_210 : f32 to vector<128x128xf32>
    %select_n3A_212 = arith.select %eq3A_209, %max3A_20, %broadcast_in_dim3A_211 : vector<128x128xi1>, vector<128x128xf32>
    %get3A_213 = arith.constant 10 : index
    %get3A_214 = arith.constant 0 : index
    %get3A_215 = vector.load %arg15[%get3A_213, %get3A_214] : memref<16x128xf32, #tpu.memory_space<vmem>>, vector<1x128xf32>
    %reduce_max3A_216 = arith.constant dense<0xFF800000> : vector<128xf32>
    %reduce_max3A_217 = vector.multi_reduction <maximumf>, %select_n3A_212, %reduce_max3A_216 [0] : vector<128x128xf32> to vector<128xf32>
    %broadcast_in_dim3A_218 = vector.shape_cast %reduce_max3A_217 : vector<128xf32> to vector<1x128xf32>
    %max3A_219 = arith.maximumf %get3A_215, %broadcast_in_dim3A_218 : vector<1x128xf32>
    %swap3A_220 = arith.constant 10 : index
    %swap3A_221 = arith.constant 0 : index
    %swap3A_222 = vector.load %arg15[%swap3A_220, %swap3A_221] : memref<16x128xf32, #tpu.memory_space<vmem>>, vector<1x128xf32>
    tpu.vector_store %arg15[%swap3A_220, %swap3A_221], %max3A_219 {strides = array<i32>} : memref<16x128xf32, #tpu.memory_space<vmem>>, vector<1x128xf32>,
    %eq3A_223 = arith.constant 11 : i32
    %eq3A_224 = vector.broadcast %eq3A_223 : i32 to vector<128x128xi32>
    %eq3A_225 = arith.cmpi eq, %get3A_23, %eq3A_224 : vector<128x128xi32>
    %jit3A_226 = arith.constant 0xFF800000 : f32
    %broadcast_in_dim3A_227 = vector.broadcast %jit3A_226 : f32 to vector<128x128xf32>
    %select_n3A_228 = arith.select %eq3A_225, %max3A_20, %broadcast_in_dim3A_227 : vector<128x128xi1>, vector<128x128xf32>
    %get3A_229 = arith.constant 11 : index
    %get3A_230 = arith.constant 0 : index
    %get3A_231 = vector.load %arg15[%get3A_229, %get3A_230] : memref<16x128xf32, #tpu.memory_space<vmem>>, vector<1x128xf32>
    %reduce_max3A_232 = arith.constant dense<0xFF800000> : vector<128xf32>
    %reduce_max3A_233 = vector.multi_reduction <maximumf>, %select_n3A_228, %reduce_max3A_232 [0] : vector<128x128xf32> to vector<128xf32>
    %broadcast_in_dim3A_234 = vector.shape_cast %reduce_max3A_233 : vector<128xf32> to vector<1x128xf32>
    %max3A_235 = arith.maximumf %get3A_231, %broadcast_in_dim3A_234 : vector<1x128xf32>
    %swap3A_236 = arith.constant 11 : index
    %swap3A_237 = arith.constant 0 : index
    %swap3A_238 = vector.load %arg15[%swap3A_236, %swap3A_237] : memref<16x128xf32, #tpu.memory_space<vmem>>, vector<1x128xf32>
    tpu.vector_store %arg15[%swap3A_236, %swap3A_237], %max3A_235 {strides = array<i32>} : memref<16x128xf32, #tpu.memory_space<vmem>>, vector<1x128xf32>,
    %eq3A_239 = arith.constant 12 : i32
    %eq3A_240 = vector.broadcast %eq3A_239 : i32 to vector<128x128xi32>
    %eq3A_241 = arith.cmpi eq, %get3A_23, %eq3A_240 : vector<128x128xi32>
    %jit3A_242 = arith.constant 0xFF800000 : f32
    %broadcast_in_dim3A_243 = vector.broadcast %jit3A_242 : f32 to vector<128x128xf32>
    %select_n3A_244 = arith.select %eq3A_241, %max3A_20, %broadcast_in_dim3A_243 : vector<128x128xi1>, vector<128x128xf32>
    %get3A_245 = arith.constant 12 : index
    %get3A_246 = arith.constant 0 : index
    %get3A_247 = vector.load %arg15[%get3A_245, %get3A_246] : memref<16x128xf32, #tpu.memory_space<vmem>>, vector<1x128xf32>
    %reduce_max3A_248 = arith.constant dense<0xFF800000> : vector<128xf32>
    %reduce_max3A_249 = vector.multi_reduction <maximumf>, %select_n3A_244, %reduce_max3A_248 [0] : vector<128x128xf32> to vector<128xf32>
    %broadcast_in_dim3A_250 = vector.shape_cast %reduce_max3A_249 : vector<128xf32> to vector<1x128xf32>
    %max3A_251 = arith.maximumf %get3A_247, %broadcast_in_dim3A_250 : vector<1x128xf32>
    %swap3A_252 = arith.constant 12 : index
    %swap3A_253 = arith.constant 0 : index
    %swap3A_254 = vector.load %arg15[%swap3A_252, %swap3A_253] : memref<16x128xf32, #tpu.memory_space<vmem>>, vector<1x128xf32>
    tpu.vector_store %arg15[%swap3A_252, %swap3A_253], %max3A_251 {strides = array<i32>} : memref<16x128xf32, #tpu.memory_space<vmem>>, vector<1x128xf32>,
    %eq3A_255 = arith.constant 13 : i32
    %eq3A_256 = vector.broadcast %eq3A_255 : i32 to vector<128x128xi32>
    %eq3A_257 = arith.cmpi eq, %get3A_23, %eq3A_256 : vector<128x128xi32>
    %jit3A_258 = arith.constant 0xFF800000 : f32
    %broadcast_in_dim3A_259 = vector.broadcast %jit3A_258 : f32 to vector<128x128xf32>
    %select_n3A_260 = arith.select %eq3A_257, %max3A_20, %broadcast_in_dim3A_259 : vector<128x128xi1>, vector<128x128xf32>
    %get3A_261 = arith.constant 13 : index
    %get3A_262 = arith.constant 0 : index
    %get3A_263 = vector.load %arg15[%get3A_261, %get3A_262] : memref<16x128xf32, #tpu.memory_space<vmem>>, vector<1x128xf32>
    %reduce_max3A_264 = arith.constant dense<0xFF800000> : vector<128xf32>
    %reduce_max3A_265 = vector.multi_reduction <maximumf>, %select_n3A_260, %reduce_max3A_264 [0] : vector<128x128xf32> to vector<128xf32>
    %broadcast_in_dim3A_266 = vector.shape_cast %reduce_max3A_265 : vector<128xf32> to vector<1x128xf32>
    %max3A_267 = arith.maximumf %get3A_263, %broadcast_in_dim3A_266 : vector<1x128xf32>
    %swap3A_268 = arith.constant 13 : index
    %swap3A_269 = arith.constant 0 : index
    %swap3A_270 = vector.load %arg15[%swap3A_268, %swap3A_269] : memref<16x128xf32, #tpu.memory_space<vmem>>, vector<1x128xf32>
    tpu.vector_store %arg15[%swap3A_268, %swap3A_269], %max3A_267 {strides = array<i32>} : memref<16x128xf32, #tpu.memory_space<vmem>>, vector<1x128xf32>,
    %eq3A_271 = arith.constant 14 : i32
    %eq3A_272 = vector.broadcast %eq3A_271 : i32 to vector<128x128xi32>
    %eq3A_273 = arith.cmpi eq, %get3A_23, %eq3A_272 : vector<128x128xi32>
    %jit3A_274 = arith.constant 0xFF800000 : f32
    %broadcast_in_dim3A_275 = vector.broadcast %jit3A_274 : f32 to vector<128x128xf32>
    %select_n3A_276 = arith.select %eq3A_273, %max3A_20, %broadcast_in_dim3A_275 : vector<128x128xi1>, vector<128x128xf32>
    %get3A_277 = arith.constant 14 : index
    %get3A_278 = arith.constant 0 : index
    %get3A_279 = vector.load %arg15[%get3A_277, %get3A_278] : memref<16x128xf32, #tpu.memory_space<vmem>>, vector<1x128xf32>
    %reduce_max3A_280 = arith.constant dense<0xFF800000> : vector<128xf32>
    %reduce_max3A_281 = vector.multi_reduction <maximumf>, %select_n3A_276, %reduce_max3A_280 [0] : vector<128x128xf32> to vector<128xf32>
    %broadcast_in_dim3A_282 = vector.shape_cast %reduce_max3A_281 : vector<128xf32> to vector<1x128xf32>
    %max3A_283 = arith.maximumf %get3A_279, %broadcast_in_dim3A_282 : vector<1x128xf32>
    %swap3A_284 = arith.constant 14 : index
    %swap3A_285 = arith.constant 0 : index
    %swap3A_286 = vector.load %arg15[%swap3A_284, %swap3A_285] : memref<16x128xf32, #tpu.memory_space<vmem>>, vector<1x128xf32>
    tpu.vector_store %arg15[%swap3A_284, %swap3A_285], %max3A_283 {strides = array<i32>} : memref<16x128xf32, #tpu.memory_space<vmem>>, vector<1x128xf32>,
    %eq3A_287 = arith.constant 15 : i32
    %eq3A_288 = vector.broadcast %eq3A_287 : i32 to vector<128x128xi32>
    %eq3A_289 = arith.cmpi eq, %get3A_23, %eq3A_288 : vector<128x128xi32>
    %jit3A_290 = arith.constant 0xFF800000 : f32
    %broadcast_in_dim3A_291 = vector.broadcast %jit3A_290 : f32 to vector<128x128xf32>
    %select_n3A_292 = arith.select %eq3A_289, %max3A_20, %broadcast_in_dim3A_291 : vector<128x128xi1>, vector<128x128xf32>
    %get3A_293 = arith.constant 15 : index
    %get3A_294 = arith.constant 0 : index
    %get3A_295 = vector.load %arg15[%get3A_293, %get3A_294] : memref<16x128xf32, #tpu.memory_space<vmem>>, vector<1x128xf32>
    %reduce_max3A_296 = arith.constant dense<0xFF800000> : vector<128xf32>
    %reduce_max3A_297 = vector.multi_reduction <maximumf>, %select_n3A_292, %reduce_max3A_296 [0] : vector<128x128xf32> to vector<128xf32>
    %broadcast_in_dim3A_298 = vector.shape_cast %reduce_max3A_297 : vector<128xf32> to vector<1x128xf32>
    %max3A_299 = arith.maximumf %get3A_295, %broadcast_in_dim3A_298 : vector<1x128xf32>
    %swap3A_300 = arith.constant 15 : index
    %swap3A_301 = arith.constant 0 : index
    %swap3A_302 = vector.load %arg15[%swap3A_300, %swap3A_301] : memref<16x128xf32, #tpu.memory_space<vmem>>, vector<1x128xf32>
    tpu.vector_store %arg15[%swap3A_300, %swap3A_301], %max3A_299 {strides = array<i32>} : memref<16x128xf32, #tpu.memory_space<vmem>>, vector<1x128xf32>,
    %eq3A_303 = arith.constant 79 : i32
    %eq3A_304 = arith.cmpi eq, %arg0, %eq3A_303 : i32
    %convert_element_type3A_305 = arith.extui %eq3A_304 : i1 to i32
    %cond3A_306 = arith.constant 0 : i32
    %cond3A_307 = arith.cmpi ne, %convert_element_type3A_305, %cond3A_306 : i32
    scf.if %cond3A_307 {
      %get3A_308 = arith.constant 0 : index
      %get3A_309 = arith.constant 0 : index
      %get3A_310 = vector.load %arg14[%get3A_308, %get3A_309] : memref<16x128xf32, #tpu.memory_space<vmem>>, vector<16x128xf32>
      %get3A_311 = arith.constant 0 : index
      %get3A_312 = arith.constant 0 : index
      %get3A_313 = vector.load %arg16[%get3A_311, %get3A_312] : memref<16x128xf32, #tpu.memory_space<vmem>>, vector<16x128xf32>
      %max3A_314 = arith.constant 1.000000e+00 : f32
      %max3A_315 = vector.broadcast %max3A_314 : f32 to vector<16x128xf32>
      %max3A_316 = arith.maximumf %get3A_313, %max3A_315 : vector<16x128xf32>
      %div3A = arith.divf %get3A_310, %max3A_316 : vector<16x128xf32>
      %get3A_317 = arith.constant 0 : index
      %get3A_318 = arith.constant 0 : index
      %get3A_319 = vector.load %arg15[%get3A_317, %get3A_318] : memref<16x128xf32, #tpu.memory_space<vmem>>, vector<16x128xf32>
      %concatenate3A = tpu.concatenate %get3A_310, %div3A, %get3A_319 in 1 : vector<16x128xf32>, vector<16x128xf32>, vector<16x128xf32> -> vector<16x384xf32>
      %swap3A_320 = arith.constant 0 : index
      %swap3A_321 = arith.constant 0 : index
      %swap3A_322 = vector.load %arg13[%swap3A_320, %swap3A_321] : memref<16x384xf32, #tpu.memory_space<vmem>>, vector<16x384xf32>
      tpu.vector_store %arg13[%swap3A_320, %swap3A_321], %concatenate3A {strides = array<i32>} : memref<16x384xf32, #tpu.memory_space<vmem>>, vector<16x384xf32>,
      %get3A_323 = arith.constant 0 : index
      %get3A_324 = arith.constant 0 : index
      %get3A_325 = vector.load %arg8[%get3A_323, %get3A_324] : memref<384x128xf32, #tpu.memory_space<vmem>>, vector<384x128xf32>
      %dot_general3A_326 = arith.constant dense<0.000000e+00> : vector<16x128xf32>
      %dot_general3A_327 = tpu.matmul %concatenate3A, %get3A_325, %dot_general3A_326 {dimension_numbers = #tpu.dot_dimension_numbers<[1], [0], [0], [1], [0, 0, 1, 1], [], []>, transpose_lhs_hint = false} : vector<16x384xf32>, vector<384x128xf32>, vector<16x128xf32> -> vector<16x128xf32>
      %get3A_328 = arith.constant 0 : index
      %get3A_329 = arith.constant 0 : index
      %get3A_330 = vector.load %arg9[%get3A_328, %get3A_329] : memref<1x128xf32, #tpu.memory_space<vmem>>, vector<1x128xf32>
      %add3A_331 = vector.broadcast %get3A_330 : vector<1x128xf32> to vector<16x128xf32>
      %add3A_332 = arith.addf %dot_general3A_327, %add3A_331 : vector<16x128xf32>
      %max3A_333 = arith.constant 0.000000e+00 : f32
      %max3A_334 = vector.broadcast %max3A_333 : f32 to vector<16x128xf32>
      %max3A_335 = arith.maximumf %add3A_332, %max3A_334 : vector<16x128xf32>
      %get3A_336 = arith.constant 0 : index
      %get3A_337 = arith.constant 0 : index
      %get3A_338 = vector.load %arg10[%get3A_336, %get3A_337] : memref<128x64xf32, #tpu.memory_space<vmem>>, vector<128x64xf32>
      %dot_general3A_339 = arith.constant dense<0.000000e+00> : vector<16x64xf32>
      %dot_general3A_340 = tpu.matmul %max3A_335, %get3A_338, %dot_general3A_339 {dimension_numbers = #tpu.dot_dimension_numbers<[1], [0], [0], [1], [0, 0, 1, 1], [], []>, transpose_lhs_hint = false} : vector<16x128xf32>, vector<128x64xf32>, vector<16x64xf32> -> vector<16x64xf32>
      %get3A_341 = arith.constant 0 : index
      %get3A_342 = arith.constant 0 : index
      %get3A_343 = vector.load %arg11[%get3A_341, %get3A_342] : memref<1x64xf32, #tpu.memory_space<vmem>>, vector<1x64xf32>
      %add3A_344 = vector.broadcast %get3A_343 : vector<1x64xf32> to vector<16x64xf32>
      %add3A_345 = arith.addf %dot_general3A_340, %add3A_344 : vector<16x64xf32>
      %swap3A_346 = arith.constant 0 : index
      %swap3A_347 = arith.constant 0 : index
      %swap3A_348 = vector.load %arg12[%swap3A_346, %swap3A_347] : memref<16x64xf32, #tpu.memory_space<vmem>>, vector<16x64xf32>
      tpu.vector_store %arg12[%swap3A_346, %swap3A_347], %add3A_345 {strides = array<i32>} : memref<16x64xf32, #tpu.memory_space<vmem>>, vector<16x64xf32>,
    } else {
    }
    return
  }
  func.func @transform_0(%arg0: i32) -> (i32, i32) {
    %c0_i32 = arith.constant 0 : i32
    %c0_i32_0 = arith.constant 0 : i32
    return %arg0, %c0_i32 : i32, i32
  }
  func.func @transform_1(%arg0: i32) -> (i32, i32) {
    %add3A = arith.constant 80 : i32
    %add3A_0 = arith.addi %arg0, %add3A : i32
    %c0_i32 = arith.constant 0 : i32
    %c0_i32_1 = arith.constant 0 : i32
    return %add3A_0, %c0_i32 : i32, i32
  }
  func.func @transform_2(%arg0: i32) -> (i32, i32) {
    %c0_i32 = arith.constant 0 : i32
    %c0_i32_0 = arith.constant 0 : i32
    return %arg0, %c0_i32 : i32, i32
  }
  func.func @transform_3(%arg0: i32) -> (i32, i32) {
    %c0_i32 = arith.constant 0 : i32
    %c0_i32_0 = arith.constant 0 : i32
    return %arg0, %c0_i32 : i32, i32
  }
  func.func @transform_4(%arg0: i32) -> (i32, i32) {
    %c0_i32 = arith.constant 0 : i32
    %c0_i32_0 = arith.constant 0 : i32
    %c0_i32_1 = arith.constant 0 : i32
    return %c0_i32, %c0_i32_0 : i32, i32
  }
  func.func @transform_5(%arg0: i32) -> (i32, i32) {
    %c0_i32 = arith.constant 0 : i32
    %c0_i32_0 = arith.constant 0 : i32
    return %arg0, %c0_i32 : i32, i32
  }
  func.func @transform_6(%arg0: i32) -> (i32, i32, i32) {
    %c0_i32 = arith.constant 0 : i32
    %c0_i32_0 = arith.constant 0 : i32
    %c0_i32_1 = arith.constant 0 : i32
    return %arg0, %c0_i32, %c0_i32_0 : i32, i32, i32
  }
  func.func @transform_7(%arg0: i32) -> (i32, i32) {
    %c0_i32 = arith.constant 0 : i32
    %c0_i32_0 = arith.constant 0 : i32
    %c0_i32_1 = arith.constant 0 : i32
    return %c0_i32, %c0_i32_0 : i32, i32
  }
  func.func @transform_8(%arg0: i32) -> (i32, i32) {
    %c0_i32 = arith.constant 0 : i32
    %c0_i32_0 = arith.constant 0 : i32
    %c0_i32_1 = arith.constant 0 : i32
    return %c0_i32, %c0_i32_0 : i32, i32
  }
  func.func @transform_9(%arg0: i32) -> (i32, i32) {
    %c0_i32 = arith.constant 0 : i32
    %c0_i32_0 = arith.constant 0 : i32
    %c0_i32_1 = arith.constant 0 : i32
    return %c0_i32, %c0_i32_0 : i32, i32
  }
  func.func @transform_10(%arg0: i32) -> (i32, i32) {
    %c0_i32 = arith.constant 0 : i32
    %c0_i32_0 = arith.constant 0 : i32
    %c0_i32_1 = arith.constant 0 : i32
    return %c0_i32, %c0_i32_0 : i32, i32
  }
  func.func @transform_11(%arg0: i32) -> (i32, i32) {
    %c0_i32 = arith.constant 0 : i32
    %c0_i32_0 = arith.constant 0 : i32
    %c0_i32_1 = arith.constant 0 : i32
    return %c0_i32, %c0_i32_0 : i32, i32
  }
  func.func @transform_12(%arg0: i32) -> (i32, i32) {
    %c0_i32 = arith.constant 0 : i32
    %c0_i32_0 = arith.constant 0 : i32
    %c0_i32_1 = arith.constant 0 : i32
    return %c0_i32, %c0_i32_0 : i32, i32
  }
}

</mosaic_0001>

<sc_bundles>
// kernel: kernel.10.cloned.1.call-start
scs
__scs_entry_jumppad:
0x0: {  	(pc) =	sbr.rel $0x88, $3  }
0x1: {  	(tag) =	ssettag $0x0;
	lr =	simm.s32 $0x1  }
0x2: {  	[smem:$0x3F94] =	sst lr;
	_ =	strace $0xD0000000  }
0x3: {  	_ = 	snop  }
0x4: {  	_ = 	snop  }
0x5: {  	_ = 	snop  }
0x6: {  	_ = 	snop  }
0x7: {  	_ = 	snop  }
__scs_overlays_trampoline_lowered:
0x8: {  	[smem:$0x3FA3] =	sst s0  }
0x9: {  	[smem:$0x3FA4] =	sst s1  }
0xa: {  	[smem:$0x3FA5] =	sst s2  }
0xb: {  	[smem:$0x3FA6] =	sst s3  }
0xc: {  	[smem:$0x3FA7] =	sst s4  }
0xd: {  	[smem:$0x3FA8] =	sst s5  }
0xe: {  	[smem:$0x3FA9] =	sst s6  }
0xf: {  	[smem:$0x3FAA] =	sst s7  }
0x10: {  	[smem:$0x3FAB] =	sst s8  }
0x11: {  	[smem:$0x3FAC] =	sst s9;
	s0 =	simm.s32 @!p0 $0x0  }
0x12: {  	s1 =	sld [smem:$0x3F92];
	s0 =	simm.s32 @p0 $0x1  }
0x13: {  	[smem:$0x3FAD] =	sst s0;
	s0 =	simm.s32 @!p1 $0x0  }
0x14: {  	s2 =	sld [smem:$0x3F91];
	s0 =	simm.s32 @p1 $0x1  }
0x15: {  	[smem:$0x3FAE] =	sst s0;
	s0 =	simm.s32 @!p2 $0x0  }
0x16: {  	s3 =	sld [smem:$0x3FDB];
	s0 =	simm.s32 @p2 $0x1  }
0x17: {  	s4 =	simm.s32 $0x1BF5;
	[smem:$0x3FB0] =	sst s0  }
0x18: {  	s0 =	sld [smem:$0x3F93];
	_ =	swait.ge [sflag:s4], $0x0  }
0x19: {  	s7 =	sld [smem:$0x3F94]  }
0x1a: {  	s8 =	sadd.s32 $0xFFFFE003, lr  }
0x1b: {  	s9 =	sadd.s32 $0xFFFFFEF7, lr;
	s5 =	simm.s32 $0xFFFFFFFF;
	p2 =	slt.u32 s8, $0xFFFFF086  }
0x1c: {  	p1 =	slt.u32 s9, $0xF7A;
	s5 =	simm.s32 @!p2 $0x0  }
0x1d: {  	s5 =	simm.s32 @p1 $0x1;
	p0 =	seq.s32 s7, s2  }
0x1e: {  	s7 =	smul.u32 @!p0 $0xF7A, s2;
	p2 =	seq.s32 @!p0 s5, $0x0  }
0x1f: {  	s9 =	smul.u32 $0xF7A, s1;
	s8 =	simm.s32 @!p0 $0x1BF5;
	p2 =	por !p2, p0  }
0x20: {  	[sflag:s8] =	ssyncset.s32 @!p0 $0xFFFFF086;
	s6 =	sadd.s32 @!p0 s3, s7;
	s7 =	simm.s32 @!p0 $0x108  }
0x21: {  	s3 =	sadd.s32 s3, s9;
	s6 =	sadd.s32 @!p0 $0x88, s6;
	s7 =	simm.s32 @p2 $0x1082  }
0x22: {  	[simem:s7], [sflag:s8] =	dma.local @!p0 [hbm:s6], $0xF7A  }
0x23: {  	s9 =	sor.u32 $0xD0000000, s2;
	s6 =	simm.s32 $0x108;
	_ =	swait.ge @!p0 [sflag:s8], $0x0  }
0x24: {  	s3 =	sadd.s32 $0x88, s3;
	s6 =	simm.s32 @!p1 $0x1082;
	[sflag:s4] =	ssyncset.s32 $0xFFFFF086  }
0x25: {  	[simem:s6], [sflag:s4] =	dma.local [hbm:s3], $0xF7A  }
0x26: {  	[smem:$0x3F94] =	sst s1;
	(tag) =	ssettag s2;
	_ =	strace s9  }
0x27: {  	s1 =	sld [smem:$0x3FA4]  }
0x28: {  	s2 =	sld [smem:$0x3FA5]  }
0x29: {  	s4 =	sld [smem:$0x3FA7]  }
0x2a: {  	p0 =	seq.s32 s5, $0x0;
	s5 =	sld [smem:$0x3FA8]  }
0x2b: {  	s6 =	sld [smem:$0x3FA9]  }
0x2c: {  	s7 =	sld [smem:$0x3FAA]  }
0x2d: {  	s3 =	simm.s32 $0x108;
	s8 =	sld [smem:$0x3FAB]  }
0x2e: {  	s3 =	simm.s32 @!p0 $0x1082;
	s9 =	sld [smem:$0x3FAC]  }
0x2f: {  	lr =	sadd.s32 s0, s3;
	s0 =	sld [smem:$0x3FA3]  }
0x30: {  	s3 =	sld [smem:$0x3FA6]  }
0x31: {  	[smem:$0x3FAF] =	sst s10  }
0x32: {  	s10 =	sld [smem:$0x3FAD];
	_ =	sdelay $0x3  }
0x33: {  	p0 =	seq.s32 s10, $0x1;
	s10 =	sld [smem:$0x3FAF];
	_ =	sdelay $0x3  }
0x34: {  	[smem:$0x3FAF] =	sst s10  }
0x35: {  	s10 =	sld [smem:$0x3FAE];
	_ =	sdelay $0x3  }
0x36: {  	p1 =	seq.s32 s10, $0x1;
	s10 =	sld [smem:$0x3FAF];
	_ =	sdelay $0x3  }
0x37: {  	[smem:$0x3FAF] =	sst s10  }
0x38: {  	s10 =	sld [smem:$0x3FB0]  }
0x39: {  	_ = 	snop;
	(pc) =	sbr.ind lr, $3  }
0x3a: {  	_ = 	snop  }
0x3b: {  	_ = 	snop  }
0x3c: {  	p2 =	seq.s32 s10, $0x1;
	s10 =	sld [smem:$0x3FAF]  }
0x3d: {  	_ =	shalt  }
0x3e: {  	_ =	shalt  }
0x3f: {  	_ =	shalt  }
0x40: {  	_ =	shalt  }
0x41: {  	_ =	shalt  }
0x42: {  	_ =	shalt  }
0x43: {  	_ =	shalt  }
0x44: {  	_ =	shalt  }
0x45: {  	_ =	shalt  }
0x46: {  	_ =	shalt  }
0x47: {  	_ =	shalt  }
0x48: {  	_ =	shalt  }
0x49: {  	_ =	shalt  }
0x4a: {  	_ =	shalt  }
0x4b: {  	_ =	shalt  }
0x4c: {  	_ =	shalt  }
0x4d: {  	_ =	shalt  }
0x4e: {  	_ =	shalt  }
0x4f: {  	_ =	shalt  }
0x50: {  	_ =	shalt  }
0x51: {  	_ =	shalt  }
0x52: {  	_ =	shalt  }
0x53: {  	_ =	shalt  }
0x54: {  	_ =	shalt  }
0x55: {  	_ =	shalt  }
0x56: {  	_ =	shalt  }
0x57: {  	_ =	shalt  }
0x58: {  	_ =	shalt  }
0x59: {  	_ =	shalt  }
0x5a: {  	_ =	shalt  }
0x5b: {  	_ =	shalt  }
0x5c: {  	_ =	shalt  }
0x5d: {  	_ =	shalt  }
0x5e: {  	_ =	shalt  }
0x5f: {  	_ =	shalt  }
0x60: {  	_ =	shalt  }
0x61: {  	_ =	shalt  }
0x62: {  	_ =	shalt  }
0x63: {  	_ =	shalt  }
0x64: {  	_ =	shalt  }
0x65: {  	_ =	shalt  }
0x66: {  	_ =	shalt  }
0x67: {  	_ =	shalt  }
0x68: {  	_ =	shalt  }
0x69: {  	_ =	shalt  }
0x6a: {  	_ =	shalt  }
0x6b: {  	_ =	shalt  }
0x6c: {  	_ =	shalt  }
0x6d: {  	_ =	shalt  }
0x6e: {  	_ =	shalt  }
0x6f: {  	_ =	shalt  }
0x70: {  	_ =	shalt  }
0x71: {  	_ =	shalt  }
0x72: {  	_ =	shalt  }
0x73: {  	_ =	shalt  }
0x74: {  	_ =	shalt  }
0x75: {  	_ =	shalt  }
0x76: {  	_ =	shalt  }
0x77: {  	_ =	shalt  }
0x78: {  	_ =	shalt  }
0x79: {  	_ =	shalt  }
0x7a: {  	_ =	shalt  }
0x7b: {  	_ =	shalt  }
0x7c: {  	_ =	shalt  }
0x7d: {  	_ =	shalt  }
0x7e: {  	_ =	shalt  }
0x7f: {  	_ =	shalt  }
0x80: {  	_ =	shalt  }
0x81: {  	_ =	shalt  }
0x82: {  	_ =	shalt  }
0x83: {  	_ =	shalt  }
0x84: {  	_ =	shalt  }
0x85: {  	_ =	shalt  }
0x86: {  	_ =	shalt  }
0x87: {  	_ =	shalt  }
.Lfunc_end0:
.L_simem_size_0:
called_computation_lowered:
.L_overlay_start_0:
0x88: {  	s2 =	sld [smem:$0x3FD9]  }
0x89: {  	s3 =	sld [smem:$0x3FFE];
	_ =	sdelay $0x1  }
0x8a: {  	s1 =	srdreg.scid  }
0x8b: {  	s0 =	sand.u32 $0x1, s1  }
0x8c: {  	s16 =	sshll.u32 s0, $0xA;
	s2 =	sadd.s32 s3, s2  }
0x8d: {  	s2 =	sadd.s32 s2, s16  }
0x8e: {  	[smem:$0x3FBB] =	sst s2  }
0x8f: {  	_ = 	snop  }
0x90: {  	(tm) =	ssettm $0x1  }
0x91: {  	s17 =	sld [smem:$0x3FFB];
	_ =	sdelay $0x3  }
0x92: {  	_ =	strace s17  }
0x93: {  	s2 =	sld [smem:$0x3FFC];
	_ =	sdelay $0x3  }
0x94: {  	_ =	strace s2  }
0x95: {  	s2 =	sld [smem:$0x3FFD];
	_ =	sdelay $0x3  }
0x96: {  	_ =	strace s2  }
0x97: {  	_ =	strace $0x8FFFFFFF  }
0x98: {  	s18 =	sld [smem:$0x3FDB];
	_ =	sdelay $0x1  }
0x99: {  	s19 =	simm.s32 $_scs_section_size  }
0x9a: {  	s4 =	simm.s32 $_size__tile_overlayer_lowered;
	s5 =	simm.s32 $_tile_overlayer_lowered  }
0x9b: {  	s22 =	simm.s32 $0x1BFF;
	s21 =	sshll.u32 s5, $0x1;
	s2 =	sadd.s32 s19, s18  }
0x9c: {  	s6 =	simm.s32 $0x0;
	s20 =	sshll.u32 s4, $0x1;
	s4 =	sadd.s32 s21, s2  }
0x9d: {  	[timem:s6], [sflag:s22] =	dma.local [hbm:s4], s20  }
0x9e: {  	_ =	swait.ge [sflag:s22], s20  }
0x9f: {  	s3 =	ssub.s32 $0x0, s20;
	[sflag:s22] =	ssyncset.done $0x0  }
0xa0: {  	[sflag:s22] =	ssyncadd.s32 s3;
	_ =	sdelay $0x1  }
0xa1: {  	s23 =	simm.s32 $0x1B8B  }
0xa2: {  	_ =	swait.ge [sflag:s23], $0x1  }
0xa3: {  	[sflag:s23] =	ssyncset.done $0x0  }
0xa4: {  	s25 =	simm.s32 $0x1B8E;
	s24 =	sld [smem:$0x3FFE];
	[sflag:s23] =	ssyncadd.s32 $0xFFFFFFFF  }
0xa5: {  	s26 =	simm.s32 $execute0_lowered;
	[smem:$0x3FD2] =	sst s25  }
0xa6: {  	s4 =	sshll.u32 s26, $0x1;
	_ =	strace $0x80000046;
	[dreg:$0x1] =	wrdreg $0xFFFFFFFF  }
0xa7: {  	s28 =	simm.s32 $_size_execute0_lowered;
	s2 =	sadd.s32 s2, s4;
	[dreg:$0x0] =	wrdreg $0x0  }
0xa8: {  	s4 =	sshll.u32 s28, $0x1;
	[dreg:$0x2] =	wrdreg s2  }
0xa9: {  	[dreg:$0x3] =	wrdreg s4  }
0xaa: {  	[dreg:$0x4] =	wrdreg $0xC0  }
0xab: {  	_ =	task [dreg:s6], $0x5FFFF  }
0xac: {  	[dreg:$0x1] =	wrdreg $0xFFFFFFFF  }
0xad: {  	[dreg:$0x0] =	wrdreg $0x60  }
0xae: {  	[dreg:$0x2] =	wrdreg s24  }
0xaf: {  	[dreg:$0x3] =	wrdreg $0x68000  }
0xb0: {  	[dreg:$0x4] =	wrdreg $0x9  }
0xb1: {  	_ =	task.clear_ibuf [dreg:s6], $0x5FFFF;
	_ =	strace $0x90000046  }
0xb2: {  	s29 =	simm.s32 $0x9;
	_ =	strace $0x80000048  }
0xb3: {  	_ =	swait.ge [sflag:s29], $0x1  }
0xb4: {  	[sflag:s29] =	ssyncadd.s32 $0xFFFFFFFF  }
0xb5: {  	_ =	strace $0x90000048  }
0xb6: {  	_ =	sfence  }
0xb7: {  	s30 =	sld [smem:$0x0];
	_ =	sdelay $0x2  }
0xb8: {  	s31 =	sshll.u32 s1, $0xD;
	s1 =	sshrl.u32 s1, $0x2  }
0xb9: {  	s3 =	sand.u32 $0x4000, s31;
	s1 =	sadd.s32 s1, s30  }
0xba: {  	s0 =	sor.u32 s3, s0;
	s1 =	sshll.u32 s1, $0x11  }
0xbb: {  	s0 =	sor.u32 s1, s0  }
0xbc: {  	s0 =	sadd.s32 $0x8F2B, s0  }
0xbd: {  	[sflag:s0] =	ssyncadd.remote.s32 $0x1  }
0xbe: {  	_ =	sfence.sel $0xFFFF  }
0xbf: {  	[dreg:$0x0] =	wrdreg $0xFFFFFFFF;
	(pc) =	sbr.abs _section_cstart, $3  }
0xc0: {  	[dreg:$0x1] =	wrdreg $0xFFFFFFFF  }
0xc1: {  	_ =	task.clear_ibuf [dreg:s6], $0x2FFFF;
	_ =	strace $0x9FFFFFFF  }
0xc2: {  	(tm) =	ssettm $0x7FFFFFFF  }
0xc3: {  	_ =	shalt  }
tec
execute0_lowered:
.L_overlay_start_1:
0x0: {  	(tag) =	ssettag $0x1  }
0x1: {  	s1 =	srdreg.scid  }
0x2: {  	s0 =	stileid.u32;
	s5 =	rddreg [dreg:$0x0]  }
0x3: {  	s2 =	rddreg [dreg:$0x1];
	s3 =	simm.s32 $0x0;
	s16 =	simm.s32 $0x2800  }
0x4: {  	s17 =	simm.s32 $0x2;
	s18 =	simm.s32 $0x80;
	s7 =	smul.u32 $0x280, s0  }
0x5: {  	s4 =	sand.u32 $0x1, s1;
	s28 =	sshll.u32 s0, $0x1;
	s9 =	smul.u32 $0x50000, s0  }
0x6: {  	s19 =	simm.s32 $0x1;
	s1 =	sor.u32 s4, s28;
	s8 =	smul.u32 $0x2800, s4  }
0x7: {  	[smem:$0x7FF] =	sst s3;
	s4 =	ssub.s32 $0x2, s4;
	s6 =	smul.u32 $0x500, s1  }
0x8: {  	s1 =	rddreg [dreg:$0x2];
	_ =	strace $0x80000047;
	s30 =	sshrl.u32 s4, $0x1  }
0x9: {  	s31 =	sshrl.u32 s9, $0x2;
	s29 =	sadd.s32 s7, s8;
	s15 =	ssub.s32 s4, s30  }
0xa: {  	s4 =	sadd.s32 s31, s2;
	s10 =	sadd.s32 s6, s5;
	s6 =	sshll.u32 s29, $0x4  }
0xb: {  	s7 =	sadd.s32 $0xC000, s4;
	s8 =	sadd.s32 $0x10000, s4;
	s15 =	smax.u32 s15, $0x1  }
0xc: {  	s14 =	sadd.s32 s6, s5;
	s5 =	sadd.s32 $0x4000, s4;
	s6 =	sadd.s32 $0x8000, s4  }
0xd: {  	v0 =	vimm.f32 $0.0e+00;
	vm0 =	vcmask $0x300;
	s9 =	sadd.s32 $0xDC00, s10;
	s10 =	sadd.s32 $0x17C00, s14;
	s11 =	sadd.s32 $0x18400, s14  }
0xe: {  	v1 =	vsel vm0, $0x3F800000, v0;
	s12 =	sadd.s32 $0x18C00, s14;
	s13 =	sadd.s32 $0x19400, s14;
	s14 =	sadd.s32 $0x19C00, s14  }
.LBB2_1:
0xf: {  	s20 =	simm.s32 $0x0;
	s21 =	simm.s32 $0x200  }
.LBB2_2:
0x10: {  	p0 =	sne.s32 s21, $0xFE00;
	[tilespmem:s20+$0x2870] =	vst v0  }
0x11: {  	[tilespmem:s20+$0x2800] =	vst v0  }
0x12: {  	[tilespmem:s20+$0x2810] =	vst v0  }
.Ltmp0:
0x13: {  	[tilespmem:s20+$0x2820] =	vst v0;
	(pc) =	sbr.rel @p0 .LBB2_2-.Ltmp0, $4  }
0x14: {  	[tilespmem:s20+$0x2830] =	vst v0  }
0x15: {  	[tilespmem:s20+$0x2840] =	vst v0  }
0x16: {  	[tilespmem:s20+$0x2850] =	vst v0  }
0x17: {  	[tilespmem:s20+$0x2860] =	vst v0;
	s20 =	sshra.s32 s21, $0x2;
	s21 =	sadd.s32 $0x200, s21  }
0x18: {  	[tilespmem:s20+$0x2870] =	vst v0  }
0x19: {  	[tilespmem:s20+$0x2800] =	vst v0  }
0x1a: {  	[tilespmem:s20+$0x2810] =	vst v0  }
0x1b: {  	[tilespmem:s20+$0x2820] =	vst v0  }
0x1c: {  	[tilespmem:s20+$0x2830] =	vst v0  }
0x1d: {  	[tilespmem:s20+$0x2840] =	vst v0  }
0x1e: {  	[tilespmem:s20+$0x2850] =	vst v0  }
0x1f: {  	[tilespmem:s20+$0x2860] =	vst v0  }
0x20: {  	[spmem:s4] =	stream.linear.scatter [tilespmem:s16], [sflag:$0x2], $0x4000, $0x38;
	[tilespmem:$0x1A800] =	vst v63  }
0x21: {  	_ =	swait.ge [sflag:s17], $0x4000  }
0x22: {  	[sflag:s17] =	ssyncset.done $0x0  }
0x23: {  	[sflag:s17] =	ssyncadd.s32 $0xFFFFC000  }
0x24: {  	[spmem:s5] =	stream.linear.scatter [tilespmem:s16], [sflag:$0x2], $0x4000, $0x38;
	[tilespmem:$0x1A800] =	vst v63  }
0x25: {  	_ =	swait.ge [sflag:s17], $0x4000  }
0x26: {  	[sflag:s17] =	ssyncset.done $0x0  }
0x27: {  	[sflag:s17] =	ssyncadd.s32 $0xFFFFC000  }
0x28: {  	[spmem:s6] =	stream.linear.scatter [tilespmem:s16], [sflag:$0x2], $0x4000, $0x38;
	[tilespmem:$0x1A800] =	vst v63  }
0x29: {  	_ =	swait.ge [sflag:s17], $0x4000  }
0x2a: {  	[sflag:s17] =	ssyncset.done $0x0  }
0x2b: {  	[sflag:s17] =	ssyncadd.s32 $0xFFFFC000  }
0x2c: {  	[spmem:s7] =	stream.linear.scatter [tilespmem:s16], [sflag:$0x2], $0x4000, $0x38;
	[tilespmem:$0x1A800] =	vst v63  }
0x2d: {  	_ =	swait.ge [sflag:s17], $0x4000  }
0x2e: {  	[sflag:s17] =	ssyncset.done $0x0  }
0x2f: {  	[sflag:s17] =	ssyncadd.s32 $0xFFFFC000  }
0x30: {  	[spmem:s8] =	stream.linear.scatter [tilespmem:s16], [sflag:$0x2], $0x4000, $0x38;
	[tilespmem:$0x1A800] =	vst v63  }
0x31: {  	_ =	swait.ge [sflag:s17], $0x4000  }
0x32: {  	[sflag:s17] =	ssyncset.done $0x0  }
0x33: {  	s20 =	simm.s32 $0x200;
	s21 =	simm.s32 $0x0;
	[sflag:s17] =	ssyncadd.s32 $0xFFFFC000  }
.LBB2_4:
0x34: {  	p0 =	sne.s32 s20, $0xFE00;
	[tilespmem:s21+$0x2800] =	vst v1;
	s21 =	smov.u32 s20;
	s20 =	sadd.s32 $0x200, s20  }
.Ltmp1:
0x35: {  	(pc) =	sbr.rel @p0 .LBB2_4-.Ltmp1, $2  }
0x36: {  	_ =	sdelay $0x2  }
0x37: {  	s21 =	sshra.s32 s21, $0x2  }
0x38: {  	[tilespmem:s21+$0x2800] =	vst v1  }
0x39: {  	s20 =	simm.s32 $0x0;
	[bflag:$0x0] =	sbarrier.arrive $0xFFFF  }
0x3a: {  	[tilespmem:s20], [sflag:$0x2] =	stream.linear.gather [hbm4b:s9+s20], $0x2800, $0x38;
	[tilespmem:$0x1A800] =	vst v63  }
0x3b: {  	_ =	swait.ge [sflag:s17], $0x2800  }
0x3c: {  	[sflag:s17] =	ssyncset.done $0x0  }
0x3d: {  	s23 =	simm.s32 $0x0;
	[sflag:s17] =	ssyncadd.s32 $0xFFFFD800  }
0x3e: {  	[spmem:s2] =	stream.indirect.scatter.add.f32 [tilespmem:s16], [sflag:$0x1], $0x80, s23, s18, $0xb8;
	[tilespmem:$0x1A800] =	vst v63  }
0x3f: {  	s24 =	simm.s32 $0x80  }
0x40: {  	[spmem:s2] =	stream.indirect.scatter.add.f32 [tilespmem:s16], [sflag:$0x1], $0x80, s24, s18, $0xb8;
	[tilespmem:$0x1A800] =	vst v63  }
0x41: {  	s25 =	simm.s32 $0x100  }
0x42: {  	[spmem:s2] =	stream.indirect.scatter.add.f32 [tilespmem:s16], [sflag:$0x1], $0x80, s25, s18, $0xb8;
	[tilespmem:$0x1A800] =	vst v63  }
0x43: {  	s26 =	simm.s32 $0x180  }
0x44: {  	[spmem:s2] =	stream.indirect.scatter.add.f32 [tilespmem:s16], [sflag:$0x1], $0x80, s26, s18, $0xb8;
	[tilespmem:$0x1A800] =	vst v63  }
0x45: {  	s28 =	simm.s32 $0x200  }
0x46: {  	[spmem:s2] =	stream.indirect.scatter.add.f32 [tilespmem:s16], [sflag:$0x1], $0x80, s28, s18, $0xb8;
	[tilespmem:$0x1A800] =	vst v63  }
0x47: {  	s29 =	simm.s32 $0x280  }
0x48: {  	[spmem:s2] =	stream.indirect.scatter.add.f32 [tilespmem:s16], [sflag:$0x1], $0x80, s29, s18, $0xb8;
	[tilespmem:$0x1A800] =	vst v63  }
0x49: {  	s30 =	simm.s32 $0x300  }
0x4a: {  	[spmem:s2] =	stream.indirect.scatter.add.f32 [tilespmem:s16], [sflag:$0x1], $0x80, s30, s18, $0xb8;
	[tilespmem:$0x1A800] =	vst v63  }
0x4b: {  	s31 =	simm.s32 $0x380  }
0x4c: {  	[spmem:s2] =	stream.indirect.scatter.add.f32 [tilespmem:s16], [sflag:$0x1], $0x80, s31, s18, $0xb8;
	[tilespmem:$0x1A800] =	vst v63  }
0x4d: {  	_ =	swait.ge [sflag:s19], $0x4000  }
0x4e: {  	[sflag:s19] =	ssyncset.done $0x0  }
0x4f: {  	[sflag:s19] =	ssyncadd.s32 $0xFFFFC000  }
0x50: {  	_ =	swait.ge [sflag:s19], $0x4000  }
0x51: {  	[sflag:s19] =	ssyncset.done $0x0  }
0x52: {  	[sflag:s19] =	ssyncadd.s32 $0xFFFFC000  }
0x53: {  	_ =	swait.ge [sflag:s19], $0x4000  }
0x54: {  	[sflag:s19] =	ssyncset.done $0x0  }
0x55: {  	[sflag:s19] =	ssyncadd.s32 $0xFFFFC000  }
0x56: {  	_ =	swait.ge [sflag:s19], $0x4000  }
0x57: {  	[sflag:s19] =	ssyncset.done $0x0  }
0x58: {  	[sflag:s19] =	ssyncadd.s32 $0xFFFFC000  }
0x59: {  	_ =	swait.ge [sflag:s19], $0x4000  }
0x5a: {  	[sflag:s19] =	ssyncset.done $0x0  }
0x5b: {  	[sflag:s19] =	ssyncadd.s32 $0xFFFFC000  }
0x5c: {  	_ =	swait.ge [sflag:s19], $0x4000  }
0x5d: {  	[sflag:s19] =	ssyncset.done $0x0  }
0x5e: {  	[sflag:s19] =	ssyncadd.s32 $0xFFFFC000  }
0x5f: {  	_ =	swait.ge [sflag:s19], $0x4000  }
0x60: {  	[sflag:s19] =	ssyncset.done $0x0  }
0x61: {  	[sflag:s19] =	ssyncadd.s32 $0xFFFFC000  }
0x62: {  	_ =	swait.ge [sflag:s19], $0x4000  }
0x63: {  	s22 =	simm.s32 $0x2000;
	s20 =	simm.s32 $0x1000;
	[sflag:s19] =	ssyncset.done $0x0  }
.LBB2_6:
0x64: {  	s23 =	sshra.s32 s20, $0x2  }
0x65: {  	[sflag:s19] =	ssyncadd.s32 $0xFFFFC000;
	s20 =	smov.u32 s22;
	s21 =	sadd.s32 $0x1000, s22  }
0x66: {  	[spmem:s2] =	stream.indirect.scatter.add.f32 [tilespmem:s16], [sflag:$0x1], $0x80, s23, s18, $0xb8;
	[tilespmem:$0x1A800] =	vst v63  }
0x67: {  	p0 =	sne.s32 s22, $0x9000;
	s22 =	sadd.s32 $0x80, s23  }
0x68: {  	[spmem:s2] =	stream.indirect.scatter.add.f32 [tilespmem:s16], [sflag:$0x1], $0x80, s22, s18, $0xb8;
	[tilespmem:$0x1A800] =	vst v63  }
0x69: {  	s22 =	sadd.s32 $0x100, s23  }
0x6a: {  	[spmem:s2] =	stream.indirect.scatter.add.f32 [tilespmem:s16], [sflag:$0x1], $0x80, s22, s18, $0xb8;
	[tilespmem:$0x1A800] =	vst v63  }
0x6b: {  	s22 =	sadd.s32 $0x180, s23  }
0x6c: {  	[spmem:s2] =	stream.indirect.scatter.add.f32 [tilespmem:s16], [sflag:$0x1], $0x80, s22, s18, $0xb8;
	[tilespmem:$0x1A800] =	vst v63  }
0x6d: {  	s22 =	sadd.s32 $0x200, s23  }
0x6e: {  	[spmem:s2] =	stream.indirect.scatter.add.f32 [tilespmem:s16], [sflag:$0x1], $0x80, s22, s18, $0xb8;
	[tilespmem:$0x1A800] =	vst v63  }
0x6f: {  	s22 =	sadd.s32 $0x280, s23  }
0x70: {  	[spmem:s2] =	stream.indirect.scatter.add.f32 [tilespmem:s16], [sflag:$0x1], $0x80, s22, s18, $0xb8;
	[tilespmem:$0x1A800] =	vst v63  }
0x71: {  	s22 =	sadd.s32 $0x300, s23  }
0x72: {  	[spmem:s2] =	stream.indirect.scatter.add.f32 [tilespmem:s16], [sflag:$0x1], $0x80, s22, s18, $0xb8;
	[tilespmem:$0x1A800] =	vst v63  }
0x73: {  	s22 =	sadd.s32 $0x380, s23  }
0x74: {  	[spmem:s2] =	stream.indirect.scatter.add.f32 [tilespmem:s16], [sflag:$0x1], $0x80, s22, s18, $0xb8;
	[tilespmem:$0x1A800] =	vst v63  }
0x75: {  	_ =	swait.ge [sflag:s19], $0x4000  }
0x76: {  	[sflag:s19] =	ssyncset.done $0x0  }
0x77: {  	[sflag:s19] =	ssyncadd.s32 $0xFFFFC000  }
0x78: {  	_ =	swait.ge [sflag:s19], $0x4000  }
0x79: {  	[sflag:s19] =	ssyncset.done $0x0  }
0x7a: {  	[sflag:s19] =	ssyncadd.s32 $0xFFFFC000  }
0x7b: {  	_ =	swait.ge [sflag:s19], $0x4000  }
0x7c: {  	[sflag:s19] =	ssyncset.done $0x0  }
0x7d: {  	[sflag:s19] =	ssyncadd.s32 $0xFFFFC000  }
0x7e: {  	_ =	swait.ge [sflag:s19], $0x4000  }
0x7f: {  	[sflag:s19] =	ssyncset.done $0x0  }
0x80: {  	[sflag:s19] =	ssyncadd.s32 $0xFFFFC000  }
0x81: {  	_ =	swait.ge [sflag:s19], $0x4000  }
0x82: {  	[sflag:s19] =	ssyncset.done $0x0  }
0x83: {  	[sflag:s19] =	ssyncadd.s32 $0xFFFFC000  }
0x84: {  	_ =	swait.ge [sflag:s19], $0x4000  }
0x85: {  	[sflag:s19] =	ssyncset.done $0x0  }
0x86: {  	[sflag:s19] =	ssyncadd.s32 $0xFFFFC000  }
.Ltmp2:
0x87: {  	_ =	swait.ge [sflag:s19], $0x4000;
	(pc) =	sbr.rel @p0 .LBB2_6-.Ltmp2, $4  }
0x88: {  	[sflag:s19] =	ssyncset.done $0x0  }
0x89: {  	[sflag:s19] =	ssyncadd.s32 $0xFFFFC000  }
0x8a: {  	_ =	swait.ge [sflag:s19], $0x4000  }
0x8b: {  	s22 =	smov.u32 s21;
	[sflag:s19] =	ssyncset.done $0x0  }
0x8c: {  	s20 =	sshra.s32 s20, $0x2;
	[sflag:s19] =	ssyncadd.s32 $0xFFFFC000  }
0x8d: {  	[spmem:s2] =	stream.indirect.scatter.add.f32 [tilespmem:s16], [sflag:$0x1], $0x80, s20, s18, $0xb8;
	[tilespmem:$0x1A800] =	vst v63  }
0x8e: {  	s21 =	sadd.s32 $0x80, s20  }
0x8f: {  	[spmem:s2] =	stream.indirect.scatter.add.f32 [tilespmem:s16], [sflag:$0x1], $0x80, s21, s18, $0xb8;
	[tilespmem:$0x1A800] =	vst v63  }
0x90: {  	s30 =	sadd.s32 $0x100, s20  }
0x91: {  	[spmem:s2] =	stream.indirect.scatter.add.f32 [tilespmem:s16], [sflag:$0x1], $0x80, s30, s18, $0xb8;
	[tilespmem:$0x1A800] =	vst v63  }
0x92: {  	s31 =	sadd.s32 $0x180, s20  }
0x93: {  	[spmem:s2] =	stream.indirect.scatter.add.f32 [tilespmem:s16], [sflag:$0x1], $0x80, s31, s18, $0xb8;
	[tilespmem:$0x1A800] =	vst v63  }
0x94: {  	s22 =	sadd.s32 $0x200, s20  }
0x95: {  	[spmem:s2] =	stream.indirect.scatter.add.f32 [tilespmem:s16], [sflag:$0x1], $0x80, s22, s18, $0xb8;
	[tilespmem:$0x1A800] =	vst v63  }
0x96: {  	s23 =	sadd.s32 $0x280, s20  }
0x97: {  	[spmem:s2] =	stream.indirect.scatter.add.f32 [tilespmem:s16], [sflag:$0x1], $0x80, s23, s18, $0xb8;
	[tilespmem:$0x1A800] =	vst v63  }
0x98: {  	s24 =	sadd.s32 $0x300, s20  }
0x99: {  	[spmem:s2] =	stream.indirect.scatter.add.f32 [tilespmem:s16], [sflag:$0x1], $0x80, s24, s18, $0xb8;
	[tilespmem:$0x1A800] =	vst v63  }
0x9a: {  	s20 =	sadd.s32 $0x380, s20  }
0x9b: {  	[spmem:s2] =	stream.indirect.scatter.add.f32 [tilespmem:s16], [sflag:$0x1], $0x80, s20, s18, $0xb8;
	[tilespmem:$0x1A800] =	vst v63  }
0x9c: {  	_ =	swait.ge [sflag:s19], $0x4000  }
0x9d: {  	[sflag:s19] =	ssyncset.done $0x0  }
0x9e: {  	[sflag:s19] =	ssyncadd.s32 $0xFFFFC000  }
0x9f: {  	_ =	swait.ge [sflag:s19], $0x4000  }
0xa0: {  	[sflag:s19] =	ssyncset.done $0x0  }
0xa1: {  	[sflag:s19] =	ssyncadd.s32 $0xFFFFC000  }
0xa2: {  	_ =	swait.ge [sflag:s19], $0x4000  }
0xa3: {  	[sflag:s19] =	ssyncset.done $0x0  }
0xa4: {  	[sflag:s19] =	ssyncadd.s32 $0xFFFFC000  }
0xa5: {  	_ =	swait.ge [sflag:s19], $0x4000  }
0xa6: {  	[sflag:s19] =	ssyncset.done $0x0  }
0xa7: {  	[sflag:s19] =	ssyncadd.s32 $0xFFFFC000  }
0xa8: {  	_ =	swait.ge [sflag:s19], $0x4000  }
0xa9: {  	[sflag:s19] =	ssyncset.done $0x0  }
0xaa: {  	[sflag:s19] =	ssyncadd.s32 $0xFFFFC000  }
0xab: {  	_ =	swait.ge [sflag:s19], $0x4000  }
0xac: {  	[sflag:s19] =	ssyncset.done $0x0  }
0xad: {  	[sflag:s19] =	ssyncadd.s32 $0xFFFFC000  }
0xae: {  	_ =	swait.ge [sflag:s19], $0x4000  }
0xaf: {  	[sflag:s19] =	ssyncset.done $0x0  }
0xb0: {  	[sflag:s19] =	ssyncadd.s32 $0xFFFFC000  }
0xb1: {  	_ =	swait.ge [sflag:s19], $0x4000  }
0xb2: {  	[sflag:s19] =	ssyncset.done $0x0  }
0xb3: {  	s25 =	sshll.u32 s0, $0x6;
	[sflag:s19] =	ssyncadd.s32 $0xFFFFC000  }
0xb4: {  	s26 =	sshrl.u32 s4, $0x3;
	s20 =	sor.u32 $0x1C02, s25;
	[bflag:$0x0] =	sbarrier.arrive $0xFFFF  }
0xb5: {  	[hbm:s10], [sflag:s20] =	dma.local [spmem:s26], $0x800  }
0xb6: {  	_ =	swait.ge [sflag:s17], $0x800  }
0xb7: {  	[sflag:s17] =	ssyncset.done $0x0  }
0xb8: {  	s28 =	sshrl.u32 s5, $0x3;
	[sflag:s17] =	ssyncadd.s32 $0xFFFFF800  }
0xb9: {  	[hbm:s11], [sflag:s20] =	dma.local [spmem:s28], $0x800  }
0xba: {  	_ =	swait.ge [sflag:s17], $0x800  }
0xbb: {  	[sflag:s17] =	ssyncset.done $0x0  }
0xbc: {  	s29 =	sshrl.u32 s6, $0x3;
	[sflag:s17] =	ssyncadd.s32 $0xFFFFF800  }
0xbd: {  	[hbm:s12], [sflag:s20] =	dma.local [spmem:s29], $0x800  }
0xbe: {  	_ =	swait.ge [sflag:s17], $0x800  }
0xbf: {  	[sflag:s17] =	ssyncset.done $0x0  }
0xc0: {  	s30 =	sshrl.u32 s7, $0x3;
	[sflag:s17] =	ssyncadd.s32 $0xFFFFF800  }
0xc1: {  	[hbm:s13], [sflag:s20] =	dma.local [spmem:s30], $0x800  }
0xc2: {  	s3 =	sadd.s32 $0x1, s3;
	_ =	swait.ge [sflag:s17], $0x800  }
0xc3: {  	p0 =	sne.s32 s3, s15;
	[sflag:s17] =	ssyncset.done $0x0  }
.Ltmp3:
0xc4: {  	s31 =	sshrl.u32 s8, $0x3;
	[sflag:s17] =	ssyncadd.s32 $0xFFFFF800;
	(pc) =	sbr.rel @p0 .LBB2_1-.Ltmp3, $4  }
0xc5: {  	[hbm:s14], [sflag:s20] =	dma.local [spmem:s31], $0x800  }
0xc6: {  	_ =	swait.ge [sflag:s17], $0x800  }
0xc7: {  	[sflag:s17] =	ssyncset.done $0x0  }
0xc8: {  	[sflag:s17] =	ssyncadd.s32 $0xFFFFF800  }
0xc9: {  	_ =	sfence.sel $0x180000  }
0xca: {  	[bflag:$0x0] =	sbarrier.arrive $0xFFFF  }
0xcb: {  	p0 =	sne.s32 s0, $0x0;
	_ =	strace $0x90000047  }
0xcc: {  	s0 =	sadd.s32 @!p0 $0x100000, s1;
	[bflag:$0x2] =	sbarrier.arrive $0xFFFF  }
0xcd: {  	[sflag:s0] =	ssyncadd.tile.s32 @!p0 $0x1;
	_ =	shalt  }
.Lfunc_end2:
_tile_overlayer_lowered:
.L_overlay_start_2:
0xce: {  	(tag) =	ssettag $0x2  }
0xcf: {  	s0 =	rddreg [dreg:$0x0];
	s2 =	stileid.u32  }
0xd0: {  	s1 =	rddreg [dreg:$0x1];
	p0 =	sne.s32 s2, $0x0  }
0xd1: {  	s3 =	rddreg [dreg:$0x2];
	[bflag:$0x3] =	sbarrier.arrive $0xFFFF;
	s2 =	simm.s32 @!p0 $0x1C02  }
0xd2: {  	[timem:s3], [sflag:s2] =	dma.local @!p0 [hbm:s0], s1  }
0xd3: {  	s0 =	simm.s32 @!p0 $0x2  }
0xd4: {  	_ =	swait.ge @!p0 [sflag:s0], s1  }
0xd5: {  	s1 =	ssub.s32 @!p0 $0x0, s1;
	[sflag:s0] =	ssyncset.done @!p0 $0x0  }
0xd6: {  	[sflag:s0] =	ssyncadd.s32 @!p0 s1  }
0xd7: {  	[bflag:$0x3] =	sbarrier.arrive $0xFFFF  }
0xd8: {  	_ =	shalt  }

// kernel: kernel.13.cloned.1.call-start
scs
__scs_entry_jumppad:
0x0: {  	(pc) =	sbr.rel $0x88, $3  }
0x1: {  	(tag) =	ssettag $0x0;
	lr =	simm.s32 $0x1  }
0x2: {  	[smem:$0x3F94] =	sst lr;
	_ =	strace $0xD0000000  }
0x3: {  	_ = 	snop  }
0x4: {  	_ = 	snop  }
0x5: {  	_ = 	snop  }
0x6: {  	_ = 	snop  }
0x7: {  	_ = 	snop  }
__scs_overlays_trampoline_lowered:
0x8: {  	[smem:$0x3FA3] =	sst s0  }
0x9: {  	[smem:$0x3FA4] =	sst s1  }
0xa: {  	[smem:$0x3FA5] =	sst s2  }
0xb: {  	[smem:$0x3FA6] =	sst s3  }
0xc: {  	[smem:$0x3FA7] =	sst s4  }
0xd: {  	[smem:$0x3FA8] =	sst s5  }
0xe: {  	[smem:$0x3FA9] =	sst s6  }
0xf: {  	[smem:$0x3FAA] =	sst s7  }
0x10: {  	[smem:$0x3FAB] =	sst s8  }
0x11: {  	[smem:$0x3FAC] =	sst s9;
	s0 =	simm.s32 @!p0 $0x0  }
0x12: {  	s1 =	sld [smem:$0x3F92];
	s0 =	simm.s32 @p0 $0x1  }
0x13: {  	[smem:$0x3FAD] =	sst s0;
	s0 =	simm.s32 @!p1 $0x0  }
0x14: {  	s2 =	sld [smem:$0x3F91];
	s0 =	simm.s32 @p1 $0x1  }
0x15: {  	[smem:$0x3FAE] =	sst s0;
	s0 =	simm.s32 @!p2 $0x0  }
0x16: {  	s3 =	sld [smem:$0x3FDB];
	s0 =	simm.s32 @p2 $0x1  }
0x17: {  	s4 =	simm.s32 $0x1BF5;
	[smem:$0x3FB0] =	sst s0  }
0x18: {  	s0 =	sld [smem:$0x3F93];
	_ =	swait.ge [sflag:s4], $0x0  }
0x19: {  	s7 =	sld [smem:$0x3F94]  }
0x1a: {  	s8 =	sadd.s32 $0xFFFFE003, lr  }
0x1b: {  	s9 =	sadd.s32 $0xFFFFFEF7, lr;
	s5 =	simm.s32 $0xFFFFFFFF;
	p2 =	slt.u32 s8, $0xFFFFF086  }
0x1c: {  	p1 =	slt.u32 s9, $0xF7A;
	s5 =	simm.s32 @!p2 $0x0  }
0x1d: {  	s5 =	simm.s32 @p1 $0x1;
	p0 =	seq.s32 s7, s2  }
0x1e: {  	s7 =	smul.u32 @!p0 $0xF7A, s2;
	p2 =	seq.s32 @!p0 s5, $0x0  }
0x1f: {  	s9 =	smul.u32 $0xF7A, s1;
	s8 =	simm.s32 @!p0 $0x1BF5;
	p2 =	por !p2, p0  }
0x20: {  	[sflag:s8] =	ssyncset.s32 @!p0 $0xFFFFF086;
	s6 =	sadd.s32 @!p0 s3, s7;
	s7 =	simm.s32 @!p0 $0x108  }
0x21: {  	s3 =	sadd.s32 s3, s9;
	s6 =	sadd.s32 @!p0 $0x88, s6;
	s7 =	simm.s32 @p2 $0x1082  }
0x22: {  	[simem:s7], [sflag:s8] =	dma.local @!p0 [hbm:s6], $0xF7A  }
0x23: {  	s9 =	sor.u32 $0xD0000000, s2;
	s6 =	simm.s32 $0x108;
	_ =	swait.ge @!p0 [sflag:s8], $0x0  }
0x24: {  	s3 =	sadd.s32 $0x88, s3;
	s6 =	simm.s32 @!p1 $0x1082;
	[sflag:s4] =	ssyncset.s32 $0xFFFFF086  }
0x25: {  	[simem:s6], [sflag:s4] =	dma.local [hbm:s3], $0xF7A  }
0x26: {  	[smem:$0x3F94] =	sst s1;
	(tag) =	ssettag s2;
	_ =	strace s9  }
0x27: {  	s1 =	sld [smem:$0x3FA4]  }
0x28: {  	s2 =	sld [smem:$0x3FA5]  }
0x29: {  	s4 =	sld [smem:$0x3FA7]  }
0x2a: {  	p0 =	seq.s32 s5, $0x0;
	s5 =	sld [smem:$0x3FA8]  }
0x2b: {  	s6 =	sld [smem:$0x3FA9]  }
0x2c: {  	s7 =	sld [smem:$0x3FAA]  }
0x2d: {  	s3 =	simm.s32 $0x108;
	s8 =	sld [smem:$0x3FAB]  }
0x2e: {  	s3 =	simm.s32 @!p0 $0x1082;
	s9 =	sld [smem:$0x3FAC]  }
0x2f: {  	lr =	sadd.s32 s0, s3;
	s0 =	sld [smem:$0x3FA3]  }
0x30: {  	s3 =	sld [smem:$0x3FA6]  }
0x31: {  	[smem:$0x3FAF] =	sst s10  }
0x32: {  	s10 =	sld [smem:$0x3FAD];
	_ =	sdelay $0x3  }
0x33: {  	p0 =	seq.s32 s10, $0x1;
	s10 =	sld [smem:$0x3FAF];
	_ =	sdelay $0x3  }
0x34: {  	[smem:$0x3FAF] =	sst s10  }
0x35: {  	s10 =	sld [smem:$0x3FAE];
	_ =	sdelay $0x3  }
0x36: {  	p1 =	seq.s32 s10, $0x1;
	s10 =	sld [smem:$0x3FAF];
	_ =	sdelay $0x3  }
0x37: {  	[smem:$0x3FAF] =	sst s10  }
0x38: {  	s10 =	sld [smem:$0x3FB0]  }
0x39: {  	_ = 	snop;
	(pc) =	sbr.ind lr, $3  }
0x3a: {  	_ = 	snop  }
0x3b: {  	_ = 	snop  }
0x3c: {  	p2 =	seq.s32 s10, $0x1;
	s10 =	sld [smem:$0x3FAF]  }
0x3d: {  	_ =	shalt  }
0x3e: {  	_ =	shalt  }
0x3f: {  	_ =	shalt  }
0x40: {  	_ =	shalt  }
0x41: {  	_ =	shalt  }
0x42: {  	_ =	shalt  }
0x43: {  	_ =	shalt  }
0x44: {  	_ =	shalt  }
0x45: {  	_ =	shalt  }
0x46: {  	_ =	shalt  }
0x47: {  	_ =	shalt  }
0x48: {  	_ =	shalt  }
0x49: {  	_ =	shalt  }
0x4a: {  	_ =	shalt  }
0x4b: {  	_ =	shalt  }
0x4c: {  	_ =	shalt  }
0x4d: {  	_ =	shalt  }
0x4e: {  	_ =	shalt  }
0x4f: {  	_ =	shalt  }
0x50: {  	_ =	shalt  }
0x51: {  	_ =	shalt  }
0x52: {  	_ =	shalt  }
0x53: {  	_ =	shalt  }
0x54: {  	_ =	shalt  }
0x55: {  	_ =	shalt  }
0x56: {  	_ =	shalt  }
0x57: {  	_ =	shalt  }
0x58: {  	_ =	shalt  }
0x59: {  	_ =	shalt  }
0x5a: {  	_ =	shalt  }
0x5b: {  	_ =	shalt  }
0x5c: {  	_ =	shalt  }
0x5d: {  	_ =	shalt  }
0x5e: {  	_ =	shalt  }
0x5f: {  	_ =	shalt  }
0x60: {  	_ =	shalt  }
0x61: {  	_ =	shalt  }
0x62: {  	_ =	shalt  }
0x63: {  	_ =	shalt  }
0x64: {  	_ =	shalt  }
0x65: {  	_ =	shalt  }
0x66: {  	_ =	shalt  }
0x67: {  	_ =	shalt  }
0x68: {  	_ =	shalt  }
0x69: {  	_ =	shalt  }
0x6a: {  	_ =	shalt  }
0x6b: {  	_ =	shalt  }
0x6c: {  	_ =	shalt  }
0x6d: {  	_ =	shalt  }
0x6e: {  	_ =	shalt  }
0x6f: {  	_ =	shalt  }
0x70: {  	_ =	shalt  }
0x71: {  	_ =	shalt  }
0x72: {  	_ =	shalt  }
0x73: {  	_ =	shalt  }
0x74: {  	_ =	shalt  }
0x75: {  	_ =	shalt  }
0x76: {  	_ =	shalt  }
0x77: {  	_ =	shalt  }
0x78: {  	_ =	shalt  }
0x79: {  	_ =	shalt  }
0x7a: {  	_ =	shalt  }
0x7b: {  	_ =	shalt  }
0x7c: {  	_ =	shalt  }
0x7d: {  	_ =	shalt  }
0x7e: {  	_ =	shalt  }
0x7f: {  	_ =	shalt  }
0x80: {  	_ =	shalt  }
0x81: {  	_ =	shalt  }
0x82: {  	_ =	shalt  }
0x83: {  	_ =	shalt  }
0x84: {  	_ =	shalt  }
0x85: {  	_ =	shalt  }
0x86: {  	_ =	shalt  }
0x87: {  	_ =	shalt  }
.Lfunc_end0:
.L_simem_size_0:
called_computation.1_lowered:
.L_overlay_start_0:
0x88: {  	s2 =	sld [smem:$0x3FD9]  }
0x89: {  	s3 =	sld [smem:$0x3FFE];
	_ =	sdelay $0x1  }
0x8a: {  	s1 =	srdreg.scid  }
0x8b: {  	s0 =	sand.u32 $0x1, s1  }
0x8c: {  	s16 =	sshll.u32 s0, $0xA;
	s2 =	sadd.s32 s3, s2  }
0x8d: {  	s2 =	sadd.s32 s2, s16  }
0x8e: {  	[smem:$0x3FBB] =	sst s2  }
0x8f: {  	_ = 	snop  }
0x90: {  	(tm) =	ssettm $0x1  }
0x91: {  	s17 =	sld [smem:$0x3FFB];
	_ =	sdelay $0x3  }
0x92: {  	_ =	strace s17  }
0x93: {  	s2 =	sld [smem:$0x3FFC];
	_ =	sdelay $0x3  }
0x94: {  	_ =	strace s2  }
0x95: {  	s2 =	sld [smem:$0x3FFD];
	_ =	sdelay $0x3  }
0x96: {  	_ =	strace s2  }
0x97: {  	_ =	strace $0x8FFFFFFF  }
0x98: {  	s18 =	sld [smem:$0x3FDB];
	_ =	sdelay $0x1  }
0x99: {  	s19 =	simm.s32 $_scs_section_size  }
0x9a: {  	s4 =	simm.s32 $_size__tile_overlayer_lowered;
	s5 =	simm.s32 $_tile_overlayer_lowered  }
0x9b: {  	s22 =	simm.s32 $0x1BFF;
	s21 =	sshll.u32 s5, $0x1;
	s2 =	sadd.s32 s19, s18  }
0x9c: {  	s6 =	simm.s32 $0x0;
	s20 =	sshll.u32 s4, $0x1;
	s4 =	sadd.s32 s21, s2  }
0x9d: {  	[timem:s6], [sflag:s22] =	dma.local [hbm:s4], s20  }
0x9e: {  	_ =	swait.ge [sflag:s22], s20  }
0x9f: {  	s3 =	ssub.s32 $0x0, s20;
	[sflag:s22] =	ssyncset.done $0x0  }
0xa0: {  	[sflag:s22] =	ssyncadd.s32 s3;
	_ =	sdelay $0x1  }
0xa1: {  	s23 =	simm.s32 $0x1B8B  }
0xa2: {  	_ =	swait.ge [sflag:s23], $0x1  }
0xa3: {  	[sflag:s23] =	ssyncset.done $0x0  }
0xa4: {  	s25 =	simm.s32 $0x1B8E;
	s24 =	sld [smem:$0x3FFE];
	[sflag:s23] =	ssyncadd.s32 $0xFFFFFFFF  }
0xa5: {  	s26 =	simm.s32 $execute0_lowered;
	[smem:$0x3FD2] =	sst s25  }
0xa6: {  	s4 =	sshll.u32 s26, $0x1;
	_ =	strace $0x80000049;
	[dreg:$0x1] =	wrdreg $0xFFFFFFFF  }
0xa7: {  	s28 =	simm.s32 $_size_execute0_lowered;
	s2 =	sadd.s32 s2, s4;
	[dreg:$0x0] =	wrdreg $0x0  }
0xa8: {  	s4 =	sshll.u32 s28, $0x1;
	[dreg:$0x2] =	wrdreg s2  }
0xa9: {  	[dreg:$0x3] =	wrdreg s4  }
0xaa: {  	[dreg:$0x4] =	wrdreg $0xC0  }
0xab: {  	_ =	task [dreg:s6], $0x5FFFF  }
0xac: {  	[dreg:$0x1] =	wrdreg $0xFFFFFFFF  }
0xad: {  	[dreg:$0x0] =	wrdreg $0x60  }
0xae: {  	[dreg:$0x2] =	wrdreg s24  }
0xaf: {  	[dreg:$0x3] =	wrdreg $0x88000  }
0xb0: {  	[dreg:$0x4] =	wrdreg $0x9  }
0xb1: {  	_ =	task.clear_ibuf [dreg:s6], $0x5FFFF;
	_ =	strace $0x90000049  }
0xb2: {  	s29 =	simm.s32 $0x9;
	_ =	strace $0x8000004B  }
0xb3: {  	_ =	swait.ge [sflag:s29], $0x1  }
0xb4: {  	[sflag:s29] =	ssyncadd.s32 $0xFFFFFFFF  }
0xb5: {  	_ =	strace $0x9000004B  }
0xb6: {  	_ =	sfence  }
0xb7: {  	s30 =	sld [smem:$0x0];
	_ =	sdelay $0x2  }
0xb8: {  	s31 =	sshll.u32 s1, $0xD;
	s1 =	sshrl.u32 s1, $0x2  }
0xb9: {  	s3 =	sand.u32 $0x4000, s31;
	s1 =	sadd.s32 s1, s30  }
0xba: {  	s0 =	sor.u32 s3, s0;
	s1 =	sshll.u32 s1, $0x11  }
0xbb: {  	s0 =	sor.u32 s1, s0  }
0xbc: {  	s0 =	sadd.s32 $0x8F2B, s0  }
0xbd: {  	[sflag:s0] =	ssyncadd.remote.s32 $0x1  }
0xbe: {  	_ =	sfence.sel $0xFFFF  }
0xbf: {  	[dreg:$0x0] =	wrdreg $0xFFFFFFFF;
	(pc) =	sbr.abs _section_cstart, $3  }
0xc0: {  	[dreg:$0x1] =	wrdreg $0xFFFFFFFF  }
0xc1: {  	_ =	task.clear_ibuf [dreg:s6], $0x2FFFF;
	_ =	strace $0x9FFFFFFF  }
0xc2: {  	(tm) =	ssettm $0x7FFFFFFF  }
0xc3: {  	_ =	shalt  }
tec
execute0_lowered:
.L_overlay_start_1:
0x0: {  	(tag) =	ssettag $0x1  }
0x1: {  	s0 =	rddreg [dreg:$0x0]  }
0x2: {  	s2 =	rddreg [dreg:$0x1]  }
0x3: {  	s8 =	stileid.u32;
	s4 =	srdreg.scid;
	s3 =	simm.s32 $0x0  }
0x4: {  	s28 =	simm.s32 $0x180;
	s29 =	simm.s32 $0x500;
	s30 =	simm.s32 $0x200  }
0x5: {  	s31 =	simm.s32 $0x580;
	s10 =	simm.s32 $0x300;
	s11 =	simm.s32 $0x680  }
0x6: {  	s12 =	simm.s32 $0x380;
	s13 =	simm.s32 $0x700;
	s1 =	smul.u32 $0xA00, s8  }
0x7: {  	s14 =	simm.s32 $0x780;
	s15 =	simm.s32 $0x0;
	s5 =	smul.u32 $0x280, s8  }
0x8: {  	s6 =	sand.u32 $0x1, s4;
	[smem:$0x7FF] =	sst s3;
	s8 =	smul.u32 $0x50000, s8  }
0x9: {  	s4 =	sadd.s32 $0x17C00, s0;
	s7 =	smul.u32 $0x2800, s6;
	_ =	strace $0x8000004A  }
0xa: {  	s17 =	ssub.s32 $0x2, s6;
	s6 =	smul.u32 $0x500, s6;
	s1 =	sadd.s32 s1, s0  }
0xb: {  	s8 =	sshrl.u32 s8, $0x2;
	s9 =	sshrl.u32 s17, $0x1;
	s5 =	sadd.s32 s5, s7  }
0xc: {  	s8 =	sadd.s32 s8, s2;
	s7 =	ssub.s32 s17, s9;
	s25 =	sadd.s32 s6, s1  }
0xd: {  	s1 =	simm.s32 $0x600;
	s18 =	sadd.s32 $0x8000, s8;
	[dreg:$0x3] =	wrdreg s8  }
0xe: {  	s5 =	sshll.u32 s5, $0x4;
	s19 =	sadd.s32 $0xC000, s8;
	[dreg:$0x5] =	wrdreg s18  }
0xf: {  	s9 =	sadd.s32 $0x4000, s8;
	s20 =	sadd.s32 $0x10000, s8;
	[dreg:$0x6] =	wrdreg s19  }
0x10: {  	s26 =	smax.u32 s7, $0x1;
	s16 =	sadd.s32 $0xDC00, s25;
	[dreg:$0x7] =	wrdreg s20  }
0x11: {  	s17 =	sadd.s32 $0x3C00, s25;
	s0 =	sadd.s32 s5, s0;
	[dreg:$0xd] =	wrdreg s26  }
0x12: {  	s25 =	simm.s32 $0x2;
	[dreg:$0x4] =	wrdreg s9;
	s21 =	sadd.s32 $0x3FC00, s0  }
0x13: {  	s18 =	simm.s32 $0x800;
	s22 =	sadd.s32 $0x40400, s0;
	[dreg:$0x8] =	wrdreg s21  }
0x14: {  	s19 =	simm.s32 $0x3;
	s23 =	sadd.s32 $0x40C00, s0;
	[dreg:$0x9] =	wrdreg s22  }
0x15: {  	s20 =	simm.s32 $0x400;
	s24 =	sadd.s32 $0x41400, s0;
	[dreg:$0xa] =	wrdreg s23  }
0x16: {  	s26 =	simm.s32 $0x480;
	s0 =	sadd.s32 $0x41C00, s0;
	[dreg:$0xb] =	wrdreg s24  }
0x17: {  	[dreg:$0xc] =	wrdreg s0;
	s21 =	simm.s32 $0x80;
	s22 =	simm.s32 $0x4800  }
0x18: {  	v0 =	vimm.f32 $0.0e+00;
	s23 =	simm.s32 $0x1;
	s24 =	simm.s32 $0x100;
	s0 =	simm.s32 $0x280  }
.LBB2_1:
0x19: {  	s6 =	simm.s32 $0x0;
	s7 =	simm.s32 $0x200  }
.LBB2_2:
0x1a: {  	p0 =	sne.s32 s7, $0xFE00;
	[tilespmem:s6+$0x870] =	vst v0  }
0x1b: {  	[tilespmem:s6+$0x800] =	vst v0  }
0x1c: {  	[tilespmem:s6+$0x810] =	vst v0  }
.Ltmp0:
0x1d: {  	[tilespmem:s6+$0x820] =	vst v0;
	(pc) =	sbr.rel @p0 .LBB2_2-.Ltmp0, $4  }
0x1e: {  	[tilespmem:s6+$0x830] =	vst v0  }
0x1f: {  	[tilespmem:s6+$0x840] =	vst v0  }
0x20: {  	[tilespmem:s6+$0x850] =	vst v0  }
0x21: {  	[tilespmem:s6+$0x860] =	vst v0;
	s6 =	sshra.s32 s7, $0x2;
	s7 =	sadd.s32 $0x200, s7  }
0x22: {  	[tilespmem:s6+$0x870] =	vst v0  }
0x23: {  	[tilespmem:s6+$0x800] =	vst v0  }
0x24: {  	[tilespmem:s6+$0x810] =	vst v0  }
0x25: {  	[tilespmem:s6+$0x820] =	vst v0  }
0x26: {  	[tilespmem:s6+$0x830] =	vst v0  }
0x27: {  	[tilespmem:s6+$0x840] =	vst v0  }
0x28: {  	[tilespmem:s6+$0x850] =	vst v0  }
0x29: {  	[tilespmem:s6+$0x860] =	vst v0  }
0x2a: {  	[spmem:s8] =	stream.linear.scatter [tilespmem:s18], [sflag:$0x3], $0x4000, $0x38;
	[tilespmem:$0x1C800] =	vst v63  }
0x2b: {  	_ =	swait.ge [sflag:s19], $0x4000  }
0x2c: {  	[sflag:s19] =	ssyncset.done $0x0  }
0x2d: {  	[sflag:s19] =	ssyncadd.s32 $0xFFFFC000  }
0x2e: {  	[spmem:s9] =	stream.linear.scatter [tilespmem:s18], [sflag:$0x3], $0x4000, $0x38;
	[tilespmem:$0x1C800] =	vst v63  }
0x2f: {  	_ =	swait.ge [sflag:s19], $0x4000  }
0x30: {  	[sflag:s19] =	ssyncset.done $0x0  }
0x31: {  	s5 =	rddreg [dreg:$0x5];
	[sflag:s19] =	ssyncadd.s32 $0xFFFFC000  }
0x32: {  	[spmem:s5] =	stream.linear.scatter [tilespmem:s18], [sflag:$0x3], $0x4000, $0x38;
	[tilespmem:$0x1C800] =	vst v63  }
0x33: {  	_ =	swait.ge [sflag:s19], $0x4000  }
0x34: {  	[sflag:s19] =	ssyncset.done $0x0  }
0x35: {  	s6 =	rddreg [dreg:$0x6];
	[sflag:s19] =	ssyncadd.s32 $0xFFFFC000  }
0x36: {  	[spmem:s6] =	stream.linear.scatter [tilespmem:s18], [sflag:$0x3], $0x4000, $0x38;
	[tilespmem:$0x1C800] =	vst v63  }
0x37: {  	_ =	swait.ge [sflag:s19], $0x4000  }
0x38: {  	[sflag:s19] =	ssyncset.done $0x0  }
0x39: {  	s7 =	rddreg [dreg:$0x7];
	[sflag:s19] =	ssyncadd.s32 $0xFFFFC000  }
0x3a: {  	[spmem:s7] =	stream.linear.scatter [tilespmem:s18], [sflag:$0x3], $0x4000, $0x38;
	[tilespmem:$0x1C800] =	vst v63  }
0x3b: {  	_ =	swait.ge [sflag:s19], $0x4000  }
0x3c: {  	[sflag:s19] =	ssyncset.done $0x0  }
0x3d: {  	[sflag:s19] =	ssyncadd.s32 $0xFFFFC000  }
0x3e: {  	s8 =	sadd.s32 $0x0, s17;
	[bflag:$0x0] =	sbarrier.arrive $0xFFFF  }
0x3f: {  	[tilespmem:s3], [sflag:$0x3] =	stream.linear.gather [hbm4b:s8+s3], $0x400, $0x38;
	[tilespmem:$0x1C800] =	vst v63  }
0x40: {  	_ =	swait.ge [sflag:s19], $0x400  }
0x41: {  	[sflag:s19] =	ssyncset.done $0x0  }
0x42: {  	s9 =	sadd.s32 $0x0, s16;
	[sflag:s19] =	ssyncadd.s32 $0xFFFFFC00  }
0x43: {  	[tilespmem:s20], [sflag:$0x3] =	stream.linear.gather [hbm4b:s9+s3], $0x400, $0x38;
	[tilespmem:$0x1C800] =	vst v63  }
0x44: {  	_ =	swait.ge [sflag:s19], $0x400  }
0x45: {  	[sflag:s19] =	ssyncset.done $0x0  }
0x46: {  	[sflag:s19] =	ssyncadd.s32 $0xFFFFFC00  }
0x47: {  	[tilespmem:s18], [sflag:$0x1] =	stream.indirect.gather [hbm4b:s4+s21], $0x80, s3, s21, $0xb8;
	[tilespmem:$0x1C800] =	vst v63  }
0x48: {  	_ = 	snop  }
0x49: {  	[tilespmem:s22], [sflag:$0x2] =	stream.indirect.gather [hbm4b:s4+s21], $0x80, s21, s21, $0xb8;
	[tilespmem:$0x1C800] =	vst v63  }
0x4a: {  	_ =	swait.ge [sflag:s23], $0x4000  }
0x4b: {  	[sflag:s23] =	ssyncset.done $0x0  }
0x4c: {  	[sflag:s23] =	ssyncadd.s32 $0xFFFFC000  }
0x4d: {  	[spmem:s2] =	stream.indirect.scatter.add.f32 [tilespmem:s18], [sflag:$0x3], $0x80, s20, s21, $0xb8;
	[tilespmem:$0x1C800] =	vst v63  }
0x4e: {  	_ =	swait.ge [sflag:s19], $0x4000  }
0x4f: {  	[sflag:s19] =	ssyncset.done $0x0  }
0x50: {  	[sflag:s19] =	ssyncadd.s32 $0xFFFFC000  }
0x51: {  	[tilespmem:s18], [sflag:$0x1] =	stream.indirect.gather [hbm4b:s4+s21], $0x80, s24, s21, $0xb8;
	[tilespmem:$0x1C800] =	vst v63  }
0x52: {  	_ =	swait.ge [sflag:s25], $0x4000  }
0x53: {  	[sflag:s25] =	ssyncset.done $0x0  }
0x54: {  	[sflag:s25] =	ssyncadd.s32 $0xFFFFC000  }
0x55: {  	[spmem:s2] =	stream.indirect.scatter.add.f32 [tilespmem:s22], [sflag:$0x3], $0x80, s26, s21, $0xb8;
	[tilespmem:$0x1C800] =	vst v63  }
0x56: {  	_ =	swait.ge [sflag:s19], $0x4000  }
0x57: {  	[sflag:s19] =	ssyncset.done $0x0  }
0x58: {  	[sflag:s19] =	ssyncadd.s32 $0xFFFFC000  }
0x59: {  	[tilespmem:s22], [sflag:$0x2] =	stream.indirect.gather [hbm4b:s4+s21], $0x80, s28, s21, $0xb8;
	[tilespmem:$0x1C800] =	vst v63  }
0x5a: {  	_ =	swait.ge [sflag:s23], $0x4000  }
0x5b: {  	[sflag:s23] =	ssyncset.done $0x0  }
0x5c: {  	[sflag:s23] =	ssyncadd.s32 $0xFFFFC000  }
0x5d: {  	[spmem:s2] =	stream.indirect.scatter.add.f32 [tilespmem:s18], [sflag:$0x3], $0x80, s29, s21, $0xb8;
	[tilespmem:$0x1C800] =	vst v63  }
0x5e: {  	_ =	swait.ge [sflag:s19], $0x4000  }
0x5f: {  	[sflag:s19] =	ssyncset.done $0x0  }
0x60: {  	[sflag:s19] =	ssyncadd.s32 $0xFFFFC000  }
0x61: {  	[tilespmem:s18], [sflag:$0x1] =	stream.indirect.gather [hbm4b:s4+s21], $0x80, s30, s21, $0xb8;
	[tilespmem:$0x1C800] =	vst v63  }
0x62: {  	_ =	swait.ge [sflag:s25], $0x4000  }
0x63: {  	[sflag:s25] =	ssyncset.done $0x0  }
0x64: {  	[sflag:s25] =	ssyncadd.s32 $0xFFFFC000  }
0x65: {  	[spmem:s2] =	stream.indirect.scatter.add.f32 [tilespmem:s22], [sflag:$0x3], $0x80, s31, s21, $0xb8;
	[tilespmem:$0x1C800] =	vst v63  }
0x66: {  	_ =	swait.ge [sflag:s19], $0x4000  }
0x67: {  	[sflag:s19] =	ssyncset.done $0x0  }
0x68: {  	[sflag:s19] =	ssyncadd.s32 $0xFFFFC000  }
0x69: {  	[tilespmem:s22], [sflag:$0x2] =	stream.indirect.gather [hbm4b:s4+s21], $0x80, s0, s21, $0xb8;
	[tilespmem:$0x1C800] =	vst v63  }
0x6a: {  	_ =	swait.ge [sflag:s23], $0x4000  }
0x6b: {  	[sflag:s23] =	ssyncset.done $0x0  }
0x6c: {  	[sflag:s23] =	ssyncadd.s32 $0xFFFFC000  }
0x6d: {  	[spmem:s2] =	stream.indirect.scatter.add.f32 [tilespmem:s18], [sflag:$0x3], $0x80, s1, s21, $0xb8;
	[tilespmem:$0x1C800] =	vst v63  }
0x6e: {  	_ =	swait.ge [sflag:s19], $0x4000  }
0x6f: {  	[sflag:s19] =	ssyncset.done $0x0  }
0x70: {  	[sflag:s19] =	ssyncadd.s32 $0xFFFFC000  }
0x71: {  	[tilespmem:s18], [sflag:$0x1] =	stream.indirect.gather [hbm4b:s4+s21], $0x80, s10, s21, $0xb8;
	[tilespmem:$0x1C800] =	vst v63  }
0x72: {  	_ =	swait.ge [sflag:s25], $0x4000  }
0x73: {  	[sflag:s25] =	ssyncset.done $0x0  }
0x74: {  	[sflag:s25] =	ssyncadd.s32 $0xFFFFC000  }
0x75: {  	[spmem:s2] =	stream.indirect.scatter.add.f32 [tilespmem:s22], [sflag:$0x3], $0x80, s11, s21, $0xb8;
	[tilespmem:$0x1C800] =	vst v63  }
0x76: {  	_ =	swait.ge [sflag:s19], $0x4000  }
0x77: {  	[sflag:s19] =	ssyncset.done $0x0  }
0x78: {  	[sflag:s19] =	ssyncadd.s32 $0xFFFFC000  }
0x79: {  	[tilespmem:s22], [sflag:$0x2] =	stream.indirect.gather [hbm4b:s4+s21], $0x80, s12, s21, $0xb8;
	[tilespmem:$0x1C800] =	vst v63  }
0x7a: {  	_ =	swait.ge [sflag:s23], $0x4000  }
0x7b: {  	[sflag:s23] =	ssyncset.done $0x0  }
0x7c: {  	[sflag:s23] =	ssyncadd.s32 $0xFFFFC000  }
0x7d: {  	[spmem:s2] =	stream.indirect.scatter.add.f32 [tilespmem:s18], [sflag:$0x3], $0x80, s13, s21, $0xb8;
	[tilespmem:$0x1C800] =	vst v63  }
0x7e: {  	_ =	swait.ge [sflag:s19], $0x4000  }
0x7f: {  	[sflag:s19] =	ssyncset.done $0x0  }
0x80: {  	[sflag:s19] =	ssyncadd.s32 $0xFFFFC000  }
0x81: {  	_ =	swait.ge [sflag:s25], $0x4000  }
0x82: {  	[sflag:s25] =	ssyncset.done $0x0  }
0x83: {  	[sflag:s25] =	ssyncadd.s32 $0xFFFFC000  }
0x84: {  	[spmem:s2] =	stream.indirect.scatter.add.f32 [tilespmem:s22], [sflag:$0x3], $0x80, s14, s21, $0xb8;
	[tilespmem:$0x1C800] =	vst v63  }
0x85: {  	_ =	swait.ge [sflag:s19], $0x4000  }
0x86: {  	s6 =	simm.s32 $0x80;
	s7 =	simm.s32 $0x100;
	[sflag:s19] =	ssyncset.done $0x0  }
.LBB2_4:
0x87: {  	s9 =	sadd.s32 s6, s17  }
0x88: {  	[sflag:s19] =	ssyncadd.s32 $0xFFFFC000;
	s5 =	smov.u32 s7;
	s8 =	sadd.s32 $0x80, s7  }
0x89: {  	[tilespmem:s3], [sflag:$0x3] =	stream.linear.gather [hbm4b:s9+s3], $0x400, $0x38;
	[tilespmem:$0x1C800] =	vst v63  }
0x8a: {  	p0 =	sne.s32 s7, $0x480;
	_ =	swait.ge [sflag:s19], $0x400  }
0x8b: {  	[sflag:s19] =	ssyncset.done $0x0  }
0x8c: {  	s7 =	sadd.s32 s6, s16;
	s6 =	smov.u32 s5;
	[sflag:s19] =	ssyncadd.s32 $0xFFFFFC00  }
0x8d: {  	[tilespmem:s20], [sflag:$0x3] =	stream.linear.gather [hbm4b:s7+s3], $0x400, $0x38;
	[tilespmem:$0x1C800] =	vst v63  }
0x8e: {  	_ =	swait.ge [sflag:s19], $0x400  }
0x8f: {  	[sflag:s19] =	ssyncset.done $0x0  }
0x90: {  	[sflag:s19] =	ssyncadd.s32 $0xFFFFFC00  }
0x91: {  	[tilespmem:s18], [sflag:$0x1] =	stream.indirect.gather [hbm4b:s4+s21], $0x80, s3, s21, $0xb8;
	[tilespmem:$0x1C800] =	vst v63  }
0x92: {  	_ = 	snop  }
0x93: {  	[tilespmem:s22], [sflag:$0x2] =	stream.indirect.gather [hbm4b:s4+s21], $0x80, s21, s21, $0xb8;
	[tilespmem:$0x1C800] =	vst v63  }
0x94: {  	_ =	swait.ge [sflag:s23], $0x4000  }
0x95: {  	[sflag:s23] =	ssyncset.done $0x0  }
0x96: {  	[sflag:s23] =	ssyncadd.s32 $0xFFFFC000  }
0x97: {  	[spmem:s2] =	stream.indirect.scatter.add.f32 [tilespmem:s18], [sflag:$0x3], $0x80, s20, s21, $0xb8;
	[tilespmem:$0x1C800] =	vst v63  }
0x98: {  	_ =	swait.ge [sflag:s19], $0x4000  }
0x99: {  	[sflag:s19] =	ssyncset.done $0x0  }
0x9a: {  	[sflag:s19] =	ssyncadd.s32 $0xFFFFC000  }
0x9b: {  	[tilespmem:s18], [sflag:$0x1] =	stream.indirect.gather [hbm4b:s4+s21], $0x80, s24, s21, $0xb8;
	[tilespmem:$0x1C800] =	vst v63  }
0x9c: {  	_ =	swait.ge [sflag:s25], $0x4000  }
0x9d: {  	[sflag:s25] =	ssyncset.done $0x0  }
0x9e: {  	[sflag:s25] =	ssyncadd.s32 $0xFFFFC000  }
0x9f: {  	[spmem:s2] =	stream.indirect.scatter.add.f32 [tilespmem:s22], [sflag:$0x3], $0x80, s26, s21, $0xb8;
	[tilespmem:$0x1C800] =	vst v63  }
0xa0: {  	_ =	swait.ge [sflag:s19], $0x4000  }
0xa1: {  	[sflag:s19] =	ssyncset.done $0x0  }
0xa2: {  	[sflag:s19] =	ssyncadd.s32 $0xFFFFC000  }
0xa3: {  	[tilespmem:s22], [sflag:$0x2] =	stream.indirect.gather [hbm4b:s4+s21], $0x80, s28, s21, $0xb8;
	[tilespmem:$0x1C800] =	vst v63  }
0xa4: {  	_ =	swait.ge [sflag:s23], $0x4000  }
0xa5: {  	[sflag:s23] =	ssyncset.done $0x0  }
0xa6: {  	[sflag:s23] =	ssyncadd.s32 $0xFFFFC000  }
0xa7: {  	[spmem:s2] =	stream.indirect.scatter.add.f32 [tilespmem:s18], [sflag:$0x3], $0x80, s29, s21, $0xb8;
	[tilespmem:$0x1C800] =	vst v63  }
0xa8: {  	_ =	swait.ge [sflag:s19], $0x4000  }
0xa9: {  	[sflag:s19] =	ssyncset.done $0x0  }
0xaa: {  	[sflag:s19] =	ssyncadd.s32 $0xFFFFC000  }
0xab: {  	[tilespmem:s18], [sflag:$0x1] =	stream.indirect.gather [hbm4b:s4+s21], $0x80, s30, s21, $0xb8;
	[tilespmem:$0x1C800] =	vst v63  }
0xac: {  	_ =	swait.ge [sflag:s25], $0x4000  }
0xad: {  	[sflag:s25] =	ssyncset.done $0x0  }
0xae: {  	[sflag:s25] =	ssyncadd.s32 $0xFFFFC000  }
0xaf: {  	[spmem:s2] =	stream.indirect.scatter.add.f32 [tilespmem:s22], [sflag:$0x3], $0x80, s31, s21, $0xb8;
	[tilespmem:$0x1C800] =	vst v63  }
0xb0: {  	_ =	swait.ge [sflag:s19], $0x4000  }
0xb1: {  	[sflag:s19] =	ssyncset.done $0x0  }
0xb2: {  	[sflag:s19] =	ssyncadd.s32 $0xFFFFC000  }
0xb3: {  	[tilespmem:s22], [sflag:$0x2] =	stream.indirect.gather [hbm4b:s4+s21], $0x80, s0, s21, $0xb8;
	[tilespmem:$0x1C800] =	vst v63  }
0xb4: {  	_ =	swait.ge [sflag:s23], $0x4000  }
0xb5: {  	[sflag:s23] =	ssyncset.done $0x0  }
0xb6: {  	[sflag:s23] =	ssyncadd.s32 $0xFFFFC000  }
0xb7: {  	[spmem:s2] =	stream.indirect.scatter.add.f32 [tilespmem:s18], [sflag:$0x3], $0x80, s1, s21, $0xb8;
	[tilespmem:$0x1C800] =	vst v63  }
0xb8: {  	_ =	swait.ge [sflag:s19], $0x4000  }
0xb9: {  	[sflag:s19] =	ssyncset.done $0x0  }
0xba: {  	[sflag:s19] =	ssyncadd.s32 $0xFFFFC000  }
0xbb: {  	[tilespmem:s18], [sflag:$0x1] =	stream.indirect.gather [hbm4b:s4+s21], $0x80, s10, s21, $0xb8;
	[tilespmem:$0x1C800] =	vst v63  }
0xbc: {  	_ =	swait.ge [sflag:s25], $0x4000  }
0xbd: {  	[sflag:s25] =	ssyncset.done $0x0  }
0xbe: {  	[sflag:s25] =	ssyncadd.s32 $0xFFFFC000  }
0xbf: {  	[spmem:s2] =	stream.indirect.scatter.add.f32 [tilespmem:s22], [sflag:$0x3], $0x80, s11, s21, $0xb8;
	[tilespmem:$0x1C800] =	vst v63  }
0xc0: {  	_ =	swait.ge [sflag:s19], $0x4000  }
0xc1: {  	[sflag:s19] =	ssyncset.done $0x0  }
0xc2: {  	[sflag:s19] =	ssyncadd.s32 $0xFFFFC000  }
0xc3: {  	[tilespmem:s22], [sflag:$0x2] =	stream.indirect.gather [hbm4b:s4+s21], $0x80, s12, s21, $0xb8;
	[tilespmem:$0x1C800] =	vst v63  }
0xc4: {  	_ =	swait.ge [sflag:s23], $0x4000  }
0xc5: {  	[sflag:s23] =	ssyncset.done $0x0  }
0xc6: {  	[sflag:s23] =	ssyncadd.s32 $0xFFFFC000  }
0xc7: {  	[spmem:s2] =	stream.indirect.scatter.add.f32 [tilespmem:s18], [sflag:$0x3], $0x80, s13, s21, $0xb8;
	[tilespmem:$0x1C800] =	vst v63  }
0xc8: {  	_ =	swait.ge [sflag:s19], $0x4000  }
0xc9: {  	[sflag:s19] =	ssyncset.done $0x0  }
0xca: {  	[sflag:s19] =	ssyncadd.s32 $0xFFFFC000  }
0xcb: {  	_ =	swait.ge [sflag:s25], $0x4000  }
.Ltmp1:
0xcc: {  	[sflag:s25] =	ssyncset.done $0x0;
	(pc) =	sbr.rel @p0 .LBB2_4-.Ltmp1, $4  }
0xcd: {  	[sflag:s25] =	ssyncadd.s32 $0xFFFFC000  }
0xce: {  	[spmem:s2] =	stream.indirect.scatter.add.f32 [tilespmem:s22], [sflag:$0x3], $0x80, s14, s21, $0xb8;
	[tilespmem:$0x1C800] =	vst v63  }
0xcf: {  	_ =	swait.ge [sflag:s19], $0x4000  }
0xd0: {  	s7 =	smov.u32 s8;
	[sflag:s19] =	ssyncset.done $0x0  }
0xd1: {  	s5 =	sadd.s32 s6, s17;
	[sflag:s19] =	ssyncadd.s32 $0xFFFFC000  }
0xd2: {  	[tilespmem:s3], [sflag:$0x3] =	stream.linear.gather [hbm4b:s5+s3], $0x400, $0x38;
	[tilespmem:$0x1C800] =	vst v63  }
0xd3: {  	_ =	swait.ge [sflag:s19], $0x400  }
0xd4: {  	[sflag:s19] =	ssyncset.done $0x0  }
0xd5: {  	s7 =	sadd.s32 s6, s16;
	[sflag:s19] =	ssyncadd.s32 $0xFFFFFC00  }
0xd6: {  	[tilespmem:s20], [sflag:$0x3] =	stream.linear.gather [hbm4b:s7+s3], $0x400, $0x38;
	[tilespmem:$0x1C800] =	vst v63  }
0xd7: {  	_ =	swait.ge [sflag:s19], $0x400  }
0xd8: {  	[sflag:s19] =	ssyncset.done $0x0  }
0xd9: {  	[sflag:s19] =	ssyncadd.s32 $0xFFFFFC00  }
0xda: {  	[tilespmem:s18], [sflag:$0x1] =	stream.indirect.gather [hbm4b:s4+s21], $0x80, s3, s21, $0xb8;
	[tilespmem:$0x1C800] =	vst v63  }
0xdb: {  	_ = 	snop  }
0xdc: {  	[tilespmem:s22], [sflag:$0x2] =	stream.indirect.gather [hbm4b:s4+s21], $0x80, s21, s21, $0xb8;
	[tilespmem:$0x1C800] =	vst v63  }
0xdd: {  	_ =	swait.ge [sflag:s23], $0x4000  }
0xde: {  	[sflag:s23] =	ssyncset.done $0x0  }
0xdf: {  	[sflag:s23] =	ssyncadd.s32 $0xFFFFC000  }
0xe0: {  	[spmem:s2] =	stream.indirect.scatter.add.f32 [tilespmem:s18], [sflag:$0x3], $0x80, s20, s21, $0xb8;
	[tilespmem:$0x1C800] =	vst v63  }
0xe1: {  	_ =	swait.ge [sflag:s19], $0x4000  }
0xe2: {  	[sflag:s19] =	ssyncset.done $0x0  }
0xe3: {  	[sflag:s19] =	ssyncadd.s32 $0xFFFFC000  }
0xe4: {  	[tilespmem:s18], [sflag:$0x1] =	stream.indirect.gather [hbm4b:s4+s21], $0x80, s24, s21, $0xb8;
	[tilespmem:$0x1C800] =	vst v63  }
0xe5: {  	_ =	swait.ge [sflag:s25], $0x4000  }
0xe6: {  	[sflag:s25] =	ssyncset.done $0x0  }
0xe7: {  	[sflag:s25] =	ssyncadd.s32 $0xFFFFC000  }
0xe8: {  	[spmem:s2] =	stream.indirect.scatter.add.f32 [tilespmem:s22], [sflag:$0x3], $0x80, s26, s21, $0xb8;
	[tilespmem:$0x1C800] =	vst v63  }
0xe9: {  	_ =	swait.ge [sflag:s19], $0x4000  }
0xea: {  	[sflag:s19] =	ssyncset.done $0x0  }
0xeb: {  	[sflag:s19] =	ssyncadd.s32 $0xFFFFC000  }
0xec: {  	[tilespmem:s22], [sflag:$0x2] =	stream.indirect.gather [hbm4b:s4+s21], $0x80, s28, s21, $0xb8;
	[tilespmem:$0x1C800] =	vst v63  }
0xed: {  	_ =	swait.ge [sflag:s23], $0x4000  }
0xee: {  	[sflag:s23] =	ssyncset.done $0x0  }
0xef: {  	[sflag:s23] =	ssyncadd.s32 $0xFFFFC000  }
0xf0: {  	[spmem:s2] =	stream.indirect.scatter.add.f32 [tilespmem:s18], [sflag:$0x3], $0x80, s29, s21, $0xb8;
	[tilespmem:$0x1C800] =	vst v63  }
0xf1: {  	_ =	swait.ge [sflag:s19], $0x4000  }
0xf2: {  	[sflag:s19] =	ssyncset.done $0x0  }
0xf3: {  	[sflag:s19] =	ssyncadd.s32 $0xFFFFC000  }
0xf4: {  	[tilespmem:s18], [sflag:$0x1] =	stream.indirect.gather [hbm4b:s4+s21], $0x80, s30, s21, $0xb8;
	[tilespmem:$0x1C800] =	vst v63  }
0xf5: {  	_ =	swait.ge [sflag:s25], $0x4000  }
0xf6: {  	[sflag:s25] =	ssyncset.done $0x0  }
0xf7: {  	[sflag:s25] =	ssyncadd.s32 $0xFFFFC000  }
0xf8: {  	[spmem:s2] =	stream.indirect.scatter.add.f32 [tilespmem:s22], [sflag:$0x3], $0x80, s31, s21, $0xb8;
	[tilespmem:$0x1C800] =	vst v63  }
0xf9: {  	_ =	swait.ge [sflag:s19], $0x4000  }
0xfa: {  	[sflag:s19] =	ssyncset.done $0x0  }
0xfb: {  	[sflag:s19] =	ssyncadd.s32 $0xFFFFC000  }
0xfc: {  	[tilespmem:s22], [sflag:$0x2] =	stream.indirect.gather [hbm4b:s4+s21], $0x80, s0, s21, $0xb8;
	[tilespmem:$0x1C800] =	vst v63  }
0xfd: {  	_ =	swait.ge [sflag:s23], $0x4000  }
0xfe: {  	[sflag:s23] =	ssyncset.done $0x0  }
0xff: {  	[sflag:s23] =	ssyncadd.s32 $0xFFFFC000  }
0x100: {  	[spmem:s2] =	stream.indirect.scatter.add.f32 [tilespmem:s18], [sflag:$0x3], $0x80, s1, s21, $0xb8;
	[tilespmem:$0x1C800] =	vst v63  }
0x101: {  	_ =	swait.ge [sflag:s19], $0x4000  }
0x102: {  	[sflag:s19] =	ssyncset.done $0x0  }
0x103: {  	[sflag:s19] =	ssyncadd.s32 $0xFFFFC000  }
0x104: {  	[tilespmem:s18], [sflag:$0x1] =	stream.indirect.gather [hbm4b:s4+s21], $0x80, s10, s21, $0xb8;
	[tilespmem:$0x1C800] =	vst v63  }
0x105: {  	_ =	swait.ge [sflag:s25], $0x4000  }
0x106: {  	[sflag:s25] =	ssyncset.done $0x0  }
0x107: {  	[sflag:s25] =	ssyncadd.s32 $0xFFFFC000  }
0x108: {  	[spmem:s2] =	stream.indirect.scatter.add.f32 [tilespmem:s22], [sflag:$0x3], $0x80, s11, s21, $0xb8;
	[tilespmem:$0x1C800] =	vst v63  }
0x109: {  	_ =	swait.ge [sflag:s19], $0x4000  }
0x10a: {  	[sflag:s19] =	ssyncset.done $0x0  }
0x10b: {  	[sflag:s19] =	ssyncadd.s32 $0xFFFFC000  }
0x10c: {  	[tilespmem:s22], [sflag:$0x2] =	stream.indirect.gather [hbm4b:s4+s21], $0x80, s12, s21, $0xb8;
	[tilespmem:$0x1C800] =	vst v63  }
0x10d: {  	_ =	swait.ge [sflag:s23], $0x4000  }
0x10e: {  	[sflag:s23] =	ssyncset.done $0x0  }
0x10f: {  	[sflag:s23] =	ssyncadd.s32 $0xFFFFC000  }
0x110: {  	[spmem:s2] =	stream.indirect.scatter.add.f32 [tilespmem:s18], [sflag:$0x3], $0x80, s13, s21, $0xb8;
	[tilespmem:$0x1C800] =	vst v63  }
0x111: {  	_ =	swait.ge [sflag:s19], $0x4000  }
0x112: {  	[sflag:s19] =	ssyncset.done $0x0  }
0x113: {  	[sflag:s19] =	ssyncadd.s32 $0xFFFFC000  }
0x114: {  	_ =	swait.ge [sflag:s25], $0x4000  }
0x115: {  	[sflag:s25] =	ssyncset.done $0x0  }
0x116: {  	[sflag:s25] =	ssyncadd.s32 $0xFFFFC000  }
0x117: {  	[spmem:s2] =	stream.indirect.scatter.add.f32 [tilespmem:s22], [sflag:$0x3], $0x80, s14, s21, $0xb8;
	[tilespmem:$0x1C800] =	vst v63  }
0x118: {  	_ =	swait.ge [sflag:s19], $0x4000  }
0x119: {  	[sflag:s19] =	ssyncset.done $0x0  }
0x11a: {  	[sflag:s19] =	ssyncadd.s32 $0xFFFFC000  }
0x11b: {  	s8 =	stileid.u32;
	[bflag:$0x0] =	sbarrier.arrive $0xFFFF  }
0x11c: {  	s5 =	sshll.u32 s8, $0x6;
	s8 =	rddreg [dreg:$0x3]  }
0x11d: {  	s5 =	sor.u32 $0x1C03, s5;
	s7 =	rddreg [dreg:$0x8];
	s9 =	sshrl.u32 s8, $0x3  }
0x11e: {  	[hbm:s7], [sflag:s5] =	dma.local [spmem:s9], $0x800  }
0x11f: {  	_ =	swait.ge [sflag:s19], $0x800  }
0x120: {  	[sflag:s19] =	ssyncset.done $0x0;
	s9 =	rddreg [dreg:$0x4]  }
0x121: {  	s7 =	rddreg [dreg:$0x9];
	[sflag:s19] =	ssyncadd.s32 $0xFFFFF800;
	s6 =	sshrl.u32 s9, $0x3  }
0x122: {  	[hbm:s7], [sflag:s5] =	dma.local [spmem:s6], $0x800  }
0x123: {  	_ =	swait.ge [sflag:s19], $0x800  }
0x124: {  	[sflag:s19] =	ssyncset.done $0x0;
	s7 =	rddreg [dreg:$0x5]  }
0x125: {  	[sflag:s19] =	ssyncadd.s32 $0xFFFFF800;
	s6 =	sshrl.u32 s7, $0x3;
	s7 =	rddreg [dreg:$0xa]  }
0x126: {  	[hbm:s7], [sflag:s5] =	dma.local [spmem:s6], $0x800  }
0x127: {  	_ =	swait.ge [sflag:s19], $0x800  }
0x128: {  	[sflag:s19] =	ssyncset.done $0x0;
	s7 =	rddreg [dreg:$0x6]  }
0x129: {  	[sflag:s19] =	ssyncadd.s32 $0xFFFFF800;
	s6 =	sshrl.u32 s7, $0x3;
	s7 =	rddreg [dreg:$0xb]  }
0x12a: {  	[hbm:s7], [sflag:s5] =	dma.local [spmem:s6], $0x800  }
0x12b: {  	_ =	swait.ge [sflag:s19], $0x800  }
0x12c: {  	[sflag:s19] =	ssyncset.done $0x0;
	s7 =	rddreg [dreg:$0x7]  }
0x12d: {  	[sflag:s19] =	ssyncadd.s32 $0xFFFFF800;
	s6 =	sshrl.u32 s7, $0x3;
	s7 =	rddreg [dreg:$0xc]  }
0x12e: {  	[hbm:s7], [sflag:s5] =	dma.local [spmem:s6], $0x800  }
0x12f: {  	_ =	swait.ge [sflag:s19], $0x800  }
0x130: {  	s15 =	sadd.s32 $0x1, s15;
	s7 =	rddreg [dreg:$0xd]  }
0x131: {  	p0 =	sne.s32 s15, s7  }
.Ltmp2:
0x132: {  	_ = 	snop;
	(pc) =	sbr.rel @p0 .LBB2_1-.Ltmp2, $3  }
0x133: {  	_ =	sdelay $0x1  }
0x134: {  	[sflag:s19] =	ssyncset.done $0x0  }
0x135: {  	[sflag:s19] =	ssyncadd.s32 $0xFFFFF800  }
0x136: {  	_ =	sfence.sel $0x180000  }
0x137: {  	[bflag:$0x0] =	sbarrier.arrive $0xFFFF  }
0x138: {  	_ =	strace $0x9000004A  }
0x139: {  	s0 =	stileid.u32;
	[bflag:$0x2] =	sbarrier.arrive $0xFFFF  }
0x13a: {  	p0 =	sne.s32 s0, $0x0;
	s0 =	rddreg [dreg:$0x2]  }
0x13b: {  	s0 =	sadd.s32 @!p0 $0x100000, s0  }
0x13c: {  	[sflag:s0] =	ssyncadd.tile.s32 @!p0 $0x1;
	_ =	shalt  }
.Lfunc_end2:
_tile_overlayer_lowered:
.L_overlay_start_2:
0x13d: {  	(tag) =	ssettag $0x2  }
0x13e: {  	s0 =	rddreg [dreg:$0x0];
	s2 =	stileid.u32  }
0x13f: {  	s1 =	rddreg [dreg:$0x1];
	p0 =	sne.s32 s2, $0x0  }
0x140: {  	s3 =	rddreg [dreg:$0x2];
	[bflag:$0x3] =	sbarrier.arrive $0xFFFF;
	s2 =	simm.s32 @!p0 $0x1C03  }
0x141: {  	[timem:s3], [sflag:s2] =	dma.local @!p0 [hbm:s0], s1  }
0x142: {  	s0 =	simm.s32 @!p0 $0x3  }
0x143: {  	_ =	swait.ge @!p0 [sflag:s0], s1  }
0x144: {  	s1 =	ssub.s32 @!p0 $0x0, s1;
	[sflag:s0] =	ssyncset.done @!p0 $0x0  }
0x145: {  	[sflag:s0] =	ssyncadd.s32 @!p0 s1  }
0x146: {  	[bflag:$0x3] =	sbarrier.arrive $0xFFFF  }
0x147: {  	_ =	shalt  }

// kernel: kernel.16.cloned.1.call-start
scs
__scs_entry_jumppad:
0x0: {  	(pc) =	sbr.rel $0x88, $3  }
0x1: {  	(tag) =	ssettag $0x0;
	lr =	simm.s32 $0x1  }
0x2: {  	[smem:$0x3F94] =	sst lr;
	_ =	strace $0xD0000000  }
0x3: {  	_ = 	snop  }
0x4: {  	_ = 	snop  }
0x5: {  	_ = 	snop  }
0x6: {  	_ = 	snop  }
0x7: {  	_ = 	snop  }
__scs_overlays_trampoline_lowered:
0x8: {  	[smem:$0x3FA3] =	sst s0  }
0x9: {  	[smem:$0x3FA4] =	sst s1  }
0xa: {  	[smem:$0x3FA5] =	sst s2  }
0xb: {  	[smem:$0x3FA6] =	sst s3  }
0xc: {  	[smem:$0x3FA7] =	sst s4  }
0xd: {  	[smem:$0x3FA8] =	sst s5  }
0xe: {  	[smem:$0x3FA9] =	sst s6  }
0xf: {  	[smem:$0x3FAA] =	sst s7  }
0x10: {  	[smem:$0x3FAB] =	sst s8  }
0x11: {  	[smem:$0x3FAC] =	sst s9;
	s0 =	simm.s32 @!p0 $0x0  }
0x12: {  	s1 =	sld [smem:$0x3F92];
	s0 =	simm.s32 @p0 $0x1  }
0x13: {  	[smem:$0x3FAD] =	sst s0;
	s0 =	simm.s32 @!p1 $0x0  }
0x14: {  	s2 =	sld [smem:$0x3F91];
	s0 =	simm.s32 @p1 $0x1  }
0x15: {  	[smem:$0x3FAE] =	sst s0;
	s0 =	simm.s32 @!p2 $0x0  }
0x16: {  	s3 =	sld [smem:$0x3FDB];
	s0 =	simm.s32 @p2 $0x1  }
0x17: {  	s4 =	simm.s32 $0x1BF5;
	[smem:$0x3FB0] =	sst s0  }
0x18: {  	s0 =	sld [smem:$0x3F93];
	_ =	swait.ge [sflag:s4], $0x0  }
0x19: {  	s7 =	sld [smem:$0x3F94]  }
0x1a: {  	s8 =	sadd.s32 $0xFFFFE003, lr  }
0x1b: {  	s9 =	sadd.s32 $0xFFFFFEF7, lr;
	s5 =	simm.s32 $0xFFFFFFFF;
	p2 =	slt.u32 s8, $0xFFFFF086  }
0x1c: {  	p1 =	slt.u32 s9, $0xF7A;
	s5 =	simm.s32 @!p2 $0x0  }
0x1d: {  	s5 =	simm.s32 @p1 $0x1;
	p0 =	seq.s32 s7, s2  }
0x1e: {  	s7 =	smul.u32 @!p0 $0xF7A, s2;
	p2 =	seq.s32 @!p0 s5, $0x0  }
0x1f: {  	s9 =	smul.u32 $0xF7A, s1;
	s8 =	simm.s32 @!p0 $0x1BF5;
	p2 =	por !p2, p0  }
0x20: {  	[sflag:s8] =	ssyncset.s32 @!p0 $0xFFFFF086;
	s6 =	sadd.s32 @!p0 s3, s7;
	s7 =	simm.s32 @!p0 $0x108  }
0x21: {  	s3 =	sadd.s32 s3, s9;
	s6 =	sadd.s32 @!p0 $0x88, s6;
	s7 =	simm.s32 @p2 $0x1082  }
0x22: {  	[simem:s7], [sflag:s8] =	dma.local @!p0 [hbm:s6], $0xF7A  }
0x23: {  	s9 =	sor.u32 $0xD0000000, s2;
	s6 =	simm.s32 $0x108;
	_ =	swait.ge @!p0 [sflag:s8], $0x0  }
0x24: {  	s3 =	sadd.s32 $0x88, s3;
	s6 =	simm.s32 @!p1 $0x1082;
	[sflag:s4] =	ssyncset.s32 $0xFFFFF086  }
0x25: {  	[simem:s6], [sflag:s4] =	dma.local [hbm:s3], $0xF7A  }
0x26: {  	[smem:$0x3F94] =	sst s1;
	(tag) =	ssettag s2;
	_ =	strace s9  }
0x27: {  	s1 =	sld [smem:$0x3FA4]  }
0x28: {  	s2 =	sld [smem:$0x3FA5]  }
0x29: {  	s4 =	sld [smem:$0x3FA7]  }
0x2a: {  	p0 =	seq.s32 s5, $0x0;
	s5 =	sld [smem:$0x3FA8]  }
0x2b: {  	s6 =	sld [smem:$0x3FA9]  }
0x2c: {  	s7 =	sld [smem:$0x3FAA]  }
0x2d: {  	s3 =	simm.s32 $0x108;
	s8 =	sld [smem:$0x3FAB]  }
0x2e: {  	s3 =	simm.s32 @!p0 $0x1082;
	s9 =	sld [smem:$0x3FAC]  }
0x2f: {  	lr =	sadd.s32 s0, s3;
	s0 =	sld [smem:$0x3FA3]  }
0x30: {  	s3 =	sld [smem:$0x3FA6]  }
0x31: {  	[smem:$0x3FAF] =	sst s10  }
0x32: {  	s10 =	sld [smem:$0x3FAD];
	_ =	sdelay $0x3  }
0x33: {  	p0 =	seq.s32 s10, $0x1;
	s10 =	sld [smem:$0x3FAF];
	_ =	sdelay $0x3  }
0x34: {  	[smem:$0x3FAF] =	sst s10  }
0x35: {  	s10 =	sld [smem:$0x3FAE];
	_ =	sdelay $0x3  }
0x36: {  	p1 =	seq.s32 s10, $0x1;
	s10 =	sld [smem:$0x3FAF];
	_ =	sdelay $0x3  }
0x37: {  	[smem:$0x3FAF] =	sst s10  }
0x38: {  	s10 =	sld [smem:$0x3FB0]  }
0x39: {  	_ = 	snop;
	(pc) =	sbr.ind lr, $3  }
0x3a: {  	_ = 	snop  }
0x3b: {  	_ = 	snop  }
0x3c: {  	p2 =	seq.s32 s10, $0x1;
	s10 =	sld [smem:$0x3FAF]  }
0x3d: {  	_ =	shalt  }
0x3e: {  	_ =	shalt  }
0x3f: {  	_ =	shalt  }
0x40: {  	_ =	shalt  }
0x41: {  	_ =	shalt  }
0x42: {  	_ =	shalt  }
0x43: {  	_ =	shalt  }
0x44: {  	_ =	shalt  }
0x45: {  	_ =	shalt  }
0x46: {  	_ =	shalt  }
0x47: {  	_ =	shalt  }
0x48: {  	_ =	shalt  }
0x49: {  	_ =	shalt  }
0x4a: {  	_ =	shalt  }
0x4b: {  	_ =	shalt  }
0x4c: {  	_ =	shalt  }
0x4d: {  	_ =	shalt  }
0x4e: {  	_ =	shalt  }
0x4f: {  	_ =	shalt  }
0x50: {  	_ =	shalt  }
0x51: {  	_ =	shalt  }
0x52: {  	_ =	shalt  }
0x53: {  	_ =	shalt  }
0x54: {  	_ =	shalt  }
0x55: {  	_ =	shalt  }
0x56: {  	_ =	shalt  }
0x57: {  	_ =	shalt  }
0x58: {  	_ =	shalt  }
0x59: {  	_ =	shalt  }
0x5a: {  	_ =	shalt  }
0x5b: {  	_ =	shalt  }
0x5c: {  	_ =	shalt  }
0x5d: {  	_ =	shalt  }
0x5e: {  	_ =	shalt  }
0x5f: {  	_ =	shalt  }
0x60: {  	_ =	shalt  }
0x61: {  	_ =	shalt  }
0x62: {  	_ =	shalt  }
0x63: {  	_ =	shalt  }
0x64: {  	_ =	shalt  }
0x65: {  	_ =	shalt  }
0x66: {  	_ =	shalt  }
0x67: {  	_ =	shalt  }
0x68: {  	_ =	shalt  }
0x69: {  	_ =	shalt  }
0x6a: {  	_ =	shalt  }
0x6b: {  	_ =	shalt  }
0x6c: {  	_ =	shalt  }
0x6d: {  	_ =	shalt  }
0x6e: {  	_ =	shalt  }
0x6f: {  	_ =	shalt  }
0x70: {  	_ =	shalt  }
0x71: {  	_ =	shalt  }
0x72: {  	_ =	shalt  }
0x73: {  	_ =	shalt  }
0x74: {  	_ =	shalt  }
0x75: {  	_ =	shalt  }
0x76: {  	_ =	shalt  }
0x77: {  	_ =	shalt  }
0x78: {  	_ =	shalt  }
0x79: {  	_ =	shalt  }
0x7a: {  	_ =	shalt  }
0x7b: {  	_ =	shalt  }
0x7c: {  	_ =	shalt  }
0x7d: {  	_ =	shalt  }
0x7e: {  	_ =	shalt  }
0x7f: {  	_ =	shalt  }
0x80: {  	_ =	shalt  }
0x81: {  	_ =	shalt  }
0x82: {  	_ =	shalt  }
0x83: {  	_ =	shalt  }
0x84: {  	_ =	shalt  }
0x85: {  	_ =	shalt  }
0x86: {  	_ =	shalt  }
0x87: {  	_ =	shalt  }
.Lfunc_end0:
.L_simem_size_0:
called_computation.2_lowered:
.L_overlay_start_0:
0x88: {  	s2 =	sld [smem:$0x3FD9]  }
0x89: {  	s3 =	sld [smem:$0x3FFE];
	_ =	sdelay $0x1  }
0x8a: {  	s1 =	srdreg.scid  }
0x8b: {  	s0 =	sand.u32 $0x1, s1  }
0x8c: {  	s16 =	sshll.u32 s0, $0xA;
	s2 =	sadd.s32 s3, s2  }
0x8d: {  	s2 =	sadd.s32 s2, s16  }
0x8e: {  	[smem:$0x3FBB] =	sst s2  }
0x8f: {  	_ = 	snop  }
0x90: {  	(tm) =	ssettm $0x1  }
0x91: {  	s17 =	sld [smem:$0x3FFB];
	_ =	sdelay $0x3  }
0x92: {  	_ =	strace s17  }
0x93: {  	s2 =	sld [smem:$0x3FFC];
	_ =	sdelay $0x3  }
0x94: {  	_ =	strace s2  }
0x95: {  	s2 =	sld [smem:$0x3FFD];
	_ =	sdelay $0x3  }
0x96: {  	_ =	strace s2  }
0x97: {  	_ =	strace $0x8FFFFFFF  }
0x98: {  	s18 =	sld [smem:$0x3FDB];
	_ =	sdelay $0x1  }
0x99: {  	s19 =	simm.s32 $_scs_section_size  }
0x9a: {  	s4 =	simm.s32 $_size__tile_overlayer_lowered;
	s5 =	simm.s32 $_tile_overlayer_lowered  }
0x9b: {  	s22 =	simm.s32 $0x1BFF;
	s21 =	sshll.u32 s5, $0x1;
	s2 =	sadd.s32 s19, s18  }
0x9c: {  	s6 =	simm.s32 $0x0;
	s20 =	sshll.u32 s4, $0x1;
	s4 =	sadd.s32 s21, s2  }
0x9d: {  	[timem:s6], [sflag:s22] =	dma.local [hbm:s4], s20  }
0x9e: {  	_ =	swait.ge [sflag:s22], s20  }
0x9f: {  	s3 =	ssub.s32 $0x0, s20;
	[sflag:s22] =	ssyncset.done $0x0  }
0xa0: {  	[sflag:s22] =	ssyncadd.s32 s3;
	_ =	sdelay $0x1  }
0xa1: {  	s23 =	simm.s32 $0x1B8B  }
0xa2: {  	_ =	swait.ge [sflag:s23], $0x1  }
0xa3: {  	[sflag:s23] =	ssyncset.done $0x0  }
0xa4: {  	s25 =	simm.s32 $0x1B8E;
	s24 =	sld [smem:$0x3FFE];
	[sflag:s23] =	ssyncadd.s32 $0xFFFFFFFF  }
0xa5: {  	s26 =	simm.s32 $execute0_lowered;
	[smem:$0x3FD2] =	sst s25  }
0xa6: {  	s4 =	sshll.u32 s26, $0x1;
	_ =	strace $0x8000004C;
	[dreg:$0x1] =	wrdreg $0xFFFFFFFF  }
0xa7: {  	s28 =	simm.s32 $_size_execute0_lowered;
	s2 =	sadd.s32 s2, s4;
	[dreg:$0x0] =	wrdreg $0x0  }
0xa8: {  	s4 =	sshll.u32 s28, $0x1;
	[dreg:$0x2] =	wrdreg s2  }
0xa9: {  	[dreg:$0x3] =	wrdreg s4  }
0xaa: {  	[dreg:$0x4] =	wrdreg $0xC0  }
0xab: {  	_ =	task [dreg:s6], $0x5FFFF  }
0xac: {  	[dreg:$0x1] =	wrdreg $0xFFFFFFFF  }
0xad: {  	[dreg:$0x0] =	wrdreg $0x60  }
0xae: {  	[dreg:$0x2] =	wrdreg s24  }
0xaf: {  	[dreg:$0x3] =	wrdreg $0x88000  }
0xb0: {  	[dreg:$0x4] =	wrdreg $0x9  }
0xb1: {  	_ =	task.clear_ibuf [dreg:s6], $0x5FFFF;
	_ =	strace $0x9000004C  }
0xb2: {  	s29 =	simm.s32 $0x9;
	_ =	strace $0x8000004E  }
0xb3: {  	_ =	swait.ge [sflag:s29], $0x1  }
0xb4: {  	[sflag:s29] =	ssyncadd.s32 $0xFFFFFFFF  }
0xb5: {  	_ =	strace $0x9000004E  }
0xb6: {  	_ =	sfence  }
0xb7: {  	s30 =	sld [smem:$0x0];
	_ =	sdelay $0x2  }
0xb8: {  	s31 =	sshll.u32 s1, $0xD;
	s1 =	sshrl.u32 s1, $0x2  }
0xb9: {  	s3 =	sand.u32 $0x4000, s31;
	s1 =	sadd.s32 s1, s30  }
0xba: {  	s0 =	sor.u32 s3, s0;
	s1 =	sshll.u32 s1, $0x11  }
0xbb: {  	s0 =	sor.u32 s1, s0  }
0xbc: {  	s0 =	sadd.s32 $0x8F2B, s0  }
0xbd: {  	[sflag:s0] =	ssyncadd.remote.s32 $0x1  }
0xbe: {  	_ =	sfence.sel $0xFFFF  }
0xbf: {  	[dreg:$0x0] =	wrdreg $0xFFFFFFFF;
	(pc) =	sbr.abs _section_cstart, $3  }
0xc0: {  	[dreg:$0x1] =	wrdreg $0xFFFFFFFF  }
0xc1: {  	_ =	task.clear_ibuf [dreg:s6], $0x2FFFF;
	_ =	strace $0x9FFFFFFF  }
0xc2: {  	(tm) =	ssettm $0x7FFFFFFF  }
0xc3: {  	_ =	shalt  }
tec
execute0_lowered:
.L_overlay_start_1:
0x0: {  	(tag) =	ssettag $0x1  }
0x1: {  	s0 =	rddreg [dreg:$0x0]  }
0x2: {  	s2 =	rddreg [dreg:$0x1]  }
0x3: {  	s8 =	stileid.u32;
	s4 =	srdreg.scid;
	s3 =	simm.s32 $0x0  }
0x4: {  	s28 =	simm.s32 $0x180;
	s29 =	simm.s32 $0x500;
	s30 =	simm.s32 $0x200  }
0x5: {  	s31 =	simm.s32 $0x580;
	s10 =	simm.s32 $0x300;
	s11 =	simm.s32 $0x680  }
0x6: {  	s12 =	simm.s32 $0x380;
	s13 =	simm.s32 $0x700;
	s1 =	smul.u32 $0xA00, s8  }
0x7: {  	s14 =	simm.s32 $0x780;
	s15 =	simm.s32 $0x0;
	s5 =	smul.u32 $0x280, s8  }
0x8: {  	s6 =	sand.u32 $0x1, s4;
	[smem:$0x7FF] =	sst s3;
	s8 =	smul.u32 $0x50000, s8  }
0x9: {  	s4 =	sadd.s32 $0x17C00, s0;
	s7 =	smul.u32 $0x2800, s6;
	_ =	strace $0x8000004D  }
0xa: {  	s17 =	ssub.s32 $0x2, s6;
	s6 =	smul.u32 $0x500, s6;
	s1 =	sadd.s32 s1, s0  }
0xb: {  	s8 =	sshrl.u32 s8, $0x2;
	s9 =	sshrl.u32 s17, $0x1;
	s5 =	sadd.s32 s5, s7  }
0xc: {  	s8 =	sadd.s32 s8, s2;
	s7 =	ssub.s32 s17, s9;
	s25 =	sadd.s32 s6, s1  }
0xd: {  	s1 =	simm.s32 $0x600;
	s18 =	sadd.s32 $0x8000, s8;
	[dreg:$0x3] =	wrdreg s8  }
0xe: {  	s5 =	sshll.u32 s5, $0x4;
	s19 =	sadd.s32 $0xC000, s8;
	[dreg:$0x5] =	wrdreg s18  }
0xf: {  	s9 =	sadd.s32 $0x4000, s8;
	s20 =	sadd.s32 $0x10000, s8;
	[dreg:$0x6] =	wrdreg s19  }
0x10: {  	s26 =	smax.u32 s7, $0x1;
	s16 =	sadd.s32 $0xDC00, s25;
	[dreg:$0x7] =	wrdreg s20  }
0x11: {  	s17 =	sadd.s32 $0x3C00, s25;
	s0 =	sadd.s32 s5, s0;
	[dreg:$0xd] =	wrdreg s26  }
0x12: {  	s25 =	simm.s32 $0x2;
	[dreg:$0x4] =	wrdreg s9;
	s21 =	sadd.s32 $0x3FC00, s0  }
0x13: {  	s18 =	simm.s32 $0x800;
	s22 =	sadd.s32 $0x40400, s0;
	[dreg:$0x8] =	wrdreg s21  }
0x14: {  	s19 =	simm.s32 $0x3;
	s23 =	sadd.s32 $0x40C00, s0;
	[dreg:$0x9] =	wrdreg s22  }
0x15: {  	s20 =	simm.s32 $0x400;
	s24 =	sadd.s32 $0x41400, s0;
	[dreg:$0xa] =	wrdreg s23  }
0x16: {  	s26 =	simm.s32 $0x480;
	s0 =	sadd.s32 $0x41C00, s0;
	[dreg:$0xb] =	wrdreg s24  }
0x17: {  	[dreg:$0xc] =	wrdreg s0;
	s21 =	simm.s32 $0x80;
	s22 =	simm.s32 $0x4800  }
0x18: {  	v0 =	vimm.f32 $0.0e+00;
	s23 =	simm.s32 $0x1;
	s24 =	simm.s32 $0x100;
	s0 =	simm.s32 $0x280  }
.LBB2_1:
0x19: {  	s6 =	simm.s32 $0x0;
	s7 =	simm.s32 $0x200  }
.LBB2_2:
0x1a: {  	p0 =	sne.s32 s7, $0xFE00;
	[tilespmem:s6+$0x870] =	vst v0  }
0x1b: {  	[tilespmem:s6+$0x800] =	vst v0  }
0x1c: {  	[tilespmem:s6+$0x810] =	vst v0  }
.Ltmp0:
0x1d: {  	[tilespmem:s6+$0x820] =	vst v0;
	(pc) =	sbr.rel @p0 .LBB2_2-.Ltmp0, $4  }
0x1e: {  	[tilespmem:s6+$0x830] =	vst v0  }
0x1f: {  	[tilespmem:s6+$0x840] =	vst v0  }
0x20: {  	[tilespmem:s6+$0x850] =	vst v0  }
0x21: {  	[tilespmem:s6+$0x860] =	vst v0;
	s6 =	sshra.s32 s7, $0x2;
	s7 =	sadd.s32 $0x200, s7  }
0x22: {  	[tilespmem:s6+$0x870] =	vst v0  }
0x23: {  	[tilespmem:s6+$0x800] =	vst v0  }
0x24: {  	[tilespmem:s6+$0x810] =	vst v0  }
0x25: {  	[tilespmem:s6+$0x820] =	vst v0  }
0x26: {  	[tilespmem:s6+$0x830] =	vst v0  }
0x27: {  	[tilespmem:s6+$0x840] =	vst v0  }
0x28: {  	[tilespmem:s6+$0x850] =	vst v0  }
0x29: {  	[tilespmem:s6+$0x860] =	vst v0  }
0x2a: {  	[spmem:s8] =	stream.linear.scatter [tilespmem:s18], [sflag:$0x3], $0x4000, $0x38;
	[tilespmem:$0x1C800] =	vst v63  }
0x2b: {  	_ =	swait.ge [sflag:s19], $0x4000  }
0x2c: {  	[sflag:s19] =	ssyncset.done $0x0  }
0x2d: {  	[sflag:s19] =	ssyncadd.s32 $0xFFFFC000  }
0x2e: {  	[spmem:s9] =	stream.linear.scatter [tilespmem:s18], [sflag:$0x3], $0x4000, $0x38;
	[tilespmem:$0x1C800] =	vst v63  }
0x2f: {  	_ =	swait.ge [sflag:s19], $0x4000  }
0x30: {  	[sflag:s19] =	ssyncset.done $0x0  }
0x31: {  	s5 =	rddreg [dreg:$0x5];
	[sflag:s19] =	ssyncadd.s32 $0xFFFFC000  }
0x32: {  	[spmem:s5] =	stream.linear.scatter [tilespmem:s18], [sflag:$0x3], $0x4000, $0x38;
	[tilespmem:$0x1C800] =	vst v63  }
0x33: {  	_ =	swait.ge [sflag:s19], $0x4000  }
0x34: {  	[sflag:s19] =	ssyncset.done $0x0  }
0x35: {  	s6 =	rddreg [dreg:$0x6];
	[sflag:s19] =	ssyncadd.s32 $0xFFFFC000  }
0x36: {  	[spmem:s6] =	stream.linear.scatter [tilespmem:s18], [sflag:$0x3], $0x4000, $0x38;
	[tilespmem:$0x1C800] =	vst v63  }
0x37: {  	_ =	swait.ge [sflag:s19], $0x4000  }
0x38: {  	[sflag:s19] =	ssyncset.done $0x0  }
0x39: {  	s7 =	rddreg [dreg:$0x7];
	[sflag:s19] =	ssyncadd.s32 $0xFFFFC000  }
0x3a: {  	[spmem:s7] =	stream.linear.scatter [tilespmem:s18], [sflag:$0x3], $0x4000, $0x38;
	[tilespmem:$0x1C800] =	vst v63  }
0x3b: {  	_ =	swait.ge [sflag:s19], $0x4000  }
0x3c: {  	[sflag:s19] =	ssyncset.done $0x0  }
0x3d: {  	[sflag:s19] =	ssyncadd.s32 $0xFFFFC000  }
0x3e: {  	s8 =	sadd.s32 $0x0, s17;
	[bflag:$0x0] =	sbarrier.arrive $0xFFFF  }
0x3f: {  	[tilespmem:s3], [sflag:$0x3] =	stream.linear.gather [hbm4b:s8+s3], $0x400, $0x38;
	[tilespmem:$0x1C800] =	vst v63  }
0x40: {  	_ =	swait.ge [sflag:s19], $0x400  }
0x41: {  	[sflag:s19] =	ssyncset.done $0x0  }
0x42: {  	s9 =	sadd.s32 $0x0, s16;
	[sflag:s19] =	ssyncadd.s32 $0xFFFFFC00  }
0x43: {  	[tilespmem:s20], [sflag:$0x3] =	stream.linear.gather [hbm4b:s9+s3], $0x400, $0x38;
	[tilespmem:$0x1C800] =	vst v63  }
0x44: {  	_ =	swait.ge [sflag:s19], $0x400  }
0x45: {  	[sflag:s19] =	ssyncset.done $0x0  }
0x46: {  	[sflag:s19] =	ssyncadd.s32 $0xFFFFFC00  }
0x47: {  	[tilespmem:s18], [sflag:$0x1] =	stream.indirect.gather [hbm4b:s4+s21], $0x80, s3, s21, $0xb8;
	[tilespmem:$0x1C800] =	vst v63  }
0x48: {  	_ = 	snop  }
0x49: {  	[tilespmem:s22], [sflag:$0x2] =	stream.indirect.gather [hbm4b:s4+s21], $0x80, s21, s21, $0xb8;
	[tilespmem:$0x1C800] =	vst v63  }
0x4a: {  	_ =	swait.ge [sflag:s23], $0x4000  }
0x4b: {  	[sflag:s23] =	ssyncset.done $0x0  }
0x4c: {  	[sflag:s23] =	ssyncadd.s32 $0xFFFFC000  }
0x4d: {  	[spmem:s2] =	stream.indirect.scatter.add.f32 [tilespmem:s18], [sflag:$0x3], $0x80, s20, s21, $0xb8;
	[tilespmem:$0x1C800] =	vst v63  }
0x4e: {  	_ =	swait.ge [sflag:s19], $0x4000  }
0x4f: {  	[sflag:s19] =	ssyncset.done $0x0  }
0x50: {  	[sflag:s19] =	ssyncadd.s32 $0xFFFFC000  }
0x51: {  	[tilespmem:s18], [sflag:$0x1] =	stream.indirect.gather [hbm4b:s4+s21], $0x80, s24, s21, $0xb8;
	[tilespmem:$0x1C800] =	vst v63  }
0x52: {  	_ =	swait.ge [sflag:s25], $0x4000  }
0x53: {  	[sflag:s25] =	ssyncset.done $0x0  }
0x54: {  	[sflag:s25] =	ssyncadd.s32 $0xFFFFC000  }
0x55: {  	[spmem:s2] =	stream.indirect.scatter.add.f32 [tilespmem:s22], [sflag:$0x3], $0x80, s26, s21, $0xb8;
	[tilespmem:$0x1C800] =	vst v63  }
0x56: {  	_ =	swait.ge [sflag:s19], $0x4000  }
0x57: {  	[sflag:s19] =	ssyncset.done $0x0  }
0x58: {  	[sflag:s19] =	ssyncadd.s32 $0xFFFFC000  }
0x59: {  	[tilespmem:s22], [sflag:$0x2] =	stream.indirect.gather [hbm4b:s4+s21], $0x80, s28, s21, $0xb8;
	[tilespmem:$0x1C800] =	vst v63  }
0x5a: {  	_ =	swait.ge [sflag:s23], $0x4000  }
0x5b: {  	[sflag:s23] =	ssyncset.done $0x0  }
0x5c: {  	[sflag:s23] =	ssyncadd.s32 $0xFFFFC000  }
0x5d: {  	[spmem:s2] =	stream.indirect.scatter.add.f32 [tilespmem:s18], [sflag:$0x3], $0x80, s29, s21, $0xb8;
	[tilespmem:$0x1C800] =	vst v63  }
0x5e: {  	_ =	swait.ge [sflag:s19], $0x4000  }
0x5f: {  	[sflag:s19] =	ssyncset.done $0x0  }
0x60: {  	[sflag:s19] =	ssyncadd.s32 $0xFFFFC000  }
0x61: {  	[tilespmem:s18], [sflag:$0x1] =	stream.indirect.gather [hbm4b:s4+s21], $0x80, s30, s21, $0xb8;
	[tilespmem:$0x1C800] =	vst v63  }
0x62: {  	_ =	swait.ge [sflag:s25], $0x4000  }
0x63: {  	[sflag:s25] =	ssyncset.done $0x0  }
0x64: {  	[sflag:s25] =	ssyncadd.s32 $0xFFFFC000  }
0x65: {  	[spmem:s2] =	stream.indirect.scatter.add.f32 [tilespmem:s22], [sflag:$0x3], $0x80, s31, s21, $0xb8;
	[tilespmem:$0x1C800] =	vst v63  }
0x66: {  	_ =	swait.ge [sflag:s19], $0x4000  }
0x67: {  	[sflag:s19] =	ssyncset.done $0x0  }
0x68: {  	[sflag:s19] =	ssyncadd.s32 $0xFFFFC000  }
0x69: {  	[tilespmem:s22], [sflag:$0x2] =	stream.indirect.gather [hbm4b:s4+s21], $0x80, s0, s21, $0xb8;
	[tilespmem:$0x1C800] =	vst v63  }
0x6a: {  	_ =	swait.ge [sflag:s23], $0x4000  }
0x6b: {  	[sflag:s23] =	ssyncset.done $0x0  }
0x6c: {  	[sflag:s23] =	ssyncadd.s32 $0xFFFFC000  }
0x6d: {  	[spmem:s2] =	stream.indirect.scatter.add.f32 [tilespmem:s18], [sflag:$0x3], $0x80, s1, s21, $0xb8;
	[tilespmem:$0x1C800] =	vst v63  }
0x6e: {  	_ =	swait.ge [sflag:s19], $0x4000  }
0x6f: {  	[sflag:s19] =	ssyncset.done $0x0  }
0x70: {  	[sflag:s19] =	ssyncadd.s32 $0xFFFFC000  }
0x71: {  	[tilespmem:s18], [sflag:$0x1] =	stream.indirect.gather [hbm4b:s4+s21], $0x80, s10, s21, $0xb8;
	[tilespmem:$0x1C800] =	vst v63  }
0x72: {  	_ =	swait.ge [sflag:s25], $0x4000  }
0x73: {  	[sflag:s25] =	ssyncset.done $0x0  }
0x74: {  	[sflag:s25] =	ssyncadd.s32 $0xFFFFC000  }
0x75: {  	[spmem:s2] =	stream.indirect.scatter.add.f32 [tilespmem:s22], [sflag:$0x3], $0x80, s11, s21, $0xb8;
	[tilespmem:$0x1C800] =	vst v63  }
0x76: {  	_ =	swait.ge [sflag:s19], $0x4000  }
0x77: {  	[sflag:s19] =	ssyncset.done $0x0  }
0x78: {  	[sflag:s19] =	ssyncadd.s32 $0xFFFFC000  }
0x79: {  	[tilespmem:s22], [sflag:$0x2] =	stream.indirect.gather [hbm4b:s4+s21], $0x80, s12, s21, $0xb8;
	[tilespmem:$0x1C800] =	vst v63  }
0x7a: {  	_ =	swait.ge [sflag:s23], $0x4000  }
0x7b: {  	[sflag:s23] =	ssyncset.done $0x0  }
0x7c: {  	[sflag:s23] =	ssyncadd.s32 $0xFFFFC000  }
0x7d: {  	[spmem:s2] =	stream.indirect.scatter.add.f32 [tilespmem:s18], [sflag:$0x3], $0x80, s13, s21, $0xb8;
	[tilespmem:$0x1C800] =	vst v63  }
0x7e: {  	_ =	swait.ge [sflag:s19], $0x4000  }
0x7f: {  	[sflag:s19] =	ssyncset.done $0x0  }
0x80: {  	[sflag:s19] =	ssyncadd.s32 $0xFFFFC000  }
0x81: {  	_ =	swait.ge [sflag:s25], $0x4000  }
0x82: {  	[sflag:s25] =	ssyncset.done $0x0  }
0x83: {  	[sflag:s25] =	ssyncadd.s32 $0xFFFFC000  }
0x84: {  	[spmem:s2] =	stream.indirect.scatter.add.f32 [tilespmem:s22], [sflag:$0x3], $0x80, s14, s21, $0xb8;
	[tilespmem:$0x1C800] =	vst v63  }
0x85: {  	_ =	swait.ge [sflag:s19], $0x4000  }
0x86: {  	s6 =	simm.s32 $0x80;
	s7 =	simm.s32 $0x100;
	[sflag:s19] =	ssyncset.done $0x0  }
.LBB2_4:
0x87: {  	s9 =	sadd.s32 s6, s17  }
0x88: {  	[sflag:s19] =	ssyncadd.s32 $0xFFFFC000;
	s5 =	smov.u32 s7;
	s8 =	sadd.s32 $0x80, s7  }
0x89: {  	[tilespmem:s3], [sflag:$0x3] =	stream.linear.gather [hbm4b:s9+s3], $0x400, $0x38;
	[tilespmem:$0x1C800] =	vst v63  }
0x8a: {  	p0 =	sne.s32 s7, $0x480;
	_ =	swait.ge [sflag:s19], $0x400  }
0x8b: {  	[sflag:s19] =	ssyncset.done $0x0  }
0x8c: {  	s7 =	sadd.s32 s6, s16;
	s6 =	smov.u32 s5;
	[sflag:s19] =	ssyncadd.s32 $0xFFFFFC00  }
0x8d: {  	[tilespmem:s20], [sflag:$0x3] =	stream.linear.gather [hbm4b:s7+s3], $0x400, $0x38;
	[tilespmem:$0x1C800] =	vst v63  }
0x8e: {  	_ =	swait.ge [sflag:s19], $0x400  }
0x8f: {  	[sflag:s19] =	ssyncset.done $0x0  }
0x90: {  	[sflag:s19] =	ssyncadd.s32 $0xFFFFFC00  }
0x91: {  	[tilespmem:s18], [sflag:$0x1] =	stream.indirect.gather [hbm4b:s4+s21], $0x80, s3, s21, $0xb8;
	[tilespmem:$0x1C800] =	vst v63  }
0x92: {  	_ = 	snop  }
0x93: {  	[tilespmem:s22], [sflag:$0x2] =	stream.indirect.gather [hbm4b:s4+s21], $0x80, s21, s21, $0xb8;
	[tilespmem:$0x1C800] =	vst v63  }
0x94: {  	_ =	swait.ge [sflag:s23], $0x4000  }
0x95: {  	[sflag:s23] =	ssyncset.done $0x0  }
0x96: {  	[sflag:s23] =	ssyncadd.s32 $0xFFFFC000  }
0x97: {  	[spmem:s2] =	stream.indirect.scatter.add.f32 [tilespmem:s18], [sflag:$0x3], $0x80, s20, s21, $0xb8;
	[tilespmem:$0x1C800] =	vst v63  }
0x98: {  	_ =	swait.ge [sflag:s19], $0x4000  }
0x99: {  	[sflag:s19] =	ssyncset.done $0x0  }
0x9a: {  	[sflag:s19] =	ssyncadd.s32 $0xFFFFC000  }
0x9b: {  	[tilespmem:s18], [sflag:$0x1] =	stream.indirect.gather [hbm4b:s4+s21], $0x80, s24, s21, $0xb8;
	[tilespmem:$0x1C800] =	vst v63  }
0x9c: {  	_ =	swait.ge [sflag:s25], $0x4000  }
0x9d: {  	[sflag:s25] =	ssyncset.done $0x0  }
0x9e: {  	[sflag:s25] =	ssyncadd.s32 $0xFFFFC000  }
0x9f: {  	[spmem:s2] =	stream.indirect.scatter.add.f32 [tilespmem:s22], [sflag:$0x3], $0x80, s26, s21, $0xb8;
	[tilespmem:$0x1C800] =	vst v63  }
0xa0: {  	_ =	swait.ge [sflag:s19], $0x4000  }
0xa1: {  	[sflag:s19] =	ssyncset.done $0x0  }
0xa2: {  	[sflag:s19] =	ssyncadd.s32 $0xFFFFC000  }
0xa3: {  	[tilespmem:s22], [sflag:$0x2] =	stream.indirect.gather [hbm4b:s4+s21], $0x80, s28, s21, $0xb8;
	[tilespmem:$0x1C800] =	vst v63  }
0xa4: {  	_ =	swait.ge [sflag:s23], $0x4000  }
0xa5: {  	[sflag:s23] =	ssyncset.done $0x0  }
0xa6: {  	[sflag:s23] =	ssyncadd.s32 $0xFFFFC000  }
0xa7: {  	[spmem:s2] =	stream.indirect.scatter.add.f32 [tilespmem:s18], [sflag:$0x3], $0x80, s29, s21, $0xb8;
	[tilespmem:$0x1C800] =	vst v63  }
0xa8: {  	_ =	swait.ge [sflag:s19], $0x4000  }
0xa9: {  	[sflag:s19] =	ssyncset.done $0x0  }
0xaa: {  	[sflag:s19] =	ssyncadd.s32 $0xFFFFC000  }
0xab: {  	[tilespmem:s18], [sflag:$0x1] =	stream.indirect.gather [hbm4b:s4+s21], $0x80, s30, s21, $0xb8;
	[tilespmem:$0x1C800] =	vst v63  }
0xac: {  	_ =	swait.ge [sflag:s25], $0x4000  }
0xad: {  	[sflag:s25] =	ssyncset.done $0x0  }
0xae: {  	[sflag:s25] =	ssyncadd.s32 $0xFFFFC000  }
0xaf: {  	[spmem:s2] =	stream.indirect.scatter.add.f32 [tilespmem:s22], [sflag:$0x3], $0x80, s31, s21, $0xb8;
	[tilespmem:$0x1C800] =	vst v63  }
0xb0: {  	_ =	swait.ge [sflag:s19], $0x4000  }
0xb1: {  	[sflag:s19] =	ssyncset.done $0x0  }
0xb2: {  	[sflag:s19] =	ssyncadd.s32 $0xFFFFC000  }
0xb3: {  	[tilespmem:s22], [sflag:$0x2] =	stream.indirect.gather [hbm4b:s4+s21], $0x80, s0, s21, $0xb8;
	[tilespmem:$0x1C800] =	vst v63  }
0xb4: {  	_ =	swait.ge [sflag:s23], $0x4000  }
0xb5: {  	[sflag:s23] =	ssyncset.done $0x0  }
0xb6: {  	[sflag:s23] =	ssyncadd.s32 $0xFFFFC000  }
0xb7: {  	[spmem:s2] =	stream.indirect.scatter.add.f32 [tilespmem:s18], [sflag:$0x3], $0x80, s1, s21, $0xb8;
	[tilespmem:$0x1C800] =	vst v63  }
0xb8: {  	_ =	swait.ge [sflag:s19], $0x4000  }
0xb9: {  	[sflag:s19] =	ssyncset.done $0x0  }
0xba: {  	[sflag:s19] =	ssyncadd.s32 $0xFFFFC000  }
0xbb: {  	[tilespmem:s18], [sflag:$0x1] =	stream.indirect.gather [hbm4b:s4+s21], $0x80, s10, s21, $0xb8;
	[tilespmem:$0x1C800] =	vst v63  }
0xbc: {  	_ =	swait.ge [sflag:s25], $0x4000  }
0xbd: {  	[sflag:s25] =	ssyncset.done $0x0  }
0xbe: {  	[sflag:s25] =	ssyncadd.s32 $0xFFFFC000  }
0xbf: {  	[spmem:s2] =	stream.indirect.scatter.add.f32 [tilespmem:s22], [sflag:$0x3], $0x80, s11, s21, $0xb8;
	[tilespmem:$0x1C800] =	vst v63  }
0xc0: {  	_ =	swait.ge [sflag:s19], $0x4000  }
0xc1: {  	[sflag:s19] =	ssyncset.done $0x0  }
0xc2: {  	[sflag:s19] =	ssyncadd.s32 $0xFFFFC000  }
0xc3: {  	[tilespmem:s22], [sflag:$0x2] =	stream.indirect.gather [hbm4b:s4+s21], $0x80, s12, s21, $0xb8;
	[tilespmem:$0x1C800] =	vst v63  }
0xc4: {  	_ =	swait.ge [sflag:s23], $0x4000  }
0xc5: {  	[sflag:s23] =	ssyncset.done $0x0  }
0xc6: {  	[sflag:s23] =	ssyncadd.s32 $0xFFFFC000  }
0xc7: {  	[spmem:s2] =	stream.indirect.scatter.add.f32 [tilespmem:s18], [sflag:$0x3], $0x80, s13, s21, $0xb8;
	[tilespmem:$0x1C800] =	vst v63  }
0xc8: {  	_ =	swait.ge [sflag:s19], $0x4000  }
0xc9: {  	[sflag:s19] =	ssyncset.done $0x0  }
0xca: {  	[sflag:s19] =	ssyncadd.s32 $0xFFFFC000  }
0xcb: {  	_ =	swait.ge [sflag:s25], $0x4000  }
.Ltmp1:
0xcc: {  	[sflag:s25] =	ssyncset.done $0x0;
	(pc) =	sbr.rel @p0 .LBB2_4-.Ltmp1, $4  }
0xcd: {  	[sflag:s25] =	ssyncadd.s32 $0xFFFFC000  }
0xce: {  	[spmem:s2] =	stream.indirect.scatter.add.f32 [tilespmem:s22], [sflag:$0x3], $0x80, s14, s21, $0xb8;
	[tilespmem:$0x1C800] =	vst v63  }
0xcf: {  	_ =	swait.ge [sflag:s19], $0x4000  }
0xd0: {  	s7 =	smov.u32 s8;
	[sflag:s19] =	ssyncset.done $0x0  }
0xd1: {  	s5 =	sadd.s32 s6, s17;
	[sflag:s19] =	ssyncadd.s32 $0xFFFFC000  }
0xd2: {  	[tilespmem:s3], [sflag:$0x3] =	stream.linear.gather [hbm4b:s5+s3], $0x400, $0x38;
	[tilespmem:$0x1C800] =	vst v63  }
0xd3: {  	_ =	swait.ge [sflag:s19], $0x400  }
0xd4: {  	[sflag:s19] =	ssyncset.done $0x0  }
0xd5: {  	s7 =	sadd.s32 s6, s16;
	[sflag:s19] =	ssyncadd.s32 $0xFFFFFC00  }
0xd6: {  	[tilespmem:s20], [sflag:$0x3] =	stream.linear.gather [hbm4b:s7+s3], $0x400, $0x38;
	[tilespmem:$0x1C800] =	vst v63  }
0xd7: {  	_ =	swait.ge [sflag:s19], $0x400  }
0xd8: {  	[sflag:s19] =	ssyncset.done $0x0  }
0xd9: {  	[sflag:s19] =	ssyncadd.s32 $0xFFFFFC00  }
0xda: {  	[tilespmem:s18], [sflag:$0x1] =	stream.indirect.gather [hbm4b:s4+s21], $0x80, s3, s21, $0xb8;
	[tilespmem:$0x1C800] =	vst v63  }
0xdb: {  	_ = 	snop  }
0xdc: {  	[tilespmem:s22], [sflag:$0x2] =	stream.indirect.gather [hbm4b:s4+s21], $0x80, s21, s21, $0xb8;
	[tilespmem:$0x1C800] =	vst v63  }
0xdd: {  	_ =	swait.ge [sflag:s23], $0x4000  }
0xde: {  	[sflag:s23] =	ssyncset.done $0x0  }
0xdf: {  	[sflag:s23] =	ssyncadd.s32 $0xFFFFC000  }
0xe0: {  	[spmem:s2] =	stream.indirect.scatter.add.f32 [tilespmem:s18], [sflag:$0x3], $0x80, s20, s21, $0xb8;
	[tilespmem:$0x1C800] =	vst v63  }
0xe1: {  	_ =	swait.ge [sflag:s19], $0x4000  }
0xe2: {  	[sflag:s19] =	ssyncset.done $0x0  }
0xe3: {  	[sflag:s19] =	ssyncadd.s32 $0xFFFFC000  }
0xe4: {  	[tilespmem:s18], [sflag:$0x1] =	stream.indirect.gather [hbm4b:s4+s21], $0x80, s24, s21, $0xb8;
	[tilespmem:$0x1C800] =	vst v63  }
0xe5: {  	_ =	swait.ge [sflag:s25], $0x4000  }
0xe6: {  	[sflag:s25] =	ssyncset.done $0x0  }
0xe7: {  	[sflag:s25] =	ssyncadd.s32 $0xFFFFC000  }
0xe8: {  	[spmem:s2] =	stream.indirect.scatter.add.f32 [tilespmem:s22], [sflag:$0x3], $0x80, s26, s21, $0xb8;
	[tilespmem:$0x1C800] =	vst v63  }
0xe9: {  	_ =	swait.ge [sflag:s19], $0x4000  }
0xea: {  	[sflag:s19] =	ssyncset.done $0x0  }
0xeb: {  	[sflag:s19] =	ssyncadd.s32 $0xFFFFC000  }
0xec: {  	[tilespmem:s22], [sflag:$0x2] =	stream.indirect.gather [hbm4b:s4+s21], $0x80, s28, s21, $0xb8;
	[tilespmem:$0x1C800] =	vst v63  }
0xed: {  	_ =	swait.ge [sflag:s23], $0x4000  }
0xee: {  	[sflag:s23] =	ssyncset.done $0x0  }
0xef: {  	[sflag:s23] =	ssyncadd.s32 $0xFFFFC000  }
0xf0: {  	[spmem:s2] =	stream.indirect.scatter.add.f32 [tilespmem:s18], [sflag:$0x3], $0x80, s29, s21, $0xb8;
	[tilespmem:$0x1C800] =	vst v63  }
0xf1: {  	_ =	swait.ge [sflag:s19], $0x4000  }
0xf2: {  	[sflag:s19] =	ssyncset.done $0x0  }
0xf3: {  	[sflag:s19] =	ssyncadd.s32 $0xFFFFC000  }
0xf4: {  	[tilespmem:s18], [sflag:$0x1] =	stream.indirect.gather [hbm4b:s4+s21], $0x80, s30, s21, $0xb8;
	[tilespmem:$0x1C800] =	vst v63  }
0xf5: {  	_ =	swait.ge [sflag:s25], $0x4000  }
0xf6: {  	[sflag:s25] =	ssyncset.done $0x0  }
0xf7: {  	[sflag:s25] =	ssyncadd.s32 $0xFFFFC000  }
0xf8: {  	[spmem:s2] =	stream.indirect.scatter.add.f32 [tilespmem:s22], [sflag:$0x3], $0x80, s31, s21, $0xb8;
	[tilespmem:$0x1C800] =	vst v63  }
0xf9: {  	_ =	swait.ge [sflag:s19], $0x4000  }
0xfa: {  	[sflag:s19] =	ssyncset.done $0x0  }
0xfb: {  	[sflag:s19] =	ssyncadd.s32 $0xFFFFC000  }
0xfc: {  	[tilespmem:s22], [sflag:$0x2] =	stream.indirect.gather [hbm4b:s4+s21], $0x80, s0, s21, $0xb8;
	[tilespmem:$0x1C800] =	vst v63  }
0xfd: {  	_ =	swait.ge [sflag:s23], $0x4000  }
0xfe: {  	[sflag:s23] =	ssyncset.done $0x0  }
0xff: {  	[sflag:s23] =	ssyncadd.s32 $0xFFFFC000  }
0x100: {  	[spmem:s2] =	stream.indirect.scatter.add.f32 [tilespmem:s18], [sflag:$0x3], $0x80, s1, s21, $0xb8;
	[tilespmem:$0x1C800] =	vst v63  }
0x101: {  	_ =	swait.ge [sflag:s19], $0x4000  }
0x102: {  	[sflag:s19] =	ssyncset.done $0x0  }
0x103: {  	[sflag:s19] =	ssyncadd.s32 $0xFFFFC000  }
0x104: {  	[tilespmem:s18], [sflag:$0x1] =	stream.indirect.gather [hbm4b:s4+s21], $0x80, s10, s21, $0xb8;
	[tilespmem:$0x1C800] =	vst v63  }
0x105: {  	_ =	swait.ge [sflag:s25], $0x4000  }
0x106: {  	[sflag:s25] =	ssyncset.done $0x0  }
0x107: {  	[sflag:s25] =	ssyncadd.s32 $0xFFFFC000  }
0x108: {  	[spmem:s2] =	stream.indirect.scatter.add.f32 [tilespmem:s22], [sflag:$0x3], $0x80, s11, s21, $0xb8;
	[tilespmem:$0x1C800] =	vst v63  }
0x109: {  	_ =	swait.ge [sflag:s19], $0x4000  }
0x10a: {  	[sflag:s19] =	ssyncset.done $0x0  }
0x10b: {  	[sflag:s19] =	ssyncadd.s32 $0xFFFFC000  }
0x10c: {  	[tilespmem:s22], [sflag:$0x2] =	stream.indirect.gather [hbm4b:s4+s21], $0x80, s12, s21, $0xb8;
	[tilespmem:$0x1C800] =	vst v63  }
0x10d: {  	_ =	swait.ge [sflag:s23], $0x4000  }
0x10e: {  	[sflag:s23] =	ssyncset.done $0x0  }
0x10f: {  	[sflag:s23] =	ssyncadd.s32 $0xFFFFC000  }
0x110: {  	[spmem:s2] =	stream.indirect.scatter.add.f32 [tilespmem:s18], [sflag:$0x3], $0x80, s13, s21, $0xb8;
	[tilespmem:$0x1C800] =	vst v63  }
0x111: {  	_ =	swait.ge [sflag:s19], $0x4000  }
0x112: {  	[sflag:s19] =	ssyncset.done $0x0  }
0x113: {  	[sflag:s19] =	ssyncadd.s32 $0xFFFFC000  }
0x114: {  	_ =	swait.ge [sflag:s25], $0x4000  }
0x115: {  	[sflag:s25] =	ssyncset.done $0x0  }
0x116: {  	[sflag:s25] =	ssyncadd.s32 $0xFFFFC000  }
0x117: {  	[spmem:s2] =	stream.indirect.scatter.add.f32 [tilespmem:s22], [sflag:$0x3], $0x80, s14, s21, $0xb8;
	[tilespmem:$0x1C800] =	vst v63  }
0x118: {  	_ =	swait.ge [sflag:s19], $0x4000  }
0x119: {  	[sflag:s19] =	ssyncset.done $0x0  }
0x11a: {  	[sflag:s19] =	ssyncadd.s32 $0xFFFFC000  }
0x11b: {  	s8 =	stileid.u32;
	[bflag:$0x0] =	sbarrier.arrive $0xFFFF  }
0x11c: {  	s5 =	sshll.u32 s8, $0x6;
	s8 =	rddreg [dreg:$0x3]  }
0x11d: {  	s5 =	sor.u32 $0x1C03, s5;
	s7 =	rddreg [dreg:$0x8];
	s9 =	sshrl.u32 s8, $0x3  }
0x11e: {  	[hbm:s7], [sflag:s5] =	dma.local [spmem:s9], $0x800  }
0x11f: {  	_ =	swait.ge [sflag:s19], $0x800  }
0x120: {  	[sflag:s19] =	ssyncset.done $0x0;
	s9 =	rddreg [dreg:$0x4]  }
0x121: {  	s7 =	rddreg [dreg:$0x9];
	[sflag:s19] =	ssyncadd.s32 $0xFFFFF800;
	s6 =	sshrl.u32 s9, $0x3  }
0x122: {  	[hbm:s7], [sflag:s5] =	dma.local [spmem:s6], $0x800  }
0x123: {  	_ =	swait.ge [sflag:s19], $0x800  }
0x124: {  	[sflag:s19] =	ssyncset.done $0x0;
	s7 =	rddreg [dreg:$0x5]  }
0x125: {  	[sflag:s19] =	ssyncadd.s32 $0xFFFFF800;
	s6 =	sshrl.u32 s7, $0x3;
	s7 =	rddreg [dreg:$0xa]  }
0x126: {  	[hbm:s7], [sflag:s5] =	dma.local [spmem:s6], $0x800  }
0x127: {  	_ =	swait.ge [sflag:s19], $0x800  }
0x128: {  	[sflag:s19] =	ssyncset.done $0x0;
	s7 =	rddreg [dreg:$0x6]  }
0x129: {  	[sflag:s19] =	ssyncadd.s32 $0xFFFFF800;
	s6 =	sshrl.u32 s7, $0x3;
	s7 =	rddreg [dreg:$0xb]  }
0x12a: {  	[hbm:s7], [sflag:s5] =	dma.local [spmem:s6], $0x800  }
0x12b: {  	_ =	swait.ge [sflag:s19], $0x800  }
0x12c: {  	[sflag:s19] =	ssyncset.done $0x0;
	s7 =	rddreg [dreg:$0x7]  }
0x12d: {  	[sflag:s19] =	ssyncadd.s32 $0xFFFFF800;
	s6 =	sshrl.u32 s7, $0x3;
	s7 =	rddreg [dreg:$0xc]  }
0x12e: {  	[hbm:s7], [sflag:s5] =	dma.local [spmem:s6], $0x800  }
0x12f: {  	_ =	swait.ge [sflag:s19], $0x800  }
0x130: {  	s15 =	sadd.s32 $0x1, s15;
	s7 =	rddreg [dreg:$0xd]  }
0x131: {  	p0 =	sne.s32 s15, s7  }
.Ltmp2:
0x132: {  	_ = 	snop;
	(pc) =	sbr.rel @p0 .LBB2_1-.Ltmp2, $3  }
0x133: {  	_ =	sdelay $0x1  }
0x134: {  	[sflag:s19] =	ssyncset.done $0x0  }
0x135: {  	[sflag:s19] =	ssyncadd.s32 $0xFFFFF800  }
0x136: {  	_ =	sfence.sel $0x180000  }
0x137: {  	[bflag:$0x0] =	sbarrier.arrive $0xFFFF  }
0x138: {  	_ =	strace $0x9000004D  }
0x139: {  	s0 =	stileid.u32;
	[bflag:$0x2] =	sbarrier.arrive $0xFFFF  }
0x13a: {  	p0 =	sne.s32 s0, $0x0;
	s0 =	rddreg [dreg:$0x2]  }
0x13b: {  	s0 =	sadd.s32 @!p0 $0x100000, s0  }
0x13c: {  	[sflag:s0] =	ssyncadd.tile.s32 @!p0 $0x1;
	_ =	shalt  }
.Lfunc_end2:
_tile_overlayer_lowered:
.L_overlay_start_2:
0x13d: {  	(tag) =	ssettag $0x2  }
0x13e: {  	s0 =	rddreg [dreg:$0x0];
	s2 =	stileid.u32  }
0x13f: {  	s1 =	rddreg [dreg:$0x1];
	p0 =	sne.s32 s2, $0x0  }
0x140: {  	s3 =	rddreg [dreg:$0x2];
	[bflag:$0x3] =	sbarrier.arrive $0xFFFF;
	s2 =	simm.s32 @!p0 $0x1C03  }
0x141: {  	[timem:s3], [sflag:s2] =	dma.local @!p0 [hbm:s0], s1  }
0x142: {  	s0 =	simm.s32 @!p0 $0x3  }
0x143: {  	_ =	swait.ge @!p0 [sflag:s0], s1  }
0x144: {  	s1 =	ssub.s32 @!p0 $0x0, s1;
	[sflag:s0] =	ssyncset.done @!p0 $0x0  }
0x145: {  	[sflag:s0] =	ssyncadd.s32 @!p0 s1  }
0x146: {  	[bflag:$0x3] =	sbarrier.arrive $0xFFFF  }
0x147: {  	_ =	shalt  }

// kernel: kernel.19.cloned.1.call-start
scs
__scs_entry_jumppad:
0x0: {  	(pc) =	sbr.rel $0x88, $3  }
0x1: {  	(tag) =	ssettag $0x0;
	lr =	simm.s32 $0x1  }
0x2: {  	[smem:$0x3F94] =	sst lr;
	_ =	strace $0xD0000000  }
0x3: {  	_ = 	snop  }
0x4: {  	_ = 	snop  }
0x5: {  	_ = 	snop  }
0x6: {  	_ = 	snop  }
0x7: {  	_ = 	snop  }
__scs_overlays_trampoline_lowered:
0x8: {  	[smem:$0x3FA3] =	sst s0  }
0x9: {  	[smem:$0x3FA4] =	sst s1  }
0xa: {  	[smem:$0x3FA5] =	sst s2  }
0xb: {  	[smem:$0x3FA6] =	sst s3  }
0xc: {  	[smem:$0x3FA7] =	sst s4  }
0xd: {  	[smem:$0x3FA8] =	sst s5  }
0xe: {  	[smem:$0x3FA9] =	sst s6  }
0xf: {  	[smem:$0x3FAA] =	sst s7  }
0x10: {  	[smem:$0x3FAB] =	sst s8  }
0x11: {  	[smem:$0x3FAC] =	sst s9;
	s0 =	simm.s32 @!p0 $0x0  }
0x12: {  	s1 =	sld [smem:$0x3F92];
	s0 =	simm.s32 @p0 $0x1  }
0x13: {  	[smem:$0x3FAD] =	sst s0;
	s0 =	simm.s32 @!p1 $0x0  }
0x14: {  	s2 =	sld [smem:$0x3F91];
	s0 =	simm.s32 @p1 $0x1  }
0x15: {  	[smem:$0x3FAE] =	sst s0;
	s0 =	simm.s32 @!p2 $0x0  }
0x16: {  	s3 =	sld [smem:$0x3FDB];
	s0 =	simm.s32 @p2 $0x1  }
0x17: {  	s4 =	simm.s32 $0x1BF5;
	[smem:$0x3FB0] =	sst s0  }
0x18: {  	s0 =	sld [smem:$0x3F93];
	_ =	swait.ge [sflag:s4], $0x0  }
0x19: {  	s7 =	sld [smem:$0x3F94]  }
0x1a: {  	s8 =	sadd.s32 $0xFFFFE003, lr  }
0x1b: {  	s9 =	sadd.s32 $0xFFFFFEF7, lr;
	s5 =	simm.s32 $0xFFFFFFFF;
	p2 =	slt.u32 s8, $0xFFFFF086  }
0x1c: {  	p1 =	slt.u32 s9, $0xF7A;
	s5 =	simm.s32 @!p2 $0x0  }
0x1d: {  	s5 =	simm.s32 @p1 $0x1;
	p0 =	seq.s32 s7, s2  }
0x1e: {  	s7 =	smul.u32 @!p0 $0xF7A, s2;
	p2 =	seq.s32 @!p0 s5, $0x0  }
0x1f: {  	s9 =	smul.u32 $0xF7A, s1;
	s8 =	simm.s32 @!p0 $0x1BF5;
	p2 =	por !p2, p0  }
0x20: {  	[sflag:s8] =	ssyncset.s32 @!p0 $0xFFFFF086;
	s6 =	sadd.s32 @!p0 s3, s7;
	s7 =	simm.s32 @!p0 $0x108  }
0x21: {  	s3 =	sadd.s32 s3, s9;
	s6 =	sadd.s32 @!p0 $0x88, s6;
	s7 =	simm.s32 @p2 $0x1082  }
0x22: {  	[simem:s7], [sflag:s8] =	dma.local @!p0 [hbm:s6], $0xF7A  }
0x23: {  	s9 =	sor.u32 $0xD0000000, s2;
	s6 =	simm.s32 $0x108;
	_ =	swait.ge @!p0 [sflag:s8], $0x0  }
0x24: {  	s3 =	sadd.s32 $0x88, s3;
	s6 =	simm.s32 @!p1 $0x1082;
	[sflag:s4] =	ssyncset.s32 $0xFFFFF086  }
0x25: {  	[simem:s6], [sflag:s4] =	dma.local [hbm:s3], $0xF7A  }
0x26: {  	[smem:$0x3F94] =	sst s1;
	(tag) =	ssettag s2;
	_ =	strace s9  }
0x27: {  	s1 =	sld [smem:$0x3FA4]  }
0x28: {  	s2 =	sld [smem:$0x3FA5]  }
0x29: {  	s4 =	sld [smem:$0x3FA7]  }
0x2a: {  	p0 =	seq.s32 s5, $0x0;
	s5 =	sld [smem:$0x3FA8]  }
0x2b: {  	s6 =	sld [smem:$0x3FA9]  }
0x2c: {  	s7 =	sld [smem:$0x3FAA]  }
0x2d: {  	s3 =	simm.s32 $0x108;
	s8 =	sld [smem:$0x3FAB]  }
0x2e: {  	s3 =	simm.s32 @!p0 $0x1082;
	s9 =	sld [smem:$0x3FAC]  }
0x2f: {  	lr =	sadd.s32 s0, s3;
	s0 =	sld [smem:$0x3FA3]  }
0x30: {  	s3 =	sld [smem:$0x3FA6]  }
0x31: {  	[smem:$0x3FAF] =	sst s10  }
0x32: {  	s10 =	sld [smem:$0x3FAD];
	_ =	sdelay $0x3  }
0x33: {  	p0 =	seq.s32 s10, $0x1;
	s10 =	sld [smem:$0x3FAF];
	_ =	sdelay $0x3  }
0x34: {  	[smem:$0x3FAF] =	sst s10  }
0x35: {  	s10 =	sld [smem:$0x3FAE];
	_ =	sdelay $0x3  }
0x36: {  	p1 =	seq.s32 s10, $0x1;
	s10 =	sld [smem:$0x3FAF];
	_ =	sdelay $0x3  }
0x37: {  	[smem:$0x3FAF] =	sst s10  }
0x38: {  	s10 =	sld [smem:$0x3FB0]  }
0x39: {  	_ = 	snop;
	(pc) =	sbr.ind lr, $3  }
0x3a: {  	_ = 	snop  }
0x3b: {  	_ = 	snop  }
0x3c: {  	p2 =	seq.s32 s10, $0x1;
	s10 =	sld [smem:$0x3FAF]  }
0x3d: {  	_ =	shalt  }
0x3e: {  	_ =	shalt  }
0x3f: {  	_ =	shalt  }
0x40: {  	_ =	shalt  }
0x41: {  	_ =	shalt  }
0x42: {  	_ =	shalt  }
0x43: {  	_ =	shalt  }
0x44: {  	_ =	shalt  }
0x45: {  	_ =	shalt  }
0x46: {  	_ =	shalt  }
0x47: {  	_ =	shalt  }
0x48: {  	_ =	shalt  }
0x49: {  	_ =	shalt  }
0x4a: {  	_ =	shalt  }
0x4b: {  	_ =	shalt  }
0x4c: {  	_ =	shalt  }
0x4d: {  	_ =	shalt  }
0x4e: {  	_ =	shalt  }
0x4f: {  	_ =	shalt  }
0x50: {  	_ =	shalt  }
0x51: {  	_ =	shalt  }
0x52: {  	_ =	shalt  }
0x53: {  	_ =	shalt  }
0x54: {  	_ =	shalt  }
0x55: {  	_ =	shalt  }
0x56: {  	_ =	shalt  }
0x57: {  	_ =	shalt  }
0x58: {  	_ =	shalt  }
0x59: {  	_ =	shalt  }
0x5a: {  	_ =	shalt  }
0x5b: {  	_ =	shalt  }
0x5c: {  	_ =	shalt  }
0x5d: {  	_ =	shalt  }
0x5e: {  	_ =	shalt  }
0x5f: {  	_ =	shalt  }
0x60: {  	_ =	shalt  }
0x61: {  	_ =	shalt  }
0x62: {  	_ =	shalt  }
0x63: {  	_ =	shalt  }
0x64: {  	_ =	shalt  }
0x65: {  	_ =	shalt  }
0x66: {  	_ =	shalt  }
0x67: {  	_ =	shalt  }
0x68: {  	_ =	shalt  }
0x69: {  	_ =	shalt  }
0x6a: {  	_ =	shalt  }
0x6b: {  	_ =	shalt  }
0x6c: {  	_ =	shalt  }
0x6d: {  	_ =	shalt  }
0x6e: {  	_ =	shalt  }
0x6f: {  	_ =	shalt  }
0x70: {  	_ =	shalt  }
0x71: {  	_ =	shalt  }
0x72: {  	_ =	shalt  }
0x73: {  	_ =	shalt  }
0x74: {  	_ =	shalt  }
0x75: {  	_ =	shalt  }
0x76: {  	_ =	shalt  }
0x77: {  	_ =	shalt  }
0x78: {  	_ =	shalt  }
0x79: {  	_ =	shalt  }
0x7a: {  	_ =	shalt  }
0x7b: {  	_ =	shalt  }
0x7c: {  	_ =	shalt  }
0x7d: {  	_ =	shalt  }
0x7e: {  	_ =	shalt  }
0x7f: {  	_ =	shalt  }
0x80: {  	_ =	shalt  }
0x81: {  	_ =	shalt  }
0x82: {  	_ =	shalt  }
0x83: {  	_ =	shalt  }
0x84: {  	_ =	shalt  }
0x85: {  	_ =	shalt  }
0x86: {  	_ =	shalt  }
0x87: {  	_ =	shalt  }
.Lfunc_end0:
.L_simem_size_0:
called_computation.3_lowered:
.L_overlay_start_0:
0x88: {  	s2 =	sld [smem:$0x3FD9]  }
0x89: {  	s3 =	sld [smem:$0x3FFE];
	_ =	sdelay $0x1  }
0x8a: {  	s1 =	srdreg.scid  }
0x8b: {  	s0 =	sand.u32 $0x1, s1  }
0x8c: {  	s16 =	sshll.u32 s0, $0xA;
	s2 =	sadd.s32 s3, s2  }
0x8d: {  	s2 =	sadd.s32 s2, s16  }
0x8e: {  	[smem:$0x3FBB] =	sst s2  }
0x8f: {  	_ = 	snop  }
0x90: {  	(tm) =	ssettm $0x1  }
0x91: {  	s17 =	sld [smem:$0x3FFB];
	_ =	sdelay $0x3  }
0x92: {  	_ =	strace s17  }
0x93: {  	s2 =	sld [smem:$0x3FFC];
	_ =	sdelay $0x3  }
0x94: {  	_ =	strace s2  }
0x95: {  	s2 =	sld [smem:$0x3FFD];
	_ =	sdelay $0x3  }
0x96: {  	_ =	strace s2  }
0x97: {  	_ =	strace $0x8FFFFFFF  }
0x98: {  	s18 =	sld [smem:$0x3FDB];
	_ =	sdelay $0x1  }
0x99: {  	s19 =	simm.s32 $_scs_section_size  }
0x9a: {  	s4 =	simm.s32 $_size__tile_overlayer_lowered;
	s5 =	simm.s32 $_tile_overlayer_lowered  }
0x9b: {  	s22 =	simm.s32 $0x1BFF;
	s21 =	sshll.u32 s5, $0x1;
	s2 =	sadd.s32 s19, s18  }
0x9c: {  	s6 =	simm.s32 $0x0;
	s20 =	sshll.u32 s4, $0x1;
	s4 =	sadd.s32 s21, s2  }
0x9d: {  	[timem:s6], [sflag:s22] =	dma.local [hbm:s4], s20  }
0x9e: {  	_ =	swait.ge [sflag:s22], s20  }
0x9f: {  	s3 =	ssub.s32 $0x0, s20;
	[sflag:s22] =	ssyncset.done $0x0  }
0xa0: {  	[sflag:s22] =	ssyncadd.s32 s3;
	_ =	sdelay $0x1  }
0xa1: {  	s23 =	simm.s32 $0x1B8B  }
0xa2: {  	_ =	swait.ge [sflag:s23], $0x1  }
0xa3: {  	[sflag:s23] =	ssyncset.done $0x0  }
0xa4: {  	s25 =	simm.s32 $0x1B8E;
	s24 =	sld [smem:$0x3FFE];
	[sflag:s23] =	ssyncadd.s32 $0xFFFFFFFF  }
0xa5: {  	s26 =	simm.s32 $execute0_lowered;
	[smem:$0x3FD2] =	sst s25  }
0xa6: {  	s4 =	sshll.u32 s26, $0x1;
	_ =	strace $0x8000004F;
	[dreg:$0x1] =	wrdreg $0xFFFFFFFF  }
0xa7: {  	s28 =	simm.s32 $_size_execute0_lowered;
	s2 =	sadd.s32 s2, s4;
	[dreg:$0x0] =	wrdreg $0x0  }
0xa8: {  	s4 =	sshll.u32 s28, $0x1;
	[dreg:$0x2] =	wrdreg s2  }
0xa9: {  	[dreg:$0x3] =	wrdreg s4  }
0xaa: {  	[dreg:$0x4] =	wrdreg $0xC0  }
0xab: {  	_ =	task [dreg:s6], $0x5FFFF  }
0xac: {  	[dreg:$0x1] =	wrdreg $0xFFFFFFFF  }
0xad: {  	[dreg:$0x0] =	wrdreg $0x60  }
0xae: {  	[dreg:$0x2] =	wrdreg s24  }
0xaf: {  	[dreg:$0x3] =	wrdreg $0x88000  }
0xb0: {  	[dreg:$0x4] =	wrdreg $0x9  }
0xb1: {  	_ =	task.clear_ibuf [dreg:s6], $0x5FFFF;
	_ =	strace $0x9000004F  }
0xb2: {  	s29 =	simm.s32 $0x9;
	_ =	strace $0x80000051  }
0xb3: {  	_ =	swait.ge [sflag:s29], $0x1  }
0xb4: {  	[sflag:s29] =	ssyncadd.s32 $0xFFFFFFFF  }
0xb5: {  	_ =	strace $0x90000051  }
0xb6: {  	_ =	sfence  }
0xb7: {  	s30 =	sld [smem:$0x0];
	_ =	sdelay $0x2  }
0xb8: {  	s31 =	sshll.u32 s1, $0xD;
	s1 =	sshrl.u32 s1, $0x2  }
0xb9: {  	s3 =	sand.u32 $0x4000, s31;
	s1 =	sadd.s32 s1, s30  }
0xba: {  	s0 =	sor.u32 s3, s0;
	s1 =	sshll.u32 s1, $0x11  }
0xbb: {  	s0 =	sor.u32 s1, s0  }
0xbc: {  	s0 =	sadd.s32 $0x8F2B, s0  }
0xbd: {  	[sflag:s0] =	ssyncadd.remote.s32 $0x1  }
0xbe: {  	_ =	sfence.sel $0xFFFF  }
0xbf: {  	[dreg:$0x0] =	wrdreg $0xFFFFFFFF;
	(pc) =	sbr.abs _section_cstart, $3  }
0xc0: {  	[dreg:$0x1] =	wrdreg $0xFFFFFFFF  }
0xc1: {  	_ =	task.clear_ibuf [dreg:s6], $0x2FFFF;
	_ =	strace $0x9FFFFFFF  }
0xc2: {  	(tm) =	ssettm $0x7FFFFFFF  }
0xc3: {  	_ =	shalt  }
tec
execute0_lowered:
.L_overlay_start_1:
0x0: {  	(tag) =	ssettag $0x1  }
0x1: {  	s0 =	rddreg [dreg:$0x0]  }
0x2: {  	s2 =	rddreg [dreg:$0x1]  }
0x3: {  	s8 =	stileid.u32;
	s4 =	srdreg.scid;
	s3 =	simm.s32 $0x0  }
0x4: {  	s28 =	simm.s32 $0x180;
	s29 =	simm.s32 $0x500;
	s30 =	simm.s32 $0x200  }
0x5: {  	s31 =	simm.s32 $0x580;
	s10 =	simm.s32 $0x300;
	s11 =	simm.s32 $0x680  }
0x6: {  	s12 =	simm.s32 $0x380;
	s13 =	simm.s32 $0x700;
	s1 =	smul.u32 $0xA00, s8  }
0x7: {  	s14 =	simm.s32 $0x780;
	s15 =	simm.s32 $0x0;
	s5 =	smul.u32 $0x280, s8  }
0x8: {  	s6 =	sand.u32 $0x1, s4;
	[smem:$0x7FF] =	sst s3;
	s8 =	smul.u32 $0x50000, s8  }
0x9: {  	s4 =	sadd.s32 $0x17C00, s0;
	s7 =	smul.u32 $0x2800, s6;
	_ =	strace $0x80000050  }
0xa: {  	s17 =	ssub.s32 $0x2, s6;
	s6 =	smul.u32 $0x500, s6;
	s1 =	sadd.s32 s1, s0  }
0xb: {  	s8 =	sshrl.u32 s8, $0x2;
	s9 =	sshrl.u32 s17, $0x1;
	s5 =	sadd.s32 s5, s7  }
0xc: {  	s8 =	sadd.s32 s8, s2;
	s7 =	ssub.s32 s17, s9;
	s25 =	sadd.s32 s6, s1  }
0xd: {  	s1 =	simm.s32 $0x600;
	s18 =	sadd.s32 $0x8000, s8;
	[dreg:$0x3] =	wrdreg s8  }
0xe: {  	s5 =	sshll.u32 s5, $0x4;
	s19 =	sadd.s32 $0xC000, s8;
	[dreg:$0x5] =	wrdreg s18  }
0xf: {  	s9 =	sadd.s32 $0x4000, s8;
	s20 =	sadd.s32 $0x10000, s8;
	[dreg:$0x6] =	wrdreg s19  }
0x10: {  	s26 =	smax.u32 s7, $0x1;
	s16 =	sadd.s32 $0xDC00, s25;
	[dreg:$0x7] =	wrdreg s20  }
0x11: {  	s17 =	sadd.s32 $0x3C00, s25;
	s0 =	sadd.s32 s5, s0;
	[dreg:$0xd] =	wrdreg s26  }
0x12: {  	s25 =	simm.s32 $0x2;
	[dreg:$0x4] =	wrdreg s9;
	s21 =	sadd.s32 $0x3FC00, s0  }
0x13: {  	s18 =	simm.s32 $0x800;
	s22 =	sadd.s32 $0x40400, s0;
	[dreg:$0x8] =	wrdreg s21  }
0x14: {  	s19 =	simm.s32 $0x3;
	s23 =	sadd.s32 $0x40C00, s0;
	[dreg:$0x9] =	wrdreg s22  }
0x15: {  	s20 =	simm.s32 $0x400;
	s24 =	sadd.s32 $0x41400, s0;
	[dreg:$0xa] =	wrdreg s23  }
0x16: {  	s26 =	simm.s32 $0x480;
	s0 =	sadd.s32 $0x41C00, s0;
	[dreg:$0xb] =	wrdreg s24  }
0x17: {  	[dreg:$0xc] =	wrdreg s0;
	s21 =	simm.s32 $0x80;
	s22 =	simm.s32 $0x4800  }
0x18: {  	v0 =	vimm.f32 $0.0e+00;
	s23 =	simm.s32 $0x1;
	s24 =	simm.s32 $0x100;
	s0 =	simm.s32 $0x280  }
.LBB2_1:
0x19: {  	s6 =	simm.s32 $0x0;
	s7 =	simm.s32 $0x200  }
.LBB2_2:
0x1a: {  	p0 =	sne.s32 s7, $0xFE00;
	[tilespmem:s6+$0x870] =	vst v0  }
0x1b: {  	[tilespmem:s6+$0x800] =	vst v0  }
0x1c: {  	[tilespmem:s6+$0x810] =	vst v0  }
.Ltmp0:
0x1d: {  	[tilespmem:s6+$0x820] =	vst v0;
	(pc) =	sbr.rel @p0 .LBB2_2-.Ltmp0, $4  }
0x1e: {  	[tilespmem:s6+$0x830] =	vst v0  }
0x1f: {  	[tilespmem:s6+$0x840] =	vst v0  }
0x20: {  	[tilespmem:s6+$0x850] =	vst v0  }
0x21: {  	[tilespmem:s6+$0x860] =	vst v0;
	s6 =	sshra.s32 s7, $0x2;
	s7 =	sadd.s32 $0x200, s7  }
0x22: {  	[tilespmem:s6+$0x870] =	vst v0  }
0x23: {  	[tilespmem:s6+$0x800] =	vst v0  }
0x24: {  	[tilespmem:s6+$0x810] =	vst v0  }
0x25: {  	[tilespmem:s6+$0x820] =	vst v0  }
0x26: {  	[tilespmem:s6+$0x830] =	vst v0  }
0x27: {  	[tilespmem:s6+$0x840] =	vst v0  }
0x28: {  	[tilespmem:s6+$0x850] =	vst v0  }
0x29: {  	[tilespmem:s6+$0x860] =	vst v0  }
0x2a: {  	[spmem:s8] =	stream.linear.scatter [tilespmem:s18], [sflag:$0x3], $0x4000, $0x38;
	[tilespmem:$0x1C800] =	vst v63  }
0x2b: {  	_ =	swait.ge [sflag:s19], $0x4000  }
0x2c: {  	[sflag:s19] =	ssyncset.done $0x0  }
0x2d: {  	[sflag:s19] =	ssyncadd.s32 $0xFFFFC000  }
0x2e: {  	[spmem:s9] =	stream.linear.scatter [tilespmem:s18], [sflag:$0x3], $0x4000, $0x38;
	[tilespmem:$0x1C800] =	vst v63  }
0x2f: {  	_ =	swait.ge [sflag:s19], $0x4000  }
0x30: {  	[sflag:s19] =	ssyncset.done $0x0  }
0x31: {  	s5 =	rddreg [dreg:$0x5];
	[sflag:s19] =	ssyncadd.s32 $0xFFFFC000  }
0x32: {  	[spmem:s5] =	stream.linear.scatter [tilespmem:s18], [sflag:$0x3], $0x4000, $0x38;
	[tilespmem:$0x1C800] =	vst v63  }
0x33: {  	_ =	swait.ge [sflag:s19], $0x4000  }
0x34: {  	[sflag:s19] =	ssyncset.done $0x0  }
0x35: {  	s6 =	rddreg [dreg:$0x6];
	[sflag:s19] =	ssyncadd.s32 $0xFFFFC000  }
0x36: {  	[spmem:s6] =	stream.linear.scatter [tilespmem:s18], [sflag:$0x3], $0x4000, $0x38;
	[tilespmem:$0x1C800] =	vst v63  }
0x37: {  	_ =	swait.ge [sflag:s19], $0x4000  }
0x38: {  	[sflag:s19] =	ssyncset.done $0x0  }
0x39: {  	s7 =	rddreg [dreg:$0x7];
	[sflag:s19] =	ssyncadd.s32 $0xFFFFC000  }
0x3a: {  	[spmem:s7] =	stream.linear.scatter [tilespmem:s18], [sflag:$0x3], $0x4000, $0x38;
	[tilespmem:$0x1C800] =	vst v63  }
0x3b: {  	_ =	swait.ge [sflag:s19], $0x4000  }
0x3c: {  	[sflag:s19] =	ssyncset.done $0x0  }
0x3d: {  	[sflag:s19] =	ssyncadd.s32 $0xFFFFC000  }
0x3e: {  	s8 =	sadd.s32 $0x0, s17;
	[bflag:$0x0] =	sbarrier.arrive $0xFFFF  }
0x3f: {  	[tilespmem:s3], [sflag:$0x3] =	stream.linear.gather [hbm4b:s8+s3], $0x400, $0x38;
	[tilespmem:$0x1C800] =	vst v63  }
0x40: {  	_ =	swait.ge [sflag:s19], $0x400  }
0x41: {  	[sflag:s19] =	ssyncset.done $0x0  }
0x42: {  	s9 =	sadd.s32 $0x0, s16;
	[sflag:s19] =	ssyncadd.s32 $0xFFFFFC00  }
0x43: {  	[tilespmem:s20], [sflag:$0x3] =	stream.linear.gather [hbm4b:s9+s3], $0x400, $0x38;
	[tilespmem:$0x1C800] =	vst v63  }
0x44: {  	_ =	swait.ge [sflag:s19], $0x400  }
0x45: {  	[sflag:s19] =	ssyncset.done $0x0  }
0x46: {  	[sflag:s19] =	ssyncadd.s32 $0xFFFFFC00  }
0x47: {  	[tilespmem:s18], [sflag:$0x1] =	stream.indirect.gather [hbm4b:s4+s21], $0x80, s3, s21, $0xb8;
	[tilespmem:$0x1C800] =	vst v63  }
0x48: {  	_ = 	snop  }
0x49: {  	[tilespmem:s22], [sflag:$0x2] =	stream.indirect.gather [hbm4b:s4+s21], $0x80, s21, s21, $0xb8;
	[tilespmem:$0x1C800] =	vst v63  }
0x4a: {  	_ =	swait.ge [sflag:s23], $0x4000  }
0x4b: {  	[sflag:s23] =	ssyncset.done $0x0  }
0x4c: {  	[sflag:s23] =	ssyncadd.s32 $0xFFFFC000  }
0x4d: {  	[spmem:s2] =	stream.indirect.scatter.add.f32 [tilespmem:s18], [sflag:$0x3], $0x80, s20, s21, $0xb8;
	[tilespmem:$0x1C800] =	vst v63  }
0x4e: {  	_ =	swait.ge [sflag:s19], $0x4000  }
0x4f: {  	[sflag:s19] =	ssyncset.done $0x0  }
0x50: {  	[sflag:s19] =	ssyncadd.s32 $0xFFFFC000  }
0x51: {  	[tilespmem:s18], [sflag:$0x1] =	stream.indirect.gather [hbm4b:s4+s21], $0x80, s24, s21, $0xb8;
	[tilespmem:$0x1C800] =	vst v63  }
0x52: {  	_ =	swait.ge [sflag:s25], $0x4000  }
0x53: {  	[sflag:s25] =	ssyncset.done $0x0  }
0x54: {  	[sflag:s25] =	ssyncadd.s32 $0xFFFFC000  }
0x55: {  	[spmem:s2] =	stream.indirect.scatter.add.f32 [tilespmem:s22], [sflag:$0x3], $0x80, s26, s21, $0xb8;
	[tilespmem:$0x1C800] =	vst v63  }
0x56: {  	_ =	swait.ge [sflag:s19], $0x4000  }
0x57: {  	[sflag:s19] =	ssyncset.done $0x0  }
0x58: {  	[sflag:s19] =	ssyncadd.s32 $0xFFFFC000  }
0x59: {  	[tilespmem:s22], [sflag:$0x2] =	stream.indirect.gather [hbm4b:s4+s21], $0x80, s28, s21, $0xb8;
	[tilespmem:$0x1C800] =	vst v63  }
0x5a: {  	_ =	swait.ge [sflag:s23], $0x4000  }
0x5b: {  	[sflag:s23] =	ssyncset.done $0x0  }
0x5c: {  	[sflag:s23] =	ssyncadd.s32 $0xFFFFC000  }
0x5d: {  	[spmem:s2] =	stream.indirect.scatter.add.f32 [tilespmem:s18], [sflag:$0x3], $0x80, s29, s21, $0xb8;
	[tilespmem:$0x1C800] =	vst v63  }
0x5e: {  	_ =	swait.ge [sflag:s19], $0x4000  }
0x5f: {  	[sflag:s19] =	ssyncset.done $0x0  }
0x60: {  	[sflag:s19] =	ssyncadd.s32 $0xFFFFC000  }
0x61: {  	[tilespmem:s18], [sflag:$0x1] =	stream.indirect.gather [hbm4b:s4+s21], $0x80, s30, s21, $0xb8;
	[tilespmem:$0x1C800] =	vst v63  }
0x62: {  	_ =	swait.ge [sflag:s25], $0x4000  }
0x63: {  	[sflag:s25] =	ssyncset.done $0x0  }
0x64: {  	[sflag:s25] =	ssyncadd.s32 $0xFFFFC000  }
0x65: {  	[spmem:s2] =	stream.indirect.scatter.add.f32 [tilespmem:s22], [sflag:$0x3], $0x80, s31, s21, $0xb8;
	[tilespmem:$0x1C800] =	vst v63  }
0x66: {  	_ =	swait.ge [sflag:s19], $0x4000  }
0x67: {  	[sflag:s19] =	ssyncset.done $0x0  }
0x68: {  	[sflag:s19] =	ssyncadd.s32 $0xFFFFC000  }
0x69: {  	[tilespmem:s22], [sflag:$0x2] =	stream.indirect.gather [hbm4b:s4+s21], $0x80, s0, s21, $0xb8;
	[tilespmem:$0x1C800] =	vst v63  }
0x6a: {  	_ =	swait.ge [sflag:s23], $0x4000  }
0x6b: {  	[sflag:s23] =	ssyncset.done $0x0  }
0x6c: {  	[sflag:s23] =	ssyncadd.s32 $0xFFFFC000  }
0x6d: {  	[spmem:s2] =	stream.indirect.scatter.add.f32 [tilespmem:s18], [sflag:$0x3], $0x80, s1, s21, $0xb8;
	[tilespmem:$0x1C800] =	vst v63  }
0x6e: {  	_ =	swait.ge [sflag:s19], $0x4000  }
0x6f: {  	[sflag:s19] =	ssyncset.done $0x0  }
0x70: {  	[sflag:s19] =	ssyncadd.s32 $0xFFFFC000  }
0x71: {  	[tilespmem:s18], [sflag:$0x1] =	stream.indirect.gather [hbm4b:s4+s21], $0x80, s10, s21, $0xb8;
	[tilespmem:$0x1C800] =	vst v63  }
0x72: {  	_ =	swait.ge [sflag:s25], $0x4000  }
0x73: {  	[sflag:s25] =	ssyncset.done $0x0  }
0x74: {  	[sflag:s25] =	ssyncadd.s32 $0xFFFFC000  }
0x75: {  	[spmem:s2] =	stream.indirect.scatter.add.f32 [tilespmem:s22], [sflag:$0x3], $0x80, s11, s21, $0xb8;
	[tilespmem:$0x1C800] =	vst v63  }
0x76: {  	_ =	swait.ge [sflag:s19], $0x4000  }
0x77: {  	[sflag:s19] =	ssyncset.done $0x0  }
0x78: {  	[sflag:s19] =	ssyncadd.s32 $0xFFFFC000  }
0x79: {  	[tilespmem:s22], [sflag:$0x2] =	stream.indirect.gather [hbm4b:s4+s21], $0x80, s12, s21, $0xb8;
	[tilespmem:$0x1C800] =	vst v63  }
0x7a: {  	_ =	swait.ge [sflag:s23], $0x4000  }
0x7b: {  	[sflag:s23] =	ssyncset.done $0x0  }
0x7c: {  	[sflag:s23] =	ssyncadd.s32 $0xFFFFC000  }
0x7d: {  	[spmem:s2] =	stream.indirect.scatter.add.f32 [tilespmem:s18], [sflag:$0x3], $0x80, s13, s21, $0xb8;
	[tilespmem:$0x1C800] =	vst v63  }
0x7e: {  	_ =	swait.ge [sflag:s19], $0x4000  }
0x7f: {  	[sflag:s19] =	ssyncset.done $0x0  }
0x80: {  	[sflag:s19] =	ssyncadd.s32 $0xFFFFC000  }
0x81: {  	_ =	swait.ge [sflag:s25], $0x4000  }
0x82: {  	[sflag:s25] =	ssyncset.done $0x0  }
0x83: {  	[sflag:s25] =	ssyncadd.s32 $0xFFFFC000  }
0x84: {  	[spmem:s2] =	stream.indirect.scatter.add.f32 [tilespmem:s22], [sflag:$0x3], $0x80, s14, s21, $0xb8;
	[tilespmem:$0x1C800] =	vst v63  }
0x85: {  	_ =	swait.ge [sflag:s19], $0x4000  }
0x86: {  	s6 =	simm.s32 $0x80;
	s7 =	simm.s32 $0x100;
	[sflag:s19] =	ssyncset.done $0x0  }
.LBB2_4:
0x87: {  	s9 =	sadd.s32 s6, s17  }
0x88: {  	[sflag:s19] =	ssyncadd.s32 $0xFFFFC000;
	s5 =	smov.u32 s7;
	s8 =	sadd.s32 $0x80, s7  }
0x89: {  	[tilespmem:s3], [sflag:$0x3] =	stream.linear.gather [hbm4b:s9+s3], $0x400, $0x38;
	[tilespmem:$0x1C800] =	vst v63  }
0x8a: {  	p0 =	sne.s32 s7, $0x480;
	_ =	swait.ge [sflag:s19], $0x400  }
0x8b: {  	[sflag:s19] =	ssyncset.done $0x0  }
0x8c: {  	s7 =	sadd.s32 s6, s16;
	s6 =	smov.u32 s5;
	[sflag:s19] =	ssyncadd.s32 $0xFFFFFC00  }
0x8d: {  	[tilespmem:s20], [sflag:$0x3] =	stream.linear.gather [hbm4b:s7+s3], $0x400, $0x38;
	[tilespmem:$0x1C800] =	vst v63  }
0x8e: {  	_ =	swait.ge [sflag:s19], $0x400  }
0x8f: {  	[sflag:s19] =	ssyncset.done $0x0  }
0x90: {  	[sflag:s19] =	ssyncadd.s32 $0xFFFFFC00  }
0x91: {  	[tilespmem:s18], [sflag:$0x1] =	stream.indirect.gather [hbm4b:s4+s21], $0x80, s3, s21, $0xb8;
	[tilespmem:$0x1C800] =	vst v63  }
0x92: {  	_ = 	snop  }
0x93: {  	[tilespmem:s22], [sflag:$0x2] =	stream.indirect.gather [hbm4b:s4+s21], $0x80, s21, s21, $0xb8;
	[tilespmem:$0x1C800] =	vst v63  }
0x94: {  	_ =	swait.ge [sflag:s23], $0x4000  }
0x95: {  	[sflag:s23] =	ssyncset.done $0x0  }
0x96: {  	[sflag:s23] =	ssyncadd.s32 $0xFFFFC000  }
0x97: {  	[spmem:s2] =	stream.indirect.scatter.add.f32 [tilespmem:s18], [sflag:$0x3], $0x80, s20, s21, $0xb8;
	[tilespmem:$0x1C800] =	vst v63  }
0x98: {  	_ =	swait.ge [sflag:s19], $0x4000  }
0x99: {  	[sflag:s19] =	ssyncset.done $0x0  }
0x9a: {  	[sflag:s19] =	ssyncadd.s32 $0xFFFFC000  }
0x9b: {  	[tilespmem:s18], [sflag:$0x1] =	stream.indirect.gather [hbm4b:s4+s21], $0x80, s24, s21, $0xb8;
	[tilespmem:$0x1C800] =	vst v63  }
0x9c: {  	_ =	swait.ge [sflag:s25], $0x4000  }
0x9d: {  	[sflag:s25] =	ssyncset.done $0x0  }
0x9e: {  	[sflag:s25] =	ssyncadd.s32 $0xFFFFC000  }
0x9f: {  	[spmem:s2] =	stream.indirect.scatter.add.f32 [tilespmem:s22], [sflag:$0x3], $0x80, s26, s21, $0xb8;
	[tilespmem:$0x1C800] =	vst v63  }
0xa0: {  	_ =	swait.ge [sflag:s19], $0x4000  }
0xa1: {  	[sflag:s19] =	ssyncset.done $0x0  }
0xa2: {  	[sflag:s19] =	ssyncadd.s32 $0xFFFFC000  }
0xa3: {  	[tilespmem:s22], [sflag:$0x2] =	stream.indirect.gather [hbm4b:s4+s21], $0x80, s28, s21, $0xb8;
	[tilespmem:$0x1C800] =	vst v63  }
0xa4: {  	_ =	swait.ge [sflag:s23], $0x4000  }
0xa5: {  	[sflag:s23] =	ssyncset.done $0x0  }
0xa6: {  	[sflag:s23] =	ssyncadd.s32 $0xFFFFC000  }
0xa7: {  	[spmem:s2] =	stream.indirect.scatter.add.f32 [tilespmem:s18], [sflag:$0x3], $0x80, s29, s21, $0xb8;
	[tilespmem:$0x1C800] =	vst v63  }
0xa8: {  	_ =	swait.ge [sflag:s19], $0x4000  }
0xa9: {  	[sflag:s19] =	ssyncset.done $0x0  }
0xaa: {  	[sflag:s19] =	ssyncadd.s32 $0xFFFFC000  }
0xab: {  	[tilespmem:s18], [sflag:$0x1] =	stream.indirect.gather [hbm4b:s4+s21], $0x80, s30, s21, $0xb8;
	[tilespmem:$0x1C800] =	vst v63  }
0xac: {  	_ =	swait.ge [sflag:s25], $0x4000  }
0xad: {  	[sflag:s25] =	ssyncset.done $0x0  }
0xae: {  	[sflag:s25] =	ssyncadd.s32 $0xFFFFC000  }
0xaf: {  	[spmem:s2] =	stream.indirect.scatter.add.f32 [tilespmem:s22], [sflag:$0x3], $0x80, s31, s21, $0xb8;
	[tilespmem:$0x1C800] =	vst v63  }
0xb0: {  	_ =	swait.ge [sflag:s19], $0x4000  }
0xb1: {  	[sflag:s19] =	ssyncset.done $0x0  }
0xb2: {  	[sflag:s19] =	ssyncadd.s32 $0xFFFFC000  }
0xb3: {  	[tilespmem:s22], [sflag:$0x2] =	stream.indirect.gather [hbm4b:s4+s21], $0x80, s0, s21, $0xb8;
	[tilespmem:$0x1C800] =	vst v63  }
0xb4: {  	_ =	swait.ge [sflag:s23], $0x4000  }
0xb5: {  	[sflag:s23] =	ssyncset.done $0x0  }
0xb6: {  	[sflag:s23] =	ssyncadd.s32 $0xFFFFC000  }
0xb7: {  	[spmem:s2] =	stream.indirect.scatter.add.f32 [tilespmem:s18], [sflag:$0x3], $0x80, s1, s21, $0xb8;
	[tilespmem:$0x1C800] =	vst v63  }
0xb8: {  	_ =	swait.ge [sflag:s19], $0x4000  }
0xb9: {  	[sflag:s19] =	ssyncset.done $0x0  }
0xba: {  	[sflag:s19] =	ssyncadd.s32 $0xFFFFC000  }
0xbb: {  	[tilespmem:s18], [sflag:$0x1] =	stream.indirect.gather [hbm4b:s4+s21], $0x80, s10, s21, $0xb8;
	[tilespmem:$0x1C800] =	vst v63  }
0xbc: {  	_ =	swait.ge [sflag:s25], $0x4000  }
0xbd: {  	[sflag:s25] =	ssyncset.done $0x0  }
0xbe: {  	[sflag:s25] =	ssyncadd.s32 $0xFFFFC000  }
0xbf: {  	[spmem:s2] =	stream.indirect.scatter.add.f32 [tilespmem:s22], [sflag:$0x3], $0x80, s11, s21, $0xb8;
	[tilespmem:$0x1C800] =	vst v63  }
0xc0: {  	_ =	swait.ge [sflag:s19], $0x4000  }
0xc1: {  	[sflag:s19] =	ssyncset.done $0x0  }
0xc2: {  	[sflag:s19] =	ssyncadd.s32 $0xFFFFC000  }
0xc3: {  	[tilespmem:s22], [sflag:$0x2] =	stream.indirect.gather [hbm4b:s4+s21], $0x80, s12, s21, $0xb8;
	[tilespmem:$0x1C800] =	vst v63  }
0xc4: {  	_ =	swait.ge [sflag:s23], $0x4000  }
0xc5: {  	[sflag:s23] =	ssyncset.done $0x0  }
0xc6: {  	[sflag:s23] =	ssyncadd.s32 $0xFFFFC000  }
0xc7: {  	[spmem:s2] =	stream.indirect.scatter.add.f32 [tilespmem:s18], [sflag:$0x3], $0x80, s13, s21, $0xb8;
	[tilespmem:$0x1C800] =	vst v63  }
0xc8: {  	_ =	swait.ge [sflag:s19], $0x4000  }
0xc9: {  	[sflag:s19] =	ssyncset.done $0x0  }
0xca: {  	[sflag:s19] =	ssyncadd.s32 $0xFFFFC000  }
0xcb: {  	_ =	swait.ge [sflag:s25], $0x4000  }
.Ltmp1:
0xcc: {  	[sflag:s25] =	ssyncset.done $0x0;
	(pc) =	sbr.rel @p0 .LBB2_4-.Ltmp1, $4  }
0xcd: {  	[sflag:s25] =	ssyncadd.s32 $0xFFFFC000  }
0xce: {  	[spmem:s2] =	stream.indirect.scatter.add.f32 [tilespmem:s22], [sflag:$0x3], $0x80, s14, s21, $0xb8;
	[tilespmem:$0x1C800] =	vst v63  }
0xcf: {  	_ =	swait.ge [sflag:s19], $0x4000  }
0xd0: {  	s7 =	smov.u32 s8;
	[sflag:s19] =	ssyncset.done $0x0  }
0xd1: {  	s5 =	sadd.s32 s6, s17;
	[sflag:s19] =	ssyncadd.s32 $0xFFFFC000  }
0xd2: {  	[tilespmem:s3], [sflag:$0x3] =	stream.linear.gather [hbm4b:s5+s3], $0x400, $0x38;
	[tilespmem:$0x1C800] =	vst v63  }
0xd3: {  	_ =	swait.ge [sflag:s19], $0x400  }
0xd4: {  	[sflag:s19] =	ssyncset.done $0x0  }
0xd5: {  	s7 =	sadd.s32 s6, s16;
	[sflag:s19] =	ssyncadd.s32 $0xFFFFFC00  }
0xd6: {  	[tilespmem:s20], [sflag:$0x3] =	stream.linear.gather [hbm4b:s7+s3], $0x400, $0x38;
	[tilespmem:$0x1C800] =	vst v63  }
0xd7: {  	_ =	swait.ge [sflag:s19], $0x400  }
0xd8: {  	[sflag:s19] =	ssyncset.done $0x0  }
0xd9: {  	[sflag:s19] =	ssyncadd.s32 $0xFFFFFC00  }
0xda: {  	[tilespmem:s18], [sflag:$0x1] =	stream.indirect.gather [hbm4b:s4+s21], $0x80, s3, s21, $0xb8;
	[tilespmem:$0x1C800] =	vst v63  }
0xdb: {  	_ = 	snop  }
0xdc: {  	[tilespmem:s22], [sflag:$0x2] =	stream.indirect.gather [hbm4b:s4+s21], $0x80, s21, s21, $0xb8;
	[tilespmem:$0x1C800] =	vst v63  }
0xdd: {  	_ =	swait.ge [sflag:s23], $0x4000  }
0xde: {  	[sflag:s23] =	ssyncset.done $0x0  }
0xdf: {  	[sflag:s23] =	ssyncadd.s32 $0xFFFFC000  }
0xe0: {  	[spmem:s2] =	stream.indirect.scatter.add.f32 [tilespmem:s18], [sflag:$0x3], $0x80, s20, s21, $0xb8;
	[tilespmem:$0x1C800] =	vst v63  }
0xe1: {  	_ =	swait.ge [sflag:s19], $0x4000  }
0xe2: {  	[sflag:s19] =	ssyncset.done $0x0  }
0xe3: {  	[sflag:s19] =	ssyncadd.s32 $0xFFFFC000  }
0xe4: {  	[tilespmem:s18], [sflag:$0x1] =	stream.indirect.gather [hbm4b:s4+s21], $0x80, s24, s21, $0xb8;
	[tilespmem:$0x1C800] =	vst v63  }
0xe5: {  	_ =	swait.ge [sflag:s25], $0x4000  }
0xe6: {  	[sflag:s25] =	ssyncset.done $0x0  }
0xe7: {  	[sflag:s25] =	ssyncadd.s32 $0xFFFFC000  }
0xe8: {  	[spmem:s2] =	stream.indirect.scatter.add.f32 [tilespmem:s22], [sflag:$0x3], $0x80, s26, s21, $0xb8;
	[tilespmem:$0x1C800] =	vst v63  }
0xe9: {  	_ =	swait.ge [sflag:s19], $0x4000  }
0xea: {  	[sflag:s19] =	ssyncset.done $0x0  }
0xeb: {  	[sflag:s19] =	ssyncadd.s32 $0xFFFFC000  }
0xec: {  	[tilespmem:s22], [sflag:$0x2] =	stream.indirect.gather [hbm4b:s4+s21], $0x80, s28, s21, $0xb8;
	[tilespmem:$0x1C800] =	vst v63  }
0xed: {  	_ =	swait.ge [sflag:s23], $0x4000  }
0xee: {  	[sflag:s23] =	ssyncset.done $0x0  }
0xef: {  	[sflag:s23] =	ssyncadd.s32 $0xFFFFC000  }
0xf0: {  	[spmem:s2] =	stream.indirect.scatter.add.f32 [tilespmem:s18], [sflag:$0x3], $0x80, s29, s21, $0xb8;
	[tilespmem:$0x1C800] =	vst v63  }
0xf1: {  	_ =	swait.ge [sflag:s19], $0x4000  }
0xf2: {  	[sflag:s19] =	ssyncset.done $0x0  }
0xf3: {  	[sflag:s19] =	ssyncadd.s32 $0xFFFFC000  }
0xf4: {  	[tilespmem:s18], [sflag:$0x1] =	stream.indirect.gather [hbm4b:s4+s21], $0x80, s30, s21, $0xb8;
	[tilespmem:$0x1C800] =	vst v63  }
0xf5: {  	_ =	swait.ge [sflag:s25], $0x4000  }
0xf6: {  	[sflag:s25] =	ssyncset.done $0x0  }
0xf7: {  	[sflag:s25] =	ssyncadd.s32 $0xFFFFC000  }
0xf8: {  	[spmem:s2] =	stream.indirect.scatter.add.f32 [tilespmem:s22], [sflag:$0x3], $0x80, s31, s21, $0xb8;
	[tilespmem:$0x1C800] =	vst v63  }
0xf9: {  	_ =	swait.ge [sflag:s19], $0x4000  }
0xfa: {  	[sflag:s19] =	ssyncset.done $0x0  }
0xfb: {  	[sflag:s19] =	ssyncadd.s32 $0xFFFFC000  }
0xfc: {  	[tilespmem:s22], [sflag:$0x2] =	stream.indirect.gather [hbm4b:s4+s21], $0x80, s0, s21, $0xb8;
	[tilespmem:$0x1C800] =	vst v63  }
0xfd: {  	_ =	swait.ge [sflag:s23], $0x4000  }
0xfe: {  	[sflag:s23] =	ssyncset.done $0x0  }
0xff: {  	[sflag:s23] =	ssyncadd.s32 $0xFFFFC000  }
0x100: {  	[spmem:s2] =	stream.indirect.scatter.add.f32 [tilespmem:s18], [sflag:$0x3], $0x80, s1, s21, $0xb8;
	[tilespmem:$0x1C800] =	vst v63  }
0x101: {  	_ =	swait.ge [sflag:s19], $0x4000  }
0x102: {  	[sflag:s19] =	ssyncset.done $0x0  }
0x103: {  	[sflag:s19] =	ssyncadd.s32 $0xFFFFC000  }
0x104: {  	[tilespmem:s18], [sflag:$0x1] =	stream.indirect.gather [hbm4b:s4+s21], $0x80, s10, s21, $0xb8;
	[tilespmem:$0x1C800] =	vst v63  }
0x105: {  	_ =	swait.ge [sflag:s25], $0x4000  }
0x106: {  	[sflag:s25] =	ssyncset.done $0x0  }
0x107: {  	[sflag:s25] =	ssyncadd.s32 $0xFFFFC000  }
0x108: {  	[spmem:s2] =	stream.indirect.scatter.add.f32 [tilespmem:s22], [sflag:$0x3], $0x80, s11, s21, $0xb8;
	[tilespmem:$0x1C800] =	vst v63  }
0x109: {  	_ =	swait.ge [sflag:s19], $0x4000  }
0x10a: {  	[sflag:s19] =	ssyncset.done $0x0  }
0x10b: {  	[sflag:s19] =	ssyncadd.s32 $0xFFFFC000  }
0x10c: {  	[tilespmem:s22], [sflag:$0x2] =	stream.indirect.gather [hbm4b:s4+s21], $0x80, s12, s21, $0xb8;
	[tilespmem:$0x1C800] =	vst v63  }
0x10d: {  	_ =	swait.ge [sflag:s23], $0x4000  }
0x10e: {  	[sflag:s23] =	ssyncset.done $0x0  }
0x10f: {  	[sflag:s23] =	ssyncadd.s32 $0xFFFFC000  }
0x110: {  	[spmem:s2] =	stream.indirect.scatter.add.f32 [tilespmem:s18], [sflag:$0x3], $0x80, s13, s21, $0xb8;
	[tilespmem:$0x1C800] =	vst v63  }
0x111: {  	_ =	swait.ge [sflag:s19], $0x4000  }
0x112: {  	[sflag:s19] =	ssyncset.done $0x0  }
0x113: {  	[sflag:s19] =	ssyncadd.s32 $0xFFFFC000  }
0x114: {  	_ =	swait.ge [sflag:s25], $0x4000  }
0x115: {  	[sflag:s25] =	ssyncset.done $0x0  }
0x116: {  	[sflag:s25] =	ssyncadd.s32 $0xFFFFC000  }
0x117: {  	[spmem:s2] =	stream.indirect.scatter.add.f32 [tilespmem:s22], [sflag:$0x3], $0x80, s14, s21, $0xb8;
	[tilespmem:$0x1C800] =	vst v63  }
0x118: {  	_ =	swait.ge [sflag:s19], $0x4000  }
0x119: {  	[sflag:s19] =	ssyncset.done $0x0  }
0x11a: {  	[sflag:s19] =	ssyncadd.s32 $0xFFFFC000  }
0x11b: {  	s8 =	stileid.u32;
	[bflag:$0x0] =	sbarrier.arrive $0xFFFF  }
0x11c: {  	s5 =	sshll.u32 s8, $0x6;
	s8 =	rddreg [dreg:$0x3]  }
0x11d: {  	s5 =	sor.u32 $0x1C03, s5;
	s7 =	rddreg [dreg:$0x8];
	s9 =	sshrl.u32 s8, $0x3  }
0x11e: {  	[hbm:s7], [sflag:s5] =	dma.local [spmem:s9], $0x800  }
0x11f: {  	_ =	swait.ge [sflag:s19], $0x800  }
0x120: {  	[sflag:s19] =	ssyncset.done $0x0;
	s9 =	rddreg [dreg:$0x4]  }
0x121: {  	s7 =	rddreg [dreg:$0x9];
	[sflag:s19] =	ssyncadd.s32 $0xFFFFF800;
	s6 =	sshrl.u32 s9, $0x3  }
0x122: {  	[hbm:s7], [sflag:s5] =	dma.local [spmem:s6], $0x800  }
0x123: {  	_ =	swait.ge [sflag:s19], $0x800  }
0x124: {  	[sflag:s19] =	ssyncset.done $0x0;
	s7 =	rddreg [dreg:$0x5]  }
0x125: {  	[sflag:s19] =	ssyncadd.s32 $0xFFFFF800;
	s6 =	sshrl.u32 s7, $0x3;
	s7 =	rddreg [dreg:$0xa]  }
0x126: {  	[hbm:s7], [sflag:s5] =	dma.local [spmem:s6], $0x800  }
0x127: {  	_ =	swait.ge [sflag:s19], $0x800  }
0x128: {  	[sflag:s19] =	ssyncset.done $0x0;
	s7 =	rddreg [dreg:$0x6]  }
0x129: {  	[sflag:s19] =	ssyncadd.s32 $0xFFFFF800;
	s6 =	sshrl.u32 s7, $0x3;
	s7 =	rddreg [dreg:$0xb]  }
0x12a: {  	[hbm:s7], [sflag:s5] =	dma.local [spmem:s6], $0x800  }
0x12b: {  	_ =	swait.ge [sflag:s19], $0x800  }
0x12c: {  	[sflag:s19] =	ssyncset.done $0x0;
	s7 =	rddreg [dreg:$0x7]  }
0x12d: {  	[sflag:s19] =	ssyncadd.s32 $0xFFFFF800;
	s6 =	sshrl.u32 s7, $0x3;
	s7 =	rddreg [dreg:$0xc]  }
0x12e: {  	[hbm:s7], [sflag:s5] =	dma.local [spmem:s6], $0x800  }
0x12f: {  	_ =	swait.ge [sflag:s19], $0x800  }
0x130: {  	s15 =	sadd.s32 $0x1, s15;
	s7 =	rddreg [dreg:$0xd]  }
0x131: {  	p0 =	sne.s32 s15, s7  }
.Ltmp2:
0x132: {  	_ = 	snop;
	(pc) =	sbr.rel @p0 .LBB2_1-.Ltmp2, $3  }
0x133: {  	_ =	sdelay $0x1  }
0x134: {  	[sflag:s19] =	ssyncset.done $0x0  }
0x135: {  	[sflag:s19] =	ssyncadd.s32 $0xFFFFF800  }
0x136: {  	_ =	sfence.sel $0x180000  }
0x137: {  	[bflag:$0x0] =	sbarrier.arrive $0xFFFF  }
0x138: {  	_ =	strace $0x90000050  }
0x139: {  	s0 =	stileid.u32;
	[bflag:$0x2] =	sbarrier.arrive $0xFFFF  }
0x13a: {  	p0 =	sne.s32 s0, $0x0;
	s0 =	rddreg [dreg:$0x2]  }
0x13b: {  	s0 =	sadd.s32 @!p0 $0x100000, s0  }
0x13c: {  	[sflag:s0] =	ssyncadd.tile.s32 @!p0 $0x1;
	_ =	shalt  }
.Lfunc_end2:
_tile_overlayer_lowered:
.L_overlay_start_2:
0x13d: {  	(tag) =	ssettag $0x2  }
0x13e: {  	s0 =	rddreg [dreg:$0x0];
	s2 =	stileid.u32  }
0x13f: {  	s1 =	rddreg [dreg:$0x1];
	p0 =	sne.s32 s2, $0x0  }
0x140: {  	s3 =	rddreg [dreg:$0x2];
	[bflag:$0x3] =	sbarrier.arrive $0xFFFF;
	s2 =	simm.s32 @!p0 $0x1C03  }
0x141: {  	[timem:s3], [sflag:s2] =	dma.local @!p0 [hbm:s0], s1  }
0x142: {  	s0 =	simm.s32 @!p0 $0x3  }
0x143: {  	_ =	swait.ge @!p0 [sflag:s0], s1  }
0x144: {  	s1 =	ssub.s32 @!p0 $0x0, s1;
	[sflag:s0] =	ssyncset.done @!p0 $0x0  }
0x145: {  	[sflag:s0] =	ssyncadd.s32 @!p0 s1  }
0x146: {  	[bflag:$0x3] =	sbarrier.arrive $0xFFFF  }
0x147: {  	_ =	shalt  }

</sc_bundles>
